<compile_context>
chip_gen: v7x
topology: tpu7x:2x2x1
jax: 0.10.2.dev20260603
libtpu: 0.0.44.dev20260713+nightly
codegen_flags: <defaults>
</compile_context>

<pallas_src>
import functools

import jax
import jax.numpy as jnp
from jax import lax
from jax.experimental import pallas as pl
from jax.experimental.pallas import tpu as pltpu
from jax.experimental.pallas import tpu_sc as plsc

_N = 10000
_E = 320000
_EP = 100000
_D = 128
_NC = 2
_NS = 16
_L = 16
_K = 128
_RPT = 632
_NPAD = _RPT * _NS
_EPAD = 323584
_EPT = _EPAD // _NS
_NCH = _EPT // _K
_EPP = 102400
_XPP = 12288
_XPW = _XPP // (_NC * _NS)


def _agg_body(layer0, *refs):
    if layer0:
        (table, gsrc, dst, itab, zrows, perm, ones_h,
         msum, deg, xp,
         src0, src1, dst0, dst1, ps0, ps1, rows0, rows1,
         ones_v, psem0, psem1, rsem0, rsem1, ssem0, ssem1, sem, acc) = refs
        srcs, dsts, pss, rows = (src0, src1), (dst0, dst1), (ps0, ps1), (rows0, rows1)
        psems, rsems, ssems = (psem0, psem1), (rsem0, rsem1), (ssem0, ssem1)
    else:
        (table, gsrc, dst, zrows,
         msum,
         src0, src1, dst0, dst1, rows0, rows1,
         rsem0, rsem1, sem, acc) = refs
        srcs, dsts, rows = (src0, src1), (dst0, dst1), (rows0, rows1)
        rsems = (rsem0, rsem1)

    c = lax.axis_index("c")
    s = lax.axis_index("s")
    ebase = c * _EPAD + s * _EPT
    dbase = s * _EPT

    def rows_wait(b):
        pltpu.make_async_copy(table.at[pl.ds(0, _K)], rows[b], rsems[b]).wait()

    pltpu.sync_copy(zrows, acc.at[pl.ds(s * _RPT, _RPT)])

    if layer0:
        dlo = c * 80
        dhi = 80 + 78 * c
        pltpu.sync_copy(ones_h, ones_v)
        plsc.subcore_barrier()
        for b in range(2):
            pltpu.sync_copy(dst.at[pl.ds(dbase + (dlo + b) * _K, _K)],
                            dsts[b])
            pltpu.async_copy(ones_v, acc.at[dsts[b]], sem=ssems[b], add=True)

        @pl.loop(dlo + 2, dhi, step=2)
        def _(j):
            for b in range(2):
                jj = j + b
                pltpu.make_async_copy(ones_h, ones_v, ssems[b]).wait()
                pltpu.sync_copy(dst.at[pl.ds(dbase + jj * _K, _K)], dsts[b])
                pltpu.async_copy(ones_v, acc.at[dsts[b]], sem=ssems[b],
                                 add=True)

        for b in range(2):
            pltpu.make_async_copy(ones_h, ones_v, ssems[b]).wait()
        plsc.subcore_barrier()

        pltpu.sync_copy(acc.at[pl.ds(s * _RPT, _RPT)],
                        deg.at[c, pl.ds(s * _RPT, _RPT)])
        pltpu.sync_copy(zrows, acc.at[pl.ds(s * _RPT, _RPT)])
    plsc.subcore_barrier()

    if layer0:
        for b in range(2):
            pltpu.sync_copy(gsrc.at[pl.ds(ebase + b * _K, _K)], srcs[b])
            pltpu.sync_copy(dst.at[pl.ds(dbase + b * _K, _K)], dsts[b])
            pltpu.async_copy(itab.at[srcs[b]], pss[b], psems[b])
        pltpu.make_async_copy(itab.at[pl.ds(0, _K)], pss[0], psems[0]).wait()
        pltpu.async_copy(table.at[pss[0]], rows[0], rsems[0])

        @pl.loop(0, _NCH, step=2)
        def _(j):
            for b in range(2):
                jj = j + b
                b1 = 1 - b
                rows_wait(b)
                pltpu.sync_copy(rows[b], acc.at[dsts[b]], add=True)

                @pl.when(jj + 2 < _NCH)
                def _():
                    off2 = ebase + (jj + 2) * _K
                    pltpu.sync_copy(gsrc.at[pl.ds(off2, _K)], srcs[b])
                    pltpu.sync_copy(
                        dst.at[pl.ds(dbase + (jj + 2) * _K, _K)], dsts[b])
                    pltpu.async_copy(itab.at[srcs[b]], pss[b], psems[b])

                @pl.when(jj + 1 < _NCH)
                def _():
                    pltpu.make_async_copy(itab.at[pl.ds(0, _K)], pss[b1],
                                          psems[b1]).wait()
                    pltpu.async_copy(table.at[pss[b1]], rows[b1], rsems[b1])
    else:
        for b in range(2):
            pltpu.sync_copy(gsrc.at[pl.ds(ebase + b * _K, _K)], srcs[b])
            pltpu.sync_copy(dst.at[pl.ds(dbase + b * _K, _K)], dsts[b])
            pltpu.async_copy(table.at[srcs[b]], rows[b], rsems[b])

        @pl.loop(0, _NCH, step=2)
        def _(j):
            for b in range(2):
                jj = j + b
                rows_wait(b)
                pltpu.sync_copy(rows[b], acc.at[dsts[b]], add=True)

                @pl.when(jj + 2 < _NCH)
                def _():
                    off2 = ebase + (jj + 2) * _K
                    pltpu.sync_copy(gsrc.at[pl.ds(off2, _K)], srcs[b])
                    pltpu.sync_copy(
                        dst.at[pl.ds(dbase + (jj + 2) * _K, _K)], dsts[b])
                    pltpu.async_copy(table.at[srcs[b]], rows[b], rsems[b])

    plsc.subcore_barrier()

    pltpu.sync_copy(acc.at[pl.ds(s * _RPT, _RPT)],
                    msum.at[c, pl.ds(s * _RPT, _RPT)])
    if layer0:
        w = s * _NC + c
        rbase = w * _XPW

        def xchunk(j, carry):
            off = rbase + j * _K
            pltpu.sync_copy(perm.at[pl.ds(off, _K)], src0)
            pltpu.async_copy(table.at[src0], rows0, sem).wait()
            pltpu.sync_copy(rows0, xp.at[pl.ds(off, _K)])
            return carry

        lax.fori_loop(0, _XPW // _K, xchunk, 0)


def _make_agg(layer0):
    mesh = plsc.VectorSubcoreMesh(core_axis_name="c", subcore_axis_name="s")
    out_type = [jax.ShapeDtypeStruct((_NC, _NPAD, _D), jnp.float32)]
    scratch = [
        pltpu.VMEM((_K,), jnp.int32),
        pltpu.VMEM((_K,), jnp.int32),
        pltpu.VMEM((_K,), jnp.int32),
        pltpu.VMEM((_K,), jnp.int32),
    ]
    if layer0:
        out_type += [jax.ShapeDtypeStruct((_NC, _NPAD, _D), jnp.float32),
                     jax.ShapeDtypeStruct((_XPP, _D), jnp.float32)]
        scratch += [pltpu.VMEM((_K,), jnp.int32),
                    pltpu.VMEM((_K,), jnp.int32)]
    scratch += [pltpu.VMEM((_K, _D), jnp.float32),
                pltpu.VMEM((_K, _D), jnp.float32)]
    if layer0:
        scratch.append(pltpu.VMEM((_K, _D), jnp.float32))
        scratch += [pltpu.SemaphoreType.DMA] * 4
    scratch += [pltpu.SemaphoreType.DMA] * 3
    scratch.append(pltpu.VMEM_SHARED((_NPAD, _D), jnp.float32))
    return pl.kernel(functools.partial(_agg_body, layer0),
                     out_type=out_type, scratch_types=scratch, mesh=mesh)


_PCH = (_EPP // _NS) // _K


def _pair_body(ptab, idx4, out,
               src0, src1, dst0, dst1, a0, a1, b0, b1,
               sa0, sa1, sb0, sb1):
    c = lax.axis_index("c")
    s = lax.axis_index("s")
    base = s * (_EPP // _NS)
    srcs, dsts, avs, bvs = (src0, src1), (dst0, dst1), (a0, a1), (b0, b1)
    sas, sbs = (sa0, sa1), (sb0, sb1)

    def fetch(jj, b):
        off = base + jj * _K
        pltpu.sync_copy(idx4.at[pl.ds(2 * c * _EPP + off, _K)], srcs[b])
        pltpu.sync_copy(idx4.at[pl.ds((2 * c + 1) * _EPP + off, _K)], dsts[b])
        pltpu.async_copy(ptab.at[srcs[b]], avs[b], sas[b])
        pltpu.async_copy(ptab.at[dsts[b]], bvs[b], sbs[b])

    for b in range(2):
        fetch(b, b)

    @pl.loop(0, _PCH, step=2)
    def _(j):
        for b in range(2):
            jj = j + b
            pltpu.make_async_copy(ptab.at[pl.ds(0, _K)], avs[b], sas[b]).wait()
            pltpu.make_async_copy(ptab.at[pl.ds(0, _K)], bvs[b], sbs[b]).wait()

            a_v, b_v = avs[b], bvs[b]

            @pl.loop(0, _K, unroll=4)
            def _(i):
                for k in range(_D // _L):
                    sl = (i, pl.ds(k * _L, _L))
                    a_v[sl] = a_v[sl] * b_v[sl]

            pltpu.sync_copy(a_v, out.at[c, pl.ds(base + jj * _K, _K)])

            @pl.when(jj + 2 < _PCH)
            def _():
                fetch(jj + 2, b)


def _make_pair():
    mesh = plsc.VectorSubcoreMesh(core_axis_name="c", subcore_axis_name="s")
    return pl.kernel(
        _pair_body,
        out_type=[jax.ShapeDtypeStruct((2, _EPP, _D), jnp.float32)],
        scratch_types=[
            pltpu.VMEM((_K,), jnp.int32),
            pltpu.VMEM((_K,), jnp.int32),
            pltpu.VMEM((_K,), jnp.int32),
            pltpu.VMEM((_K,), jnp.int32),
            pltpu.VMEM((_K, _D), jnp.float32),
            pltpu.VMEM((_K, _D), jnp.float32),
            pltpu.VMEM((_K, _D), jnp.float32),
            pltpu.VMEM((_K, _D), jnp.float32),
            pltpu.SemaphoreType.DMA,
            pltpu.SemaphoreType.DMA,
            pltpu.SemaphoreType.DMA,
            pltpu.SemaphoreType.DMA,
        ],
        mesh=mesh)


def _dense_body(bn, h_ref, ms_ref, deg_ref, ws_ref, wn_ref, b_ref,
                g_ref, be_ref, o_ref):
    degc = jnp.maximum(deg_ref[0, :, 0:1] + deg_ref[1, :, 0:1], 1.0)
    mean = ms_ref[0] / degc
    z = jnp.dot(h_ref[...], ws_ref[...], preferred_element_type=jnp.float32)
    z = z + jnp.dot(mean, wn_ref[...], preferred_element_type=jnp.float32)
    z = z + b_ref[...]
    if bn:
        mu = jnp.mean(z, axis=0, keepdims=True)
        var = jnp.mean((z - mu) ** 2, axis=0, keepdims=True)
        z = g_ref[...] * (z - mu) / jnp.sqrt(var + 1e-5) + be_ref[...]
        z = jnp.maximum(z, 0.0)
    o_ref[...] = z


def _dense_call(h2, ms2, deg, ws, wn, b, g, be, bn):
    w_spec = pl.BlockSpec((_D, _D), lambda e: (0, 0))
    v_spec = pl.BlockSpec((1, _D), lambda e: (0, 0))
    return pl.pallas_call(
        functools.partial(_dense_body, bn),
        grid=(2,),
        in_specs=[
            pl.BlockSpec((_N, _D), lambda e: (e, 0)),
            pl.BlockSpec((1, _N, _D), lambda e: (e, 0, 0)),
            pl.BlockSpec((2, _N, _D), lambda e: (0, 0, 0)),
            w_spec, w_spec, v_spec, v_spec, v_spec,
        ],
        out_specs=pl.BlockSpec((_N, _D), lambda e: (e, 0)),
        out_shape=jax.ShapeDtypeStruct((2 * _N, _D), jnp.float32),
    )(h2, ms2, deg, ws, wn, b, g, be)


def _softplus(t):
    return jnp.maximum(t, 0.0) + jnp.log1p(jnp.exp(-jnp.abs(t)))


def _loss_body(p_ref, n_ref, wd_ref, o_ref):
    s2 = jax.nn.sigmoid(jnp.mean(p_ref[...], axis=0, keepdims=True))
    v2 = lax.dot_general(s2, wd_ref[...], (((1,), (1,)), ((), ())),
                         preferred_element_type=jnp.float32)
    ps = lax.dot_general(p_ref[...], v2, (((1,), (1,)), ((), ())),
                         preferred_element_type=jnp.float32)
    ns = lax.dot_general(n_ref[...], v2, (((1,), (1,)), ((), ())),
                         preferred_element_type=jnp.float32)
    l = jnp.mean(_softplus(-ps)) + jnp.mean(_softplus(ns))
    o_ref[...] = jnp.full((8, 128), l, jnp.float32)


def _loss_call(positive, negative, wd):
    return pl.pallas_call(
        _loss_body,
        out_shape=jax.ShapeDtypeStruct((8, 128), jnp.float32),
    )(positive, negative, wd)


_MLP_BK = 2048


def _mlp_body(z_ref, p1, b1r, p2, b2r, p3, b3r, o_ref):
    z = jnp.dot(z_ref[...], p1[...], preferred_element_type=jnp.float32)
    z = jnp.maximum(z + b1r[...], 0.0)
    z = jnp.dot(z, p2[...], preferred_element_type=jnp.float32)
    z = jnp.maximum(z + b2r[...], 0.0)
    o_ref[...] = jnp.dot(z, p3[...], preferred_element_type=jnp.float32) + b3r[...]


def _mlp_call(z, p1, b1r, p2, b2r, p3t, b3r):
    rows = z.shape[0]
    w_spec = pl.BlockSpec((_D, _D), lambda i: (0, 0))
    return pl.pallas_call(
        _mlp_body,
        grid=(rows // _MLP_BK,),
        in_specs=[
            pl.BlockSpec((_MLP_BK, _D), lambda i: (i, 0)),
            w_spec,
            pl.BlockSpec((1, _D), lambda i: (0, 0)),
            w_spec,
            pl.BlockSpec((1, _D), lambda i: (0, 0)),
            pl.BlockSpec((_D, 8), lambda i: (0, 0)),
            pl.BlockSpec((1, 8), lambda i: (0, 0)),
        ],
        out_specs=pl.BlockSpec((_MLP_BK, 8), lambda i: (i, 0)),
        out_shape=jax.ShapeDtypeStruct((rows, 8), jnp.float32),
    )(z, p1, b1r, p2, b2r, p3t, b3r)


def kernel(x, edge_index, pos_edge_index, neg_edge_index, Ws0, Wn0, b0,
           Ws1, Wn1, b1, Ws2, Wn2, b2, g1, beta1, g2, beta2, Wd,
           P1, pb1, P2, pb2, P3, pb3):
    src = edge_index[0]
    dst = edge_index[1]
    perm = jax.random.permutation(jax.random.key(42), _N).astype(jnp.int32)
    epad = _EPAD - _E
    padi = lambda a, v: jnp.concatenate(
        [a, jnp.full((epad,), v, jnp.int32)])
    srcp = padi(src, 0)
    gsrc0 = jnp.concatenate([srcp, srcp + _XPP])
    gsrc12 = jnp.concatenate([srcp, srcp + _N])
    dstp = padi(dst, _N)
    perm_pad = jnp.concatenate([perm, jnp.zeros((_XPP - _N,), jnp.int32)])
    itab = jnp.concatenate([jnp.arange(_XPP, dtype=jnp.int32), perm_pad])
    zrows = jnp.zeros((_RPT, _D), jnp.float32)
    ones_h = jnp.ones((_K, _D), jnp.float32)

    msum0, degp, xp = _make_agg(True)(x, gsrc0, dstp, itab, zrows, perm_pad,
                                      ones_h)
    xp = xp[:_N]

    b0r = b0.reshape(1, _D)
    b1rr = b1.reshape(1, _D)
    b2r = b2.reshape(1, _D)
    g1r = g1.reshape(1, _D)
    be1r = beta1.reshape(1, _D)
    g2r = g2.reshape(1, _D)
    be2r = beta2.reshape(1, _D)

    h2 = jnp.concatenate([x, xp], axis=0)
    h2 = _dense_call(h2, msum0, degp, Ws0, Wn0, b0r, g1r, be1r, bn=True)
    (msum1,) = _make_agg(False)(h2, gsrc12, dstp, zrows)
    h2 = _dense_call(h2, msum1, degp, Ws1, Wn1, b1rr, g2r, be2r, bn=True)
    (msum2,) = _make_agg(False)(h2, gsrc12, dstp, zrows)
    h2 = _dense_call(h2, msum2, degp, Ws2, Wn2, b2r, g1r, be1r, bn=False)

    positive = h2[:_N]
    negative = h2[_N:]

    lmat = _loss_call(positive, negative, Wd)
    loss = lmat[0, 0]

    padw = _EPP - _EP
    padp = lambda a: jnp.concatenate([a, jnp.zeros((padw,), jnp.int32)])
    idx4 = jnp.concatenate([
        padp(pos_edge_index[0]), padp(pos_edge_index[1]),
        padp(neg_edge_index[0]), padp(neg_edge_index[1]),
    ])
    (prod,) = _make_pair()(positive, idx4)

    zflat = prod.reshape(2 * _EPP, _D)
    p3t = jnp.tile(P3, (1, 8))
    pb3t = jnp.tile(pb3, (8,)).reshape(1, 8)
    mlp = _mlp_call(zflat, P1, pb1.reshape(1, _D), P2, pb2.reshape(1, _D),
                    p3t, pb3t)
    h_pos = mlp[:_EP, 0:1]
    h_neg = mlp[_EPP:_EPP + _EP, 0:1]
    return (h_pos, h_neg, loss)

# --- scband reference (transcript-rebuilt; emitter-appended) ---
"""Pipeline reference for scband-dgi-19181323944511 (READ-ONLY COPY).

The authoritative reference and input builder live on the scoring server;
editing this copy changes nothing except your own understanding.
"""

import jax, jax.numpy as jnp
import numpy as np

N = 10000
E = 320000
EP = 100000
D = 128
H = 128

def _pkey(i):
    return jax.random.fold_in(jax.random.key(0), i)

def setup_inputs():
    inp = {}
    inp["x"] = jax.random.normal(_pkey(1), (N, D), dtype=jnp.float32)
    inp["edge_index"] = jax.random.randint(_pkey(2), (2, E), 0, N, dtype=jnp.int32)
    inp["pos_edge_index"] = jax.random.randint(_pkey(3), (2, EP), 0, N, dtype=jnp.int32)
    inp["neg_edge_index"] = jax.random.randint(_pkey(4), (2, EP), 0, N, dtype=jnp.int32)
    def w(k, shape, fan_in):
        return (jax.random.normal(_pkey(k), shape, dtype=jnp.float32) / np.sqrt(fan_in)).astype(jnp.float32)
    inp["Ws0"] = w(10, (D, H), D); inp["Wn0"] = w(11, (D, H), D); inp["b0"] = jnp.zeros((H,), jnp.float32)
    inp["Ws1"] = w(12, (H, H), H); inp["Wn1"] = w(13, (H, H), H); inp["b1"] = jnp.zeros((H,), jnp.float32)
    inp["Ws2"] = w(14, (H, H), H); inp["Wn2"] = w(15, (H, H), H); inp["b2"] = jnp.zeros((H,), jnp.float32)
    inp["g1"] = jnp.ones((H,), jnp.float32); inp["beta1"] = jnp.zeros((H,), jnp.float32)
    inp["g2"] = jnp.ones((H,), jnp.float32); inp["beta2"] = jnp.zeros((H,), jnp.float32)
    inp["Wd"] = w(16, (H, H), H)
    inp["P1"] = w(17, (H, H), H); inp["pb1"] = jnp.zeros((H,), jnp.float32)
    inp["P2"] = w(18, (H, H), H); inp["pb2"] = jnp.zeros((H,), jnp.float32)
    inp["P3"] = w(19, (H, 1), H); inp["pb3"] = jnp.zeros((1,), jnp.float32)
    return inp

def _sage(h, src, dst, Ws, Wn, b):
    msum = jax.ops.segment_sum(h[src], dst, num_segments=N)
    deg = jax.ops.segment_sum(jnp.ones((src.shape[0], 1), h.dtype), dst, num_segments=N)
    mean = msum / jnp.maximum(deg, 1.0)
    return h @ Ws + mean @ Wn + b

def _bn(h, g, b):
    mu = jnp.mean(h, axis=0)
    var = jnp.var(h, axis=0)
    return g * (h - mu) / jnp.sqrt(var + 1e-5) + b

def reference(x, edge_index, pos_edge_index, neg_edge_index, Ws0, Wn0, b0, Ws1, Wn1, b1, Ws2, Wn2, b2, g1, beta1, g2, beta2, Wd, P1, pb1, P2, pb2, P3, pb3):
    src, dst = edge_index[0], edge_index[1]
    def encoder(h):
        h = jax.nn.relu(_bn(_sage(h, src, dst, Ws0, Wn0, b0), g1, beta1))
        h = jax.nn.relu(_bn(_sage(h, src, dst, Ws1, Wn1, b1), g2, beta2))
        h = _sage(h, src, dst, Ws2, Wn2, b2)
        return h
    positive = encoder(x)
    perm = jax.random.permutation(jax.random.key(42), x.shape[0])
    negative = encoder(x[perm])
    summary = jax.nn.sigmoid(jnp.mean(positive, axis=0))
    pos = positive @ (Wd @ summary)
    neg = negative @ (Wd @ summary)
    l1 = jnp.mean(jax.nn.softplus(-pos))
    l2 = jnp.mean(jax.nn.softplus(neg))
    def predictor(z):
        z = jax.nn.relu(z @ P1 + pb1)
        z = jax.nn.relu(z @ P2 + pb2)
        return z @ P3 + pb3
    h_pos = predictor(positive[pos_edge_index[0]] * positive[pos_edge_index[1]])
    h_neg = predictor(positive[neg_edge_index[0]] * positive[neg_edge_index[1]])
    return (h_pos, h_neg, l1 + l2)

if __name__ == "__main__":
    import jax
    _d = setup_inputs()
    print(jax.jit(kernel)(*tuple(_d.values())))

</pallas_src>

<mosaic_0001>
#map = affine_map<(d0, d1) -> (0, 0)>
#map1 = affine_map<(d0, d1) -> (0)>
#map2 = affine_map<(d0, d1) -> (0, 0, 0)>
module attributes {stable_mosaic.version = 14 : i64} {
  func.func @_agg_body(%arg0: i32, %arg1: i32, %arg2: memref<20000x128xf32, #tpu.memory_space<hbm>>, %arg3: memref<647168xi32, #tpu.memory_space<hbm>>, %arg4: memref<323584xi32, #tpu.memory_space<hbm>>, %arg5: memref<632x128xf32, #tpu.memory_space<hbm>>, %arg6: memref<2x10112x128xf32, #tpu.memory_space<hbm>>, %arg7: memref<128xi32, #tpu.memory_space<vmem>>, %arg8: memref<128xi32, #tpu.memory_space<vmem>>, %arg9: memref<128xi32, #tpu.memory_space<vmem>>, %arg10: memref<128xi32, #tpu.memory_space<vmem>>, %arg11: memref<128x128xf32, #tpu.memory_space<vmem>>, %arg12: memref<128x128xf32, #tpu.memory_space<vmem>>, %arg13: memref<!tpu.dma_semaphore, #tpu.memory_space<semaphore_mem>>, %arg14: memref<!tpu.dma_semaphore, #tpu.memory_space<semaphore_mem>>, %arg15: memref<!tpu.dma_semaphore, #tpu.memory_space<semaphore_mem>>, %arg16: memref<10112x128xf32, #tpu.memory_space<vmem_shared>>) attributes {dimension_semantics = [#tpu.dimension_semantics<core_parallel>, #tpu.dimension_semantics<subcore_parallel>], iteration_bounds = array<i64: 2, 16>, scalar_prefetch = 0 : i64, scratch_operands = 10 : i64, tpu.core_type = #tpu.core_type<sc_vector_subcore>, window_params = [{transform_indices = #map}, {transform_indices = #map1}, {transform_indices = #map1}, {transform_indices = #map}, {transform_indices = #map2}]} {
    %mul3A = arith.constant 323584 : i32
    %mul3A_0 = arith.muli %arg0, %mul3A : i32
    %mul3A_1 = arith.constant 20224 : i32
    %mul3A_2 = arith.muli %arg1, %mul3A_1 : i32
    %add3A = arith.addi %mul3A_0, %mul3A_2 : i32
    %mul3A_3 = arith.constant 20224 : i32
    %mul3A_4 = arith.muli %arg1, %mul3A_3 : i32
    %mul3A_5 = arith.constant 632 : i32
    %mul3A_6 = arith.muli %arg1, %mul3A_5 : i32
    "tpu.region"() ({
      %run_scoped3A = tpu.sem_alloc : memref<!tpu.dma_semaphore, #tpu.memory_space<semaphore_mem>>
      %dma_start3A_29 = arith.constant 0 : i32
      %dma_start3A_30 = tpu.memref_slice %arg16[%mul3A_6, %dma_start3A_29] : memref<10112x128xf32, #tpu.memory_space<vmem_shared>> -> memref<632x128xf32, #tpu.memory_space<vmem_shared>>
      tpu.enqueue_dma source(%arg5 : memref<632x128xf32, #tpu.memory_space<hbm>>) target(%dma_start3A_30 : memref<632x128xf32, #tpu.memory_space<vmem_shared>>) target_semaphore(%run_scoped3A : memref<!tpu.dma_semaphore, #tpu.memory_space<semaphore_mem>>)
      %dma_wait3A = arith.constant 0 : i32
      %dma_wait3A_31 = tpu.memref_slice %arg16[%mul3A_6, %dma_wait3A] : memref<10112x128xf32, #tpu.memory_space<vmem_shared>> -> memref<632x128xf32, #tpu.memory_space<vmem_shared>>
      tpu.wait_dma2 semaphore(%run_scoped3A : memref<!tpu.dma_semaphore, #tpu.memory_space<semaphore_mem>>) src(%arg5 : memref<632x128xf32, #tpu.memory_space<hbm>>) dst(%dma_wait3A_31 : memref<632x128xf32, #tpu.memory_space<vmem_shared>>)
      tpu.yield
    }) : () -> ()
    %barrier3A = arith.constant 0 : index
    tpu.barrier barrier_id(%barrier3A)
    %add3A_7 = arith.constant 0 : i32
    %add3A_8 = arith.addi %add3A, %add3A_7 : i32
    "tpu.region"() ({
      %run_scoped3A = tpu.sem_alloc : memref<!tpu.dma_semaphore, #tpu.memory_space<semaphore_mem>>
      %dma_start3A_29 = tpu.memref_slice %arg3[%add3A_8] : memref<647168xi32, #tpu.memory_space<hbm>> -> memref<128xi32, #tpu.memory_space<hbm>>
      %dma_start3A_30 = tpu.memref_slice %arg3[%add3A_8] : memref<647168xi32, #tpu.memory_space<hbm>> -> memref<128xi32, #tpu.memory_space<hbm>>
      tpu.enqueue_dma source(%dma_start3A_30 : memref<128xi32, #tpu.memory_space<hbm>>) target(%arg7 : memref<128xi32, #tpu.memory_space<vmem>>) target_semaphore(%run_scoped3A : memref<!tpu.dma_semaphore, #tpu.memory_space<semaphore_mem>>)
      %dma_wait3A = tpu.memref_slice %arg3[%add3A_8] : memref<647168xi32, #tpu.memory_space<hbm>> -> memref<128xi32, #tpu.memory_space<hbm>>
      %dma_wait3A_31 = tpu.memref_slice %arg3[%add3A_8] : memref<647168xi32, #tpu.memory_space<hbm>> -> memref<128xi32, #tpu.memory_space<hbm>>
      tpu.wait_dma2 semaphore(%run_scoped3A : memref<!tpu.dma_semaphore, #tpu.memory_space<semaphore_mem>>) src(%dma_wait3A_31 : memref<128xi32, #tpu.memory_space<hbm>>) dst(%arg7 : memref<128xi32, #tpu.memory_space<vmem>>)
      tpu.yield
    }) : () -> ()
    %add3A_9 = arith.constant 0 : i32
    %add3A_10 = arith.addi %mul3A_4, %add3A_9 : i32
    "tpu.region"() ({
      %run_scoped3A = tpu.sem_alloc : memref<!tpu.dma_semaphore, #tpu.memory_space<semaphore_mem>>
      %dma_start3A_29 = tpu.memref_slice %arg4[%add3A_10] : memref<323584xi32, #tpu.memory_space<hbm>> -> memref<128xi32, #tpu.memory_space<hbm>>
      %dma_start3A_30 = tpu.memref_slice %arg4[%add3A_10] : memref<323584xi32, #tpu.memory_space<hbm>> -> memref<128xi32, #tpu.memory_space<hbm>>
      tpu.enqueue_dma source(%dma_start3A_30 : memref<128xi32, #tpu.memory_space<hbm>>) target(%arg9 : memref<128xi32, #tpu.memory_space<vmem>>) target_semaphore(%run_scoped3A : memref<!tpu.dma_semaphore, #tpu.memory_space<semaphore_mem>>)
      %dma_wait3A = tpu.memref_slice %arg4[%add3A_10] : memref<323584xi32, #tpu.memory_space<hbm>> -> memref<128xi32, #tpu.memory_space<hbm>>
      %dma_wait3A_31 = tpu.memref_slice %arg4[%add3A_10] : memref<323584xi32, #tpu.memory_space<hbm>> -> memref<128xi32, #tpu.memory_space<hbm>>
      tpu.wait_dma2 semaphore(%run_scoped3A : memref<!tpu.dma_semaphore, #tpu.memory_space<semaphore_mem>>) src(%dma_wait3A_31 : memref<128xi32, #tpu.memory_space<hbm>>) dst(%arg9 : memref<128xi32, #tpu.memory_space<vmem>>)
      tpu.yield
    }) : () -> ()
    %dma_start3A = arith.constant 0 : i32
    %dma_start3A_11 = arith.constant 0 : i32
    %dma_start3A_12 = tpu.memref_slice %arg2[%dma_start3A, %dma_start3A_11] : memref<20000x128xf32, #tpu.memory_space<hbm>> -> memref<20000x128xf32, #tpu.memory_space<hbm>>
    tpu.enqueue_indirect_dma source(%dma_start3A_12 : memref<20000x128xf32, #tpu.memory_space<hbm>>) target(%arg11 : memref<128x128xf32, #tpu.memory_space<vmem>>) offsets(%arg7 : memref<128xi32, #tpu.memory_space<vmem>>) semaphore(%arg13 : memref<!tpu.dma_semaphore, #tpu.memory_space<semaphore_mem>>)
    %add3A_13 = arith.constant 128 : i32
    %add3A_14 = arith.addi %add3A, %add3A_13 : i32
    "tpu.region"() ({
      %run_scoped3A = tpu.sem_alloc : memref<!tpu.dma_semaphore, #tpu.memory_space<semaphore_mem>>
      %dma_start3A_29 = tpu.memref_slice %arg3[%add3A_14] : memref<647168xi32, #tpu.memory_space<hbm>> -> memref<128xi32, #tpu.memory_space<hbm>>
      %dma_start3A_30 = tpu.memref_slice %arg3[%add3A_14] : memref<647168xi32, #tpu.memory_space<hbm>> -> memref<128xi32, #tpu.memory_space<hbm>>
      tpu.enqueue_dma source(%dma_start3A_30 : memref<128xi32, #tpu.memory_space<hbm>>) target(%arg8 : memref<128xi32, #tpu.memory_space<vmem>>) target_semaphore(%run_scoped3A : memref<!tpu.dma_semaphore, #tpu.memory_space<semaphore_mem>>)
      %dma_wait3A = tpu.memref_slice %arg3[%add3A_14] : memref<647168xi32, #tpu.memory_space<hbm>> -> memref<128xi32, #tpu.memory_space<hbm>>
      %dma_wait3A_31 = tpu.memref_slice %arg3[%add3A_14] : memref<647168xi32, #tpu.memory_space<hbm>> -> memref<128xi32, #tpu.memory_space<hbm>>
      tpu.wait_dma2 semaphore(%run_scoped3A : memref<!tpu.dma_semaphore, #tpu.memory_space<semaphore_mem>>) src(%dma_wait3A_31 : memref<128xi32, #tpu.memory_space<hbm>>) dst(%arg8 : memref<128xi32, #tpu.memory_space<vmem>>)
      tpu.yield
    }) : () -> ()
    %add3A_15 = arith.constant 128 : i32
    %add3A_16 = arith.addi %mul3A_4, %add3A_15 : i32
    "tpu.region"() ({
      %run_scoped3A = tpu.sem_alloc : memref<!tpu.dma_semaphore, #tpu.memory_space<semaphore_mem>>
      %dma_start3A_29 = tpu.memref_slice %arg4[%add3A_16] : memref<323584xi32, #tpu.memory_space<hbm>> -> memref<128xi32, #tpu.memory_space<hbm>>
      %dma_start3A_30 = tpu.memref_slice %arg4[%add3A_16] : memref<323584xi32, #tpu.memory_space<hbm>> -> memref<128xi32, #tpu.memory_space<hbm>>
      tpu.enqueue_dma source(%dma_start3A_30 : memref<128xi32, #tpu.memory_space<hbm>>) target(%arg10 : memref<128xi32, #tpu.memory_space<vmem>>) target_semaphore(%run_scoped3A : memref<!tpu.dma_semaphore, #tpu.memory_space<semaphore_mem>>)
      %dma_wait3A = tpu.memref_slice %arg4[%add3A_16] : memref<323584xi32, #tpu.memory_space<hbm>> -> memref<128xi32, #tpu.memory_space<hbm>>
      %dma_wait3A_31 = tpu.memref_slice %arg4[%add3A_16] : memref<323584xi32, #tpu.memory_space<hbm>> -> memref<128xi32, #tpu.memory_space<hbm>>
      tpu.wait_dma2 semaphore(%run_scoped3A : memref<!tpu.dma_semaphore, #tpu.memory_space<semaphore_mem>>) src(%dma_wait3A_31 : memref<128xi32, #tpu.memory_space<hbm>>) dst(%arg10 : memref<128xi32, #tpu.memory_space<vmem>>)
      tpu.yield
    }) : () -> ()
    %dma_start3A_17 = arith.constant 0 : i32
    %dma_start3A_18 = arith.constant 0 : i32
    %dma_start3A_19 = tpu.memref_slice %arg2[%dma_start3A_17, %dma_start3A_18] : memref<20000x128xf32, #tpu.memory_space<hbm>> -> memref<20000x128xf32, #tpu.memory_space<hbm>>
    tpu.enqueue_indirect_dma source(%dma_start3A_19 : memref<20000x128xf32, #tpu.memory_space<hbm>>) target(%arg12 : memref<128x128xf32, #tpu.memory_space<vmem>>) offsets(%arg8 : memref<128xi32, #tpu.memory_space<vmem>>) semaphore(%arg14 : memref<!tpu.dma_semaphore, #tpu.memory_space<semaphore_mem>>)
    %scan3A = arith.constant 0 : i32
    %scan3A_20 = arith.constant 79 : i32
    %scan3A_21 = arith.addi %scan3A, %scan3A_20 : i32
    %scan3A_22 = arith.constant 1 : i32
    scf.for %scan3A_29 = %scan3A to %scan3A_21 step %scan3A_22  : i32 {
      %mul3A_30 = arith.constant 2 : i32
      %mul3A_31 = arith.muli %scan3A_29, %mul3A_30 : i32
      %add3A_32 = arith.constant 0 : i32
      %add3A_33 = arith.addi %add3A_32, %mul3A_31 : i32
      %add3A_34 = arith.constant 0 : i32
      %add3A_35 = arith.addi %add3A_33, %add3A_34 : i32
      %dma_wait3A = arith.constant 0 : i32
      %dma_wait3A_36 = arith.constant 0 : i32
      %dma_wait3A_37 = tpu.memref_slice %arg2[%dma_wait3A, %dma_wait3A_36] : memref<20000x128xf32, #tpu.memory_space<hbm>> -> memref<128x128xf32, #tpu.memory_space<hbm>>
      %dma_wait3A_38 = arith.constant 0 : i32
      %dma_wait3A_39 = arith.constant 0 : i32
      %dma_wait3A_40 = tpu.memref_slice %arg2[%dma_wait3A_38, %dma_wait3A_39] : memref<20000x128xf32, #tpu.memory_space<hbm>> -> memref<128x128xf32, #tpu.memory_space<hbm>>
      tpu.wait_dma2 semaphore(%arg13 : memref<!tpu.dma_semaphore, #tpu.memory_space<semaphore_mem>>) src(%dma_wait3A_40 : memref<128x128xf32, #tpu.memory_space<hbm>>) dst(%arg11 : memref<128x128xf32, #tpu.memory_space<vmem>>)
      "tpu.region"() ({
        %run_scoped3A = tpu.sem_alloc : memref<!tpu.dma_semaphore, #tpu.memory_space<semaphore_mem>>
        %dma_start3A_60 = arith.constant 0 : i32
        %dma_start3A_61 = arith.constant 0 : i32
        %dma_start3A_62 = tpu.memref_slice %arg16[%dma_start3A_60, %dma_start3A_61] : memref<10112x128xf32, #tpu.memory_space<vmem_shared>> -> memref<10112x128xf32, #tpu.memory_space<vmem_shared>>
        tpu.enqueue_indirect_dma source(%arg11 : memref<128x128xf32, #tpu.memory_space<vmem>>) target(%dma_start3A_62 : memref<10112x128xf32, #tpu.memory_space<vmem_shared>>) offsets(%arg9 : memref<128xi32, #tpu.memory_space<vmem>>) semaphore(%run_scoped3A : memref<!tpu.dma_semaphore, #tpu.memory_space<semaphore_mem>>) {add = true}
        %dma_wait3A_63 = arith.constant 0 : i32
        %dma_wait3A_64 = arith.constant 0 : i32
        %dma_wait3A_65 = tpu.memref_slice %arg16[%dma_wait3A_63, %dma_wait3A_64] : memref<10112x128xf32, #tpu.memory_space<vmem_shared>> -> memref<10112x128xf32, #tpu.memory_space<vmem_shared>>
        tpu.wait_indirect_dma semaphore(%run_scoped3A : memref<!tpu.dma_semaphore, #tpu.memory_space<semaphore_mem>>) src(%arg11 : memref<128x128xf32, #tpu.memory_space<vmem>>) dst(%dma_wait3A_65 : memref<10112x128xf32, #tpu.memory_space<vmem_shared>>)
        tpu.yield
      }) : () -> ()
      %add3A_41 = arith.constant 2 : i32
      %add3A_42 = arith.addi %add3A_35, %add3A_41 : i32
      %lt3A = arith.constant 158 : i32
      %lt3A_43 = arith.cmpi slt, %add3A_42, %lt3A : i32
      %convert_element_type3A = arith.extui %lt3A_43 : i1 to i32
      %cond3A = arith.constant 0 : i32
      %cond3A_44 = arith.cmpi ne, %convert_element_type3A, %cond3A : i32
      scf.if %cond3A_44 {
        %add3A_60 = arith.constant 2 : i32
        %add3A_61 = arith.addi %add3A_35, %add3A_60 : i32
        %mul3A_62 = arith.constant 128 : i32
        %mul3A_63 = arith.muli %add3A_61, %mul3A_62 : i32
        %add3A_64 = arith.addi %add3A, %mul3A_63 : i32
        "tpu.region"() ({
          %run_scoped3A = tpu.sem_alloc : memref<!tpu.dma_semaphore, #tpu.memory_space<semaphore_mem>>
          %dma_start3A_73 = tpu.memref_slice %arg3[%add3A_64] : memref<647168xi32, #tpu.memory_space<hbm>> -> memref<128xi32, #tpu.memory_space<hbm>>
          %dma_start3A_74 = tpu.memref_slice %arg3[%add3A_64] : memref<647168xi32, #tpu.memory_space<hbm>> -> memref<128xi32, #tpu.memory_space<hbm>>
          tpu.enqueue_dma source(%dma_start3A_74 : memref<128xi32, #tpu.memory_space<hbm>>) target(%arg7 : memref<128xi32, #tpu.memory_space<vmem>>) target_semaphore(%run_scoped3A : memref<!tpu.dma_semaphore, #tpu.memory_space<semaphore_mem>>)
          %dma_wait3A_75 = tpu.memref_slice %arg3[%add3A_64] : memref<647168xi32, #tpu.memory_space<hbm>> -> memref<128xi32, #tpu.memory_space<hbm>>
          %dma_wait3A_76 = tpu.memref_slice %arg3[%add3A_64] : memref<647168xi32, #tpu.memory_space<hbm>> -> memref<128xi32, #tpu.memory_space<hbm>>
          tpu.wait_dma2 semaphore(%run_scoped3A : memref<!tpu.dma_semaphore, #tpu.memory_space<semaphore_mem>>) src(%dma_wait3A_76 : memref<128xi32, #tpu.memory_space<hbm>>) dst(%arg7 : memref<128xi32, #tpu.memory_space<vmem>>)
          tpu.yield
        }) : () -> ()
        %add3A_65 = arith.constant 2 : i32
        %add3A_66 = arith.addi %add3A_35, %add3A_65 : i32
        %mul3A_67 = arith.constant 128 : i32
        %mul3A_68 = arith.muli %add3A_66, %mul3A_67 : i32
        %add3A_69 = arith.addi %mul3A_4, %mul3A_68 : i32
        "tpu.region"() ({
          %run_scoped3A = tpu.sem_alloc : memref<!tpu.dma_semaphore, #tpu.memory_space<semaphore_mem>>
          %dma_start3A_73 = tpu.memref_slice %arg4[%add3A_69] : memref<323584xi32, #tpu.memory_space<hbm>> -> memref<128xi32, #tpu.memory_space<hbm>>
          %dma_start3A_74 = tpu.memref_slice %arg4[%add3A_69] : memref<323584xi32, #tpu.memory_space<hbm>> -> memref<128xi32, #tpu.memory_space<hbm>>
          tpu.enqueue_dma source(%dma_start3A_74 : memref<128xi32, #tpu.memory_space<hbm>>) target(%arg9 : memref<128xi32, #tpu.memory_space<vmem>>) target_semaphore(%run_scoped3A : memref<!tpu.dma_semaphore, #tpu.memory_space<semaphore_mem>>)
          %dma_wait3A_75 = tpu.memref_slice %arg4[%add3A_69] : memref<323584xi32, #tpu.memory_space<hbm>> -> memref<128xi32, #tpu.memory_space<hbm>>
          %dma_wait3A_76 = tpu.memref_slice %arg4[%add3A_69] : memref<323584xi32, #tpu.memory_space<hbm>> -> memref<128xi32, #tpu.memory_space<hbm>>
          tpu.wait_dma2 semaphore(%run_scoped3A : memref<!tpu.dma_semaphore, #tpu.memory_space<semaphore_mem>>) src(%dma_wait3A_76 : memref<128xi32, #tpu.memory_space<hbm>>) dst(%arg9 : memref<128xi32, #tpu.memory_space<vmem>>)
          tpu.yield
        }) : () -> ()
        %dma_start3A_70 = arith.constant 0 : i32
        %dma_start3A_71 = arith.constant 0 : i32
        %dma_start3A_72 = tpu.memref_slice %arg2[%dma_start3A_70, %dma_start3A_71] : memref<20000x128xf32, #tpu.memory_space<hbm>> -> memref<20000x128xf32, #tpu.memory_space<hbm>>
        tpu.enqueue_indirect_dma source(%dma_start3A_72 : memref<20000x128xf32, #tpu.memory_space<hbm>>) target(%arg11 : memref<128x128xf32, #tpu.memory_space<vmem>>) offsets(%arg7 : memref<128xi32, #tpu.memory_space<vmem>>) semaphore(%arg13 : memref<!tpu.dma_semaphore, #tpu.memory_space<semaphore_mem>>)
      } else {
      }
      %add3A_45 = arith.constant 1 : i32
      %add3A_46 = arith.addi %add3A_33, %add3A_45 : i32
      %dma_wait3A_47 = arith.constant 0 : i32
      %dma_wait3A_48 = arith.constant 0 : i32
      %dma_wait3A_49 = tpu.memref_slice %arg2[%dma_wait3A_47, %dma_wait3A_48] : memref<20000x128xf32, #tpu.memory_space<hbm>> -> memref<128x128xf32, #tpu.memory_space<hbm>>
      %dma_wait3A_50 = arith.constant 0 : i32
      %dma_wait3A_51 = arith.constant 0 : i32
      %dma_wait3A_52 = tpu.memref_slice %arg2[%dma_wait3A_50, %dma_wait3A_51] : memref<20000x128xf32, #tpu.memory_space<hbm>> -> memref<128x128xf32, #tpu.memory_space<hbm>>
      tpu.wait_dma2 semaphore(%arg14 : memref<!tpu.dma_semaphore, #tpu.memory_space<semaphore_mem>>) src(%dma_wait3A_52 : memref<128x128xf32, #tpu.memory_space<hbm>>) dst(%arg12 : memref<128x128xf32, #tpu.memory_space<vmem>>)
      "tpu.region"() ({
        %run_scoped3A = tpu.sem_alloc : memref<!tpu.dma_semaphore, #tpu.memory_space<semaphore_mem>>
        %dma_start3A_60 = arith.constant 0 : i32
        %dma_start3A_61 = arith.constant 0 : i32
        %dma_start3A_62 = tpu.memref_slice %arg16[%dma_start3A_60, %dma_start3A_61] : memref<10112x128xf32, #tpu.memory_space<vmem_shared>> -> memref<10112x128xf32, #tpu.memory_space<vmem_shared>>
        tpu.enqueue_indirect_dma source(%arg12 : memref<128x128xf32, #tpu.memory_space<vmem>>) target(%dma_start3A_62 : memref<10112x128xf32, #tpu.memory_space<vmem_shared>>) offsets(%arg10 : memref<128xi32, #tpu.memory_space<vmem>>) semaphore(%run_scoped3A : memref<!tpu.dma_semaphore, #tpu.memory_space<semaphore_mem>>) {add = true}
        %dma_wait3A_63 = arith.constant 0 : i32
        %dma_wait3A_64 = arith.constant 0 : i32
        %dma_wait3A_65 = tpu.memref_slice %arg16[%dma_wait3A_63, %dma_wait3A_64] : memref<10112x128xf32, #tpu.memory_space<vmem_shared>> -> memref<10112x128xf32, #tpu.memory_space<vmem_shared>>
        tpu.wait_indirect_dma semaphore(%run_scoped3A : memref<!tpu.dma_semaphore, #tpu.memory_space<semaphore_mem>>) src(%arg12 : memref<128x128xf32, #tpu.memory_space<vmem>>) dst(%dma_wait3A_65 : memref<10112x128xf32, #tpu.memory_space<vmem_shared>>)
        tpu.yield
      }) : () -> ()
      %add3A_53 = arith.constant 2 : i32
      %add3A_54 = arith.addi %add3A_46, %add3A_53 : i32
      %lt3A_55 = arith.constant 158 : i32
      %lt3A_56 = arith.cmpi slt, %add3A_54, %lt3A_55 : i32
      %convert_element_type3A_57 = arith.extui %lt3A_56 : i1 to i32
      %cond3A_58 = arith.constant 0 : i32
      %cond3A_59 = arith.cmpi ne, %convert_element_type3A_57, %cond3A_58 : i32
      scf.if %cond3A_59 {
        %add3A_60 = arith.constant 2 : i32
        %add3A_61 = arith.addi %add3A_46, %add3A_60 : i32
        %mul3A_62 = arith.constant 128 : i32
        %mul3A_63 = arith.muli %add3A_61, %mul3A_62 : i32
        %add3A_64 = arith.addi %add3A, %mul3A_63 : i32
        "tpu.region"() ({
          %run_scoped3A = tpu.sem_alloc : memref<!tpu.dma_semaphore, #tpu.memory_space<semaphore_mem>>
          %dma_start3A_73 = tpu.memref_slice %arg3[%add3A_64] : memref<647168xi32, #tpu.memory_space<hbm>> -> memref<128xi32, #tpu.memory_space<hbm>>
          %dma_start3A_74 = tpu.memref_slice %arg3[%add3A_64] : memref<647168xi32, #tpu.memory_space<hbm>> -> memref<128xi32, #tpu.memory_space<hbm>>
          tpu.enqueue_dma source(%dma_start3A_74 : memref<128xi32, #tpu.memory_space<hbm>>) target(%arg8 : memref<128xi32, #tpu.memory_space<vmem>>) target_semaphore(%run_scoped3A : memref<!tpu.dma_semaphore, #tpu.memory_space<semaphore_mem>>)
          %dma_wait3A_75 = tpu.memref_slice %arg3[%add3A_64] : memref<647168xi32, #tpu.memory_space<hbm>> -> memref<128xi32, #tpu.memory_space<hbm>>
          %dma_wait3A_76 = tpu.memref_slice %arg3[%add3A_64] : memref<647168xi32, #tpu.memory_space<hbm>> -> memref<128xi32, #tpu.memory_space<hbm>>
          tpu.wait_dma2 semaphore(%run_scoped3A : memref<!tpu.dma_semaphore, #tpu.memory_space<semaphore_mem>>) src(%dma_wait3A_76 : memref<128xi32, #tpu.memory_space<hbm>>) dst(%arg8 : memref<128xi32, #tpu.memory_space<vmem>>)
          tpu.yield
        }) : () -> ()
        %add3A_65 = arith.constant 2 : i32
        %add3A_66 = arith.addi %add3A_46, %add3A_65 : i32
        %mul3A_67 = arith.constant 128 : i32
        %mul3A_68 = arith.muli %add3A_66, %mul3A_67 : i32
        %add3A_69 = arith.addi %mul3A_4, %mul3A_68 : i32
        "tpu.region"() ({
          %run_scoped3A = tpu.sem_alloc : memref<!tpu.dma_semaphore, #tpu.memory_space<semaphore_mem>>
          %dma_start3A_73 = tpu.memref_slice %arg4[%add3A_69] : memref<323584xi32, #tpu.memory_space<hbm>> -> memref<128xi32, #tpu.memory_space<hbm>>
          %dma_start3A_74 = tpu.memref_slice %arg4[%add3A_69] : memref<323584xi32, #tpu.memory_space<hbm>> -> memref<128xi32, #tpu.memory_space<hbm>>
          tpu.enqueue_dma source(%dma_start3A_74 : memref<128xi32, #tpu.memory_space<hbm>>) target(%arg10 : memref<128xi32, #tpu.memory_space<vmem>>) target_semaphore(%run_scoped3A : memref<!tpu.dma_semaphore, #tpu.memory_space<semaphore_mem>>)
          %dma_wait3A_75 = tpu.memref_slice %arg4[%add3A_69] : memref<323584xi32, #tpu.memory_space<hbm>> -> memref<128xi32, #tpu.memory_space<hbm>>
          %dma_wait3A_76 = tpu.memref_slice %arg4[%add3A_69] : memref<323584xi32, #tpu.memory_space<hbm>> -> memref<128xi32, #tpu.memory_space<hbm>>
          tpu.wait_dma2 semaphore(%run_scoped3A : memref<!tpu.dma_semaphore, #tpu.memory_space<semaphore_mem>>) src(%dma_wait3A_76 : memref<128xi32, #tpu.memory_space<hbm>>) dst(%arg10 : memref<128xi32, #tpu.memory_space<vmem>>)
          tpu.yield
        }) : () -> ()
        %dma_start3A_70 = arith.constant 0 : i32
        %dma_start3A_71 = arith.constant 0 : i32
        %dma_start3A_72 = tpu.memref_slice %arg2[%dma_start3A_70, %dma_start3A_71] : memref<20000x128xf32, #tpu.memory_space<hbm>> -> memref<20000x128xf32, #tpu.memory_space<hbm>>
        tpu.enqueue_indirect_dma source(%dma_start3A_72 : memref<20000x128xf32, #tpu.memory_space<hbm>>) target(%arg12 : memref<128x128xf32, #tpu.memory_space<vmem>>) offsets(%arg8 : memref<128xi32, #tpu.memory_space<vmem>>) semaphore(%arg14 : memref<!tpu.dma_semaphore, #tpu.memory_space<semaphore_mem>>)
      } else {
      }
    }
    %scan3A_23 = arith.constant 79 : i32
    %barrier3A_24 = arith.constant 0 : index
    tpu.barrier barrier_id(%barrier3A_24)
    %mul3A_25 = arith.constant 632 : i32
    %mul3A_26 = arith.muli %arg1, %mul3A_25 : i32
    %mul3A_27 = arith.constant 632 : i32
    %mul3A_28 = arith.muli %arg1, %mul3A_27 : i32
    "tpu.region"() ({
      %run_scoped3A = tpu.sem_alloc : memref<!tpu.dma_semaphore, #tpu.memory_space<semaphore_mem>>
      %dma_start3A_29 = arith.constant 0 : i32
      %dma_start3A_30 = tpu.memref_slice %arg6[%arg0, %mul3A_28, %dma_start3A_29] : memref<2x10112x128xf32, #tpu.memory_space<hbm>> -> memref<1x632x128xf32, #tpu.memory_space<hbm>>
      %dma_start3A_31 = tpu.memref_squeeze %dma_start3A_30 : memref<1x632x128xf32, #tpu.memory_space<hbm>> -> memref<632x128xf32, #tpu.memory_space<hbm>>
      %dma_start3A_32 = arith.constant 0 : i32
      %dma_start3A_33 = tpu.memref_slice %arg16[%mul3A_26, %dma_start3A_32] : memref<10112x128xf32, #tpu.memory_space<vmem_shared>> -> memref<632x128xf32, #tpu.memory_space<vmem_shared>>
      tpu.enqueue_dma source(%dma_start3A_33 : memref<632x128xf32, #tpu.memory_space<vmem_shared>>) target(%dma_start3A_31 : memref<632x128xf32, #tpu.memory_space<hbm>>) target_semaphore(%run_scoped3A : memref<!tpu.dma_semaphore, #tpu.memory_space<semaphore_mem>>)
      %dma_wait3A = arith.constant 0 : i32
      %dma_wait3A_34 = tpu.memref_slice %arg6[%arg0, %mul3A_28, %dma_wait3A] : memref<2x10112x128xf32, #tpu.memory_space<hbm>> -> memref<1x632x128xf32, #tpu.memory_space<hbm>>
      %dma_wait3A_35 = tpu.memref_squeeze %dma_wait3A_34 : memref<1x632x128xf32, #tpu.memory_space<hbm>> -> memref<632x128xf32, #tpu.memory_space<hbm>>
      %dma_wait3A_36 = arith.constant 0 : i32
      %dma_wait3A_37 = tpu.memref_slice %arg16[%mul3A_26, %dma_wait3A_36] : memref<10112x128xf32, #tpu.memory_space<vmem_shared>> -> memref<632x128xf32, #tpu.memory_space<vmem_shared>>
      tpu.wait_dma2 semaphore(%run_scoped3A : memref<!tpu.dma_semaphore, #tpu.memory_space<semaphore_mem>>) src(%dma_wait3A_37 : memref<632x128xf32, #tpu.memory_space<vmem_shared>>) dst(%dma_wait3A_35 : memref<632x128xf32, #tpu.memory_space<hbm>>)
      tpu.yield
    }) : () -> ()
    return
  }
}

#map = affine_map<(d0, d1) -> (0, 0)>
#map1 = affine_map<(d0, d1) -> (0)>
#map2 = affine_map<(d0, d1) -> (0, 0, 0)>
module attributes {stable_mosaic.version = 14 : i64} {
  func.func @_agg_body(%arg0: i32, %arg1: i32, %arg2: memref<10000x128xf32, #tpu.memory_space<hbm>>, %arg3: memref<647168xi32, #tpu.memory_space<hbm>>, %arg4: memref<323584xi32, #tpu.memory_space<hbm>>, %arg5: memref<24576xi32, #tpu.memory_space<hbm>>, %arg6: memref<632x128xf32, #tpu.memory_space<hbm>>, %arg7: memref<12288xi32, #tpu.memory_space<hbm>>, %arg8: memref<128x128xf32, #tpu.memory_space<hbm>>, %arg9: memref<2x10112x128xf32, #tpu.memory_space<hbm>>, %arg10: memref<2x10112x128xf32, #tpu.memory_space<hbm>>, %arg11: memref<12288x128xf32, #tpu.memory_space<hbm>>, %arg12: memref<128xi32, #tpu.memory_space<vmem>>, %arg13: memref<128xi32, #tpu.memory_space<vmem>>, %arg14: memref<128xi32, #tpu.memory_space<vmem>>, %arg15: memref<128xi32, #tpu.memory_space<vmem>>, %arg16: memref<128xi32, #tpu.memory_space<vmem>>, %arg17: memref<128xi32, #tpu.memory_space<vmem>>, %arg18: memref<128x128xf32, #tpu.memory_space<vmem>>, %arg19: memref<128x128xf32, #tpu.memory_space<vmem>>, %arg20: memref<128x128xf32, #tpu.memory_space<vmem>>, %arg21: memref<!tpu.dma_semaphore, #tpu.memory_space<semaphore_mem>>, %arg22: memref<!tpu.dma_semaphore, #tpu.memory_space<semaphore_mem>>, %arg23: memref<!tpu.dma_semaphore, #tpu.memory_space<semaphore_mem>>, %arg24: memref<!tpu.dma_semaphore, #tpu.memory_space<semaphore_mem>>, %arg25: memref<!tpu.dma_semaphore, #tpu.memory_space<semaphore_mem>>, %arg26: memref<!tpu.dma_semaphore, #tpu.memory_space<semaphore_mem>>, %arg27: memref<!tpu.dma_semaphore, #tpu.memory_space<semaphore_mem>>, %arg28: memref<10112x128xf32, #tpu.memory_space<vmem_shared>>) attributes {dimension_semantics = [#tpu.dimension_semantics<core_parallel>, #tpu.dimension_semantics<subcore_parallel>], iteration_bounds = array<i64: 2, 16>, scalar_prefetch = 0 : i64, scratch_operands = 17 : i64, tpu.core_type = #tpu.core_type<sc_vector_subcore>, window_params = [{transform_indices = #map}, {transform_indices = #map1}, {transform_indices = #map1}, {transform_indices = #map1}, {transform_indices = #map}, {transform_indices = #map1}, {transform_indices = #map}, {transform_indices = #map2}, {transform_indices = #map2}, {transform_indices = #map}]} {
    %mul3A = arith.constant 323584 : i32
    %mul3A_0 = arith.muli %arg0, %mul3A : i32
    %mul3A_1 = arith.constant 20224 : i32
    %mul3A_2 = arith.muli %arg1, %mul3A_1 : i32
    %add3A = arith.addi %mul3A_0, %mul3A_2 : i32
    %mul3A_3 = arith.constant 20224 : i32
    %mul3A_4 = arith.muli %arg1, %mul3A_3 : i32
    %mul3A_5 = arith.constant 632 : i32
    %mul3A_6 = arith.muli %arg1, %mul3A_5 : i32
    "tpu.region"() ({
      %run_scoped3A = tpu.sem_alloc : memref<!tpu.dma_semaphore, #tpu.memory_space<semaphore_mem>>
      %dma_start3A_90 = arith.constant 0 : i32
      %dma_start3A_91 = tpu.memref_slice %arg28[%mul3A_6, %dma_start3A_90] : memref<10112x128xf32, #tpu.memory_space<vmem_shared>> -> memref<632x128xf32, #tpu.memory_space<vmem_shared>>
      tpu.enqueue_dma source(%arg6 : memref<632x128xf32, #tpu.memory_space<hbm>>) target(%dma_start3A_91 : memref<632x128xf32, #tpu.memory_space<vmem_shared>>) target_semaphore(%run_scoped3A : memref<!tpu.dma_semaphore, #tpu.memory_space<semaphore_mem>>)
      %dma_wait3A_92 = arith.constant 0 : i32
      %dma_wait3A_93 = tpu.memref_slice %arg28[%mul3A_6, %dma_wait3A_92] : memref<10112x128xf32, #tpu.memory_space<vmem_shared>> -> memref<632x128xf32, #tpu.memory_space<vmem_shared>>
      tpu.wait_dma2 semaphore(%run_scoped3A : memref<!tpu.dma_semaphore, #tpu.memory_space<semaphore_mem>>) src(%arg6 : memref<632x128xf32, #tpu.memory_space<hbm>>) dst(%dma_wait3A_93 : memref<632x128xf32, #tpu.memory_space<vmem_shared>>)
      tpu.yield
    }) : () -> ()
    %mul3A_7 = arith.constant 80 : i32
    %mul3A_8 = arith.muli %arg0, %mul3A_7 : i32
    %mul3A_9 = arith.constant 78 : i32
    %mul3A_10 = arith.muli %mul3A_9, %arg0 : i32
    %add3A_11 = arith.constant 80 : i32
    %add3A_12 = arith.addi %add3A_11, %mul3A_10 : i32
    "tpu.region"() ({
      %run_scoped3A = tpu.sem_alloc : memref<!tpu.dma_semaphore, #tpu.memory_space<semaphore_mem>>
      tpu.enqueue_dma source(%arg8 : memref<128x128xf32, #tpu.memory_space<hbm>>) target(%arg20 : memref<128x128xf32, #tpu.memory_space<vmem>>) target_semaphore(%run_scoped3A : memref<!tpu.dma_semaphore, #tpu.memory_space<semaphore_mem>>)
      tpu.wait_dma2 semaphore(%run_scoped3A : memref<!tpu.dma_semaphore, #tpu.memory_space<semaphore_mem>>) src(%arg8 : memref<128x128xf32, #tpu.memory_space<hbm>>) dst(%arg20 : memref<128x128xf32, #tpu.memory_space<vmem>>)
      tpu.yield
    }) : () -> ()
    %barrier3A = arith.constant 0 : index
    tpu.barrier barrier_id(%barrier3A)
    %add3A_13 = arith.constant 0 : i32
    %add3A_14 = arith.addi %mul3A_8, %add3A_13 : i32
    %mul3A_15 = arith.constant 128 : i32
    %mul3A_16 = arith.muli %add3A_14, %mul3A_15 : i32
    %add3A_17 = arith.addi %mul3A_4, %mul3A_16 : i32
    "tpu.region"() ({
      %run_scoped3A = tpu.sem_alloc : memref<!tpu.dma_semaphore, #tpu.memory_space<semaphore_mem>>
      %dma_start3A_90 = tpu.memref_slice %arg4[%add3A_17] : memref<323584xi32, #tpu.memory_space<hbm>> -> memref<128xi32, #tpu.memory_space<hbm>>
      %dma_start3A_91 = tpu.memref_slice %arg4[%add3A_17] : memref<323584xi32, #tpu.memory_space<hbm>> -> memref<128xi32, #tpu.memory_space<hbm>>
      tpu.enqueue_dma source(%dma_start3A_91 : memref<128xi32, #tpu.memory_space<hbm>>) target(%arg14 : memref<128xi32, #tpu.memory_space<vmem>>) target_semaphore(%run_scoped3A : memref<!tpu.dma_semaphore, #tpu.memory_space<semaphore_mem>>)
      %dma_wait3A_92 = tpu.memref_slice %arg4[%add3A_17] : memref<323584xi32, #tpu.memory_space<hbm>> -> memref<128xi32, #tpu.memory_space<hbm>>
      %dma_wait3A_93 = tpu.memref_slice %arg4[%add3A_17] : memref<323584xi32, #tpu.memory_space<hbm>> -> memref<128xi32, #tpu.memory_space<hbm>>
      tpu.wait_dma2 semaphore(%run_scoped3A : memref<!tpu.dma_semaphore, #tpu.memory_space<semaphore_mem>>) src(%dma_wait3A_93 : memref<128xi32, #tpu.memory_space<hbm>>) dst(%arg14 : memref<128xi32, #tpu.memory_space<vmem>>)
      tpu.yield
    }) : () -> ()
    %dma_start3A = arith.constant 0 : i32
    %dma_start3A_18 = arith.constant 0 : i32
    %dma_start3A_19 = tpu.memref_slice %arg28[%dma_start3A, %dma_start3A_18] : memref<10112x128xf32, #tpu.memory_space<vmem_shared>> -> memref<10112x128xf32, #tpu.memory_space<vmem_shared>>
    tpu.enqueue_indirect_dma source(%arg20 : memref<128x128xf32, #tpu.memory_space<vmem>>) target(%dma_start3A_19 : memref<10112x128xf32, #tpu.memory_space<vmem_shared>>) offsets(%arg14 : memref<128xi32, #tpu.memory_space<vmem>>) semaphore(%arg25 : memref<!tpu.dma_semaphore, #tpu.memory_space<semaphore_mem>>) {add = true}
    %add3A_20 = arith.constant 1 : i32
    %add3A_21 = arith.addi %mul3A_8, %add3A_20 : i32
    %mul3A_22 = arith.constant 128 : i32
    %mul3A_23 = arith.muli %add3A_21, %mul3A_22 : i32
    %add3A_24 = arith.addi %mul3A_4, %mul3A_23 : i32
    "tpu.region"() ({
      %run_scoped3A = tpu.sem_alloc : memref<!tpu.dma_semaphore, #tpu.memory_space<semaphore_mem>>
      %dma_start3A_90 = tpu.memref_slice %arg4[%add3A_24] : memref<323584xi32, #tpu.memory_space<hbm>> -> memref<128xi32, #tpu.memory_space<hbm>>
      %dma_start3A_91 = tpu.memref_slice %arg4[%add3A_24] : memref<323584xi32, #tpu.memory_space<hbm>> -> memref<128xi32, #tpu.memory_space<hbm>>
      tpu.enqueue_dma source(%dma_start3A_91 : memref<128xi32, #tpu.memory_space<hbm>>) target(%arg15 : memref<128xi32, #tpu.memory_space<vmem>>) target_semaphore(%run_scoped3A : memref<!tpu.dma_semaphore, #tpu.memory_space<semaphore_mem>>)
      %dma_wait3A_92 = tpu.memref_slice %arg4[%add3A_24] : memref<323584xi32, #tpu.memory_space<hbm>> -> memref<128xi32, #tpu.memory_space<hbm>>
      %dma_wait3A_93 = tpu.memref_slice %arg4[%add3A_24] : memref<323584xi32, #tpu.memory_space<hbm>> -> memref<128xi32, #tpu.memory_space<hbm>>
      tpu.wait_dma2 semaphore(%run_scoped3A : memref<!tpu.dma_semaphore, #tpu.memory_space<semaphore_mem>>) src(%dma_wait3A_93 : memref<128xi32, #tpu.memory_space<hbm>>) dst(%arg15 : memref<128xi32, #tpu.memory_space<vmem>>)
      tpu.yield
    }) : () -> ()
    %dma_start3A_25 = arith.constant 0 : i32
    %dma_start3A_26 = arith.constant 0 : i32
    %dma_start3A_27 = tpu.memref_slice %arg28[%dma_start3A_25, %dma_start3A_26] : memref<10112x128xf32, #tpu.memory_space<vmem_shared>> -> memref<10112x128xf32, #tpu.memory_space<vmem_shared>>
    tpu.enqueue_indirect_dma source(%arg20 : memref<128x128xf32, #tpu.memory_space<vmem>>) target(%dma_start3A_27 : memref<10112x128xf32, #tpu.memory_space<vmem_shared>>) offsets(%arg15 : memref<128xi32, #tpu.memory_space<vmem>>) semaphore(%arg26 : memref<!tpu.dma_semaphore, #tpu.memory_space<semaphore_mem>>) {add = true}
    %add3A_28 = arith.constant 2 : i32
    %add3A_29 = arith.addi %mul3A_8, %add3A_28 : i32
    %sub3A = arith.subi %add3A_12, %add3A_29 : i32
    %sub3A_30 = arith.constant 2 : i32
    %sub3A_31 = arith.constant 1 : i32
    %sub3A_32 = arith.subi %sub3A_30, %sub3A_31 : i32
    %add3A_33 = arith.addi %sub3A, %sub3A_32 : i32
    %div3A = arith.constant 2 : i32
    %div3A_34 = arith.divsi %add3A_33, %div3A : i32
    %while3A = arith.constant 2 : i32
    %while3A_35 = arith.constant 0 : i32
    %while3A_36 = arith.subi %div3A_34, %while3A_35 : i32
    %while3A_37 = arith.addi %while3A_35, %while3A_36 : i32
    %while3A_38 = arith.constant 1 : i32
    %while3A_39 = arith.divsi %while3A_36, %while3A_38 : i32
    %while3A_40 = arith.muli %while3A_39, %while3A_38 : i32
    %while3A_41 = arith.addi %while3A_35, %while3A_40 : i32
    %while3A_42 = arith.constant 1 : i32
    scf.for %while3A_90 = %while3A_35 to %while3A_41 step %while3A_42  : i32 {
      %mul3A_91 = arith.muli %while3A_90, %while3A : i32
      %add3A_92 = arith.addi %add3A_29, %mul3A_91 : i32
      %add3A_93 = arith.constant 0 : i32
      %add3A_94 = arith.addi %add3A_92, %add3A_93 : i32
      tpu.wait_dma2 semaphore(%arg25 : memref<!tpu.dma_semaphore, #tpu.memory_space<semaphore_mem>>) src(%arg8 : memref<128x128xf32, #tpu.memory_space<hbm>>) dst(%arg20 : memref<128x128xf32, #tpu.memory_space<vmem>>)
      %mul3A_95 = arith.constant 128 : i32
      %mul3A_96 = arith.muli %add3A_94, %mul3A_95 : i32
      %add3A_97 = arith.addi %mul3A_4, %mul3A_96 : i32
      "tpu.region"() ({
        %run_scoped3A = tpu.sem_alloc : memref<!tpu.dma_semaphore, #tpu.memory_space<semaphore_mem>>
        %dma_start3A_109 = tpu.memref_slice %arg4[%add3A_97] : memref<323584xi32, #tpu.memory_space<hbm>> -> memref<128xi32, #tpu.memory_space<hbm>>
        %dma_start3A_110 = tpu.memref_slice %arg4[%add3A_97] : memref<323584xi32, #tpu.memory_space<hbm>> -> memref<128xi32, #tpu.memory_space<hbm>>
        tpu.enqueue_dma source(%dma_start3A_110 : memref<128xi32, #tpu.memory_space<hbm>>) target(%arg14 : memref<128xi32, #tpu.memory_space<vmem>>) target_semaphore(%run_scoped3A : memref<!tpu.dma_semaphore, #tpu.memory_space<semaphore_mem>>)
        %dma_wait3A_111 = tpu.memref_slice %arg4[%add3A_97] : memref<323584xi32, #tpu.memory_space<hbm>> -> memref<128xi32, #tpu.memory_space<hbm>>
        %dma_wait3A_112 = tpu.memref_slice %arg4[%add3A_97] : memref<323584xi32, #tpu.memory_space<hbm>> -> memref<128xi32, #tpu.memory_space<hbm>>
        tpu.wait_dma2 semaphore(%run_scoped3A : memref<!tpu.dma_semaphore, #tpu.memory_space<semaphore_mem>>) src(%dma_wait3A_112 : memref<128xi32, #tpu.memory_space<hbm>>) dst(%arg14 : memref<128xi32, #tpu.memory_space<vmem>>)
        tpu.yield
      }) : () -> ()
      %dma_start3A_98 = arith.constant 0 : i32
      %dma_start3A_99 = arith.constant 0 : i32
      %dma_start3A_100 = tpu.memref_slice %arg28[%dma_start3A_98, %dma_start3A_99] : memref<10112x128xf32, #tpu.memory_space<vmem_shared>> -> memref<10112x128xf32, #tpu.memory_space<vmem_shared>>
      tpu.enqueue_indirect_dma source(%arg20 : memref<128x128xf32, #tpu.memory_space<vmem>>) target(%dma_start3A_100 : memref<10112x128xf32, #tpu.memory_space<vmem_shared>>) offsets(%arg14 : memref<128xi32, #tpu.memory_space<vmem>>) semaphore(%arg25 : memref<!tpu.dma_semaphore, #tpu.memory_space<semaphore_mem>>) {add = true}
      %add3A_101 = arith.constant 1 : i32
      %add3A_102 = arith.addi %add3A_92, %add3A_101 : i32
      tpu.wait_dma2 semaphore(%arg26 : memref<!tpu.dma_semaphore, #tpu.memory_space<semaphore_mem>>) src(%arg8 : memref<128x128xf32, #tpu.memory_space<hbm>>) dst(%arg20 : memref<128x128xf32, #tpu.memory_space<vmem>>)
      %mul3A_103 = arith.constant 128 : i32
      %mul3A_104 = arith.muli %add3A_102, %mul3A_103 : i32
      %add3A_105 = arith.addi %mul3A_4, %mul3A_104 : i32
      "tpu.region"() ({
        %run_scoped3A = tpu.sem_alloc : memref<!tpu.dma_semaphore, #tpu.memory_space<semaphore_mem>>
        %dma_start3A_109 = tpu.memref_slice %arg4[%add3A_105] : memref<323584xi32, #tpu.memory_space<hbm>> -> memref<128xi32, #tpu.memory_space<hbm>>
        %dma_start3A_110 = tpu.memref_slice %arg4[%add3A_105] : memref<323584xi32, #tpu.memory_space<hbm>> -> memref<128xi32, #tpu.memory_space<hbm>>
        tpu.enqueue_dma source(%dma_start3A_110 : memref<128xi32, #tpu.memory_space<hbm>>) target(%arg15 : memref<128xi32, #tpu.memory_space<vmem>>) target_semaphore(%run_scoped3A : memref<!tpu.dma_semaphore, #tpu.memory_space<semaphore_mem>>)
        %dma_wait3A_111 = tpu.memref_slice %arg4[%add3A_105] : memref<323584xi32, #tpu.memory_space<hbm>> -> memref<128xi32, #tpu.memory_space<hbm>>
        %dma_wait3A_112 = tpu.memref_slice %arg4[%add3A_105] : memref<323584xi32, #tpu.memory_space<hbm>> -> memref<128xi32, #tpu.memory_space<hbm>>
        tpu.wait_dma2 semaphore(%run_scoped3A : memref<!tpu.dma_semaphore, #tpu.memory_space<semaphore_mem>>) src(%dma_wait3A_112 : memref<128xi32, #tpu.memory_space<hbm>>) dst(%arg15 : memref<128xi32, #tpu.memory_space<vmem>>)
        tpu.yield
      }) : () -> ()
      %dma_start3A_106 = arith.constant 0 : i32
      %dma_start3A_107 = arith.constant 0 : i32
      %dma_start3A_108 = tpu.memref_slice %arg28[%dma_start3A_106, %dma_start3A_107] : memref<10112x128xf32, #tpu.memory_space<vmem_shared>> -> memref<10112x128xf32, #tpu.memory_space<vmem_shared>>
      tpu.enqueue_indirect_dma source(%arg20 : memref<128x128xf32, #tpu.memory_space<vmem>>) target(%dma_start3A_108 : memref<10112x128xf32, #tpu.memory_space<vmem_shared>>) offsets(%arg15 : memref<128xi32, #tpu.memory_space<vmem>>) semaphore(%arg26 : memref<!tpu.dma_semaphore, #tpu.memory_space<semaphore_mem>>) {add = true}
    }
    %while3A_43 = arith.constant 1 : i32
    scf.for %while3A_90 = %while3A_41 to %while3A_37 step %while3A_43  : i32 {
      %mul3A_91 = arith.muli %while3A_90, %while3A : i32
      %add3A_92 = arith.addi %add3A_29, %mul3A_91 : i32
      %add3A_93 = arith.constant 0 : i32
      %add3A_94 = arith.addi %add3A_92, %add3A_93 : i32
      tpu.wait_dma2 semaphore(%arg25 : memref<!tpu.dma_semaphore, #tpu.memory_space<semaphore_mem>>) src(%arg8 : memref<128x128xf32, #tpu.memory_space<hbm>>) dst(%arg20 : memref<128x128xf32, #tpu.memory_space<vmem>>)
      %mul3A_95 = arith.constant 128 : i32
      %mul3A_96 = arith.muli %add3A_94, %mul3A_95 : i32
      %add3A_97 = arith.addi %mul3A_4, %mul3A_96 : i32
      "tpu.region"() ({
        %run_scoped3A = tpu.sem_alloc : memref<!tpu.dma_semaphore, #tpu.memory_space<semaphore_mem>>
        %dma_start3A_109 = tpu.memref_slice %arg4[%add3A_97] : memref<323584xi32, #tpu.memory_space<hbm>> -> memref<128xi32, #tpu.memory_space<hbm>>
        %dma_start3A_110 = tpu.memref_slice %arg4[%add3A_97] : memref<323584xi32, #tpu.memory_space<hbm>> -> memref<128xi32, #tpu.memory_space<hbm>>
        tpu.enqueue_dma source(%dma_start3A_110 : memref<128xi32, #tpu.memory_space<hbm>>) target(%arg14 : memref<128xi32, #tpu.memory_space<vmem>>) target_semaphore(%run_scoped3A : memref<!tpu.dma_semaphore, #tpu.memory_space<semaphore_mem>>)
        %dma_wait3A_111 = tpu.memref_slice %arg4[%add3A_97] : memref<323584xi32, #tpu.memory_space<hbm>> -> memref<128xi32, #tpu.memory_space<hbm>>
        %dma_wait3A_112 = tpu.memref_slice %arg4[%add3A_97] : memref<323584xi32, #tpu.memory_space<hbm>> -> memref<128xi32, #tpu.memory_space<hbm>>
        tpu.wait_dma2 semaphore(%run_scoped3A : memref<!tpu.dma_semaphore, #tpu.memory_space<semaphore_mem>>) src(%dma_wait3A_112 : memref<128xi32, #tpu.memory_space<hbm>>) dst(%arg14 : memref<128xi32, #tpu.memory_space<vmem>>)
        tpu.yield
      }) : () -> ()
      %dma_start3A_98 = arith.constant 0 : i32
      %dma_start3A_99 = arith.constant 0 : i32
      %dma_start3A_100 = tpu.memref_slice %arg28[%dma_start3A_98, %dma_start3A_99] : memref<10112x128xf32, #tpu.memory_space<vmem_shared>> -> memref<10112x128xf32, #tpu.memory_space<vmem_shared>>
      tpu.enqueue_indirect_dma source(%arg20 : memref<128x128xf32, #tpu.memory_space<vmem>>) target(%dma_start3A_100 : memref<10112x128xf32, #tpu.memory_space<vmem_shared>>) offsets(%arg14 : memref<128xi32, #tpu.memory_space<vmem>>) semaphore(%arg25 : memref<!tpu.dma_semaphore, #tpu.memory_space<semaphore_mem>>) {add = true}
      %add3A_101 = arith.constant 1 : i32
      %add3A_102 = arith.addi %add3A_92, %add3A_101 : i32
      tpu.wait_dma2 semaphore(%arg26 : memref<!tpu.dma_semaphore, #tpu.memory_space<semaphore_mem>>) src(%arg8 : memref<128x128xf32, #tpu.memory_space<hbm>>) dst(%arg20 : memref<128x128xf32, #tpu.memory_space<vmem>>)
      %mul3A_103 = arith.constant 128 : i32
      %mul3A_104 = arith.muli %add3A_102, %mul3A_103 : i32
      %add3A_105 = arith.addi %mul3A_4, %mul3A_104 : i32
      "tpu.region"() ({
        %run_scoped3A = tpu.sem_alloc : memref<!tpu.dma_semaphore, #tpu.memory_space<semaphore_mem>>
        %dma_start3A_109 = tpu.memref_slice %arg4[%add3A_105] : memref<323584xi32, #tpu.memory_space<hbm>> -> memref<128xi32, #tpu.memory_space<hbm>>
        %dma_start3A_110 = tpu.memref_slice %arg4[%add3A_105] : memref<323584xi32, #tpu.memory_space<hbm>> -> memref<128xi32, #tpu.memory_space<hbm>>
        tpu.enqueue_dma source(%dma_start3A_110 : memref<128xi32, #tpu.memory_space<hbm>>) target(%arg15 : memref<128xi32, #tpu.memory_space<vmem>>) target_semaphore(%run_scoped3A : memref<!tpu.dma_semaphore, #tpu.memory_space<semaphore_mem>>)
        %dma_wait3A_111 = tpu.memref_slice %arg4[%add3A_105] : memref<323584xi32, #tpu.memory_space<hbm>> -> memref<128xi32, #tpu.memory_space<hbm>>
        %dma_wait3A_112 = tpu.memref_slice %arg4[%add3A_105] : memref<323584xi32, #tpu.memory_space<hbm>> -> memref<128xi32, #tpu.memory_space<hbm>>
        tpu.wait_dma2 semaphore(%run_scoped3A : memref<!tpu.dma_semaphore, #tpu.memory_space<semaphore_mem>>) src(%dma_wait3A_112 : memref<128xi32, #tpu.memory_space<hbm>>) dst(%arg15 : memref<128xi32, #tpu.memory_space<vmem>>)
        tpu.yield
      }) : () -> ()
      %dma_start3A_106 = arith.constant 0 : i32
      %dma_start3A_107 = arith.constant 0 : i32
      %dma_start3A_108 = tpu.memref_slice %arg28[%dma_start3A_106, %dma_start3A_107] : memref<10112x128xf32, #tpu.memory_space<vmem_shared>> -> memref<10112x128xf32, #tpu.memory_space<vmem_shared>>
      tpu.enqueue_indirect_dma source(%arg20 : memref<128x128xf32, #tpu.memory_space<vmem>>) target(%dma_start3A_108 : memref<10112x128xf32, #tpu.memory_space<vmem_shared>>) offsets(%arg15 : memref<128xi32, #tpu.memory_space<vmem>>) semaphore(%arg26 : memref<!tpu.dma_semaphore, #tpu.memory_space<semaphore_mem>>) {add = true}
    }
    tpu.wait_dma2 semaphore(%arg25 : memref<!tpu.dma_semaphore, #tpu.memory_space<semaphore_mem>>) src(%arg8 : memref<128x128xf32, #tpu.memory_space<hbm>>) dst(%arg20 : memref<128x128xf32, #tpu.memory_space<vmem>>)
    tpu.wait_dma2 semaphore(%arg26 : memref<!tpu.dma_semaphore, #tpu.memory_space<semaphore_mem>>) src(%arg8 : memref<128x128xf32, #tpu.memory_space<hbm>>) dst(%arg20 : memref<128x128xf32, #tpu.memory_space<vmem>>)
    %barrier3A_44 = arith.constant 0 : index
    tpu.barrier barrier_id(%barrier3A_44)
    %mul3A_45 = arith.constant 632 : i32
    %mul3A_46 = arith.muli %arg1, %mul3A_45 : i32
    %mul3A_47 = arith.constant 632 : i32
    %mul3A_48 = arith.muli %arg1, %mul3A_47 : i32
    "tpu.region"() ({
      %run_scoped3A = tpu.sem_alloc : memref<!tpu.dma_semaphore, #tpu.memory_space<semaphore_mem>>
      %dma_start3A_90 = arith.constant 0 : i32
      %dma_start3A_91 = tpu.memref_slice %arg10[%arg0, %mul3A_48, %dma_start3A_90] : memref<2x10112x128xf32, #tpu.memory_space<hbm>> -> memref<1x632x128xf32, #tpu.memory_space<hbm>>
      %dma_start3A_92 = tpu.memref_squeeze %dma_start3A_91 : memref<1x632x128xf32, #tpu.memory_space<hbm>> -> memref<632x128xf32, #tpu.memory_space<hbm>>
      %dma_start3A_93 = arith.constant 0 : i32
      %dma_start3A_94 = tpu.memref_slice %arg28[%mul3A_46, %dma_start3A_93] : memref<10112x128xf32, #tpu.memory_space<vmem_shared>> -> memref<632x128xf32, #tpu.memory_space<vmem_shared>>
      tpu.enqueue_dma source(%dma_start3A_94 : memref<632x128xf32, #tpu.memory_space<vmem_shared>>) target(%dma_start3A_92 : memref<632x128xf32, #tpu.memory_space<hbm>>) target_semaphore(%run_scoped3A : memref<!tpu.dma_semaphore, #tpu.memory_space<semaphore_mem>>)
      %dma_wait3A_95 = arith.constant 0 : i32
      %dma_wait3A_96 = tpu.memref_slice %arg10[%arg0, %mul3A_48, %dma_wait3A_95] : memref<2x10112x128xf32, #tpu.memory_space<hbm>> -> memref<1x632x128xf32, #tpu.memory_space<hbm>>
      %dma_wait3A_97 = tpu.memref_squeeze %dma_wait3A_96 : memref<1x632x128xf32, #tpu.memory_space<hbm>> -> memref<632x128xf32, #tpu.memory_space<hbm>>
      %dma_wait3A_98 = arith.constant 0 : i32
      %dma_wait3A_99 = tpu.memref_slice %arg28[%mul3A_46, %dma_wait3A_98] : memref<10112x128xf32, #tpu.memory_space<vmem_shared>> -> memref<632x128xf32, #tpu.memory_space<vmem_shared>>
      tpu.wait_dma2 semaphore(%run_scoped3A : memref<!tpu.dma_semaphore, #tpu.memory_space<semaphore_mem>>) src(%dma_wait3A_99 : memref<632x128xf32, #tpu.memory_space<vmem_shared>>) dst(%dma_wait3A_97 : memref<632x128xf32, #tpu.memory_space<hbm>>)
      tpu.yield
    }) : () -> ()
    %mul3A_49 = arith.constant 632 : i32
    %mul3A_50 = arith.muli %arg1, %mul3A_49 : i32
    "tpu.region"() ({
      %run_scoped3A = tpu.sem_alloc : memref<!tpu.dma_semaphore, #tpu.memory_space<semaphore_mem>>
      %dma_start3A_90 = arith.constant 0 : i32
      %dma_start3A_91 = tpu.memref_slice %arg28[%mul3A_50, %dma_start3A_90] : memref<10112x128xf32, #tpu.memory_space<vmem_shared>> -> memref<632x128xf32, #tpu.memory_space<vmem_shared>>
      tpu.enqueue_dma source(%arg6 : memref<632x128xf32, #tpu.memory_space<hbm>>) target(%dma_start3A_91 : memref<632x128xf32, #tpu.memory_space<vmem_shared>>) target_semaphore(%run_scoped3A : memref<!tpu.dma_semaphore, #tpu.memory_space<semaphore_mem>>)
      %dma_wait3A_92 = arith.constant 0 : i32
      %dma_wait3A_93 = tpu.memref_slice %arg28[%mul3A_50, %dma_wait3A_92] : memref<10112x128xf32, #tpu.memory_space<vmem_shared>> -> memref<632x128xf32, #tpu.memory_space<vmem_shared>>
      tpu.wait_dma2 semaphore(%run_scoped3A : memref<!tpu.dma_semaphore, #tpu.memory_space<semaphore_mem>>) src(%arg6 : memref<632x128xf32, #tpu.memory_space<hbm>>) dst(%dma_wait3A_93 : memref<632x128xf32, #tpu.memory_space<vmem_shared>>)
      tpu.yield
    }) : () -> ()
    %barrier3A_51 = arith.constant 0 : index
    tpu.barrier barrier_id(%barrier3A_51)
    %add3A_52 = arith.constant 0 : i32
    %add3A_53 = arith.addi %add3A, %add3A_52 : i32
    "tpu.region"() ({
      %run_scoped3A = tpu.sem_alloc : memref<!tpu.dma_semaphore, #tpu.memory_space<semaphore_mem>>
      %dma_start3A_90 = tpu.memref_slice %arg3[%add3A_53] : memref<647168xi32, #tpu.memory_space<hbm>> -> memref<128xi32, #tpu.memory_space<hbm>>
      %dma_start3A_91 = tpu.memref_slice %arg3[%add3A_53] : memref<647168xi32, #tpu.memory_space<hbm>> -> memref<128xi32, #tpu.memory_space<hbm>>
      tpu.enqueue_dma source(%dma_start3A_91 : memref<128xi32, #tpu.memory_space<hbm>>) target(%arg12 : memref<128xi32, #tpu.memory_space<vmem>>) target_semaphore(%run_scoped3A : memref<!tpu.dma_semaphore, #tpu.memory_space<semaphore_mem>>)
      %dma_wait3A_92 = tpu.memref_slice %arg3[%add3A_53] : memref<647168xi32, #tpu.memory_space<hbm>> -> memref<128xi32, #tpu.memory_space<hbm>>
      %dma_wait3A_93 = tpu.memref_slice %arg3[%add3A_53] : memref<647168xi32, #tpu.memory_space<hbm>> -> memref<128xi32, #tpu.memory_space<hbm>>
      tpu.wait_dma2 semaphore(%run_scoped3A : memref<!tpu.dma_semaphore, #tpu.memory_space<semaphore_mem>>) src(%dma_wait3A_93 : memref<128xi32, #tpu.memory_space<hbm>>) dst(%arg12 : memref<128xi32, #tpu.memory_space<vmem>>)
      tpu.yield
    }) : () -> ()
    %add3A_54 = arith.constant 0 : i32
    %add3A_55 = arith.addi %mul3A_4, %add3A_54 : i32
    "tpu.region"() ({
      %run_scoped3A = tpu.sem_alloc : memref<!tpu.dma_semaphore, #tpu.memory_space<semaphore_mem>>
      %dma_start3A_90 = tpu.memref_slice %arg4[%add3A_55] : memref<323584xi32, #tpu.memory_space<hbm>> -> memref<128xi32, #tpu.memory_space<hbm>>
      %dma_start3A_91 = tpu.memref_slice %arg4[%add3A_55] : memref<323584xi32, #tpu.memory_space<hbm>> -> memref<128xi32, #tpu.memory_space<hbm>>
      tpu.enqueue_dma source(%dma_start3A_91 : memref<128xi32, #tpu.memory_space<hbm>>) target(%arg14 : memref<128xi32, #tpu.memory_space<vmem>>) target_semaphore(%run_scoped3A : memref<!tpu.dma_semaphore, #tpu.memory_space<semaphore_mem>>)
      %dma_wait3A_92 = tpu.memref_slice %arg4[%add3A_55] : memref<323584xi32, #tpu.memory_space<hbm>> -> memref<128xi32, #tpu.memory_space<hbm>>
      %dma_wait3A_93 = tpu.memref_slice %arg4[%add3A_55] : memref<323584xi32, #tpu.memory_space<hbm>> -> memref<128xi32, #tpu.memory_space<hbm>>
      tpu.wait_dma2 semaphore(%run_scoped3A : memref<!tpu.dma_semaphore, #tpu.memory_space<semaphore_mem>>) src(%dma_wait3A_93 : memref<128xi32, #tpu.memory_space<hbm>>) dst(%arg14 : memref<128xi32, #tpu.memory_space<vmem>>)
      tpu.yield
    }) : () -> ()
    %dma_start3A_56 = arith.constant 0 : i32
    %dma_start3A_57 = tpu.memref_slice %arg5[%dma_start3A_56] : memref<24576xi32, #tpu.memory_space<hbm>> -> memref<24576xi32, #tpu.memory_space<hbm>>
    tpu.enqueue_indirect_dma source(%dma_start3A_57 : memref<24576xi32, #tpu.memory_space<hbm>>) target(%arg16 : memref<128xi32, #tpu.memory_space<vmem>>) offsets(%arg12 : memref<128xi32, #tpu.memory_space<vmem>>) semaphore(%arg21 : memref<!tpu.dma_semaphore, #tpu.memory_space<semaphore_mem>>)
    %add3A_58 = arith.constant 128 : i32
    %add3A_59 = arith.addi %add3A, %add3A_58 : i32
    "tpu.region"() ({
      %run_scoped3A = tpu.sem_alloc : memref<!tpu.dma_semaphore, #tpu.memory_space<semaphore_mem>>
      %dma_start3A_90 = tpu.memref_slice %arg3[%add3A_59] : memref<647168xi32, #tpu.memory_space<hbm>> -> memref<128xi32, #tpu.memory_space<hbm>>
      %dma_start3A_91 = tpu.memref_slice %arg3[%add3A_59] : memref<647168xi32, #tpu.memory_space<hbm>> -> memref<128xi32, #tpu.memory_space<hbm>>
      tpu.enqueue_dma source(%dma_start3A_91 : memref<128xi32, #tpu.memory_space<hbm>>) target(%arg13 : memref<128xi32, #tpu.memory_space<vmem>>) target_semaphore(%run_scoped3A : memref<!tpu.dma_semaphore, #tpu.memory_space<semaphore_mem>>)
      %dma_wait3A_92 = tpu.memref_slice %arg3[%add3A_59] : memref<647168xi32, #tpu.memory_space<hbm>> -> memref<128xi32, #tpu.memory_space<hbm>>
      %dma_wait3A_93 = tpu.memref_slice %arg3[%add3A_59] : memref<647168xi32, #tpu.memory_space<hbm>> -> memref<128xi32, #tpu.memory_space<hbm>>
      tpu.wait_dma2 semaphore(%run_scoped3A : memref<!tpu.dma_semaphore, #tpu.memory_space<semaphore_mem>>) src(%dma_wait3A_93 : memref<128xi32, #tpu.memory_space<hbm>>) dst(%arg13 : memref<128xi32, #tpu.memory_space<vmem>>)
      tpu.yield
    }) : () -> ()
    %add3A_60 = arith.constant 128 : i32
    %add3A_61 = arith.addi %mul3A_4, %add3A_60 : i32
    "tpu.region"() ({
      %run_scoped3A = tpu.sem_alloc : memref<!tpu.dma_semaphore, #tpu.memory_space<semaphore_mem>>
      %dma_start3A_90 = tpu.memref_slice %arg4[%add3A_61] : memref<323584xi32, #tpu.memory_space<hbm>> -> memref<128xi32, #tpu.memory_space<hbm>>
      %dma_start3A_91 = tpu.memref_slice %arg4[%add3A_61] : memref<323584xi32, #tpu.memory_space<hbm>> -> memref<128xi32, #tpu.memory_space<hbm>>
      tpu.enqueue_dma source(%dma_start3A_91 : memref<128xi32, #tpu.memory_space<hbm>>) target(%arg15 : memref<128xi32, #tpu.memory_space<vmem>>) target_semaphore(%run_scoped3A : memref<!tpu.dma_semaphore, #tpu.memory_space<semaphore_mem>>)
      %dma_wait3A_92 = tpu.memref_slice %arg4[%add3A_61] : memref<323584xi32, #tpu.memory_space<hbm>> -> memref<128xi32, #tpu.memory_space<hbm>>
      %dma_wait3A_93 = tpu.memref_slice %arg4[%add3A_61] : memref<323584xi32, #tpu.memory_space<hbm>> -> memref<128xi32, #tpu.memory_space<hbm>>
      tpu.wait_dma2 semaphore(%run_scoped3A : memref<!tpu.dma_semaphore, #tpu.memory_space<semaphore_mem>>) src(%dma_wait3A_93 : memref<128xi32, #tpu.memory_space<hbm>>) dst(%arg15 : memref<128xi32, #tpu.memory_space<vmem>>)
      tpu.yield
    }) : () -> ()
    %dma_start3A_62 = arith.constant 0 : i32
    %dma_start3A_63 = tpu.memref_slice %arg5[%dma_start3A_62] : memref<24576xi32, #tpu.memory_space<hbm>> -> memref<24576xi32, #tpu.memory_space<hbm>>
    tpu.enqueue_indirect_dma source(%dma_start3A_63 : memref<24576xi32, #tpu.memory_space<hbm>>) target(%arg17 : memref<128xi32, #tpu.memory_space<vmem>>) offsets(%arg13 : memref<128xi32, #tpu.memory_space<vmem>>) semaphore(%arg22 : memref<!tpu.dma_semaphore, #tpu.memory_space<semaphore_mem>>)
    %dma_wait3A = arith.constant 0 : i32
    %dma_wait3A_64 = tpu.memref_slice %arg5[%dma_wait3A] : memref<24576xi32, #tpu.memory_space<hbm>> -> memref<128xi32, #tpu.memory_space<hbm>>
    %dma_wait3A_65 = arith.constant 0 : i32
    %dma_wait3A_66 = tpu.memref_slice %arg5[%dma_wait3A_65] : memref<24576xi32, #tpu.memory_space<hbm>> -> memref<128xi32, #tpu.memory_space<hbm>>
    tpu.wait_dma2 semaphore(%arg21 : memref<!tpu.dma_semaphore, #tpu.memory_space<semaphore_mem>>) src(%dma_wait3A_66 : memref<128xi32, #tpu.memory_space<hbm>>) dst(%arg16 : memref<128xi32, #tpu.memory_space<vmem>>)
    %dma_start3A_67 = arith.constant 0 : i32
    %dma_start3A_68 = arith.constant 0 : i32
    %dma_start3A_69 = tpu.memref_slice %arg2[%dma_start3A_67, %dma_start3A_68] : memref<10000x128xf32, #tpu.memory_space<hbm>> -> memref<10000x128xf32, #tpu.memory_space<hbm>>
    tpu.enqueue_indirect_dma source(%dma_start3A_69 : memref<10000x128xf32, #tpu.memory_space<hbm>>) target(%arg18 : memref<128x128xf32, #tpu.memory_space<vmem>>) offsets(%arg16 : memref<128xi32, #tpu.memory_space<vmem>>) semaphore(%arg23 : memref<!tpu.dma_semaphore, #tpu.memory_space<semaphore_mem>>)
    %scan3A = arith.constant 0 : i32
    %scan3A_70 = arith.constant 79 : i32
    %scan3A_71 = arith.addi %scan3A, %scan3A_70 : i32
    %scan3A_72 = arith.constant 1 : i32
    scf.for %scan3A_90 = %scan3A to %scan3A_71 step %scan3A_72  : i32 {
      %mul3A_91 = arith.constant 2 : i32
      %mul3A_92 = arith.muli %scan3A_90, %mul3A_91 : i32
      %add3A_93 = arith.constant 0 : i32
      %add3A_94 = arith.addi %add3A_93, %mul3A_92 : i32
      %add3A_95 = arith.constant 0 : i32
      %add3A_96 = arith.addi %add3A_94, %add3A_95 : i32
      %dma_wait3A_97 = arith.constant 0 : i32
      %dma_wait3A_98 = arith.constant 0 : i32
      %dma_wait3A_99 = tpu.memref_slice %arg2[%dma_wait3A_97, %dma_wait3A_98] : memref<10000x128xf32, #tpu.memory_space<hbm>> -> memref<128x128xf32, #tpu.memory_space<hbm>>
      %dma_wait3A_100 = arith.constant 0 : i32
      %dma_wait3A_101 = arith.constant 0 : i32
      %dma_wait3A_102 = tpu.memref_slice %arg2[%dma_wait3A_100, %dma_wait3A_101] : memref<10000x128xf32, #tpu.memory_space<hbm>> -> memref<128x128xf32, #tpu.memory_space<hbm>>
      tpu.wait_dma2 semaphore(%arg23 : memref<!tpu.dma_semaphore, #tpu.memory_space<semaphore_mem>>) src(%dma_wait3A_102 : memref<128x128xf32, #tpu.memory_space<hbm>>) dst(%arg18 : memref<128x128xf32, #tpu.memory_space<vmem>>)
      "tpu.region"() ({
        %run_scoped3A = tpu.sem_alloc : memref<!tpu.dma_semaphore, #tpu.memory_space<semaphore_mem>>
        %dma_start3A_136 = arith.constant 0 : i32
        %dma_start3A_137 = arith.constant 0 : i32
        %dma_start3A_138 = tpu.memref_slice %arg28[%dma_start3A_136, %dma_start3A_137] : memref<10112x128xf32, #tpu.memory_space<vmem_shared>> -> memref<10112x128xf32, #tpu.memory_space<vmem_shared>>
        tpu.enqueue_indirect_dma source(%arg18 : memref<128x128xf32, #tpu.memory_space<vmem>>) target(%dma_start3A_138 : memref<10112x128xf32, #tpu.memory_space<vmem_shared>>) offsets(%arg14 : memref<128xi32, #tpu.memory_space<vmem>>) semaphore(%run_scoped3A : memref<!tpu.dma_semaphore, #tpu.memory_space<semaphore_mem>>) {add = true}
        %dma_wait3A_139 = arith.constant 0 : i32
        %dma_wait3A_140 = arith.constant 0 : i32
        %dma_wait3A_141 = tpu.memref_slice %arg28[%dma_wait3A_139, %dma_wait3A_140] : memref<10112x128xf32, #tpu.memory_space<vmem_shared>> -> memref<10112x128xf32, #tpu.memory_space<vmem_shared>>
        tpu.wait_indirect_dma semaphore(%run_scoped3A : memref<!tpu.dma_semaphore, #tpu.memory_space<semaphore_mem>>) src(%arg18 : memref<128x128xf32, #tpu.memory_space<vmem>>) dst(%dma_wait3A_141 : memref<10112x128xf32, #tpu.memory_space<vmem_shared>>)
        tpu.yield
      }) : () -> ()
      %add3A_103 = arith.constant 2 : i32
      %add3A_104 = arith.addi %add3A_96, %add3A_103 : i32
      %lt3A = arith.constant 158 : i32
      %lt3A_105 = arith.cmpi slt, %add3A_104, %lt3A : i32
      %convert_element_type3A = arith.extui %lt3A_105 : i1 to i32
      %cond3A = arith.constant 0 : i32
      %cond3A_106 = arith.cmpi ne, %convert_element_type3A, %cond3A : i32
      scf.if %cond3A_106 {
        %add3A_136 = arith.constant 2 : i32
        %add3A_137 = arith.addi %add3A_96, %add3A_136 : i32
        %mul3A_138 = arith.constant 128 : i32
        %mul3A_139 = arith.muli %add3A_137, %mul3A_138 : i32
        %add3A_140 = arith.addi %add3A, %mul3A_139 : i32
        "tpu.region"() ({
          %run_scoped3A = tpu.sem_alloc : memref<!tpu.dma_semaphore, #tpu.memory_space<semaphore_mem>>
          %dma_start3A_148 = tpu.memref_slice %arg3[%add3A_140] : memref<647168xi32, #tpu.memory_space<hbm>> -> memref<128xi32, #tpu.memory_space<hbm>>
          %dma_start3A_149 = tpu.memref_slice %arg3[%add3A_140] : memref<647168xi32, #tpu.memory_space<hbm>> -> memref<128xi32, #tpu.memory_space<hbm>>
          tpu.enqueue_dma source(%dma_start3A_149 : memref<128xi32, #tpu.memory_space<hbm>>) target(%arg12 : memref<128xi32, #tpu.memory_space<vmem>>) target_semaphore(%run_scoped3A : memref<!tpu.dma_semaphore, #tpu.memory_space<semaphore_mem>>)
          %dma_wait3A_150 = tpu.memref_slice %arg3[%add3A_140] : memref<647168xi32, #tpu.memory_space<hbm>> -> memref<128xi32, #tpu.memory_space<hbm>>
          %dma_wait3A_151 = tpu.memref_slice %arg3[%add3A_140] : memref<647168xi32, #tpu.memory_space<hbm>> -> memref<128xi32, #tpu.memory_space<hbm>>
          tpu.wait_dma2 semaphore(%run_scoped3A : memref<!tpu.dma_semaphore, #tpu.memory_space<semaphore_mem>>) src(%dma_wait3A_151 : memref<128xi32, #tpu.memory_space<hbm>>) dst(%arg12 : memref<128xi32, #tpu.memory_space<vmem>>)
          tpu.yield
        }) : () -> ()
        %add3A_141 = arith.constant 2 : i32
        %add3A_142 = arith.addi %add3A_96, %add3A_141 : i32
        %mul3A_143 = arith.constant 128 : i32
        %mul3A_144 = arith.muli %add3A_142, %mul3A_143 : i32
        %add3A_145 = arith.addi %mul3A_4, %mul3A_144 : i32
        "tpu.region"() ({
          %run_scoped3A = tpu.sem_alloc : memref<!tpu.dma_semaphore, #tpu.memory_space<semaphore_mem>>
          %dma_start3A_148 = tpu.memref_slice %arg4[%add3A_145] : memref<323584xi32, #tpu.memory_space<hbm>> -> memref<128xi32, #tpu.memory_space<hbm>>
          %dma_start3A_149 = tpu.memref_slice %arg4[%add3A_145] : memref<323584xi32, #tpu.memory_space<hbm>> -> memref<128xi32, #tpu.memory_space<hbm>>
          tpu.enqueue_dma source(%dma_start3A_149 : memref<128xi32, #tpu.memory_space<hbm>>) target(%arg14 : memref<128xi32, #tpu.memory_space<vmem>>) target_semaphore(%run_scoped3A : memref<!tpu.dma_semaphore, #tpu.memory_space<semaphore_mem>>)
          %dma_wait3A_150 = tpu.memref_slice %arg4[%add3A_145] : memref<323584xi32, #tpu.memory_space<hbm>> -> memref<128xi32, #tpu.memory_space<hbm>>
          %dma_wait3A_151 = tpu.memref_slice %arg4[%add3A_145] : memref<323584xi32, #tpu.memory_space<hbm>> -> memref<128xi32, #tpu.memory_space<hbm>>
          tpu.wait_dma2 semaphore(%run_scoped3A : memref<!tpu.dma_semaphore, #tpu.memory_space<semaphore_mem>>) src(%dma_wait3A_151 : memref<128xi32, #tpu.memory_space<hbm>>) dst(%arg14 : memref<128xi32, #tpu.memory_space<vmem>>)
          tpu.yield
        }) : () -> ()
        %dma_start3A_146 = arith.constant 0 : i32
        %dma_start3A_147 = tpu.memref_slice %arg5[%dma_start3A_146] : memref<24576xi32, #tpu.memory_space<hbm>> -> memref<24576xi32, #tpu.memory_space<hbm>>
        tpu.enqueue_indirect_dma source(%dma_start3A_147 : memref<24576xi32, #tpu.memory_space<hbm>>) target(%arg16 : memref<128xi32, #tpu.memory_space<vmem>>) offsets(%arg12 : memref<128xi32, #tpu.memory_space<vmem>>) semaphore(%arg21 : memref<!tpu.dma_semaphore, #tpu.memory_space<semaphore_mem>>)
      } else {
      }
      %add3A_107 = arith.constant 1 : i32
      %add3A_108 = arith.addi %add3A_96, %add3A_107 : i32
      %lt3A_109 = arith.constant 158 : i32
      %lt3A_110 = arith.cmpi slt, %add3A_108, %lt3A_109 : i32
      %convert_element_type3A_111 = arith.extui %lt3A_110 : i1 to i32
      %cond3A_112 = arith.constant 0 : i32
      %cond3A_113 = arith.cmpi ne, %convert_element_type3A_111, %cond3A_112 : i32
      scf.if %cond3A_113 {
        %dma_wait3A_136 = arith.constant 0 : i32
        %dma_wait3A_137 = tpu.memref_slice %arg5[%dma_wait3A_136] : memref<24576xi32, #tpu.memory_space<hbm>> -> memref<128xi32, #tpu.memory_space<hbm>>
        %dma_wait3A_138 = arith.constant 0 : i32
        %dma_wait3A_139 = tpu.memref_slice %arg5[%dma_wait3A_138] : memref<24576xi32, #tpu.memory_space<hbm>> -> memref<128xi32, #tpu.memory_space<hbm>>
        tpu.wait_dma2 semaphore(%arg22 : memref<!tpu.dma_semaphore, #tpu.memory_space<semaphore_mem>>) src(%dma_wait3A_139 : memref<128xi32, #tpu.memory_space<hbm>>) dst(%arg17 : memref<128xi32, #tpu.memory_space<vmem>>)
        %dma_start3A_140 = arith.constant 0 : i32
        %dma_start3A_141 = arith.constant 0 : i32
        %dma_start3A_142 = tpu.memref_slice %arg2[%dma_start3A_140, %dma_start3A_141] : memref<10000x128xf32, #tpu.memory_space<hbm>> -> memref<10000x128xf32, #tpu.memory_space<hbm>>
        tpu.enqueue_indirect_dma source(%dma_start3A_142 : memref<10000x128xf32, #tpu.memory_space<hbm>>) target(%arg19 : memref<128x128xf32, #tpu.memory_space<vmem>>) offsets(%arg17 : memref<128xi32, #tpu.memory_space<vmem>>) semaphore(%arg24 : memref<!tpu.dma_semaphore, #tpu.memory_space<semaphore_mem>>)
      } else {
      }
      %add3A_114 = arith.constant 1 : i32
      %add3A_115 = arith.addi %add3A_94, %add3A_114 : i32
      %dma_wait3A_116 = arith.constant 0 : i32
      %dma_wait3A_117 = arith.constant 0 : i32
      %dma_wait3A_118 = tpu.memref_slice %arg2[%dma_wait3A_116, %dma_wait3A_117] : memref<10000x128xf32, #tpu.memory_space<hbm>> -> memref<128x128xf32, #tpu.memory_space<hbm>>
      %dma_wait3A_119 = arith.constant 0 : i32
      %dma_wait3A_120 = arith.constant 0 : i32
      %dma_wait3A_121 = tpu.memref_slice %arg2[%dma_wait3A_119, %dma_wait3A_120] : memref<10000x128xf32, #tpu.memory_space<hbm>> -> memref<128x128xf32, #tpu.memory_space<hbm>>
      tpu.wait_dma2 semaphore(%arg24 : memref<!tpu.dma_semaphore, #tpu.memory_space<semaphore_mem>>) src(%dma_wait3A_121 : memref<128x128xf32, #tpu.memory_space<hbm>>) dst(%arg19 : memref<128x128xf32, #tpu.memory_space<vmem>>)
      "tpu.region"() ({
        %run_scoped3A = tpu.sem_alloc : memref<!tpu.dma_semaphore, #tpu.memory_space<semaphore_mem>>
        %dma_start3A_136 = arith.constant 0 : i32
        %dma_start3A_137 = arith.constant 0 : i32
        %dma_start3A_138 = tpu.memref_slice %arg28[%dma_start3A_136, %dma_start3A_137] : memref<10112x128xf32, #tpu.memory_space<vmem_shared>> -> memref<10112x128xf32, #tpu.memory_space<vmem_shared>>
        tpu.enqueue_indirect_dma source(%arg19 : memref<128x128xf32, #tpu.memory_space<vmem>>) target(%dma_start3A_138 : memref<10112x128xf32, #tpu.memory_space<vmem_shared>>) offsets(%arg15 : memref<128xi32, #tpu.memory_space<vmem>>) semaphore(%run_scoped3A : memref<!tpu.dma_semaphore, #tpu.memory_space<semaphore_mem>>) {add = true}
        %dma_wait3A_139 = arith.constant 0 : i32
        %dma_wait3A_140 = arith.constant 0 : i32
        %dma_wait3A_141 = tpu.memref_slice %arg28[%dma_wait3A_139, %dma_wait3A_140] : memref<10112x128xf32, #tpu.memory_space<vmem_shared>> -> memref<10112x128xf32, #tpu.memory_space<vmem_shared>>
        tpu.wait_indirect_dma semaphore(%run_scoped3A : memref<!tpu.dma_semaphore, #tpu.memory_space<semaphore_mem>>) src(%arg19 : memref<128x128xf32, #tpu.memory_space<vmem>>) dst(%dma_wait3A_141 : memref<10112x128xf32, #tpu.memory_space<vmem_shared>>)
        tpu.yield
      }) : () -> ()
      %add3A_122 = arith.constant 2 : i32
      %add3A_123 = arith.addi %add3A_115, %add3A_122 : i32
      %lt3A_124 = arith.constant 158 : i32
      %lt3A_125 = arith.cmpi slt, %add3A_123, %lt3A_124 : i32
      %convert_element_type3A_126 = arith.extui %lt3A_125 : i1 to i32
      %cond3A_127 = arith.constant 0 : i32
      %cond3A_128 = arith.cmpi ne, %convert_element_type3A_126, %cond3A_127 : i32
      scf.if %cond3A_128 {
        %add3A_136 = arith.constant 2 : i32
        %add3A_137 = arith.addi %add3A_115, %add3A_136 : i32
        %mul3A_138 = arith.constant 128 : i32
        %mul3A_139 = arith.muli %add3A_137, %mul3A_138 : i32
        %add3A_140 = arith.addi %add3A, %mul3A_139 : i32
        "tpu.region"() ({
          %run_scoped3A = tpu.sem_alloc : memref<!tpu.dma_semaphore, #tpu.memory_space<semaphore_mem>>
          %dma_start3A_148 = tpu.memref_slice %arg3[%add3A_140] : memref<647168xi32, #tpu.memory_space<hbm>> -> memref<128xi32, #tpu.memory_space<hbm>>
          %dma_start3A_149 = tpu.memref_slice %arg3[%add3A_140] : memref<647168xi32, #tpu.memory_space<hbm>> -> memref<128xi32, #tpu.memory_space<hbm>>
          tpu.enqueue_dma source(%dma_start3A_149 : memref<128xi32, #tpu.memory_space<hbm>>) target(%arg13 : memref<128xi32, #tpu.memory_space<vmem>>) target_semaphore(%run_scoped3A : memref<!tpu.dma_semaphore, #tpu.memory_space<semaphore_mem>>)
          %dma_wait3A_150 = tpu.memref_slice %arg3[%add3A_140] : memref<647168xi32, #tpu.memory_space<hbm>> -> memref<128xi32, #tpu.memory_space<hbm>>
          %dma_wait3A_151 = tpu.memref_slice %arg3[%add3A_140] : memref<647168xi32, #tpu.memory_space<hbm>> -> memref<128xi32, #tpu.memory_space<hbm>>
          tpu.wait_dma2 semaphore(%run_scoped3A : memref<!tpu.dma_semaphore, #tpu.memory_space<semaphore_mem>>) src(%dma_wait3A_151 : memref<128xi32, #tpu.memory_space<hbm>>) dst(%arg13 : memref<128xi32, #tpu.memory_space<vmem>>)
          tpu.yield
        }) : () -> ()
        %add3A_141 = arith.constant 2 : i32
        %add3A_142 = arith.addi %add3A_115, %add3A_141 : i32
        %mul3A_143 = arith.constant 128 : i32
        %mul3A_144 = arith.muli %add3A_142, %mul3A_143 : i32
        %add3A_145 = arith.addi %mul3A_4, %mul3A_144 : i32
        "tpu.region"() ({
          %run_scoped3A = tpu.sem_alloc : memref<!tpu.dma_semaphore, #tpu.memory_space<semaphore_mem>>
          %dma_start3A_148 = tpu.memref_slice %arg4[%add3A_145] : memref<323584xi32, #tpu.memory_space<hbm>> -> memref<128xi32, #tpu.memory_space<hbm>>
          %dma_start3A_149 = tpu.memref_slice %arg4[%add3A_145] : memref<323584xi32, #tpu.memory_space<hbm>> -> memref<128xi32, #tpu.memory_space<hbm>>
          tpu.enqueue_dma source(%dma_start3A_149 : memref<128xi32, #tpu.memory_space<hbm>>) target(%arg15 : memref<128xi32, #tpu.memory_space<vmem>>) target_semaphore(%run_scoped3A : memref<!tpu.dma_semaphore, #tpu.memory_space<semaphore_mem>>)
          %dma_wait3A_150 = tpu.memref_slice %arg4[%add3A_145] : memref<323584xi32, #tpu.memory_space<hbm>> -> memref<128xi32, #tpu.memory_space<hbm>>
          %dma_wait3A_151 = tpu.memref_slice %arg4[%add3A_145] : memref<323584xi32, #tpu.memory_space<hbm>> -> memref<128xi32, #tpu.memory_space<hbm>>
          tpu.wait_dma2 semaphore(%run_scoped3A : memref<!tpu.dma_semaphore, #tpu.memory_space<semaphore_mem>>) src(%dma_wait3A_151 : memref<128xi32, #tpu.memory_space<hbm>>) dst(%arg15 : memref<128xi32, #tpu.memory_space<vmem>>)
          tpu.yield
        }) : () -> ()
        %dma_start3A_146 = arith.constant 0 : i32
        %dma_start3A_147 = tpu.memref_slice %arg5[%dma_start3A_146] : memref<24576xi32, #tpu.memory_space<hbm>> -> memref<24576xi32, #tpu.memory_space<hbm>>
        tpu.enqueue_indirect_dma source(%dma_start3A_147 : memref<24576xi32, #tpu.memory_space<hbm>>) target(%arg17 : memref<128xi32, #tpu.memory_space<vmem>>) offsets(%arg13 : memref<128xi32, #tpu.memory_space<vmem>>) semaphore(%arg22 : memref<!tpu.dma_semaphore, #tpu.memory_space<semaphore_mem>>)
      } else {
      }
      %add3A_129 = arith.constant 1 : i32
      %add3A_130 = arith.addi %add3A_115, %add3A_129 : i32
      %lt3A_131 = arith.constant 158 : i32
      %lt3A_132 = arith.cmpi slt, %add3A_130, %lt3A_131 : i32
      %convert_element_type3A_133 = arith.extui %lt3A_132 : i1 to i32
      %cond3A_134 = arith.constant 0 : i32
      %cond3A_135 = arith.cmpi ne, %convert_element_type3A_133, %cond3A_134 : i32
      scf.if %cond3A_135 {
        %dma_wait3A_136 = arith.constant 0 : i32
        %dma_wait3A_137 = tpu.memref_slice %arg5[%dma_wait3A_136] : memref<24576xi32, #tpu.memory_space<hbm>> -> memref<128xi32, #tpu.memory_space<hbm>>
        %dma_wait3A_138 = arith.constant 0 : i32
        %dma_wait3A_139 = tpu.memref_slice %arg5[%dma_wait3A_138] : memref<24576xi32, #tpu.memory_space<hbm>> -> memref<128xi32, #tpu.memory_space<hbm>>
        tpu.wait_dma2 semaphore(%arg21 : memref<!tpu.dma_semaphore, #tpu.memory_space<semaphore_mem>>) src(%dma_wait3A_139 : memref<128xi32, #tpu.memory_space<hbm>>) dst(%arg16 : memref<128xi32, #tpu.memory_space<vmem>>)
        %dma_start3A_140 = arith.constant 0 : i32
        %dma_start3A_141 = arith.constant 0 : i32
        %dma_start3A_142 = tpu.memref_slice %arg2[%dma_start3A_140, %dma_start3A_141] : memref<10000x128xf32, #tpu.memory_space<hbm>> -> memref<10000x128xf32, #tpu.memory_space<hbm>>
        tpu.enqueue_indirect_dma source(%dma_start3A_142 : memref<10000x128xf32, #tpu.memory_space<hbm>>) target(%arg18 : memref<128x128xf32, #tpu.memory_space<vmem>>) offsets(%arg16 : memref<128xi32, #tpu.memory_space<vmem>>) semaphore(%arg23 : memref<!tpu.dma_semaphore, #tpu.memory_space<semaphore_mem>>)
      } else {
      }
    }
    %scan3A_73 = arith.constant 79 : i32
    %barrier3A_74 = arith.constant 0 : index
    tpu.barrier barrier_id(%barrier3A_74)
    %mul3A_75 = arith.constant 632 : i32
    %mul3A_76 = arith.muli %arg1, %mul3A_75 : i32
    %mul3A_77 = arith.constant 632 : i32
    %mul3A_78 = arith.muli %arg1, %mul3A_77 : i32
    "tpu.region"() ({
      %run_scoped3A = tpu.sem_alloc : memref<!tpu.dma_semaphore, #tpu.memory_space<semaphore_mem>>
      %dma_start3A_90 = arith.constant 0 : i32
      %dma_start3A_91 = tpu.memref_slice %arg9[%arg0, %mul3A_78, %dma_start3A_90] : memref<2x10112x128xf32, #tpu.memory_space<hbm>> -> memref<1x632x128xf32, #tpu.memory_space<hbm>>
      %dma_start3A_92 = tpu.memref_squeeze %dma_start3A_91 : memref<1x632x128xf32, #tpu.memory_space<hbm>> -> memref<632x128xf32, #tpu.memory_space<hbm>>
      %dma_start3A_93 = arith.constant 0 : i32
      %dma_start3A_94 = tpu.memref_slice %arg28[%mul3A_76, %dma_start3A_93] : memref<10112x128xf32, #tpu.memory_space<vmem_shared>> -> memref<632x128xf32, #tpu.memory_space<vmem_shared>>
      tpu.enqueue_dma source(%dma_start3A_94 : memref<632x128xf32, #tpu.memory_space<vmem_shared>>) target(%dma_start3A_92 : memref<632x128xf32, #tpu.memory_space<hbm>>) target_semaphore(%run_scoped3A : memref<!tpu.dma_semaphore, #tpu.memory_space<semaphore_mem>>)
      %dma_wait3A_95 = arith.constant 0 : i32
      %dma_wait3A_96 = tpu.memref_slice %arg9[%arg0, %mul3A_78, %dma_wait3A_95] : memref<2x10112x128xf32, #tpu.memory_space<hbm>> -> memref<1x632x128xf32, #tpu.memory_space<hbm>>
      %dma_wait3A_97 = tpu.memref_squeeze %dma_wait3A_96 : memref<1x632x128xf32, #tpu.memory_space<hbm>> -> memref<632x128xf32, #tpu.memory_space<hbm>>
      %dma_wait3A_98 = arith.constant 0 : i32
      %dma_wait3A_99 = tpu.memref_slice %arg28[%mul3A_76, %dma_wait3A_98] : memref<10112x128xf32, #tpu.memory_space<vmem_shared>> -> memref<632x128xf32, #tpu.memory_space<vmem_shared>>
      tpu.wait_dma2 semaphore(%run_scoped3A : memref<!tpu.dma_semaphore, #tpu.memory_space<semaphore_mem>>) src(%dma_wait3A_99 : memref<632x128xf32, #tpu.memory_space<vmem_shared>>) dst(%dma_wait3A_97 : memref<632x128xf32, #tpu.memory_space<hbm>>)
      tpu.yield
    }) : () -> ()
    %mul3A_79 = arith.constant 2 : i32
    %mul3A_80 = arith.muli %arg1, %mul3A_79 : i32
    %add3A_81 = arith.addi %mul3A_80, %arg0 : i32
    %mul3A_82 = arith.constant 384 : i32
    %mul3A_83 = arith.muli %add3A_81, %mul3A_82 : i32
    %scan3A_84 = arith.constant 0 : i32
    %scan3A_85 = arith.constant 0 : i32
    %scan3A_86 = arith.constant 3 : i32
    %scan3A_87 = arith.addi %scan3A_85, %scan3A_86 : i32
    %scan3A_88 = arith.constant 1 : i32
    scf.for %scan3A_90 = %scan3A_85 to %scan3A_87 step %scan3A_88  : i32 {
      %mul3A_91 = arith.constant 128 : i32
      %mul3A_92 = arith.muli %scan3A_90, %mul3A_91 : i32
      %add3A_93 = arith.addi %mul3A_83, %mul3A_92 : i32
      "tpu.region"() ({
        %run_scoped3A = tpu.sem_alloc : memref<!tpu.dma_semaphore, #tpu.memory_space<semaphore_mem>>
        %dma_start3A_100 = tpu.memref_slice %arg7[%add3A_93] : memref<12288xi32, #tpu.memory_space<hbm>> -> memref<128xi32, #tpu.memory_space<hbm>>
        %dma_start3A_101 = tpu.memref_slice %arg7[%add3A_93] : memref<12288xi32, #tpu.memory_space<hbm>> -> memref<128xi32, #tpu.memory_space<hbm>>
        tpu.enqueue_dma source(%dma_start3A_101 : memref<128xi32, #tpu.memory_space<hbm>>) target(%arg12 : memref<128xi32, #tpu.memory_space<vmem>>) target_semaphore(%run_scoped3A : memref<!tpu.dma_semaphore, #tpu.memory_space<semaphore_mem>>)
        %dma_wait3A_102 = tpu.memref_slice %arg7[%add3A_93] : memref<12288xi32, #tpu.memory_space<hbm>> -> memref<128xi32, #tpu.memory_space<hbm>>
        %dma_wait3A_103 = tpu.memref_slice %arg7[%add3A_93] : memref<12288xi32, #tpu.memory_space<hbm>> -> memref<128xi32, #tpu.memory_space<hbm>>
        tpu.wait_dma2 semaphore(%run_scoped3A : memref<!tpu.dma_semaphore, #tpu.memory_space<semaphore_mem>>) src(%dma_wait3A_103 : memref<128xi32, #tpu.memory_space<hbm>>) dst(%arg12 : memref<128xi32, #tpu.memory_space<vmem>>)
        tpu.yield
      }) : () -> ()
      %dma_start3A_94 = arith.constant 0 : i32
      %dma_start3A_95 = arith.constant 0 : i32
      %dma_start3A_96 = tpu.memref_slice %arg2[%dma_start3A_94, %dma_start3A_95] : memref<10000x128xf32, #tpu.memory_space<hbm>> -> memref<10000x128xf32, #tpu.memory_space<hbm>>
      tpu.enqueue_indirect_dma source(%dma_start3A_96 : memref<10000x128xf32, #tpu.memory_space<hbm>>) target(%arg18 : memref<128x128xf32, #tpu.memory_space<vmem>>) offsets(%arg12 : memref<128xi32, #tpu.memory_space<vmem>>) semaphore(%arg27 : memref<!tpu.dma_semaphore, #tpu.memory_space<semaphore_mem>>)
      %dma_wait3A_97 = arith.constant 0 : i32
      %dma_wait3A_98 = arith.constant 0 : i32
      %dma_wait3A_99 = tpu.memref_slice %arg2[%dma_wait3A_97, %dma_wait3A_98] : memref<10000x128xf32, #tpu.memory_space<hbm>> -> memref<10000x128xf32, #tpu.memory_space<hbm>>
      tpu.wait_indirect_dma semaphore(%arg27 : memref<!tpu.dma_semaphore, #tpu.memory_space<semaphore_mem>>) src(%dma_wait3A_99 : memref<10000x128xf32, #tpu.memory_space<hbm>>) dst(%arg18 : memref<128x128xf32, #tpu.memory_space<vmem>>)
      "tpu.region"() ({
        %run_scoped3A = tpu.sem_alloc : memref<!tpu.dma_semaphore, #tpu.memory_space<semaphore_mem>>
        %dma_start3A_100 = arith.constant 0 : i32
        %dma_start3A_101 = tpu.memref_slice %arg11[%add3A_93, %dma_start3A_100] : memref<12288x128xf32, #tpu.memory_space<hbm>> -> memref<128x128xf32, #tpu.memory_space<hbm>>
        %dma_start3A_102 = arith.constant 0 : i32
        %dma_start3A_103 = tpu.memref_slice %arg11[%add3A_93, %dma_start3A_102] : memref<12288x128xf32, #tpu.memory_space<hbm>> -> memref<128x128xf32, #tpu.memory_space<hbm>>
        tpu.enqueue_dma source(%arg18 : memref<128x128xf32, #tpu.memory_space<vmem>>) target(%dma_start3A_103 : memref<128x128xf32, #tpu.memory_space<hbm>>) target_semaphore(%run_scoped3A : memref<!tpu.dma_semaphore, #tpu.memory_space<semaphore_mem>>)
        %dma_wait3A_104 = arith.constant 0 : i32
        %dma_wait3A_105 = tpu.memref_slice %arg11[%add3A_93, %dma_wait3A_104] : memref<12288x128xf32, #tpu.memory_space<hbm>> -> memref<128x128xf32, #tpu.memory_space<hbm>>
        %dma_wait3A_106 = arith.constant 0 : i32
        %dma_wait3A_107 = tpu.memref_slice %arg11[%add3A_93, %dma_wait3A_106] : memref<12288x128xf32, #tpu.memory_space<hbm>> -> memref<128x128xf32, #tpu.memory_space<hbm>>
        tpu.wait_dma2 semaphore(%run_scoped3A : memref<!tpu.dma_semaphore, #tpu.memory_space<semaphore_mem>>) src(%arg18 : memref<128x128xf32, #tpu.memory_space<vmem>>) dst(%dma_wait3A_107 : memref<128x128xf32, #tpu.memory_space<hbm>>)
        tpu.yield
      }) : () -> ()
    }
    %scan3A_89 = arith.constant 3 : i32
    return
  }
}

#map = affine_map<(d0, d1) -> (0, 0)>
#map1 = affine_map<(d0, d1) -> (0)>
#map2 = affine_map<(d0, d1) -> (0, 0, 0)>
module attributes {stable_mosaic.version = 14 : i64} {
  func.func @_pair_body(%arg0: i32, %arg1: i32, %arg2: memref<10000x128xf32, #tpu.memory_space<hbm>>, %arg3: memref<409600xi32, #tpu.memory_space<hbm>>, %arg4: memref<2x102400x128xf32, #tpu.memory_space<hbm>>, %arg5: memref<128xi32, #tpu.memory_space<vmem>>, %arg6: memref<128xi32, #tpu.memory_space<vmem>>, %arg7: memref<128xi32, #tpu.memory_space<vmem>>, %arg8: memref<128xi32, #tpu.memory_space<vmem>>, %arg9: memref<128x128xf32, #tpu.memory_space<vmem>>, %arg10: memref<128x128xf32, #tpu.memory_space<vmem>>, %arg11: memref<128x128xf32, #tpu.memory_space<vmem>>, %arg12: memref<128x128xf32, #tpu.memory_space<vmem>>, %arg13: memref<!tpu.dma_semaphore, #tpu.memory_space<semaphore_mem>>, %arg14: memref<!tpu.dma_semaphore, #tpu.memory_space<semaphore_mem>>, %arg15: memref<!tpu.dma_semaphore, #tpu.memory_space<semaphore_mem>>, %arg16: memref<!tpu.dma_semaphore, #tpu.memory_space<semaphore_mem>>) attributes {dimension_semantics = [#tpu.dimension_semantics<core_parallel>, #tpu.dimension_semantics<subcore_parallel>], iteration_bounds = array<i64: 2, 16>, scalar_prefetch = 0 : i64, scratch_operands = 12 : i64, tpu.core_type = #tpu.core_type<sc_vector_subcore>, window_params = [{transform_indices = #map}, {transform_indices = #map1}, {transform_indices = #map2}]} {
    %mul3A = arith.constant 6400 : i32
    %mul3A_0 = arith.muli %arg1, %mul3A : i32
    %add3A = arith.constant 0 : i32
    %add3A_1 = arith.addi %mul3A_0, %add3A : i32
    %mul3A_2 = arith.constant 2 : i32
    %mul3A_3 = arith.muli %mul3A_2, %arg0 : i32
    %mul3A_4 = arith.constant 102400 : i32
    %mul3A_5 = arith.muli %mul3A_3, %mul3A_4 : i32
    %add3A_6 = arith.addi %mul3A_5, %add3A_1 : i32
    "tpu.region"() ({
      %run_scoped3A = tpu.sem_alloc : memref<!tpu.dma_semaphore, #tpu.memory_space<semaphore_mem>>
      %dma_start3A_43 = tpu.memref_slice %arg3[%add3A_6] : memref<409600xi32, #tpu.memory_space<hbm>> -> memref<128xi32, #tpu.memory_space<hbm>>
      %dma_start3A_44 = tpu.memref_slice %arg3[%add3A_6] : memref<409600xi32, #tpu.memory_space<hbm>> -> memref<128xi32, #tpu.memory_space<hbm>>
      tpu.enqueue_dma source(%dma_start3A_44 : memref<128xi32, #tpu.memory_space<hbm>>) target(%arg5 : memref<128xi32, #tpu.memory_space<vmem>>) target_semaphore(%run_scoped3A : memref<!tpu.dma_semaphore, #tpu.memory_space<semaphore_mem>>)
      %dma_wait3A = tpu.memref_slice %arg3[%add3A_6] : memref<409600xi32, #tpu.memory_space<hbm>> -> memref<128xi32, #tpu.memory_space<hbm>>
      %dma_wait3A_45 = tpu.memref_slice %arg3[%add3A_6] : memref<409600xi32, #tpu.memory_space<hbm>> -> memref<128xi32, #tpu.memory_space<hbm>>
      tpu.wait_dma2 semaphore(%run_scoped3A : memref<!tpu.dma_semaphore, #tpu.memory_space<semaphore_mem>>) src(%dma_wait3A_45 : memref<128xi32, #tpu.memory_space<hbm>>) dst(%arg5 : memref<128xi32, #tpu.memory_space<vmem>>)
      tpu.yield
    }) : () -> ()
    %mul3A_7 = arith.constant 2 : i32
    %mul3A_8 = arith.muli %mul3A_7, %arg0 : i32
    %add3A_9 = arith.constant 1 : i32
    %add3A_10 = arith.addi %mul3A_8, %add3A_9 : i32
    %mul3A_11 = arith.constant 102400 : i32
    %mul3A_12 = arith.muli %add3A_10, %mul3A_11 : i32
    %add3A_13 = arith.addi %mul3A_12, %add3A_1 : i32
    "tpu.region"() ({
      %run_scoped3A = tpu.sem_alloc : memref<!tpu.dma_semaphore, #tpu.memory_space<semaphore_mem>>
      %dma_start3A_43 = tpu.memref_slice %arg3[%add3A_13] : memref<409600xi32, #tpu.memory_space<hbm>> -> memref<128xi32, #tpu.memory_space<hbm>>
      %dma_start3A_44 = tpu.memref_slice %arg3[%add3A_13] : memref<409600xi32, #tpu.memory_space<hbm>> -> memref<128xi32, #tpu.memory_space<hbm>>
      tpu.enqueue_dma source(%dma_start3A_44 : memref<128xi32, #tpu.memory_space<hbm>>) target(%arg7 : memref<128xi32, #tpu.memory_space<vmem>>) target_semaphore(%run_scoped3A : memref<!tpu.dma_semaphore, #tpu.memory_space<semaphore_mem>>)
      %dma_wait3A = tpu.memref_slice %arg3[%add3A_13] : memref<409600xi32, #tpu.memory_space<hbm>> -> memref<128xi32, #tpu.memory_space<hbm>>
      %dma_wait3A_45 = tpu.memref_slice %arg3[%add3A_13] : memref<409600xi32, #tpu.memory_space<hbm>> -> memref<128xi32, #tpu.memory_space<hbm>>
      tpu.wait_dma2 semaphore(%run_scoped3A : memref<!tpu.dma_semaphore, #tpu.memory_space<semaphore_mem>>) src(%dma_wait3A_45 : memref<128xi32, #tpu.memory_space<hbm>>) dst(%arg7 : memref<128xi32, #tpu.memory_space<vmem>>)
      tpu.yield
    }) : () -> ()
    %dma_start3A = arith.constant 0 : i32
    %dma_start3A_14 = arith.constant 0 : i32
    %dma_start3A_15 = tpu.memref_slice %arg2[%dma_start3A, %dma_start3A_14] : memref<10000x128xf32, #tpu.memory_space<hbm>> -> memref<10000x128xf32, #tpu.memory_space<hbm>>
    tpu.enqueue_indirect_dma source(%dma_start3A_15 : memref<10000x128xf32, #tpu.memory_space<hbm>>) target(%arg9 : memref<128x128xf32, #tpu.memory_space<vmem>>) offsets(%arg5 : memref<128xi32, #tpu.memory_space<vmem>>) semaphore(%arg13 : memref<!tpu.dma_semaphore, #tpu.memory_space<semaphore_mem>>)
    %dma_start3A_16 = arith.constant 0 : i32
    %dma_start3A_17 = arith.constant 0 : i32
    %dma_start3A_18 = tpu.memref_slice %arg2[%dma_start3A_16, %dma_start3A_17] : memref<10000x128xf32, #tpu.memory_space<hbm>> -> memref<10000x128xf32, #tpu.memory_space<hbm>>
    tpu.enqueue_indirect_dma source(%dma_start3A_18 : memref<10000x128xf32, #tpu.memory_space<hbm>>) target(%arg11 : memref<128x128xf32, #tpu.memory_space<vmem>>) offsets(%arg7 : memref<128xi32, #tpu.memory_space<vmem>>) semaphore(%arg15 : memref<!tpu.dma_semaphore, #tpu.memory_space<semaphore_mem>>)
    %add3A_19 = arith.constant 128 : i32
    %add3A_20 = arith.addi %mul3A_0, %add3A_19 : i32
    %mul3A_21 = arith.constant 2 : i32
    %mul3A_22 = arith.muli %mul3A_21, %arg0 : i32
    %mul3A_23 = arith.constant 102400 : i32
    %mul3A_24 = arith.muli %mul3A_22, %mul3A_23 : i32
    %add3A_25 = arith.addi %mul3A_24, %add3A_20 : i32
    "tpu.region"() ({
      %run_scoped3A = tpu.sem_alloc : memref<!tpu.dma_semaphore, #tpu.memory_space<semaphore_mem>>
      %dma_start3A_43 = tpu.memref_slice %arg3[%add3A_25] : memref<409600xi32, #tpu.memory_space<hbm>> -> memref<128xi32, #tpu.memory_space<hbm>>
      %dma_start3A_44 = tpu.memref_slice %arg3[%add3A_25] : memref<409600xi32, #tpu.memory_space<hbm>> -> memref<128xi32, #tpu.memory_space<hbm>>
      tpu.enqueue_dma source(%dma_start3A_44 : memref<128xi32, #tpu.memory_space<hbm>>) target(%arg6 : memref<128xi32, #tpu.memory_space<vmem>>) target_semaphore(%run_scoped3A : memref<!tpu.dma_semaphore, #tpu.memory_space<semaphore_mem>>)
      %dma_wait3A = tpu.memref_slice %arg3[%add3A_25] : memref<409600xi32, #tpu.memory_space<hbm>> -> memref<128xi32, #tpu.memory_space<hbm>>
      %dma_wait3A_45 = tpu.memref_slice %arg3[%add3A_25] : memref<409600xi32, #tpu.memory_space<hbm>> -> memref<128xi32, #tpu.memory_space<hbm>>
      tpu.wait_dma2 semaphore(%run_scoped3A : memref<!tpu.dma_semaphore, #tpu.memory_space<semaphore_mem>>) src(%dma_wait3A_45 : memref<128xi32, #tpu.memory_space<hbm>>) dst(%arg6 : memref<128xi32, #tpu.memory_space<vmem>>)
      tpu.yield
    }) : () -> ()
    %mul3A_26 = arith.constant 2 : i32
    %mul3A_27 = arith.muli %mul3A_26, %arg0 : i32
    %add3A_28 = arith.constant 1 : i32
    %add3A_29 = arith.addi %mul3A_27, %add3A_28 : i32
    %mul3A_30 = arith.constant 102400 : i32
    %mul3A_31 = arith.muli %add3A_29, %mul3A_30 : i32
    %add3A_32 = arith.addi %mul3A_31, %add3A_20 : i32
    "tpu.region"() ({
      %run_scoped3A = tpu.sem_alloc : memref<!tpu.dma_semaphore, #tpu.memory_space<semaphore_mem>>
      %dma_start3A_43 = tpu.memref_slice %arg3[%add3A_32] : memref<409600xi32, #tpu.memory_space<hbm>> -> memref<128xi32, #tpu.memory_space<hbm>>
      %dma_start3A_44 = tpu.memref_slice %arg3[%add3A_32] : memref<409600xi32, #tpu.memory_space<hbm>> -> memref<128xi32, #tpu.memory_space<hbm>>
      tpu.enqueue_dma source(%dma_start3A_44 : memref<128xi32, #tpu.memory_space<hbm>>) target(%arg8 : memref<128xi32, #tpu.memory_space<vmem>>) target_semaphore(%run_scoped3A : memref<!tpu.dma_semaphore, #tpu.memory_space<semaphore_mem>>)
      %dma_wait3A = tpu.memref_slice %arg3[%add3A_32] : memref<409600xi32, #tpu.memory_space<hbm>> -> memref<128xi32, #tpu.memory_space<hbm>>
      %dma_wait3A_45 = tpu.memref_slice %arg3[%add3A_32] : memref<409600xi32, #tpu.memory_space<hbm>> -> memref<128xi32, #tpu.memory_space<hbm>>
      tpu.wait_dma2 semaphore(%run_scoped3A : memref<!tpu.dma_semaphore, #tpu.memory_space<semaphore_mem>>) src(%dma_wait3A_45 : memref<128xi32, #tpu.memory_space<hbm>>) dst(%arg8 : memref<128xi32, #tpu.memory_space<vmem>>)
      tpu.yield
    }) : () -> ()
    %dma_start3A_33 = arith.constant 0 : i32
    %dma_start3A_34 = arith.constant 0 : i32
    %dma_start3A_35 = tpu.memref_slice %arg2[%dma_start3A_33, %dma_start3A_34] : memref<10000x128xf32, #tpu.memory_space<hbm>> -> memref<10000x128xf32, #tpu.memory_space<hbm>>
    tpu.enqueue_indirect_dma source(%dma_start3A_35 : memref<10000x128xf32, #tpu.memory_space<hbm>>) target(%arg10 : memref<128x128xf32, #tpu.memory_space<vmem>>) offsets(%arg6 : memref<128xi32, #tpu.memory_space<vmem>>) semaphore(%arg14 : memref<!tpu.dma_semaphore, #tpu.memory_space<semaphore_mem>>)
    %dma_start3A_36 = arith.constant 0 : i32
    %dma_start3A_37 = arith.constant 0 : i32
    %dma_start3A_38 = tpu.memref_slice %arg2[%dma_start3A_36, %dma_start3A_37] : memref<10000x128xf32, #tpu.memory_space<hbm>> -> memref<10000x128xf32, #tpu.memory_space<hbm>>
    tpu.enqueue_indirect_dma source(%dma_start3A_38 : memref<10000x128xf32, #tpu.memory_space<hbm>>) target(%arg12 : memref<128x128xf32, #tpu.memory_space<vmem>>) offsets(%arg8 : memref<128xi32, #tpu.memory_space<vmem>>) semaphore(%arg16 : memref<!tpu.dma_semaphore, #tpu.memory_space<semaphore_mem>>)
    %scan3A = arith.constant 0 : i32
    %scan3A_39 = arith.constant 25 : i32
    %scan3A_40 = arith.addi %scan3A, %scan3A_39 : i32
    %scan3A_41 = arith.constant 1 : i32
    scf.for %scan3A_43 = %scan3A to %scan3A_40 step %scan3A_41  : i32 {
      %mul3A_44 = arith.constant 2 : i32
      %mul3A_45 = arith.muli %scan3A_43, %mul3A_44 : i32
      %add3A_46 = arith.constant 0 : i32
      %add3A_47 = arith.addi %add3A_46, %mul3A_45 : i32
      %add3A_48 = arith.constant 0 : i32
      %add3A_49 = arith.addi %add3A_47, %add3A_48 : i32
      %dma_wait3A = arith.constant 0 : i32
      %dma_wait3A_50 = arith.constant 0 : i32
      %dma_wait3A_51 = tpu.memref_slice %arg2[%dma_wait3A, %dma_wait3A_50] : memref<10000x128xf32, #tpu.memory_space<hbm>> -> memref<128x128xf32, #tpu.memory_space<hbm>>
      %dma_wait3A_52 = arith.constant 0 : i32
      %dma_wait3A_53 = arith.constant 0 : i32
      %dma_wait3A_54 = tpu.memref_slice %arg2[%dma_wait3A_52, %dma_wait3A_53] : memref<10000x128xf32, #tpu.memory_space<hbm>> -> memref<128x128xf32, #tpu.memory_space<hbm>>
      tpu.wait_dma2 semaphore(%arg13 : memref<!tpu.dma_semaphore, #tpu.memory_space<semaphore_mem>>) src(%dma_wait3A_54 : memref<128x128xf32, #tpu.memory_space<hbm>>) dst(%arg9 : memref<128x128xf32, #tpu.memory_space<vmem>>)
      %dma_wait3A_55 = arith.constant 0 : i32
      %dma_wait3A_56 = arith.constant 0 : i32
      %dma_wait3A_57 = tpu.memref_slice %arg2[%dma_wait3A_55, %dma_wait3A_56] : memref<10000x128xf32, #tpu.memory_space<hbm>> -> memref<128x128xf32, #tpu.memory_space<hbm>>
      %dma_wait3A_58 = arith.constant 0 : i32
      %dma_wait3A_59 = arith.constant 0 : i32
      %dma_wait3A_60 = tpu.memref_slice %arg2[%dma_wait3A_58, %dma_wait3A_59] : memref<10000x128xf32, #tpu.memory_space<hbm>> -> memref<128x128xf32, #tpu.memory_space<hbm>>
      tpu.wait_dma2 semaphore(%arg15 : memref<!tpu.dma_semaphore, #tpu.memory_space<semaphore_mem>>) src(%dma_wait3A_60 : memref<128x128xf32, #tpu.memory_space<hbm>>) dst(%arg11 : memref<128x128xf32, #tpu.memory_space<vmem>>)
      %scan3A_61 = arith.constant 0 : i32
      %scan3A_62 = arith.constant 128 : i32
      %scan3A_63 = arith.addi %scan3A_61, %scan3A_62 : i32
      %scan3A_64 = arith.constant 4 : i32
      scf.for %scan3A_102 = %scan3A_61 to %scan3A_63 step %scan3A_64  : i32 {
        %mul3A_103 = arith.constant 1 : i32
        %mul3A_104 = arith.muli %scan3A_102, %mul3A_103 : i32
        %add3A_105 = arith.constant 0 : i32
        %add3A_106 = arith.addi %add3A_105, %mul3A_104 : i32
        %get3A = arith.index_cast %add3A_106 : i32 to index
        %get3A_107 = arith.constant 0 : index
        %get3A_108 = tpu.vector_load %arg9[%get3A, %get3A_107] {strides = array<i32>} : memref<128x128xf32, #tpu.memory_space<vmem>>, vector<1x16xf32>,
        %get3A_109 = vector.shape_cast %get3A_108 : vector<1x16xf32> to vector<16xf32>
        %get3A_110 = arith.index_cast %add3A_106 : i32 to index
        %get3A_111 = arith.constant 0 : index
        %get3A_112 = tpu.vector_load %arg11[%get3A_110, %get3A_111] {strides = array<i32>} : memref<128x128xf32, #tpu.memory_space<vmem>>, vector<1x16xf32>,
        %get3A_113 = vector.shape_cast %get3A_112 : vector<1x16xf32> to vector<16xf32>
        %mul3A_114 = arith.mulf %get3A_109, %get3A_113 : vector<16xf32>
        %swap3A = arith.index_cast %add3A_106 : i32 to index
        %swap3A_115 = arith.constant 0 : index
        %swap3A_116 = tpu.vector_load %arg9[%swap3A, %swap3A_115] {strides = array<i32>} : memref<128x128xf32, #tpu.memory_space<vmem>>, vector<1x16xf32>,
        %swap3A_117 = vector.shape_cast %swap3A_116 : vector<1x16xf32> to vector<16xf32>
        %swap3A_118 = vector.shape_cast %mul3A_114 : vector<16xf32> to vector<1x16xf32>
        tpu.vector_store %arg9[%swap3A, %swap3A_115], %swap3A_118 {strides = array<i32>} : memref<128x128xf32, #tpu.memory_space<vmem>>, vector<1x16xf32>,
        %get3A_119 = arith.index_cast %add3A_106 : i32 to index
        %get3A_120 = arith.constant 16 : index
        %get3A_121 = tpu.vector_load %arg9[%get3A_119, %get3A_120] {strides = array<i32>} : memref<128x128xf32, #tpu.memory_space<vmem>>, vector<1x16xf32>,
        %get3A_122 = vector.shape_cast %get3A_121 : vector<1x16xf32> to vector<16xf32>
        %get3A_123 = arith.index_cast %add3A_106 : i32 to index
        %get3A_124 = arith.constant 16 : index
        %get3A_125 = tpu.vector_load %arg11[%get3A_123, %get3A_124] {strides = array<i32>} : memref<128x128xf32, #tpu.memory_space<vmem>>, vector<1x16xf32>,
        %get3A_126 = vector.shape_cast %get3A_125 : vector<1x16xf32> to vector<16xf32>
        %mul3A_127 = arith.mulf %get3A_122, %get3A_126 : vector<16xf32>
        %swap3A_128 = arith.index_cast %add3A_106 : i32 to index
        %swap3A_129 = arith.constant 16 : index
        %swap3A_130 = tpu.vector_load %arg9[%swap3A_128, %swap3A_129] {strides = array<i32>} : memref<128x128xf32, #tpu.memory_space<vmem>>, vector<1x16xf32>,
        %swap3A_131 = vector.shape_cast %swap3A_130 : vector<1x16xf32> to vector<16xf32>
        %swap3A_132 = vector.shape_cast %mul3A_127 : vector<16xf32> to vector<1x16xf32>
        tpu.vector_store %arg9[%swap3A_128, %swap3A_129], %swap3A_132 {strides = array<i32>} : memref<128x128xf32, #tpu.memory_space<vmem>>, vector<1x16xf32>,
        %get3A_133 = arith.index_cast %add3A_106 : i32 to index
        %get3A_134 = arith.constant 32 : index
        %get3A_135 = tpu.vector_load %arg9[%get3A_133, %get3A_134] {strides = array<i32>} : memref<128x128xf32, #tpu.memory_space<vmem>>, vector<1x16xf32>,
        %get3A_136 = vector.shape_cast %get3A_135 : vector<1x16xf32> to vector<16xf32>
        %get3A_137 = arith.index_cast %add3A_106 : i32 to index
        %get3A_138 = arith.constant 32 : index
        %get3A_139 = tpu.vector_load %arg11[%get3A_137, %get3A_138] {strides = array<i32>} : memref<128x128xf32, #tpu.memory_space<vmem>>, vector<1x16xf32>,
        %get3A_140 = vector.shape_cast %get3A_139 : vector<1x16xf32> to vector<16xf32>
        %mul3A_141 = arith.mulf %get3A_136, %get3A_140 : vector<16xf32>
        %swap3A_142 = arith.index_cast %add3A_106 : i32 to index
        %swap3A_143 = arith.constant 32 : index
        %swap3A_144 = tpu.vector_load %arg9[%swap3A_142, %swap3A_143] {strides = array<i32>} : memref<128x128xf32, #tpu.memory_space<vmem>>, vector<1x16xf32>,
        %swap3A_145 = vector.shape_cast %swap3A_144 : vector<1x16xf32> to vector<16xf32>
        %swap3A_146 = vector.shape_cast %mul3A_141 : vector<16xf32> to vector<1x16xf32>
        tpu.vector_store %arg9[%swap3A_142, %swap3A_143], %swap3A_146 {strides = array<i32>} : memref<128x128xf32, #tpu.memory_space<vmem>>, vector<1x16xf32>,
        %get3A_147 = arith.index_cast %add3A_106 : i32 to index
        %get3A_148 = arith.constant 48 : index
        %get3A_149 = tpu.vector_load %arg9[%get3A_147, %get3A_148] {strides = array<i32>} : memref<128x128xf32, #tpu.memory_space<vmem>>, vector<1x16xf32>,
        %get3A_150 = vector.shape_cast %get3A_149 : vector<1x16xf32> to vector<16xf32>
        %get3A_151 = arith.index_cast %add3A_106 : i32 to index
        %get3A_152 = arith.constant 48 : index
        %get3A_153 = tpu.vector_load %arg11[%get3A_151, %get3A_152] {strides = array<i32>} : memref<128x128xf32, #tpu.memory_space<vmem>>, vector<1x16xf32>,
        %get3A_154 = vector.shape_cast %get3A_153 : vector<1x16xf32> to vector<16xf32>
        %mul3A_155 = arith.mulf %get3A_150, %get3A_154 : vector<16xf32>
        %swap3A_156 = arith.index_cast %add3A_106 : i32 to index
        %swap3A_157 = arith.constant 48 : index
        %swap3A_158 = tpu.vector_load %arg9[%swap3A_156, %swap3A_157] {strides = array<i32>} : memref<128x128xf32, #tpu.memory_space<vmem>>, vector<1x16xf32>,
        %swap3A_159 = vector.shape_cast %swap3A_158 : vector<1x16xf32> to vector<16xf32>
        %swap3A_160 = vector.shape_cast %mul3A_155 : vector<16xf32> to vector<1x16xf32>
        tpu.vector_store %arg9[%swap3A_156, %swap3A_157], %swap3A_160 {strides = array<i32>} : memref<128x128xf32, #tpu.memory_space<vmem>>, vector<1x16xf32>,
        %get3A_161 = arith.index_cast %add3A_106 : i32 to index
        %get3A_162 = arith.constant 64 : index
        %get3A_163 = tpu.vector_load %arg9[%get3A_161, %get3A_162] {strides = array<i32>} : memref<128x128xf32, #tpu.memory_space<vmem>>, vector<1x16xf32>,
        %get3A_164 = vector.shape_cast %get3A_163 : vector<1x16xf32> to vector<16xf32>
        %get3A_165 = arith.index_cast %add3A_106 : i32 to index
        %get3A_166 = arith.constant 64 : index
        %get3A_167 = tpu.vector_load %arg11[%get3A_165, %get3A_166] {strides = array<i32>} : memref<128x128xf32, #tpu.memory_space<vmem>>, vector<1x16xf32>,
        %get3A_168 = vector.shape_cast %get3A_167 : vector<1x16xf32> to vector<16xf32>
        %mul3A_169 = arith.mulf %get3A_164, %get3A_168 : vector<16xf32>
        %swap3A_170 = arith.index_cast %add3A_106 : i32 to index
        %swap3A_171 = arith.constant 64 : index
        %swap3A_172 = tpu.vector_load %arg9[%swap3A_170, %swap3A_171] {strides = array<i32>} : memref<128x128xf32, #tpu.memory_space<vmem>>, vector<1x16xf32>,
        %swap3A_173 = vector.shape_cast %swap3A_172 : vector<1x16xf32> to vector<16xf32>
        %swap3A_174 = vector.shape_cast %mul3A_169 : vector<16xf32> to vector<1x16xf32>
        tpu.vector_store %arg9[%swap3A_170, %swap3A_171], %swap3A_174 {strides = array<i32>} : memref<128x128xf32, #tpu.memory_space<vmem>>, vector<1x16xf32>,
        %get3A_175 = arith.index_cast %add3A_106 : i32 to index
        %get3A_176 = arith.constant 80 : index
        %get3A_177 = tpu.vector_load %arg9[%get3A_175, %get3A_176] {strides = array<i32>} : memref<128x128xf32, #tpu.memory_space<vmem>>, vector<1x16xf32>,
        %get3A_178 = vector.shape_cast %get3A_177 : vector<1x16xf32> to vector<16xf32>
        %get3A_179 = arith.index_cast %add3A_106 : i32 to index
        %get3A_180 = arith.constant 80 : index
        %get3A_181 = tpu.vector_load %arg11[%get3A_179, %get3A_180] {strides = array<i32>} : memref<128x128xf32, #tpu.memory_space<vmem>>, vector<1x16xf32>,
        %get3A_182 = vector.shape_cast %get3A_181 : vector<1x16xf32> to vector<16xf32>
        %mul3A_183 = arith.mulf %get3A_178, %get3A_182 : vector<16xf32>
        %swap3A_184 = arith.index_cast %add3A_106 : i32 to index
        %swap3A_185 = arith.constant 80 : index
        %swap3A_186 = tpu.vector_load %arg9[%swap3A_184, %swap3A_185] {strides = array<i32>} : memref<128x128xf32, #tpu.memory_space<vmem>>, vector<1x16xf32>,
        %swap3A_187 = vector.shape_cast %swap3A_186 : vector<1x16xf32> to vector<16xf32>
        %swap3A_188 = vector.shape_cast %mul3A_183 : vector<16xf32> to vector<1x16xf32>
        tpu.vector_store %arg9[%swap3A_184, %swap3A_185], %swap3A_188 {strides = array<i32>} : memref<128x128xf32, #tpu.memory_space<vmem>>, vector<1x16xf32>,
        %get3A_189 = arith.index_cast %add3A_106 : i32 to index
        %get3A_190 = arith.constant 96 : index
        %get3A_191 = tpu.vector_load %arg9[%get3A_189, %get3A_190] {strides = array<i32>} : memref<128x128xf32, #tpu.memory_space<vmem>>, vector<1x16xf32>,
        %get3A_192 = vector.shape_cast %get3A_191 : vector<1x16xf32> to vector<16xf32>
        %get3A_193 = arith.index_cast %add3A_106 : i32 to index
        %get3A_194 = arith.constant 96 : index
        %get3A_195 = tpu.vector_load %arg11[%get3A_193, %get3A_194] {strides = array<i32>} : memref<128x128xf32, #tpu.memory_space<vmem>>, vector<1x16xf32>,
        %get3A_196 = vector.shape_cast %get3A_195 : vector<1x16xf32> to vector<16xf32>
        %mul3A_197 = arith.mulf %get3A_192, %get3A_196 : vector<16xf32>
        %swap3A_198 = arith.index_cast %add3A_106 : i32 to index
        %swap3A_199 = arith.constant 96 : index
        %swap3A_200 = tpu.vector_load %arg9[%swap3A_198, %swap3A_199] {strides = array<i32>} : memref<128x128xf32, #tpu.memory_space<vmem>>, vector<1x16xf32>,
        %swap3A_201 = vector.shape_cast %swap3A_200 : vector<1x16xf32> to vector<16xf32>
        %swap3A_202 = vector.shape_cast %mul3A_197 : vector<16xf32> to vector<1x16xf32>
        tpu.vector_store %arg9[%swap3A_198, %swap3A_199], %swap3A_202 {strides = array<i32>} : memref<128x128xf32, #tpu.memory_space<vmem>>, vector<1x16xf32>,
        %get3A_203 = arith.index_cast %add3A_106 : i32 to index
        %get3A_204 = arith.constant 112 : index
        %get3A_205 = tpu.vector_load %arg9[%get3A_203, %get3A_204] {strides = array<i32>} : memref<128x128xf32, #tpu.memory_space<vmem>>, vector<1x16xf32>,
        %get3A_206 = vector.shape_cast %get3A_205 : vector<1x16xf32> to vector<16xf32>
        %get3A_207 = arith.index_cast %add3A_106 : i32 to index
        %get3A_208 = arith.constant 112 : index
        %get3A_209 = tpu.vector_load %arg11[%get3A_207, %get3A_208] {strides = array<i32>} : memref<128x128xf32, #tpu.memory_space<vmem>>, vector<1x16xf32>,
        %get3A_210 = vector.shape_cast %get3A_209 : vector<1x16xf32> to vector<16xf32>
        %mul3A_211 = arith.mulf %get3A_206, %get3A_210 : vector<16xf32>
        %swap3A_212 = arith.index_cast %add3A_106 : i32 to index
        %swap3A_213 = arith.constant 112 : index
        %swap3A_214 = tpu.vector_load %arg9[%swap3A_212, %swap3A_213] {strides = array<i32>} : memref<128x128xf32, #tpu.memory_space<vmem>>, vector<1x16xf32>,
        %swap3A_215 = vector.shape_cast %swap3A_214 : vector<1x16xf32> to vector<16xf32>
        %swap3A_216 = vector.shape_cast %mul3A_211 : vector<16xf32> to vector<1x16xf32>
        tpu.vector_store %arg9[%swap3A_212, %swap3A_213], %swap3A_216 {strides = array<i32>} : memref<128x128xf32, #tpu.memory_space<vmem>>, vector<1x16xf32>,
        %scan3A_217 = arith.constant 1 : i32
        %scan3A_218 = arith.addi %scan3A_102, %scan3A_217 : i32
        %mul3A_219 = arith.constant 1 : i32
        %mul3A_220 = arith.muli %scan3A_218, %mul3A_219 : i32
        %add3A_221 = arith.constant 0 : i32
        %add3A_222 = arith.addi %add3A_221, %mul3A_220 : i32
        %get3A_223 = arith.index_cast %add3A_222 : i32 to index
        %get3A_224 = arith.constant 0 : index
        %get3A_225 = tpu.vector_load %arg9[%get3A_223, %get3A_224] {strides = array<i32>} : memref<128x128xf32, #tpu.memory_space<vmem>>, vector<1x16xf32>,
        %get3A_226 = vector.shape_cast %get3A_225 : vector<1x16xf32> to vector<16xf32>
        %get3A_227 = arith.index_cast %add3A_222 : i32 to index
        %get3A_228 = arith.constant 0 : index
        %get3A_229 = tpu.vector_load %arg11[%get3A_227, %get3A_228] {strides = array<i32>} : memref<128x128xf32, #tpu.memory_space<vmem>>, vector<1x16xf32>,
        %get3A_230 = vector.shape_cast %get3A_229 : vector<1x16xf32> to vector<16xf32>
        %mul3A_231 = arith.mulf %get3A_226, %get3A_230 : vector<16xf32>
        %swap3A_232 = arith.index_cast %add3A_222 : i32 to index
        %swap3A_233 = arith.constant 0 : index
        %swap3A_234 = tpu.vector_load %arg9[%swap3A_232, %swap3A_233] {strides = array<i32>} : memref<128x128xf32, #tpu.memory_space<vmem>>, vector<1x16xf32>,
        %swap3A_235 = vector.shape_cast %swap3A_234 : vector<1x16xf32> to vector<16xf32>
        %swap3A_236 = vector.shape_cast %mul3A_231 : vector<16xf32> to vector<1x16xf32>
        tpu.vector_store %arg9[%swap3A_232, %swap3A_233], %swap3A_236 {strides = array<i32>} : memref<128x128xf32, #tpu.memory_space<vmem>>, vector<1x16xf32>,
        %get3A_237 = arith.index_cast %add3A_222 : i32 to index
        %get3A_238 = arith.constant 16 : index
        %get3A_239 = tpu.vector_load %arg9[%get3A_237, %get3A_238] {strides = array<i32>} : memref<128x128xf32, #tpu.memory_space<vmem>>, vector<1x16xf32>,
        %get3A_240 = vector.shape_cast %get3A_239 : vector<1x16xf32> to vector<16xf32>
        %get3A_241 = arith.index_cast %add3A_222 : i32 to index
        %get3A_242 = arith.constant 16 : index
        %get3A_243 = tpu.vector_load %arg11[%get3A_241, %get3A_242] {strides = array<i32>} : memref<128x128xf32, #tpu.memory_space<vmem>>, vector<1x16xf32>,
        %get3A_244 = vector.shape_cast %get3A_243 : vector<1x16xf32> to vector<16xf32>
        %mul3A_245 = arith.mulf %get3A_240, %get3A_244 : vector<16xf32>
        %swap3A_246 = arith.index_cast %add3A_222 : i32 to index
        %swap3A_247 = arith.constant 16 : index
        %swap3A_248 = tpu.vector_load %arg9[%swap3A_246, %swap3A_247] {strides = array<i32>} : memref<128x128xf32, #tpu.memory_space<vmem>>, vector<1x16xf32>,
        %swap3A_249 = vector.shape_cast %swap3A_248 : vector<1x16xf32> to vector<16xf32>
        %swap3A_250 = vector.shape_cast %mul3A_245 : vector<16xf32> to vector<1x16xf32>
        tpu.vector_store %arg9[%swap3A_246, %swap3A_247], %swap3A_250 {strides = array<i32>} : memref<128x128xf32, #tpu.memory_space<vmem>>, vector<1x16xf32>,
        %get3A_251 = arith.index_cast %add3A_222 : i32 to index
        %get3A_252 = arith.constant 32 : index
        %get3A_253 = tpu.vector_load %arg9[%get3A_251, %get3A_252] {strides = array<i32>} : memref<128x128xf32, #tpu.memory_space<vmem>>, vector<1x16xf32>,
        %get3A_254 = vector.shape_cast %get3A_253 : vector<1x16xf32> to vector<16xf32>
        %get3A_255 = arith.index_cast %add3A_222 : i32 to index
        %get3A_256 = arith.constant 32 : index
        %get3A_257 = tpu.vector_load %arg11[%get3A_255, %get3A_256] {strides = array<i32>} : memref<128x128xf32, #tpu.memory_space<vmem>>, vector<1x16xf32>,
        %get3A_258 = vector.shape_cast %get3A_257 : vector<1x16xf32> to vector<16xf32>
        %mul3A_259 = arith.mulf %get3A_254, %get3A_258 : vector<16xf32>
        %swap3A_260 = arith.index_cast %add3A_222 : i32 to index
        %swap3A_261 = arith.constant 32 : index
        %swap3A_262 = tpu.vector_load %arg9[%swap3A_260, %swap3A_261] {strides = array<i32>} : memref<128x128xf32, #tpu.memory_space<vmem>>, vector<1x16xf32>,
        %swap3A_263 = vector.shape_cast %swap3A_262 : vector<1x16xf32> to vector<16xf32>
        %swap3A_264 = vector.shape_cast %mul3A_259 : vector<16xf32> to vector<1x16xf32>
        tpu.vector_store %arg9[%swap3A_260, %swap3A_261], %swap3A_264 {strides = array<i32>} : memref<128x128xf32, #tpu.memory_space<vmem>>, vector<1x16xf32>,
        %get3A_265 = arith.index_cast %add3A_222 : i32 to index
        %get3A_266 = arith.constant 48 : index
        %get3A_267 = tpu.vector_load %arg9[%get3A_265, %get3A_266] {strides = array<i32>} : memref<128x128xf32, #tpu.memory_space<vmem>>, vector<1x16xf32>,
        %get3A_268 = vector.shape_cast %get3A_267 : vector<1x16xf32> to vector<16xf32>
        %get3A_269 = arith.index_cast %add3A_222 : i32 to index
        %get3A_270 = arith.constant 48 : index
        %get3A_271 = tpu.vector_load %arg11[%get3A_269, %get3A_270] {strides = array<i32>} : memref<128x128xf32, #tpu.memory_space<vmem>>, vector<1x16xf32>,
        %get3A_272 = vector.shape_cast %get3A_271 : vector<1x16xf32> to vector<16xf32>
        %mul3A_273 = arith.mulf %get3A_268, %get3A_272 : vector<16xf32>
        %swap3A_274 = arith.index_cast %add3A_222 : i32 to index
        %swap3A_275 = arith.constant 48 : index
        %swap3A_276 = tpu.vector_load %arg9[%swap3A_274, %swap3A_275] {strides = array<i32>} : memref<128x128xf32, #tpu.memory_space<vmem>>, vector<1x16xf32>,
        %swap3A_277 = vector.shape_cast %swap3A_276 : vector<1x16xf32> to vector<16xf32>
        %swap3A_278 = vector.shape_cast %mul3A_273 : vector<16xf32> to vector<1x16xf32>
        tpu.vector_store %arg9[%swap3A_274, %swap3A_275], %swap3A_278 {strides = array<i32>} : memref<128x128xf32, #tpu.memory_space<vmem>>, vector<1x16xf32>,
        %get3A_279 = arith.index_cast %add3A_222 : i32 to index
        %get3A_280 = arith.constant 64 : index
        %get3A_281 = tpu.vector_load %arg9[%get3A_279, %get3A_280] {strides = array<i32>} : memref<128x128xf32, #tpu.memory_space<vmem>>, vector<1x16xf32>,
        %get3A_282 = vector.shape_cast %get3A_281 : vector<1x16xf32> to vector<16xf32>
        %get3A_283 = arith.index_cast %add3A_222 : i32 to index
        %get3A_284 = arith.constant 64 : index
        %get3A_285 = tpu.vector_load %arg11[%get3A_283, %get3A_284] {strides = array<i32>} : memref<128x128xf32, #tpu.memory_space<vmem>>, vector<1x16xf32>,
        %get3A_286 = vector.shape_cast %get3A_285 : vector<1x16xf32> to vector<16xf32>
        %mul3A_287 = arith.mulf %get3A_282, %get3A_286 : vector<16xf32>
        %swap3A_288 = arith.index_cast %add3A_222 : i32 to index
        %swap3A_289 = arith.constant 64 : index
        %swap3A_290 = tpu.vector_load %arg9[%swap3A_288, %swap3A_289] {strides = array<i32>} : memref<128x128xf32, #tpu.memory_space<vmem>>, vector<1x16xf32>,
        %swap3A_291 = vector.shape_cast %swap3A_290 : vector<1x16xf32> to vector<16xf32>
        %swap3A_292 = vector.shape_cast %mul3A_287 : vector<16xf32> to vector<1x16xf32>
        tpu.vector_store %arg9[%swap3A_288, %swap3A_289], %swap3A_292 {strides = array<i32>} : memref<128x128xf32, #tpu.memory_space<vmem>>, vector<1x16xf32>,
        %get3A_293 = arith.index_cast %add3A_222 : i32 to index
        %get3A_294 = arith.constant 80 : index
        %get3A_295 = tpu.vector_load %arg9[%get3A_293, %get3A_294] {strides = array<i32>} : memref<128x128xf32, #tpu.memory_space<vmem>>, vector<1x16xf32>,
        %get3A_296 = vector.shape_cast %get3A_295 : vector<1x16xf32> to vector<16xf32>
        %get3A_297 = arith.index_cast %add3A_222 : i32 to index
        %get3A_298 = arith.constant 80 : index
        %get3A_299 = tpu.vector_load %arg11[%get3A_297, %get3A_298] {strides = array<i32>} : memref<128x128xf32, #tpu.memory_space<vmem>>, vector<1x16xf32>,
        %get3A_300 = vector.shape_cast %get3A_299 : vector<1x16xf32> to vector<16xf32>
        %mul3A_301 = arith.mulf %get3A_296, %get3A_300 : vector<16xf32>
        %swap3A_302 = arith.index_cast %add3A_222 : i32 to index
        %swap3A_303 = arith.constant 80 : index
        %swap3A_304 = tpu.vector_load %arg9[%swap3A_302, %swap3A_303] {strides = array<i32>} : memref<128x128xf32, #tpu.memory_space<vmem>>, vector<1x16xf32>,
        %swap3A_305 = vector.shape_cast %swap3A_304 : vector<1x16xf32> to vector<16xf32>
        %swap3A_306 = vector.shape_cast %mul3A_301 : vector<16xf32> to vector<1x16xf32>
        tpu.vector_store %arg9[%swap3A_302, %swap3A_303], %swap3A_306 {strides = array<i32>} : memref<128x128xf32, #tpu.memory_space<vmem>>, vector<1x16xf32>,
        %get3A_307 = arith.index_cast %add3A_222 : i32 to index
        %get3A_308 = arith.constant 96 : index
        %get3A_309 = tpu.vector_load %arg9[%get3A_307, %get3A_308] {strides = array<i32>} : memref<128x128xf32, #tpu.memory_space<vmem>>, vector<1x16xf32>,
        %get3A_310 = vector.shape_cast %get3A_309 : vector<1x16xf32> to vector<16xf32>
        %get3A_311 = arith.index_cast %add3A_222 : i32 to index
        %get3A_312 = arith.constant 96 : index
        %get3A_313 = tpu.vector_load %arg11[%get3A_311, %get3A_312] {strides = array<i32>} : memref<128x128xf32, #tpu.memory_space<vmem>>, vector<1x16xf32>,
        %get3A_314 = vector.shape_cast %get3A_313 : vector<1x16xf32> to vector<16xf32>
        %mul3A_315 = arith.mulf %get3A_310, %get3A_314 : vector<16xf32>
        %swap3A_316 = arith.index_cast %add3A_222 : i32 to index
        %swap3A_317 = arith.constant 96 : index
        %swap3A_318 = tpu.vector_load %arg9[%swap3A_316, %swap3A_317] {strides = array<i32>} : memref<128x128xf32, #tpu.memory_space<vmem>>, vector<1x16xf32>,
        %swap3A_319 = vector.shape_cast %swap3A_318 : vector<1x16xf32> to vector<16xf32>
        %swap3A_320 = vector.shape_cast %mul3A_315 : vector<16xf32> to vector<1x16xf32>
        tpu.vector_store %arg9[%swap3A_316, %swap3A_317], %swap3A_320 {strides = array<i32>} : memref<128x128xf32, #tpu.memory_space<vmem>>, vector<1x16xf32>,
        %get3A_321 = arith.index_cast %add3A_222 : i32 to index
        %get3A_322 = arith.constant 112 : index
        %get3A_323 = tpu.vector_load %arg9[%get3A_321, %get3A_322] {strides = array<i32>} : memref<128x128xf32, #tpu.memory_space<vmem>>, vector<1x16xf32>,
        %get3A_324 = vector.shape_cast %get3A_323 : vector<1x16xf32> to vector<16xf32>
        %get3A_325 = arith.index_cast %add3A_222 : i32 to index
        %get3A_326 = arith.constant 112 : index
        %get3A_327 = tpu.vector_load %arg11[%get3A_325, %get3A_326] {strides = array<i32>} : memref<128x128xf32, #tpu.memory_space<vmem>>, vector<1x16xf32>,
        %get3A_328 = vector.shape_cast %get3A_327 : vector<1x16xf32> to vector<16xf32>
        %mul3A_329 = arith.mulf %get3A_324, %get3A_328 : vector<16xf32>
        %swap3A_330 = arith.index_cast %add3A_222 : i32 to index
        %swap3A_331 = arith.constant 112 : index
        %swap3A_332 = tpu.vector_load %arg9[%swap3A_330, %swap3A_331] {strides = array<i32>} : memref<128x128xf32, #tpu.memory_space<vmem>>, vector<1x16xf32>,
        %swap3A_333 = vector.shape_cast %swap3A_332 : vector<1x16xf32> to vector<16xf32>
        %swap3A_334 = vector.shape_cast %mul3A_329 : vector<16xf32> to vector<1x16xf32>
        tpu.vector_store %arg9[%swap3A_330, %swap3A_331], %swap3A_334 {strides = array<i32>} : memref<128x128xf32, #tpu.memory_space<vmem>>, vector<1x16xf32>,
        %scan3A_335 = arith.constant 2 : i32
        %scan3A_336 = arith.addi %scan3A_102, %scan3A_335 : i32
        %mul3A_337 = arith.constant 1 : i32
        %mul3A_338 = arith.muli %scan3A_336, %mul3A_337 : i32
        %add3A_339 = arith.constant 0 : i32
        %add3A_340 = arith.addi %add3A_339, %mul3A_338 : i32
        %get3A_341 = arith.index_cast %add3A_340 : i32 to index
        %get3A_342 = arith.constant 0 : index
        %get3A_343 = tpu.vector_load %arg9[%get3A_341, %get3A_342] {strides = array<i32>} : memref<128x128xf32, #tpu.memory_space<vmem>>, vector<1x16xf32>,
        %get3A_344 = vector.shape_cast %get3A_343 : vector<1x16xf32> to vector<16xf32>
        %get3A_345 = arith.index_cast %add3A_340 : i32 to index
        %get3A_346 = arith.constant 0 : index
        %get3A_347 = tpu.vector_load %arg11[%get3A_345, %get3A_346] {strides = array<i32>} : memref<128x128xf32, #tpu.memory_space<vmem>>, vector<1x16xf32>,
        %get3A_348 = vector.shape_cast %get3A_347 : vector<1x16xf32> to vector<16xf32>
        %mul3A_349 = arith.mulf %get3A_344, %get3A_348 : vector<16xf32>
        %swap3A_350 = arith.index_cast %add3A_340 : i32 to index
        %swap3A_351 = arith.constant 0 : index
        %swap3A_352 = tpu.vector_load %arg9[%swap3A_350, %swap3A_351] {strides = array<i32>} : memref<128x128xf32, #tpu.memory_space<vmem>>, vector<1x16xf32>,
        %swap3A_353 = vector.shape_cast %swap3A_352 : vector<1x16xf32> to vector<16xf32>
        %swap3A_354 = vector.shape_cast %mul3A_349 : vector<16xf32> to vector<1x16xf32>
        tpu.vector_store %arg9[%swap3A_350, %swap3A_351], %swap3A_354 {strides = array<i32>} : memref<128x128xf32, #tpu.memory_space<vmem>>, vector<1x16xf32>,
        %get3A_355 = arith.index_cast %add3A_340 : i32 to index
        %get3A_356 = arith.constant 16 : index
        %get3A_357 = tpu.vector_load %arg9[%get3A_355, %get3A_356] {strides = array<i32>} : memref<128x128xf32, #tpu.memory_space<vmem>>, vector<1x16xf32>,
        %get3A_358 = vector.shape_cast %get3A_357 : vector<1x16xf32> to vector<16xf32>
        %get3A_359 = arith.index_cast %add3A_340 : i32 to index
        %get3A_360 = arith.constant 16 : index
        %get3A_361 = tpu.vector_load %arg11[%get3A_359, %get3A_360] {strides = array<i32>} : memref<128x128xf32, #tpu.memory_space<vmem>>, vector<1x16xf32>,
        %get3A_362 = vector.shape_cast %get3A_361 : vector<1x16xf32> to vector<16xf32>
        %mul3A_363 = arith.mulf %get3A_358, %get3A_362 : vector<16xf32>
        %swap3A_364 = arith.index_cast %add3A_340 : i32 to index
        %swap3A_365 = arith.constant 16 : index
        %swap3A_366 = tpu.vector_load %arg9[%swap3A_364, %swap3A_365] {strides = array<i32>} : memref<128x128xf32, #tpu.memory_space<vmem>>, vector<1x16xf32>,
        %swap3A_367 = vector.shape_cast %swap3A_366 : vector<1x16xf32> to vector<16xf32>
        %swap3A_368 = vector.shape_cast %mul3A_363 : vector<16xf32> to vector<1x16xf32>
        tpu.vector_store %arg9[%swap3A_364, %swap3A_365], %swap3A_368 {strides = array<i32>} : memref<128x128xf32, #tpu.memory_space<vmem>>, vector<1x16xf32>,
        %get3A_369 = arith.index_cast %add3A_340 : i32 to index
        %get3A_370 = arith.constant 32 : index
        %get3A_371 = tpu.vector_load %arg9[%get3A_369, %get3A_370] {strides = array<i32>} : memref<128x128xf32, #tpu.memory_space<vmem>>, vector<1x16xf32>,
        %get3A_372 = vector.shape_cast %get3A_371 : vector<1x16xf32> to vector<16xf32>
        %get3A_373 = arith.index_cast %add3A_340 : i32 to index
        %get3A_374 = arith.constant 32 : index
        %get3A_375 = tpu.vector_load %arg11[%get3A_373, %get3A_374] {strides = array<i32>} : memref<128x128xf32, #tpu.memory_space<vmem>>, vector<1x16xf32>,
        %get3A_376 = vector.shape_cast %get3A_375 : vector<1x16xf32> to vector<16xf32>
        %mul3A_377 = arith.mulf %get3A_372, %get3A_376 : vector<16xf32>
        %swap3A_378 = arith.index_cast %add3A_340 : i32 to index
        %swap3A_379 = arith.constant 32 : index
        %swap3A_380 = tpu.vector_load %arg9[%swap3A_378, %swap3A_379] {strides = array<i32>} : memref<128x128xf32, #tpu.memory_space<vmem>>, vector<1x16xf32>,
        %swap3A_381 = vector.shape_cast %swap3A_380 : vector<1x16xf32> to vector<16xf32>
        %swap3A_382 = vector.shape_cast %mul3A_377 : vector<16xf32> to vector<1x16xf32>
        tpu.vector_store %arg9[%swap3A_378, %swap3A_379], %swap3A_382 {strides = array<i32>} : memref<128x128xf32, #tpu.memory_space<vmem>>, vector<1x16xf32>,
        %get3A_383 = arith.index_cast %add3A_340 : i32 to index
        %get3A_384 = arith.constant 48 : index
        %get3A_385 = tpu.vector_load %arg9[%get3A_383, %get3A_384] {strides = array<i32>} : memref<128x128xf32, #tpu.memory_space<vmem>>, vector<1x16xf32>,
        %get3A_386 = vector.shape_cast %get3A_385 : vector<1x16xf32> to vector<16xf32>
        %get3A_387 = arith.index_cast %add3A_340 : i32 to index
        %get3A_388 = arith.constant 48 : index
        %get3A_389 = tpu.vector_load %arg11[%get3A_387, %get3A_388] {strides = array<i32>} : memref<128x128xf32, #tpu.memory_space<vmem>>, vector<1x16xf32>,
        %get3A_390 = vector.shape_cast %get3A_389 : vector<1x16xf32> to vector<16xf32>
        %mul3A_391 = arith.mulf %get3A_386, %get3A_390 : vector<16xf32>
        %swap3A_392 = arith.index_cast %add3A_340 : i32 to index
        %swap3A_393 = arith.constant 48 : index
        %swap3A_394 = tpu.vector_load %arg9[%swap3A_392, %swap3A_393] {strides = array<i32>} : memref<128x128xf32, #tpu.memory_space<vmem>>, vector<1x16xf32>,
        %swap3A_395 = vector.shape_cast %swap3A_394 : vector<1x16xf32> to vector<16xf32>
        %swap3A_396 = vector.shape_cast %mul3A_391 : vector<16xf32> to vector<1x16xf32>
        tpu.vector_store %arg9[%swap3A_392, %swap3A_393], %swap3A_396 {strides = array<i32>} : memref<128x128xf32, #tpu.memory_space<vmem>>, vector<1x16xf32>,
        %get3A_397 = arith.index_cast %add3A_340 : i32 to index
        %get3A_398 = arith.constant 64 : index
        %get3A_399 = tpu.vector_load %arg9[%get3A_397, %get3A_398] {strides = array<i32>} : memref<128x128xf32, #tpu.memory_space<vmem>>, vector<1x16xf32>,
        %get3A_400 = vector.shape_cast %get3A_399 : vector<1x16xf32> to vector<16xf32>
        %get3A_401 = arith.index_cast %add3A_340 : i32 to index
        %get3A_402 = arith.constant 64 : index
        %get3A_403 = tpu.vector_load %arg11[%get3A_401, %get3A_402] {strides = array<i32>} : memref<128x128xf32, #tpu.memory_space<vmem>>, vector<1x16xf32>,
        %get3A_404 = vector.shape_cast %get3A_403 : vector<1x16xf32> to vector<16xf32>
        %mul3A_405 = arith.mulf %get3A_400, %get3A_404 : vector<16xf32>
        %swap3A_406 = arith.index_cast %add3A_340 : i32 to index
        %swap3A_407 = arith.constant 64 : index
        %swap3A_408 = tpu.vector_load %arg9[%swap3A_406, %swap3A_407] {strides = array<i32>} : memref<128x128xf32, #tpu.memory_space<vmem>>, vector<1x16xf32>,
        %swap3A_409 = vector.shape_cast %swap3A_408 : vector<1x16xf32> to vector<16xf32>
        %swap3A_410 = vector.shape_cast %mul3A_405 : vector<16xf32> to vector<1x16xf32>
        tpu.vector_store %arg9[%swap3A_406, %swap3A_407], %swap3A_410 {strides = array<i32>} : memref<128x128xf32, #tpu.memory_space<vmem>>, vector<1x16xf32>,
        %get3A_411 = arith.index_cast %add3A_340 : i32 to index
        %get3A_412 = arith.constant 80 : index
        %get3A_413 = tpu.vector_load %arg9[%get3A_411, %get3A_412] {strides = array<i32>} : memref<128x128xf32, #tpu.memory_space<vmem>>, vector<1x16xf32>,
        %get3A_414 = vector.shape_cast %get3A_413 : vector<1x16xf32> to vector<16xf32>
        %get3A_415 = arith.index_cast %add3A_340 : i32 to index
        %get3A_416 = arith.constant 80 : index
        %get3A_417 = tpu.vector_load %arg11[%get3A_415, %get3A_416] {strides = array<i32>} : memref<128x128xf32, #tpu.memory_space<vmem>>, vector<1x16xf32>,
        %get3A_418 = vector.shape_cast %get3A_417 : vector<1x16xf32> to vector<16xf32>
        %mul3A_419 = arith.mulf %get3A_414, %get3A_418 : vector<16xf32>
        %swap3A_420 = arith.index_cast %add3A_340 : i32 to index
        %swap3A_421 = arith.constant 80 : index
        %swap3A_422 = tpu.vector_load %arg9[%swap3A_420, %swap3A_421] {strides = array<i32>} : memref<128x128xf32, #tpu.memory_space<vmem>>, vector<1x16xf32>,
        %swap3A_423 = vector.shape_cast %swap3A_422 : vector<1x16xf32> to vector<16xf32>
        %swap3A_424 = vector.shape_cast %mul3A_419 : vector<16xf32> to vector<1x16xf32>
        tpu.vector_store %arg9[%swap3A_420, %swap3A_421], %swap3A_424 {strides = array<i32>} : memref<128x128xf32, #tpu.memory_space<vmem>>, vector<1x16xf32>,
        %get3A_425 = arith.index_cast %add3A_340 : i32 to index
        %get3A_426 = arith.constant 96 : index
        %get3A_427 = tpu.vector_load %arg9[%get3A_425, %get3A_426] {strides = array<i32>} : memref<128x128xf32, #tpu.memory_space<vmem>>, vector<1x16xf32>,
        %get3A_428 = vector.shape_cast %get3A_427 : vector<1x16xf32> to vector<16xf32>
        %get3A_429 = arith.index_cast %add3A_340 : i32 to index
        %get3A_430 = arith.constant 96 : index
        %get3A_431 = tpu.vector_load %arg11[%get3A_429, %get3A_430] {strides = array<i32>} : memref<128x128xf32, #tpu.memory_space<vmem>>, vector<1x16xf32>,
        %get3A_432 = vector.shape_cast %get3A_431 : vector<1x16xf32> to vector<16xf32>
        %mul3A_433 = arith.mulf %get3A_428, %get3A_432 : vector<16xf32>
        %swap3A_434 = arith.index_cast %add3A_340 : i32 to index
        %swap3A_435 = arith.constant 96 : index
        %swap3A_436 = tpu.vector_load %arg9[%swap3A_434, %swap3A_435] {strides = array<i32>} : memref<128x128xf32, #tpu.memory_space<vmem>>, vector<1x16xf32>,
        %swap3A_437 = vector.shape_cast %swap3A_436 : vector<1x16xf32> to vector<16xf32>
        %swap3A_438 = vector.shape_cast %mul3A_433 : vector<16xf32> to vector<1x16xf32>
        tpu.vector_store %arg9[%swap3A_434, %swap3A_435], %swap3A_438 {strides = array<i32>} : memref<128x128xf32, #tpu.memory_space<vmem>>, vector<1x16xf32>,
        %get3A_439 = arith.index_cast %add3A_340 : i32 to index
        %get3A_440 = arith.constant 112 : index
        %get3A_441 = tpu.vector_load %arg9[%get3A_439, %get3A_440] {strides = array<i32>} : memref<128x128xf32, #tpu.memory_space<vmem>>, vector<1x16xf32>,
        %get3A_442 = vector.shape_cast %get3A_441 : vector<1x16xf32> to vector<16xf32>
        %get3A_443 = arith.index_cast %add3A_340 : i32 to index
        %get3A_444 = arith.constant 112 : index
        %get3A_445 = tpu.vector_load %arg11[%get3A_443, %get3A_444] {strides = array<i32>} : memref<128x128xf32, #tpu.memory_space<vmem>>, vector<1x16xf32>,
        %get3A_446 = vector.shape_cast %get3A_445 : vector<1x16xf32> to vector<16xf32>
        %mul3A_447 = arith.mulf %get3A_442, %get3A_446 : vector<16xf32>
        %swap3A_448 = arith.index_cast %add3A_340 : i32 to index
        %swap3A_449 = arith.constant 112 : index
        %swap3A_450 = tpu.vector_load %arg9[%swap3A_448, %swap3A_449] {strides = array<i32>} : memref<128x128xf32, #tpu.memory_space<vmem>>, vector<1x16xf32>,
        %swap3A_451 = vector.shape_cast %swap3A_450 : vector<1x16xf32> to vector<16xf32>
        %swap3A_452 = vector.shape_cast %mul3A_447 : vector<16xf32> to vector<1x16xf32>
        tpu.vector_store %arg9[%swap3A_448, %swap3A_449], %swap3A_452 {strides = array<i32>} : memref<128x128xf32, #tpu.memory_space<vmem>>, vector<1x16xf32>,
        %scan3A_453 = arith.constant 3 : i32
        %scan3A_454 = arith.addi %scan3A_102, %scan3A_453 : i32
        %mul3A_455 = arith.constant 1 : i32
        %mul3A_456 = arith.muli %scan3A_454, %mul3A_455 : i32
        %add3A_457 = arith.constant 0 : i32
        %add3A_458 = arith.addi %add3A_457, %mul3A_456 : i32
        %get3A_459 = arith.index_cast %add3A_458 : i32 to index
        %get3A_460 = arith.constant 0 : index
        %get3A_461 = tpu.vector_load %arg9[%get3A_459, %get3A_460] {strides = array<i32>} : memref<128x128xf32, #tpu.memory_space<vmem>>, vector<1x16xf32>,
        %get3A_462 = vector.shape_cast %get3A_461 : vector<1x16xf32> to vector<16xf32>
        %get3A_463 = arith.index_cast %add3A_458 : i32 to index
        %get3A_464 = arith.constant 0 : index
        %get3A_465 = tpu.vector_load %arg11[%get3A_463, %get3A_464] {strides = array<i32>} : memref<128x128xf32, #tpu.memory_space<vmem>>, vector<1x16xf32>,
        %get3A_466 = vector.shape_cast %get3A_465 : vector<1x16xf32> to vector<16xf32>
        %mul3A_467 = arith.mulf %get3A_462, %get3A_466 : vector<16xf32>
        %swap3A_468 = arith.index_cast %add3A_458 : i32 to index
        %swap3A_469 = arith.constant 0 : index
        %swap3A_470 = tpu.vector_load %arg9[%swap3A_468, %swap3A_469] {strides = array<i32>} : memref<128x128xf32, #tpu.memory_space<vmem>>, vector<1x16xf32>,
        %swap3A_471 = vector.shape_cast %swap3A_470 : vector<1x16xf32> to vector<16xf32>
        %swap3A_472 = vector.shape_cast %mul3A_467 : vector<16xf32> to vector<1x16xf32>
        tpu.vector_store %arg9[%swap3A_468, %swap3A_469], %swap3A_472 {strides = array<i32>} : memref<128x128xf32, #tpu.memory_space<vmem>>, vector<1x16xf32>,
        %get3A_473 = arith.index_cast %add3A_458 : i32 to index
        %get3A_474 = arith.constant 16 : index
        %get3A_475 = tpu.vector_load %arg9[%get3A_473, %get3A_474] {strides = array<i32>} : memref<128x128xf32, #tpu.memory_space<vmem>>, vector<1x16xf32>,
        %get3A_476 = vector.shape_cast %get3A_475 : vector<1x16xf32> to vector<16xf32>
        %get3A_477 = arith.index_cast %add3A_458 : i32 to index
        %get3A_478 = arith.constant 16 : index
        %get3A_479 = tpu.vector_load %arg11[%get3A_477, %get3A_478] {strides = array<i32>} : memref<128x128xf32, #tpu.memory_space<vmem>>, vector<1x16xf32>,
        %get3A_480 = vector.shape_cast %get3A_479 : vector<1x16xf32> to vector<16xf32>
        %mul3A_481 = arith.mulf %get3A_476, %get3A_480 : vector<16xf32>
        %swap3A_482 = arith.index_cast %add3A_458 : i32 to index
        %swap3A_483 = arith.constant 16 : index
        %swap3A_484 = tpu.vector_load %arg9[%swap3A_482, %swap3A_483] {strides = array<i32>} : memref<128x128xf32, #tpu.memory_space<vmem>>, vector<1x16xf32>,
        %swap3A_485 = vector.shape_cast %swap3A_484 : vector<1x16xf32> to vector<16xf32>
        %swap3A_486 = vector.shape_cast %mul3A_481 : vector<16xf32> to vector<1x16xf32>
        tpu.vector_store %arg9[%swap3A_482, %swap3A_483], %swap3A_486 {strides = array<i32>} : memref<128x128xf32, #tpu.memory_space<vmem>>, vector<1x16xf32>,
        %get3A_487 = arith.index_cast %add3A_458 : i32 to index
        %get3A_488 = arith.constant 32 : index
        %get3A_489 = tpu.vector_load %arg9[%get3A_487, %get3A_488] {strides = array<i32>} : memref<128x128xf32, #tpu.memory_space<vmem>>, vector<1x16xf32>,
        %get3A_490 = vector.shape_cast %get3A_489 : vector<1x16xf32> to vector<16xf32>
        %get3A_491 = arith.index_cast %add3A_458 : i32 to index
        %get3A_492 = arith.constant 32 : index
        %get3A_493 = tpu.vector_load %arg11[%get3A_491, %get3A_492] {strides = array<i32>} : memref<128x128xf32, #tpu.memory_space<vmem>>, vector<1x16xf32>,
        %get3A_494 = vector.shape_cast %get3A_493 : vector<1x16xf32> to vector<16xf32>
        %mul3A_495 = arith.mulf %get3A_490, %get3A_494 : vector<16xf32>
        %swap3A_496 = arith.index_cast %add3A_458 : i32 to index
        %swap3A_497 = arith.constant 32 : index
        %swap3A_498 = tpu.vector_load %arg9[%swap3A_496, %swap3A_497] {strides = array<i32>} : memref<128x128xf32, #tpu.memory_space<vmem>>, vector<1x16xf32>,
        %swap3A_499 = vector.shape_cast %swap3A_498 : vector<1x16xf32> to vector<16xf32>
        %swap3A_500 = vector.shape_cast %mul3A_495 : vector<16xf32> to vector<1x16xf32>
        tpu.vector_store %arg9[%swap3A_496, %swap3A_497], %swap3A_500 {strides = array<i32>} : memref<128x128xf32, #tpu.memory_space<vmem>>, vector<1x16xf32>,
        %get3A_501 = arith.index_cast %add3A_458 : i32 to index
        %get3A_502 = arith.constant 48 : index
        %get3A_503 = tpu.vector_load %arg9[%get3A_501, %get3A_502] {strides = array<i32>} : memref<128x128xf32, #tpu.memory_space<vmem>>, vector<1x16xf32>,
        %get3A_504 = vector.shape_cast %get3A_503 : vector<1x16xf32> to vector<16xf32>
        %get3A_505 = arith.index_cast %add3A_458 : i32 to index
        %get3A_506 = arith.constant 48 : index
        %get3A_507 = tpu.vector_load %arg11[%get3A_505, %get3A_506] {strides = array<i32>} : memref<128x128xf32, #tpu.memory_space<vmem>>, vector<1x16xf32>,
        %get3A_508 = vector.shape_cast %get3A_507 : vector<1x16xf32> to vector<16xf32>
        %mul3A_509 = arith.mulf %get3A_504, %get3A_508 : vector<16xf32>
        %swap3A_510 = arith.index_cast %add3A_458 : i32 to index
        %swap3A_511 = arith.constant 48 : index
        %swap3A_512 = tpu.vector_load %arg9[%swap3A_510, %swap3A_511] {strides = array<i32>} : memref<128x128xf32, #tpu.memory_space<vmem>>, vector<1x16xf32>,
        %swap3A_513 = vector.shape_cast %swap3A_512 : vector<1x16xf32> to vector<16xf32>
        %swap3A_514 = vector.shape_cast %mul3A_509 : vector<16xf32> to vector<1x16xf32>
        tpu.vector_store %arg9[%swap3A_510, %swap3A_511], %swap3A_514 {strides = array<i32>} : memref<128x128xf32, #tpu.memory_space<vmem>>, vector<1x16xf32>,
        %get3A_515 = arith.index_cast %add3A_458 : i32 to index
        %get3A_516 = arith.constant 64 : index
        %get3A_517 = tpu.vector_load %arg9[%get3A_515, %get3A_516] {strides = array<i32>} : memref<128x128xf32, #tpu.memory_space<vmem>>, vector<1x16xf32>,
        %get3A_518 = vector.shape_cast %get3A_517 : vector<1x16xf32> to vector<16xf32>
        %get3A_519 = arith.index_cast %add3A_458 : i32 to index
        %get3A_520 = arith.constant 64 : index
        %get3A_521 = tpu.vector_load %arg11[%get3A_519, %get3A_520] {strides = array<i32>} : memref<128x128xf32, #tpu.memory_space<vmem>>, vector<1x16xf32>,
        %get3A_522 = vector.shape_cast %get3A_521 : vector<1x16xf32> to vector<16xf32>
        %mul3A_523 = arith.mulf %get3A_518, %get3A_522 : vector<16xf32>
        %swap3A_524 = arith.index_cast %add3A_458 : i32 to index
        %swap3A_525 = arith.constant 64 : index
        %swap3A_526 = tpu.vector_load %arg9[%swap3A_524, %swap3A_525] {strides = array<i32>} : memref<128x128xf32, #tpu.memory_space<vmem>>, vector<1x16xf32>,
        %swap3A_527 = vector.shape_cast %swap3A_526 : vector<1x16xf32> to vector<16xf32>
        %swap3A_528 = vector.shape_cast %mul3A_523 : vector<16xf32> to vector<1x16xf32>
        tpu.vector_store %arg9[%swap3A_524, %swap3A_525], %swap3A_528 {strides = array<i32>} : memref<128x128xf32, #tpu.memory_space<vmem>>, vector<1x16xf32>,
        %get3A_529 = arith.index_cast %add3A_458 : i32 to index
        %get3A_530 = arith.constant 80 : index
        %get3A_531 = tpu.vector_load %arg9[%get3A_529, %get3A_530] {strides = array<i32>} : memref<128x128xf32, #tpu.memory_space<vmem>>, vector<1x16xf32>,
        %get3A_532 = vector.shape_cast %get3A_531 : vector<1x16xf32> to vector<16xf32>
        %get3A_533 = arith.index_cast %add3A_458 : i32 to index
        %get3A_534 = arith.constant 80 : index
        %get3A_535 = tpu.vector_load %arg11[%get3A_533, %get3A_534] {strides = array<i32>} : memref<128x128xf32, #tpu.memory_space<vmem>>, vector<1x16xf32>,
        %get3A_536 = vector.shape_cast %get3A_535 : vector<1x16xf32> to vector<16xf32>
        %mul3A_537 = arith.mulf %get3A_532, %get3A_536 : vector<16xf32>
        %swap3A_538 = arith.index_cast %add3A_458 : i32 to index
        %swap3A_539 = arith.constant 80 : index
        %swap3A_540 = tpu.vector_load %arg9[%swap3A_538, %swap3A_539] {strides = array<i32>} : memref<128x128xf32, #tpu.memory_space<vmem>>, vector<1x16xf32>,
        %swap3A_541 = vector.shape_cast %swap3A_540 : vector<1x16xf32> to vector<16xf32>
        %swap3A_542 = vector.shape_cast %mul3A_537 : vector<16xf32> to vector<1x16xf32>
        tpu.vector_store %arg9[%swap3A_538, %swap3A_539], %swap3A_542 {strides = array<i32>} : memref<128x128xf32, #tpu.memory_space<vmem>>, vector<1x16xf32>,
        %get3A_543 = arith.index_cast %add3A_458 : i32 to index
        %get3A_544 = arith.constant 96 : index
        %get3A_545 = tpu.vector_load %arg9[%get3A_543, %get3A_544] {strides = array<i32>} : memref<128x128xf32, #tpu.memory_space<vmem>>, vector<1x16xf32>,
        %get3A_546 = vector.shape_cast %get3A_545 : vector<1x16xf32> to vector<16xf32>
        %get3A_547 = arith.index_cast %add3A_458 : i32 to index
        %get3A_548 = arith.constant 96 : index
        %get3A_549 = tpu.vector_load %arg11[%get3A_547, %get3A_548] {strides = array<i32>} : memref<128x128xf32, #tpu.memory_space<vmem>>, vector<1x16xf32>,
        %get3A_550 = vector.shape_cast %get3A_549 : vector<1x16xf32> to vector<16xf32>
        %mul3A_551 = arith.mulf %get3A_546, %get3A_550 : vector<16xf32>
        %swap3A_552 = arith.index_cast %add3A_458 : i32 to index
        %swap3A_553 = arith.constant 96 : index
        %swap3A_554 = tpu.vector_load %arg9[%swap3A_552, %swap3A_553] {strides = array<i32>} : memref<128x128xf32, #tpu.memory_space<vmem>>, vector<1x16xf32>,
        %swap3A_555 = vector.shape_cast %swap3A_554 : vector<1x16xf32> to vector<16xf32>
        %swap3A_556 = vector.shape_cast %mul3A_551 : vector<16xf32> to vector<1x16xf32>
        tpu.vector_store %arg9[%swap3A_552, %swap3A_553], %swap3A_556 {strides = array<i32>} : memref<128x128xf32, #tpu.memory_space<vmem>>, vector<1x16xf32>,
        %get3A_557 = arith.index_cast %add3A_458 : i32 to index
        %get3A_558 = arith.constant 112 : index
        %get3A_559 = tpu.vector_load %arg9[%get3A_557, %get3A_558] {strides = array<i32>} : memref<128x128xf32, #tpu.memory_space<vmem>>, vector<1x16xf32>,
        %get3A_560 = vector.shape_cast %get3A_559 : vector<1x16xf32> to vector<16xf32>
        %get3A_561 = arith.index_cast %add3A_458 : i32 to index
        %get3A_562 = arith.constant 112 : index
        %get3A_563 = tpu.vector_load %arg11[%get3A_561, %get3A_562] {strides = array<i32>} : memref<128x128xf32, #tpu.memory_space<vmem>>, vector<1x16xf32>,
        %get3A_564 = vector.shape_cast %get3A_563 : vector<1x16xf32> to vector<16xf32>
        %mul3A_565 = arith.mulf %get3A_560, %get3A_564 : vector<16xf32>
        %swap3A_566 = arith.index_cast %add3A_458 : i32 to index
        %swap3A_567 = arith.constant 112 : index
        %swap3A_568 = tpu.vector_load %arg9[%swap3A_566, %swap3A_567] {strides = array<i32>} : memref<128x128xf32, #tpu.memory_space<vmem>>, vector<1x16xf32>,
        %swap3A_569 = vector.shape_cast %swap3A_568 : vector<1x16xf32> to vector<16xf32>
        %swap3A_570 = vector.shape_cast %mul3A_565 : vector<16xf32> to vector<1x16xf32>
        tpu.vector_store %arg9[%swap3A_566, %swap3A_567], %swap3A_570 {strides = array<i32>} : memref<128x128xf32, #tpu.memory_space<vmem>>, vector<1x16xf32>,
      }
      %scan3A_65 = arith.constant 128 : i32
      %mul3A_66 = arith.constant 128 : i32
      %mul3A_67 = arith.muli %add3A_49, %mul3A_66 : i32
      %add3A_68 = arith.addi %mul3A_0, %mul3A_67 : i32
      "tpu.region"() ({
        %run_scoped3A = tpu.sem_alloc : memref<!tpu.dma_semaphore, #tpu.memory_space<semaphore_mem>>
        %dma_start3A_102 = arith.constant 0 : i32
        %dma_start3A_103 = tpu.memref_slice %arg4[%arg0, %add3A_68, %dma_start3A_102] : memref<2x102400x128xf32, #tpu.memory_space<hbm>> -> memref<1x128x128xf32, #tpu.memory_space<hbm>>
        %dma_start3A_104 = tpu.memref_squeeze %dma_start3A_103 : memref<1x128x128xf32, #tpu.memory_space<hbm>> -> memref<128x128xf32, #tpu.memory_space<hbm>>
        %dma_start3A_105 = arith.constant 0 : i32
        %dma_start3A_106 = tpu.memref_slice %arg4[%arg0, %add3A_68, %dma_start3A_105] : memref<2x102400x128xf32, #tpu.memory_space<hbm>> -> memref<1x128x128xf32, #tpu.memory_space<hbm>>
        %dma_start3A_107 = tpu.memref_squeeze %dma_start3A_106 : memref<1x128x128xf32, #tpu.memory_space<hbm>> -> memref<128x128xf32, #tpu.memory_space<hbm>>
        tpu.enqueue_dma source(%arg9 : memref<128x128xf32, #tpu.memory_space<vmem>>) target(%dma_start3A_107 : memref<128x128xf32, #tpu.memory_space<hbm>>) target_semaphore(%run_scoped3A : memref<!tpu.dma_semaphore, #tpu.memory_space<semaphore_mem>>)
        %dma_wait3A_108 = arith.constant 0 : i32
        %dma_wait3A_109 = tpu.memref_slice %arg4[%arg0, %add3A_68, %dma_wait3A_108] : memref<2x102400x128xf32, #tpu.memory_space<hbm>> -> memref<1x128x128xf32, #tpu.memory_space<hbm>>
        %dma_wait3A_110 = tpu.memref_squeeze %dma_wait3A_109 : memref<1x128x128xf32, #tpu.memory_space<hbm>> -> memref<128x128xf32, #tpu.memory_space<hbm>>
        %dma_wait3A_111 = arith.constant 0 : i32
        %dma_wait3A_112 = tpu.memref_slice %arg4[%arg0, %add3A_68, %dma_wait3A_111] : memref<2x102400x128xf32, #tpu.memory_space<hbm>> -> memref<1x128x128xf32, #tpu.memory_space<hbm>>
        %dma_wait3A_113 = tpu.memref_squeeze %dma_wait3A_112 : memref<1x128x128xf32, #tpu.memory_space<hbm>> -> memref<128x128xf32, #tpu.memory_space<hbm>>
        tpu.wait_dma2 semaphore(%run_scoped3A : memref<!tpu.dma_semaphore, #tpu.memory_space<semaphore_mem>>) src(%arg9 : memref<128x128xf32, #tpu.memory_space<vmem>>) dst(%dma_wait3A_113 : memref<128x128xf32, #tpu.memory_space<hbm>>)
        tpu.yield
      }) : () -> ()
      %add3A_69 = arith.constant 2 : i32
      %add3A_70 = arith.addi %add3A_49, %add3A_69 : i32
      %lt3A = arith.constant 50 : i32
      %lt3A_71 = arith.cmpi slt, %add3A_70, %lt3A : i32
      %convert_element_type3A = arith.extui %lt3A_71 : i1 to i32
      %cond3A = arith.constant 0 : i32
      %cond3A_72 = arith.cmpi ne, %convert_element_type3A, %cond3A : i32
      scf.if %cond3A_72 {
        %add3A_102 = arith.constant 2 : i32
        %add3A_103 = arith.addi %add3A_49, %add3A_102 : i32
        %mul3A_104 = arith.constant 128 : i32
        %mul3A_105 = arith.muli %add3A_103, %mul3A_104 : i32
        %add3A_106 = arith.addi %mul3A_0, %mul3A_105 : i32
        %mul3A_107 = arith.constant 2 : i32
        %mul3A_108 = arith.muli %mul3A_107, %arg0 : i32
        %mul3A_109 = arith.constant 102400 : i32
        %mul3A_110 = arith.muli %mul3A_108, %mul3A_109 : i32
        %add3A_111 = arith.addi %mul3A_110, %add3A_106 : i32
        "tpu.region"() ({
          %run_scoped3A = tpu.sem_alloc : memref<!tpu.dma_semaphore, #tpu.memory_space<semaphore_mem>>
          %dma_start3A_125 = tpu.memref_slice %arg3[%add3A_111] : memref<409600xi32, #tpu.memory_space<hbm>> -> memref<128xi32, #tpu.memory_space<hbm>>
          %dma_start3A_126 = tpu.memref_slice %arg3[%add3A_111] : memref<409600xi32, #tpu.memory_space<hbm>> -> memref<128xi32, #tpu.memory_space<hbm>>
          tpu.enqueue_dma source(%dma_start3A_126 : memref<128xi32, #tpu.memory_space<hbm>>) target(%arg5 : memref<128xi32, #tpu.memory_space<vmem>>) target_semaphore(%run_scoped3A : memref<!tpu.dma_semaphore, #tpu.memory_space<semaphore_mem>>)
          %dma_wait3A_127 = tpu.memref_slice %arg3[%add3A_111] : memref<409600xi32, #tpu.memory_space<hbm>> -> memref<128xi32, #tpu.memory_space<hbm>>
          %dma_wait3A_128 = tpu.memref_slice %arg3[%add3A_111] : memref<409600xi32, #tpu.memory_space<hbm>> -> memref<128xi32, #tpu.memory_space<hbm>>
          tpu.wait_dma2 semaphore(%run_scoped3A : memref<!tpu.dma_semaphore, #tpu.memory_space<semaphore_mem>>) src(%dma_wait3A_128 : memref<128xi32, #tpu.memory_space<hbm>>) dst(%arg5 : memref<128xi32, #tpu.memory_space<vmem>>)
          tpu.yield
        }) : () -> ()
        %mul3A_112 = arith.constant 2 : i32
        %mul3A_113 = arith.muli %mul3A_112, %arg0 : i32
        %add3A_114 = arith.constant 1 : i32
        %add3A_115 = arith.addi %mul3A_113, %add3A_114 : i32
        %mul3A_116 = arith.constant 102400 : i32
        %mul3A_117 = arith.muli %add3A_115, %mul3A_116 : i32
        %add3A_118 = arith.addi %mul3A_117, %add3A_106 : i32
        "tpu.region"() ({
          %run_scoped3A = tpu.sem_alloc : memref<!tpu.dma_semaphore, #tpu.memory_space<semaphore_mem>>
          %dma_start3A_125 = tpu.memref_slice %arg3[%add3A_118] : memref<409600xi32, #tpu.memory_space<hbm>> -> memref<128xi32, #tpu.memory_space<hbm>>
          %dma_start3A_126 = tpu.memref_slice %arg3[%add3A_118] : memref<409600xi32, #tpu.memory_space<hbm>> -> memref<128xi32, #tpu.memory_space<hbm>>
          tpu.enqueue_dma source(%dma_start3A_126 : memref<128xi32, #tpu.memory_space<hbm>>) target(%arg7 : memref<128xi32, #tpu.memory_space<vmem>>) target_semaphore(%run_scoped3A : memref<!tpu.dma_semaphore, #tpu.memory_space<semaphore_mem>>)
          %dma_wait3A_127 = tpu.memref_slice %arg3[%add3A_118] : memref<409600xi32, #tpu.memory_space<hbm>> -> memref<128xi32, #tpu.memory_space<hbm>>
          %dma_wait3A_128 = tpu.memref_slice %arg3[%add3A_118] : memref<409600xi32, #tpu.memory_space<hbm>> -> memref<128xi32, #tpu.memory_space<hbm>>
          tpu.wait_dma2 semaphore(%run_scoped3A : memref<!tpu.dma_semaphore, #tpu.memory_space<semaphore_mem>>) src(%dma_wait3A_128 : memref<128xi32, #tpu.memory_space<hbm>>) dst(%arg7 : memref<128xi32, #tpu.memory_space<vmem>>)
          tpu.yield
        }) : () -> ()
        %dma_start3A_119 = arith.constant 0 : i32
        %dma_start3A_120 = arith.constant 0 : i32
        %dma_start3A_121 = tpu.memref_slice %arg2[%dma_start3A_119, %dma_start3A_120] : memref<10000x128xf32, #tpu.memory_space<hbm>> -> memref<10000x128xf32, #tpu.memory_space<hbm>>
        tpu.enqueue_indirect_dma source(%dma_start3A_121 : memref<10000x128xf32, #tpu.memory_space<hbm>>) target(%arg9 : memref<128x128xf32, #tpu.memory_space<vmem>>) offsets(%arg5 : memref<128xi32, #tpu.memory_space<vmem>>) semaphore(%arg13 : memref<!tpu.dma_semaphore, #tpu.memory_space<semaphore_mem>>)
        %dma_start3A_122 = arith.constant 0 : i32
        %dma_start3A_123 = arith.constant 0 : i32
        %dma_start3A_124 = tpu.memref_slice %arg2[%dma_start3A_122, %dma_start3A_123] : memref<10000x128xf32, #tpu.memory_space<hbm>> -> memref<10000x128xf32, #tpu.memory_space<hbm>>
        tpu.enqueue_indirect_dma source(%dma_start3A_124 : memref<10000x128xf32, #tpu.memory_space<hbm>>) target(%arg11 : memref<128x128xf32, #tpu.memory_space<vmem>>) offsets(%arg7 : memref<128xi32, #tpu.memory_space<vmem>>) semaphore(%arg15 : memref<!tpu.dma_semaphore, #tpu.memory_space<semaphore_mem>>)
      } else {
      }
      %add3A_73 = arith.constant 1 : i32
      %add3A_74 = arith.addi %add3A_47, %add3A_73 : i32
      %dma_wait3A_75 = arith.constant 0 : i32
      %dma_wait3A_76 = arith.constant 0 : i32
      %dma_wait3A_77 = tpu.memref_slice %arg2[%dma_wait3A_75, %dma_wait3A_76] : memref<10000x128xf32, #tpu.memory_space<hbm>> -> memref<128x128xf32, #tpu.memory_space<hbm>>
      %dma_wait3A_78 = arith.constant 0 : i32
      %dma_wait3A_79 = arith.constant 0 : i32
      %dma_wait3A_80 = tpu.memref_slice %arg2[%dma_wait3A_78, %dma_wait3A_79] : memref<10000x128xf32, #tpu.memory_space<hbm>> -> memref<128x128xf32, #tpu.memory_space<hbm>>
      tpu.wait_dma2 semaphore(%arg14 : memref<!tpu.dma_semaphore, #tpu.memory_space<semaphore_mem>>) src(%dma_wait3A_80 : memref<128x128xf32, #tpu.memory_space<hbm>>) dst(%arg10 : memref<128x128xf32, #tpu.memory_space<vmem>>)
      %dma_wait3A_81 = arith.constant 0 : i32
      %dma_wait3A_82 = arith.constant 0 : i32
      %dma_wait3A_83 = tpu.memref_slice %arg2[%dma_wait3A_81, %dma_wait3A_82] : memref<10000x128xf32, #tpu.memory_space<hbm>> -> memref<128x128xf32, #tpu.memory_space<hbm>>
      %dma_wait3A_84 = arith.constant 0 : i32
      %dma_wait3A_85 = arith.constant 0 : i32
      %dma_wait3A_86 = tpu.memref_slice %arg2[%dma_wait3A_84, %dma_wait3A_85] : memref<10000x128xf32, #tpu.memory_space<hbm>> -> memref<128x128xf32, #tpu.memory_space<hbm>>
      tpu.wait_dma2 semaphore(%arg16 : memref<!tpu.dma_semaphore, #tpu.memory_space<semaphore_mem>>) src(%dma_wait3A_86 : memref<128x128xf32, #tpu.memory_space<hbm>>) dst(%arg12 : memref<128x128xf32, #tpu.memory_space<vmem>>)
      %scan3A_87 = arith.constant 0 : i32
      %scan3A_88 = arith.constant 128 : i32
      %scan3A_89 = arith.addi %scan3A_87, %scan3A_88 : i32
      %scan3A_90 = arith.constant 4 : i32
      scf.for %scan3A_102 = %scan3A_87 to %scan3A_89 step %scan3A_90  : i32 {
        %mul3A_103 = arith.constant 1 : i32
        %mul3A_104 = arith.muli %scan3A_102, %mul3A_103 : i32
        %add3A_105 = arith.constant 0 : i32
        %add3A_106 = arith.addi %add3A_105, %mul3A_104 : i32
        %get3A = arith.index_cast %add3A_106 : i32 to index
        %get3A_107 = arith.constant 0 : index
        %get3A_108 = tpu.vector_load %arg10[%get3A, %get3A_107] {strides = array<i32>} : memref<128x128xf32, #tpu.memory_space<vmem>>, vector<1x16xf32>,
        %get3A_109 = vector.shape_cast %get3A_108 : vector<1x16xf32> to vector<16xf32>
        %get3A_110 = arith.index_cast %add3A_106 : i32 to index
        %get3A_111 = arith.constant 0 : index
        %get3A_112 = tpu.vector_load %arg12[%get3A_110, %get3A_111] {strides = array<i32>} : memref<128x128xf32, #tpu.memory_space<vmem>>, vector<1x16xf32>,
        %get3A_113 = vector.shape_cast %get3A_112 : vector<1x16xf32> to vector<16xf32>
        %mul3A_114 = arith.mulf %get3A_109, %get3A_113 : vector<16xf32>
        %swap3A = arith.index_cast %add3A_106 : i32 to index
        %swap3A_115 = arith.constant 0 : index
        %swap3A_116 = tpu.vector_load %arg10[%swap3A, %swap3A_115] {strides = array<i32>} : memref<128x128xf32, #tpu.memory_space<vmem>>, vector<1x16xf32>,
        %swap3A_117 = vector.shape_cast %swap3A_116 : vector<1x16xf32> to vector<16xf32>
        %swap3A_118 = vector.shape_cast %mul3A_114 : vector<16xf32> to vector<1x16xf32>
        tpu.vector_store %arg10[%swap3A, %swap3A_115], %swap3A_118 {strides = array<i32>} : memref<128x128xf32, #tpu.memory_space<vmem>>, vector<1x16xf32>,
        %get3A_119 = arith.index_cast %add3A_106 : i32 to index
        %get3A_120 = arith.constant 16 : index
        %get3A_121 = tpu.vector_load %arg10[%get3A_119, %get3A_120] {strides = array<i32>} : memref<128x128xf32, #tpu.memory_space<vmem>>, vector<1x16xf32>,
        %get3A_122 = vector.shape_cast %get3A_121 : vector<1x16xf32> to vector<16xf32>
        %get3A_123 = arith.index_cast %add3A_106 : i32 to index
        %get3A_124 = arith.constant 16 : index
        %get3A_125 = tpu.vector_load %arg12[%get3A_123, %get3A_124] {strides = array<i32>} : memref<128x128xf32, #tpu.memory_space<vmem>>, vector<1x16xf32>,
        %get3A_126 = vector.shape_cast %get3A_125 : vector<1x16xf32> to vector<16xf32>
        %mul3A_127 = arith.mulf %get3A_122, %get3A_126 : vector<16xf32>
        %swap3A_128 = arith.index_cast %add3A_106 : i32 to index
        %swap3A_129 = arith.constant 16 : index
        %swap3A_130 = tpu.vector_load %arg10[%swap3A_128, %swap3A_129] {strides = array<i32>} : memref<128x128xf32, #tpu.memory_space<vmem>>, vector<1x16xf32>,
        %swap3A_131 = vector.shape_cast %swap3A_130 : vector<1x16xf32> to vector<16xf32>
        %swap3A_132 = vector.shape_cast %mul3A_127 : vector<16xf32> to vector<1x16xf32>
        tpu.vector_store %arg10[%swap3A_128, %swap3A_129], %swap3A_132 {strides = array<i32>} : memref<128x128xf32, #tpu.memory_space<vmem>>, vector<1x16xf32>,
        %get3A_133 = arith.index_cast %add3A_106 : i32 to index
        %get3A_134 = arith.constant 32 : index
        %get3A_135 = tpu.vector_load %arg10[%get3A_133, %get3A_134] {strides = array<i32>} : memref<128x128xf32, #tpu.memory_space<vmem>>, vector<1x16xf32>,
        %get3A_136 = vector.shape_cast %get3A_135 : vector<1x16xf32> to vector<16xf32>
        %get3A_137 = arith.index_cast %add3A_106 : i32 to index
        %get3A_138 = arith.constant 32 : index
        %get3A_139 = tpu.vector_load %arg12[%get3A_137, %get3A_138] {strides = array<i32>} : memref<128x128xf32, #tpu.memory_space<vmem>>, vector<1x16xf32>,
        %get3A_140 = vector.shape_cast %get3A_139 : vector<1x16xf32> to vector<16xf32>
        %mul3A_141 = arith.mulf %get3A_136, %get3A_140 : vector<16xf32>
        %swap3A_142 = arith.index_cast %add3A_106 : i32 to index
        %swap3A_143 = arith.constant 32 : index
        %swap3A_144 = tpu.vector_load %arg10[%swap3A_142, %swap3A_143] {strides = array<i32>} : memref<128x128xf32, #tpu.memory_space<vmem>>, vector<1x16xf32>,
        %swap3A_145 = vector.shape_cast %swap3A_144 : vector<1x16xf32> to vector<16xf32>
        %swap3A_146 = vector.shape_cast %mul3A_141 : vector<16xf32> to vector<1x16xf32>
        tpu.vector_store %arg10[%swap3A_142, %swap3A_143], %swap3A_146 {strides = array<i32>} : memref<128x128xf32, #tpu.memory_space<vmem>>, vector<1x16xf32>,
        %get3A_147 = arith.index_cast %add3A_106 : i32 to index
        %get3A_148 = arith.constant 48 : index
        %get3A_149 = tpu.vector_load %arg10[%get3A_147, %get3A_148] {strides = array<i32>} : memref<128x128xf32, #tpu.memory_space<vmem>>, vector<1x16xf32>,
        %get3A_150 = vector.shape_cast %get3A_149 : vector<1x16xf32> to vector<16xf32>
        %get3A_151 = arith.index_cast %add3A_106 : i32 to index
        %get3A_152 = arith.constant 48 : index
        %get3A_153 = tpu.vector_load %arg12[%get3A_151, %get3A_152] {strides = array<i32>} : memref<128x128xf32, #tpu.memory_space<vmem>>, vector<1x16xf32>,
        %get3A_154 = vector.shape_cast %get3A_153 : vector<1x16xf32> to vector<16xf32>
        %mul3A_155 = arith.mulf %get3A_150, %get3A_154 : vector<16xf32>
        %swap3A_156 = arith.index_cast %add3A_106 : i32 to index
        %swap3A_157 = arith.constant 48 : index
        %swap3A_158 = tpu.vector_load %arg10[%swap3A_156, %swap3A_157] {strides = array<i32>} : memref<128x128xf32, #tpu.memory_space<vmem>>, vector<1x16xf32>,
        %swap3A_159 = vector.shape_cast %swap3A_158 : vector<1x16xf32> to vector<16xf32>
        %swap3A_160 = vector.shape_cast %mul3A_155 : vector<16xf32> to vector<1x16xf32>
        tpu.vector_store %arg10[%swap3A_156, %swap3A_157], %swap3A_160 {strides = array<i32>} : memref<128x128xf32, #tpu.memory_space<vmem>>, vector<1x16xf32>,
        %get3A_161 = arith.index_cast %add3A_106 : i32 to index
        %get3A_162 = arith.constant 64 : index
        %get3A_163 = tpu.vector_load %arg10[%get3A_161, %get3A_162] {strides = array<i32>} : memref<128x128xf32, #tpu.memory_space<vmem>>, vector<1x16xf32>,
        %get3A_164 = vector.shape_cast %get3A_163 : vector<1x16xf32> to vector<16xf32>
        %get3A_165 = arith.index_cast %add3A_106 : i32 to index
        %get3A_166 = arith.constant 64 : index
        %get3A_167 = tpu.vector_load %arg12[%get3A_165, %get3A_166] {strides = array<i32>} : memref<128x128xf32, #tpu.memory_space<vmem>>, vector<1x16xf32>,
        %get3A_168 = vector.shape_cast %get3A_167 : vector<1x16xf32> to vector<16xf32>
        %mul3A_169 = arith.mulf %get3A_164, %get3A_168 : vector<16xf32>
        %swap3A_170 = arith.index_cast %add3A_106 : i32 to index
        %swap3A_171 = arith.constant 64 : index
        %swap3A_172 = tpu.vector_load %arg10[%swap3A_170, %swap3A_171] {strides = array<i32>} : memref<128x128xf32, #tpu.memory_space<vmem>>, vector<1x16xf32>,
        %swap3A_173 = vector.shape_cast %swap3A_172 : vector<1x16xf32> to vector<16xf32>
        %swap3A_174 = vector.shape_cast %mul3A_169 : vector<16xf32> to vector<1x16xf32>
        tpu.vector_store %arg10[%swap3A_170, %swap3A_171], %swap3A_174 {strides = array<i32>} : memref<128x128xf32, #tpu.memory_space<vmem>>, vector<1x16xf32>,
        %get3A_175 = arith.index_cast %add3A_106 : i32 to index
        %get3A_176 = arith.constant 80 : index
        %get3A_177 = tpu.vector_load %arg10[%get3A_175, %get3A_176] {strides = array<i32>} : memref<128x128xf32, #tpu.memory_space<vmem>>, vector<1x16xf32>,
        %get3A_178 = vector.shape_cast %get3A_177 : vector<1x16xf32> to vector<16xf32>
        %get3A_179 = arith.index_cast %add3A_106 : i32 to index
        %get3A_180 = arith.constant 80 : index
        %get3A_181 = tpu.vector_load %arg12[%get3A_179, %get3A_180] {strides = array<i32>} : memref<128x128xf32, #tpu.memory_space<vmem>>, vector<1x16xf32>,
        %get3A_182 = vector.shape_cast %get3A_181 : vector<1x16xf32> to vector<16xf32>
        %mul3A_183 = arith.mulf %get3A_178, %get3A_182 : vector<16xf32>
        %swap3A_184 = arith.index_cast %add3A_106 : i32 to index
        %swap3A_185 = arith.constant 80 : index
        %swap3A_186 = tpu.vector_load %arg10[%swap3A_184, %swap3A_185] {strides = array<i32>} : memref<128x128xf32, #tpu.memory_space<vmem>>, vector<1x16xf32>,
        %swap3A_187 = vector.shape_cast %swap3A_186 : vector<1x16xf32> to vector<16xf32>
        %swap3A_188 = vector.shape_cast %mul3A_183 : vector<16xf32> to vector<1x16xf32>
        tpu.vector_store %arg10[%swap3A_184, %swap3A_185], %swap3A_188 {strides = array<i32>} : memref<128x128xf32, #tpu.memory_space<vmem>>, vector<1x16xf32>,
        %get3A_189 = arith.index_cast %add3A_106 : i32 to index
        %get3A_190 = arith.constant 96 : index
        %get3A_191 = tpu.vector_load %arg10[%get3A_189, %get3A_190] {strides = array<i32>} : memref<128x128xf32, #tpu.memory_space<vmem>>, vector<1x16xf32>,
        %get3A_192 = vector.shape_cast %get3A_191 : vector<1x16xf32> to vector<16xf32>
        %get3A_193 = arith.index_cast %add3A_106 : i32 to index
        %get3A_194 = arith.constant 96 : index
        %get3A_195 = tpu.vector_load %arg12[%get3A_193, %get3A_194] {strides = array<i32>} : memref<128x128xf32, #tpu.memory_space<vmem>>, vector<1x16xf32>,
        %get3A_196 = vector.shape_cast %get3A_195 : vector<1x16xf32> to vector<16xf32>
        %mul3A_197 = arith.mulf %get3A_192, %get3A_196 : vector<16xf32>
        %swap3A_198 = arith.index_cast %add3A_106 : i32 to index
        %swap3A_199 = arith.constant 96 : index
        %swap3A_200 = tpu.vector_load %arg10[%swap3A_198, %swap3A_199] {strides = array<i32>} : memref<128x128xf32, #tpu.memory_space<vmem>>, vector<1x16xf32>,
        %swap3A_201 = vector.shape_cast %swap3A_200 : vector<1x16xf32> to vector<16xf32>
        %swap3A_202 = vector.shape_cast %mul3A_197 : vector<16xf32> to vector<1x16xf32>
        tpu.vector_store %arg10[%swap3A_198, %swap3A_199], %swap3A_202 {strides = array<i32>} : memref<128x128xf32, #tpu.memory_space<vmem>>, vector<1x16xf32>,
        %get3A_203 = arith.index_cast %add3A_106 : i32 to index
        %get3A_204 = arith.constant 112 : index
        %get3A_205 = tpu.vector_load %arg10[%get3A_203, %get3A_204] {strides = array<i32>} : memref<128x128xf32, #tpu.memory_space<vmem>>, vector<1x16xf32>,
        %get3A_206 = vector.shape_cast %get3A_205 : vector<1x16xf32> to vector<16xf32>
        %get3A_207 = arith.index_cast %add3A_106 : i32 to index
        %get3A_208 = arith.constant 112 : index
        %get3A_209 = tpu.vector_load %arg12[%get3A_207, %get3A_208] {strides = array<i32>} : memref<128x128xf32, #tpu.memory_space<vmem>>, vector<1x16xf32>,
        %get3A_210 = vector.shape_cast %get3A_209 : vector<1x16xf32> to vector<16xf32>
        %mul3A_211 = arith.mulf %get3A_206, %get3A_210 : vector<16xf32>
        %swap3A_212 = arith.index_cast %add3A_106 : i32 to index
        %swap3A_213 = arith.constant 112 : index
        %swap3A_214 = tpu.vector_load %arg10[%swap3A_212, %swap3A_213] {strides = array<i32>} : memref<128x128xf32, #tpu.memory_space<vmem>>, vector<1x16xf32>,
        %swap3A_215 = vector.shape_cast %swap3A_214 : vector<1x16xf32> to vector<16xf32>
        %swap3A_216 = vector.shape_cast %mul3A_211 : vector<16xf32> to vector<1x16xf32>
        tpu.vector_store %arg10[%swap3A_212, %swap3A_213], %swap3A_216 {strides = array<i32>} : memref<128x128xf32, #tpu.memory_space<vmem>>, vector<1x16xf32>,
        %scan3A_217 = arith.constant 1 : i32
        %scan3A_218 = arith.addi %scan3A_102, %scan3A_217 : i32
        %mul3A_219 = arith.constant 1 : i32
        %mul3A_220 = arith.muli %scan3A_218, %mul3A_219 : i32
        %add3A_221 = arith.constant 0 : i32
        %add3A_222 = arith.addi %add3A_221, %mul3A_220 : i32
        %get3A_223 = arith.index_cast %add3A_222 : i32 to index
        %get3A_224 = arith.constant 0 : index
        %get3A_225 = tpu.vector_load %arg10[%get3A_223, %get3A_224] {strides = array<i32>} : memref<128x128xf32, #tpu.memory_space<vmem>>, vector<1x16xf32>,
        %get3A_226 = vector.shape_cast %get3A_225 : vector<1x16xf32> to vector<16xf32>
        %get3A_227 = arith.index_cast %add3A_222 : i32 to index
        %get3A_228 = arith.constant 0 : index
        %get3A_229 = tpu.vector_load %arg12[%get3A_227, %get3A_228] {strides = array<i32>} : memref<128x128xf32, #tpu.memory_space<vmem>>, vector<1x16xf32>,
        %get3A_230 = vector.shape_cast %get3A_229 : vector<1x16xf32> to vector<16xf32>
        %mul3A_231 = arith.mulf %get3A_226, %get3A_230 : vector<16xf32>
        %swap3A_232 = arith.index_cast %add3A_222 : i32 to index
        %swap3A_233 = arith.constant 0 : index
        %swap3A_234 = tpu.vector_load %arg10[%swap3A_232, %swap3A_233] {strides = array<i32>} : memref<128x128xf32, #tpu.memory_space<vmem>>, vector<1x16xf32>,
        %swap3A_235 = vector.shape_cast %swap3A_234 : vector<1x16xf32> to vector<16xf32>
        %swap3A_236 = vector.shape_cast %mul3A_231 : vector<16xf32> to vector<1x16xf32>
        tpu.vector_store %arg10[%swap3A_232, %swap3A_233], %swap3A_236 {strides = array<i32>} : memref<128x128xf32, #tpu.memory_space<vmem>>, vector<1x16xf32>,
        %get3A_237 = arith.index_cast %add3A_222 : i32 to index
        %get3A_238 = arith.constant 16 : index
        %get3A_239 = tpu.vector_load %arg10[%get3A_237, %get3A_238] {strides = array<i32>} : memref<128x128xf32, #tpu.memory_space<vmem>>, vector<1x16xf32>,
        %get3A_240 = vector.shape_cast %get3A_239 : vector<1x16xf32> to vector<16xf32>
        %get3A_241 = arith.index_cast %add3A_222 : i32 to index
        %get3A_242 = arith.constant 16 : index
        %get3A_243 = tpu.vector_load %arg12[%get3A_241, %get3A_242] {strides = array<i32>} : memref<128x128xf32, #tpu.memory_space<vmem>>, vector<1x16xf32>,
        %get3A_244 = vector.shape_cast %get3A_243 : vector<1x16xf32> to vector<16xf32>
        %mul3A_245 = arith.mulf %get3A_240, %get3A_244 : vector<16xf32>
        %swap3A_246 = arith.index_cast %add3A_222 : i32 to index
        %swap3A_247 = arith.constant 16 : index
        %swap3A_248 = tpu.vector_load %arg10[%swap3A_246, %swap3A_247] {strides = array<i32>} : memref<128x128xf32, #tpu.memory_space<vmem>>, vector<1x16xf32>,
        %swap3A_249 = vector.shape_cast %swap3A_248 : vector<1x16xf32> to vector<16xf32>
        %swap3A_250 = vector.shape_cast %mul3A_245 : vector<16xf32> to vector<1x16xf32>
        tpu.vector_store %arg10[%swap3A_246, %swap3A_247], %swap3A_250 {strides = array<i32>} : memref<128x128xf32, #tpu.memory_space<vmem>>, vector<1x16xf32>,
        %get3A_251 = arith.index_cast %add3A_222 : i32 to index
        %get3A_252 = arith.constant 32 : index
        %get3A_253 = tpu.vector_load %arg10[%get3A_251, %get3A_252] {strides = array<i32>} : memref<128x128xf32, #tpu.memory_space<vmem>>, vector<1x16xf32>,
        %get3A_254 = vector.shape_cast %get3A_253 : vector<1x16xf32> to vector<16xf32>
        %get3A_255 = arith.index_cast %add3A_222 : i32 to index
        %get3A_256 = arith.constant 32 : index
        %get3A_257 = tpu.vector_load %arg12[%get3A_255, %get3A_256] {strides = array<i32>} : memref<128x128xf32, #tpu.memory_space<vmem>>, vector<1x16xf32>,
        %get3A_258 = vector.shape_cast %get3A_257 : vector<1x16xf32> to vector<16xf32>
        %mul3A_259 = arith.mulf %get3A_254, %get3A_258 : vector<16xf32>
        %swap3A_260 = arith.index_cast %add3A_222 : i32 to index
        %swap3A_261 = arith.constant 32 : index
        %swap3A_262 = tpu.vector_load %arg10[%swap3A_260, %swap3A_261] {strides = array<i32>} : memref<128x128xf32, #tpu.memory_space<vmem>>, vector<1x16xf32>,
        %swap3A_263 = vector.shape_cast %swap3A_262 : vector<1x16xf32> to vector<16xf32>
        %swap3A_264 = vector.shape_cast %mul3A_259 : vector<16xf32> to vector<1x16xf32>
        tpu.vector_store %arg10[%swap3A_260, %swap3A_261], %swap3A_264 {strides = array<i32>} : memref<128x128xf32, #tpu.memory_space<vmem>>, vector<1x16xf32>,
        %get3A_265 = arith.index_cast %add3A_222 : i32 to index
        %get3A_266 = arith.constant 48 : index
        %get3A_267 = tpu.vector_load %arg10[%get3A_265, %get3A_266] {strides = array<i32>} : memref<128x128xf32, #tpu.memory_space<vmem>>, vector<1x16xf32>,
        %get3A_268 = vector.shape_cast %get3A_267 : vector<1x16xf32> to vector<16xf32>
        %get3A_269 = arith.index_cast %add3A_222 : i32 to index
        %get3A_270 = arith.constant 48 : index
        %get3A_271 = tpu.vector_load %arg12[%get3A_269, %get3A_270] {strides = array<i32>} : memref<128x128xf32, #tpu.memory_space<vmem>>, vector<1x16xf32>,
        %get3A_272 = vector.shape_cast %get3A_271 : vector<1x16xf32> to vector<16xf32>
        %mul3A_273 = arith.mulf %get3A_268, %get3A_272 : vector<16xf32>
        %swap3A_274 = arith.index_cast %add3A_222 : i32 to index
        %swap3A_275 = arith.constant 48 : index
        %swap3A_276 = tpu.vector_load %arg10[%swap3A_274, %swap3A_275] {strides = array<i32>} : memref<128x128xf32, #tpu.memory_space<vmem>>, vector<1x16xf32>,
        %swap3A_277 = vector.shape_cast %swap3A_276 : vector<1x16xf32> to vector<16xf32>
        %swap3A_278 = vector.shape_cast %mul3A_273 : vector<16xf32> to vector<1x16xf32>
        tpu.vector_store %arg10[%swap3A_274, %swap3A_275], %swap3A_278 {strides = array<i32>} : memref<128x128xf32, #tpu.memory_space<vmem>>, vector<1x16xf32>,
        %get3A_279 = arith.index_cast %add3A_222 : i32 to index
        %get3A_280 = arith.constant 64 : index
        %get3A_281 = tpu.vector_load %arg10[%get3A_279, %get3A_280] {strides = array<i32>} : memref<128x128xf32, #tpu.memory_space<vmem>>, vector<1x16xf32>,
        %get3A_282 = vector.shape_cast %get3A_281 : vector<1x16xf32> to vector<16xf32>
        %get3A_283 = arith.index_cast %add3A_222 : i32 to index
        %get3A_284 = arith.constant 64 : index
        %get3A_285 = tpu.vector_load %arg12[%get3A_283, %get3A_284] {strides = array<i32>} : memref<128x128xf32, #tpu.memory_space<vmem>>, vector<1x16xf32>,
        %get3A_286 = vector.shape_cast %get3A_285 : vector<1x16xf32> to vector<16xf32>
        %mul3A_287 = arith.mulf %get3A_282, %get3A_286 : vector<16xf32>
        %swap3A_288 = arith.index_cast %add3A_222 : i32 to index
        %swap3A_289 = arith.constant 64 : index
        %swap3A_290 = tpu.vector_load %arg10[%swap3A_288, %swap3A_289] {strides = array<i32>} : memref<128x128xf32, #tpu.memory_space<vmem>>, vector<1x16xf32>,
        %swap3A_291 = vector.shape_cast %swap3A_290 : vector<1x16xf32> to vector<16xf32>
        %swap3A_292 = vector.shape_cast %mul3A_287 : vector<16xf32> to vector<1x16xf32>
        tpu.vector_store %arg10[%swap3A_288, %swap3A_289], %swap3A_292 {strides = array<i32>} : memref<128x128xf32, #tpu.memory_space<vmem>>, vector<1x16xf32>,
        %get3A_293 = arith.index_cast %add3A_222 : i32 to index
        %get3A_294 = arith.constant 80 : index
        %get3A_295 = tpu.vector_load %arg10[%get3A_293, %get3A_294] {strides = array<i32>} : memref<128x128xf32, #tpu.memory_space<vmem>>, vector<1x16xf32>,
        %get3A_296 = vector.shape_cast %get3A_295 : vector<1x16xf32> to vector<16xf32>
        %get3A_297 = arith.index_cast %add3A_222 : i32 to index
        %get3A_298 = arith.constant 80 : index
        %get3A_299 = tpu.vector_load %arg12[%get3A_297, %get3A_298] {strides = array<i32>} : memref<128x128xf32, #tpu.memory_space<vmem>>, vector<1x16xf32>,
        %get3A_300 = vector.shape_cast %get3A_299 : vector<1x16xf32> to vector<16xf32>
        %mul3A_301 = arith.mulf %get3A_296, %get3A_300 : vector<16xf32>
        %swap3A_302 = arith.index_cast %add3A_222 : i32 to index
        %swap3A_303 = arith.constant 80 : index
        %swap3A_304 = tpu.vector_load %arg10[%swap3A_302, %swap3A_303] {strides = array<i32>} : memref<128x128xf32, #tpu.memory_space<vmem>>, vector<1x16xf32>,
        %swap3A_305 = vector.shape_cast %swap3A_304 : vector<1x16xf32> to vector<16xf32>
        %swap3A_306 = vector.shape_cast %mul3A_301 : vector<16xf32> to vector<1x16xf32>
        tpu.vector_store %arg10[%swap3A_302, %swap3A_303], %swap3A_306 {strides = array<i32>} : memref<128x128xf32, #tpu.memory_space<vmem>>, vector<1x16xf32>,
        %get3A_307 = arith.index_cast %add3A_222 : i32 to index
        %get3A_308 = arith.constant 96 : index
        %get3A_309 = tpu.vector_load %arg10[%get3A_307, %get3A_308] {strides = array<i32>} : memref<128x128xf32, #tpu.memory_space<vmem>>, vector<1x16xf32>,
        %get3A_310 = vector.shape_cast %get3A_309 : vector<1x16xf32> to vector<16xf32>
        %get3A_311 = arith.index_cast %add3A_222 : i32 to index
        %get3A_312 = arith.constant 96 : index
        %get3A_313 = tpu.vector_load %arg12[%get3A_311, %get3A_312] {strides = array<i32>} : memref<128x128xf32, #tpu.memory_space<vmem>>, vector<1x16xf32>,
        %get3A_314 = vector.shape_cast %get3A_313 : vector<1x16xf32> to vector<16xf32>
        %mul3A_315 = arith.mulf %get3A_310, %get3A_314 : vector<16xf32>
        %swap3A_316 = arith.index_cast %add3A_222 : i32 to index
        %swap3A_317 = arith.constant 96 : index
        %swap3A_318 = tpu.vector_load %arg10[%swap3A_316, %swap3A_317] {strides = array<i32>} : memref<128x128xf32, #tpu.memory_space<vmem>>, vector<1x16xf32>,
        %swap3A_319 = vector.shape_cast %swap3A_318 : vector<1x16xf32> to vector<16xf32>
        %swap3A_320 = vector.shape_cast %mul3A_315 : vector<16xf32> to vector<1x16xf32>
        tpu.vector_store %arg10[%swap3A_316, %swap3A_317], %swap3A_320 {strides = array<i32>} : memref<128x128xf32, #tpu.memory_space<vmem>>, vector<1x16xf32>,
        %get3A_321 = arith.index_cast %add3A_222 : i32 to index
        %get3A_322 = arith.constant 112 : index
        %get3A_323 = tpu.vector_load %arg10[%get3A_321, %get3A_322] {strides = array<i32>} : memref<128x128xf32, #tpu.memory_space<vmem>>, vector<1x16xf32>,
        %get3A_324 = vector.shape_cast %get3A_323 : vector<1x16xf32> to vector<16xf32>
        %get3A_325 = arith.index_cast %add3A_222 : i32 to index
        %get3A_326 = arith.constant 112 : index
        %get3A_327 = tpu.vector_load %arg12[%get3A_325, %get3A_326] {strides = array<i32>} : memref<128x128xf32, #tpu.memory_space<vmem>>, vector<1x16xf32>,
        %get3A_328 = vector.shape_cast %get3A_327 : vector<1x16xf32> to vector<16xf32>
        %mul3A_329 = arith.mulf %get3A_324, %get3A_328 : vector<16xf32>
        %swap3A_330 = arith.index_cast %add3A_222 : i32 to index
        %swap3A_331 = arith.constant 112 : index
        %swap3A_332 = tpu.vector_load %arg10[%swap3A_330, %swap3A_331] {strides = array<i32>} : memref<128x128xf32, #tpu.memory_space<vmem>>, vector<1x16xf32>,
        %swap3A_333 = vector.shape_cast %swap3A_332 : vector<1x16xf32> to vector<16xf32>
        %swap3A_334 = vector.shape_cast %mul3A_329 : vector<16xf32> to vector<1x16xf32>
        tpu.vector_store %arg10[%swap3A_330, %swap3A_331], %swap3A_334 {strides = array<i32>} : memref<128x128xf32, #tpu.memory_space<vmem>>, vector<1x16xf32>,
        %scan3A_335 = arith.constant 2 : i32
        %scan3A_336 = arith.addi %scan3A_102, %scan3A_335 : i32
        %mul3A_337 = arith.constant 1 : i32
        %mul3A_338 = arith.muli %scan3A_336, %mul3A_337 : i32
        %add3A_339 = arith.constant 0 : i32
        %add3A_340 = arith.addi %add3A_339, %mul3A_338 : i32
        %get3A_341 = arith.index_cast %add3A_340 : i32 to index
        %get3A_342 = arith.constant 0 : index
        %get3A_343 = tpu.vector_load %arg10[%get3A_341, %get3A_342] {strides = array<i32>} : memref<128x128xf32, #tpu.memory_space<vmem>>, vector<1x16xf32>,
        %get3A_344 = vector.shape_cast %get3A_343 : vector<1x16xf32> to vector<16xf32>
        %get3A_345 = arith.index_cast %add3A_340 : i32 to index
        %get3A_346 = arith.constant 0 : index
        %get3A_347 = tpu.vector_load %arg12[%get3A_345, %get3A_346] {strides = array<i32>} : memref<128x128xf32, #tpu.memory_space<vmem>>, vector<1x16xf32>,
        %get3A_348 = vector.shape_cast %get3A_347 : vector<1x16xf32> to vector<16xf32>
        %mul3A_349 = arith.mulf %get3A_344, %get3A_348 : vector<16xf32>
        %swap3A_350 = arith.index_cast %add3A_340 : i32 to index
        %swap3A_351 = arith.constant 0 : index
        %swap3A_352 = tpu.vector_load %arg10[%swap3A_350, %swap3A_351] {strides = array<i32>} : memref<128x128xf32, #tpu.memory_space<vmem>>, vector<1x16xf32>,
        %swap3A_353 = vector.shape_cast %swap3A_352 : vector<1x16xf32> to vector<16xf32>
        %swap3A_354 = vector.shape_cast %mul3A_349 : vector<16xf32> to vector<1x16xf32>
        tpu.vector_store %arg10[%swap3A_350, %swap3A_351], %swap3A_354 {strides = array<i32>} : memref<128x128xf32, #tpu.memory_space<vmem>>, vector<1x16xf32>,
        %get3A_355 = arith.index_cast %add3A_340 : i32 to index
        %get3A_356 = arith.constant 16 : index
        %get3A_357 = tpu.vector_load %arg10[%get3A_355, %get3A_356] {strides = array<i32>} : memref<128x128xf32, #tpu.memory_space<vmem>>, vector<1x16xf32>,
        %get3A_358 = vector.shape_cast %get3A_357 : vector<1x16xf32> to vector<16xf32>
        %get3A_359 = arith.index_cast %add3A_340 : i32 to index
        %get3A_360 = arith.constant 16 : index
        %get3A_361 = tpu.vector_load %arg12[%get3A_359, %get3A_360] {strides = array<i32>} : memref<128x128xf32, #tpu.memory_space<vmem>>, vector<1x16xf32>,
        %get3A_362 = vector.shape_cast %get3A_361 : vector<1x16xf32> to vector<16xf32>
        %mul3A_363 = arith.mulf %get3A_358, %get3A_362 : vector<16xf32>
        %swap3A_364 = arith.index_cast %add3A_340 : i32 to index
        %swap3A_365 = arith.constant 16 : index
        %swap3A_366 = tpu.vector_load %arg10[%swap3A_364, %swap3A_365] {strides = array<i32>} : memref<128x128xf32, #tpu.memory_space<vmem>>, vector<1x16xf32>,
        %swap3A_367 = vector.shape_cast %swap3A_366 : vector<1x16xf32> to vector<16xf32>
        %swap3A_368 = vector.shape_cast %mul3A_363 : vector<16xf32> to vector<1x16xf32>
        tpu.vector_store %arg10[%swap3A_364, %swap3A_365], %swap3A_368 {strides = array<i32>} : memref<128x128xf32, #tpu.memory_space<vmem>>, vector<1x16xf32>,
        %get3A_369 = arith.index_cast %add3A_340 : i32 to index
        %get3A_370 = arith.constant 32 : index
        %get3A_371 = tpu.vector_load %arg10[%get3A_369, %get3A_370] {strides = array<i32>} : memref<128x128xf32, #tpu.memory_space<vmem>>, vector<1x16xf32>,
        %get3A_372 = vector.shape_cast %get3A_371 : vector<1x16xf32> to vector<16xf32>
        %get3A_373 = arith.index_cast %add3A_340 : i32 to index
        %get3A_374 = arith.constant 32 : index
        %get3A_375 = tpu.vector_load %arg12[%get3A_373, %get3A_374] {strides = array<i32>} : memref<128x128xf32, #tpu.memory_space<vmem>>, vector<1x16xf32>,
        %get3A_376 = vector.shape_cast %get3A_375 : vector<1x16xf32> to vector<16xf32>
        %mul3A_377 = arith.mulf %get3A_372, %get3A_376 : vector<16xf32>
        %swap3A_378 = arith.index_cast %add3A_340 : i32 to index
        %swap3A_379 = arith.constant 32 : index
        %swap3A_380 = tpu.vector_load %arg10[%swap3A_378, %swap3A_379] {strides = array<i32>} : memref<128x128xf32, #tpu.memory_space<vmem>>, vector<1x16xf32>,
        %swap3A_381 = vector.shape_cast %swap3A_380 : vector<1x16xf32> to vector<16xf32>
        %swap3A_382 = vector.shape_cast %mul3A_377 : vector<16xf32> to vector<1x16xf32>
        tpu.vector_store %arg10[%swap3A_378, %swap3A_379], %swap3A_382 {strides = array<i32>} : memref<128x128xf32, #tpu.memory_space<vmem>>, vector<1x16xf32>,
        %get3A_383 = arith.index_cast %add3A_340 : i32 to index
        %get3A_384 = arith.constant 48 : index
        %get3A_385 = tpu.vector_load %arg10[%get3A_383, %get3A_384] {strides = array<i32>} : memref<128x128xf32, #tpu.memory_space<vmem>>, vector<1x16xf32>,
        %get3A_386 = vector.shape_cast %get3A_385 : vector<1x16xf32> to vector<16xf32>
        %get3A_387 = arith.index_cast %add3A_340 : i32 to index
        %get3A_388 = arith.constant 48 : index
        %get3A_389 = tpu.vector_load %arg12[%get3A_387, %get3A_388] {strides = array<i32>} : memref<128x128xf32, #tpu.memory_space<vmem>>, vector<1x16xf32>,
        %get3A_390 = vector.shape_cast %get3A_389 : vector<1x16xf32> to vector<16xf32>
        %mul3A_391 = arith.mulf %get3A_386, %get3A_390 : vector<16xf32>
        %swap3A_392 = arith.index_cast %add3A_340 : i32 to index
        %swap3A_393 = arith.constant 48 : index
        %swap3A_394 = tpu.vector_load %arg10[%swap3A_392, %swap3A_393] {strides = array<i32>} : memref<128x128xf32, #tpu.memory_space<vmem>>, vector<1x16xf32>,
        %swap3A_395 = vector.shape_cast %swap3A_394 : vector<1x16xf32> to vector<16xf32>
        %swap3A_396 = vector.shape_cast %mul3A_391 : vector<16xf32> to vector<1x16xf32>
        tpu.vector_store %arg10[%swap3A_392, %swap3A_393], %swap3A_396 {strides = array<i32>} : memref<128x128xf32, #tpu.memory_space<vmem>>, vector<1x16xf32>,
        %get3A_397 = arith.index_cast %add3A_340 : i32 to index
        %get3A_398 = arith.constant 64 : index
        %get3A_399 = tpu.vector_load %arg10[%get3A_397, %get3A_398] {strides = array<i32>} : memref<128x128xf32, #tpu.memory_space<vmem>>, vector<1x16xf32>,
        %get3A_400 = vector.shape_cast %get3A_399 : vector<1x16xf32> to vector<16xf32>
        %get3A_401 = arith.index_cast %add3A_340 : i32 to index
        %get3A_402 = arith.constant 64 : index
        %get3A_403 = tpu.vector_load %arg12[%get3A_401, %get3A_402] {strides = array<i32>} : memref<128x128xf32, #tpu.memory_space<vmem>>, vector<1x16xf32>,
        %get3A_404 = vector.shape_cast %get3A_403 : vector<1x16xf32> to vector<16xf32>
        %mul3A_405 = arith.mulf %get3A_400, %get3A_404 : vector<16xf32>
        %swap3A_406 = arith.index_cast %add3A_340 : i32 to index
        %swap3A_407 = arith.constant 64 : index
        %swap3A_408 = tpu.vector_load %arg10[%swap3A_406, %swap3A_407] {strides = array<i32>} : memref<128x128xf32, #tpu.memory_space<vmem>>, vector<1x16xf32>,
        %swap3A_409 = vector.shape_cast %swap3A_408 : vector<1x16xf32> to vector<16xf32>
        %swap3A_410 = vector.shape_cast %mul3A_405 : vector<16xf32> to vector<1x16xf32>
        tpu.vector_store %arg10[%swap3A_406, %swap3A_407], %swap3A_410 {strides = array<i32>} : memref<128x128xf32, #tpu.memory_space<vmem>>, vector<1x16xf32>,
        %get3A_411 = arith.index_cast %add3A_340 : i32 to index
        %get3A_412 = arith.constant 80 : index
        %get3A_413 = tpu.vector_load %arg10[%get3A_411, %get3A_412] {strides = array<i32>} : memref<128x128xf32, #tpu.memory_space<vmem>>, vector<1x16xf32>,
        %get3A_414 = vector.shape_cast %get3A_413 : vector<1x16xf32> to vector<16xf32>
        %get3A_415 = arith.index_cast %add3A_340 : i32 to index
        %get3A_416 = arith.constant 80 : index
        %get3A_417 = tpu.vector_load %arg12[%get3A_415, %get3A_416] {strides = array<i32>} : memref<128x128xf32, #tpu.memory_space<vmem>>, vector<1x16xf32>,
        %get3A_418 = vector.shape_cast %get3A_417 : vector<1x16xf32> to vector<16xf32>
        %mul3A_419 = arith.mulf %get3A_414, %get3A_418 : vector<16xf32>
        %swap3A_420 = arith.index_cast %add3A_340 : i32 to index
        %swap3A_421 = arith.constant 80 : index
        %swap3A_422 = tpu.vector_load %arg10[%swap3A_420, %swap3A_421] {strides = array<i32>} : memref<128x128xf32, #tpu.memory_space<vmem>>, vector<1x16xf32>,
        %swap3A_423 = vector.shape_cast %swap3A_422 : vector<1x16xf32> to vector<16xf32>
        %swap3A_424 = vector.shape_cast %mul3A_419 : vector<16xf32> to vector<1x16xf32>
        tpu.vector_store %arg10[%swap3A_420, %swap3A_421], %swap3A_424 {strides = array<i32>} : memref<128x128xf32, #tpu.memory_space<vmem>>, vector<1x16xf32>,
        %get3A_425 = arith.index_cast %add3A_340 : i32 to index
        %get3A_426 = arith.constant 96 : index
        %get3A_427 = tpu.vector_load %arg10[%get3A_425, %get3A_426] {strides = array<i32>} : memref<128x128xf32, #tpu.memory_space<vmem>>, vector<1x16xf32>,
        %get3A_428 = vector.shape_cast %get3A_427 : vector<1x16xf32> to vector<16xf32>
        %get3A_429 = arith.index_cast %add3A_340 : i32 to index
        %get3A_430 = arith.constant 96 : index
        %get3A_431 = tpu.vector_load %arg12[%get3A_429, %get3A_430] {strides = array<i32>} : memref<128x128xf32, #tpu.memory_space<vmem>>, vector<1x16xf32>,
        %get3A_432 = vector.shape_cast %get3A_431 : vector<1x16xf32> to vector<16xf32>
        %mul3A_433 = arith.mulf %get3A_428, %get3A_432 : vector<16xf32>
        %swap3A_434 = arith.index_cast %add3A_340 : i32 to index
        %swap3A_435 = arith.constant 96 : index
        %swap3A_436 = tpu.vector_load %arg10[%swap3A_434, %swap3A_435] {strides = array<i32>} : memref<128x128xf32, #tpu.memory_space<vmem>>, vector<1x16xf32>,
        %swap3A_437 = vector.shape_cast %swap3A_436 : vector<1x16xf32> to vector<16xf32>
        %swap3A_438 = vector.shape_cast %mul3A_433 : vector<16xf32> to vector<1x16xf32>
        tpu.vector_store %arg10[%swap3A_434, %swap3A_435], %swap3A_438 {strides = array<i32>} : memref<128x128xf32, #tpu.memory_space<vmem>>, vector<1x16xf32>,
        %get3A_439 = arith.index_cast %add3A_340 : i32 to index
        %get3A_440 = arith.constant 112 : index
        %get3A_441 = tpu.vector_load %arg10[%get3A_439, %get3A_440] {strides = array<i32>} : memref<128x128xf32, #tpu.memory_space<vmem>>, vector<1x16xf32>,
        %get3A_442 = vector.shape_cast %get3A_441 : vector<1x16xf32> to vector<16xf32>
        %get3A_443 = arith.index_cast %add3A_340 : i32 to index
        %get3A_444 = arith.constant 112 : index
        %get3A_445 = tpu.vector_load %arg12[%get3A_443, %get3A_444] {strides = array<i32>} : memref<128x128xf32, #tpu.memory_space<vmem>>, vector<1x16xf32>,
        %get3A_446 = vector.shape_cast %get3A_445 : vector<1x16xf32> to vector<16xf32>
        %mul3A_447 = arith.mulf %get3A_442, %get3A_446 : vector<16xf32>
        %swap3A_448 = arith.index_cast %add3A_340 : i32 to index
        %swap3A_449 = arith.constant 112 : index
        %swap3A_450 = tpu.vector_load %arg10[%swap3A_448, %swap3A_449] {strides = array<i32>} : memref<128x128xf32, #tpu.memory_space<vmem>>, vector<1x16xf32>,
        %swap3A_451 = vector.shape_cast %swap3A_450 : vector<1x16xf32> to vector<16xf32>
        %swap3A_452 = vector.shape_cast %mul3A_447 : vector<16xf32> to vector<1x16xf32>
        tpu.vector_store %arg10[%swap3A_448, %swap3A_449], %swap3A_452 {strides = array<i32>} : memref<128x128xf32, #tpu.memory_space<vmem>>, vector<1x16xf32>,
        %scan3A_453 = arith.constant 3 : i32
        %scan3A_454 = arith.addi %scan3A_102, %scan3A_453 : i32
        %mul3A_455 = arith.constant 1 : i32
        %mul3A_456 = arith.muli %scan3A_454, %mul3A_455 : i32
        %add3A_457 = arith.constant 0 : i32
        %add3A_458 = arith.addi %add3A_457, %mul3A_456 : i32
        %get3A_459 = arith.index_cast %add3A_458 : i32 to index
        %get3A_460 = arith.constant 0 : index
        %get3A_461 = tpu.vector_load %arg10[%get3A_459, %get3A_460] {strides = array<i32>} : memref<128x128xf32, #tpu.memory_space<vmem>>, vector<1x16xf32>,
        %get3A_462 = vector.shape_cast %get3A_461 : vector<1x16xf32> to vector<16xf32>
        %get3A_463 = arith.index_cast %add3A_458 : i32 to index
        %get3A_464 = arith.constant 0 : index
        %get3A_465 = tpu.vector_load %arg12[%get3A_463, %get3A_464] {strides = array<i32>} : memref<128x128xf32, #tpu.memory_space<vmem>>, vector<1x16xf32>,
        %get3A_466 = vector.shape_cast %get3A_465 : vector<1x16xf32> to vector<16xf32>
        %mul3A_467 = arith.mulf %get3A_462, %get3A_466 : vector<16xf32>
        %swap3A_468 = arith.index_cast %add3A_458 : i32 to index
        %swap3A_469 = arith.constant 0 : index
        %swap3A_470 = tpu.vector_load %arg10[%swap3A_468, %swap3A_469] {strides = array<i32>} : memref<128x128xf32, #tpu.memory_space<vmem>>, vector<1x16xf32>,
        %swap3A_471 = vector.shape_cast %swap3A_470 : vector<1x16xf32> to vector<16xf32>
        %swap3A_472 = vector.shape_cast %mul3A_467 : vector<16xf32> to vector<1x16xf32>
        tpu.vector_store %arg10[%swap3A_468, %swap3A_469], %swap3A_472 {strides = array<i32>} : memref<128x128xf32, #tpu.memory_space<vmem>>, vector<1x16xf32>,
        %get3A_473 = arith.index_cast %add3A_458 : i32 to index
        %get3A_474 = arith.constant 16 : index
        %get3A_475 = tpu.vector_load %arg10[%get3A_473, %get3A_474] {strides = array<i32>} : memref<128x128xf32, #tpu.memory_space<vmem>>, vector<1x16xf32>,
        %get3A_476 = vector.shape_cast %get3A_475 : vector<1x16xf32> to vector<16xf32>
        %get3A_477 = arith.index_cast %add3A_458 : i32 to index
        %get3A_478 = arith.constant 16 : index
        %get3A_479 = tpu.vector_load %arg12[%get3A_477, %get3A_478] {strides = array<i32>} : memref<128x128xf32, #tpu.memory_space<vmem>>, vector<1x16xf32>,
        %get3A_480 = vector.shape_cast %get3A_479 : vector<1x16xf32> to vector<16xf32>
        %mul3A_481 = arith.mulf %get3A_476, %get3A_480 : vector<16xf32>
        %swap3A_482 = arith.index_cast %add3A_458 : i32 to index
        %swap3A_483 = arith.constant 16 : index
        %swap3A_484 = tpu.vector_load %arg10[%swap3A_482, %swap3A_483] {strides = array<i32>} : memref<128x128xf32, #tpu.memory_space<vmem>>, vector<1x16xf32>,
        %swap3A_485 = vector.shape_cast %swap3A_484 : vector<1x16xf32> to vector<16xf32>
        %swap3A_486 = vector.shape_cast %mul3A_481 : vector<16xf32> to vector<1x16xf32>
        tpu.vector_store %arg10[%swap3A_482, %swap3A_483], %swap3A_486 {strides = array<i32>} : memref<128x128xf32, #tpu.memory_space<vmem>>, vector<1x16xf32>,
        %get3A_487 = arith.index_cast %add3A_458 : i32 to index
        %get3A_488 = arith.constant 32 : index
        %get3A_489 = tpu.vector_load %arg10[%get3A_487, %get3A_488] {strides = array<i32>} : memref<128x128xf32, #tpu.memory_space<vmem>>, vector<1x16xf32>,
        %get3A_490 = vector.shape_cast %get3A_489 : vector<1x16xf32> to vector<16xf32>
        %get3A_491 = arith.index_cast %add3A_458 : i32 to index
        %get3A_492 = arith.constant 32 : index
        %get3A_493 = tpu.vector_load %arg12[%get3A_491, %get3A_492] {strides = array<i32>} : memref<128x128xf32, #tpu.memory_space<vmem>>, vector<1x16xf32>,
        %get3A_494 = vector.shape_cast %get3A_493 : vector<1x16xf32> to vector<16xf32>
        %mul3A_495 = arith.mulf %get3A_490, %get3A_494 : vector<16xf32>
        %swap3A_496 = arith.index_cast %add3A_458 : i32 to index
        %swap3A_497 = arith.constant 32 : index
        %swap3A_498 = tpu.vector_load %arg10[%swap3A_496, %swap3A_497] {strides = array<i32>} : memref<128x128xf32, #tpu.memory_space<vmem>>, vector<1x16xf32>,
        %swap3A_499 = vector.shape_cast %swap3A_498 : vector<1x16xf32> to vector<16xf32>
        %swap3A_500 = vector.shape_cast %mul3A_495 : vector<16xf32> to vector<1x16xf32>
        tpu.vector_store %arg10[%swap3A_496, %swap3A_497], %swap3A_500 {strides = array<i32>} : memref<128x128xf32, #tpu.memory_space<vmem>>, vector<1x16xf32>,
        %get3A_501 = arith.index_cast %add3A_458 : i32 to index
        %get3A_502 = arith.constant 48 : index
        %get3A_503 = tpu.vector_load %arg10[%get3A_501, %get3A_502] {strides = array<i32>} : memref<128x128xf32, #tpu.memory_space<vmem>>, vector<1x16xf32>,
        %get3A_504 = vector.shape_cast %get3A_503 : vector<1x16xf32> to vector<16xf32>
        %get3A_505 = arith.index_cast %add3A_458 : i32 to index
        %get3A_506 = arith.constant 48 : index
        %get3A_507 = tpu.vector_load %arg12[%get3A_505, %get3A_506] {strides = array<i32>} : memref<128x128xf32, #tpu.memory_space<vmem>>, vector<1x16xf32>,
        %get3A_508 = vector.shape_cast %get3A_507 : vector<1x16xf32> to vector<16xf32>
        %mul3A_509 = arith.mulf %get3A_504, %get3A_508 : vector<16xf32>
        %swap3A_510 = arith.index_cast %add3A_458 : i32 to index
        %swap3A_511 = arith.constant 48 : index
        %swap3A_512 = tpu.vector_load %arg10[%swap3A_510, %swap3A_511] {strides = array<i32>} : memref<128x128xf32, #tpu.memory_space<vmem>>, vector<1x16xf32>,
        %swap3A_513 = vector.shape_cast %swap3A_512 : vector<1x16xf32> to vector<16xf32>
        %swap3A_514 = vector.shape_cast %mul3A_509 : vector<16xf32> to vector<1x16xf32>
        tpu.vector_store %arg10[%swap3A_510, %swap3A_511], %swap3A_514 {strides = array<i32>} : memref<128x128xf32, #tpu.memory_space<vmem>>, vector<1x16xf32>,
        %get3A_515 = arith.index_cast %add3A_458 : i32 to index
        %get3A_516 = arith.constant 64 : index
        %get3A_517 = tpu.vector_load %arg10[%get3A_515, %get3A_516] {strides = array<i32>} : memref<128x128xf32, #tpu.memory_space<vmem>>, vector<1x16xf32>,
        %get3A_518 = vector.shape_cast %get3A_517 : vector<1x16xf32> to vector<16xf32>
        %get3A_519 = arith.index_cast %add3A_458 : i32 to index
        %get3A_520 = arith.constant 64 : index
        %get3A_521 = tpu.vector_load %arg12[%get3A_519, %get3A_520] {strides = array<i32>} : memref<128x128xf32, #tpu.memory_space<vmem>>, vector<1x16xf32>,
        %get3A_522 = vector.shape_cast %get3A_521 : vector<1x16xf32> to vector<16xf32>
        %mul3A_523 = arith.mulf %get3A_518, %get3A_522 : vector<16xf32>
        %swap3A_524 = arith.index_cast %add3A_458 : i32 to index
        %swap3A_525 = arith.constant 64 : index
        %swap3A_526 = tpu.vector_load %arg10[%swap3A_524, %swap3A_525] {strides = array<i32>} : memref<128x128xf32, #tpu.memory_space<vmem>>, vector<1x16xf32>,
        %swap3A_527 = vector.shape_cast %swap3A_526 : vector<1x16xf32> to vector<16xf32>
        %swap3A_528 = vector.shape_cast %mul3A_523 : vector<16xf32> to vector<1x16xf32>
        tpu.vector_store %arg10[%swap3A_524, %swap3A_525], %swap3A_528 {strides = array<i32>} : memref<128x128xf32, #tpu.memory_space<vmem>>, vector<1x16xf32>,
        %get3A_529 = arith.index_cast %add3A_458 : i32 to index
        %get3A_530 = arith.constant 80 : index
        %get3A_531 = tpu.vector_load %arg10[%get3A_529, %get3A_530] {strides = array<i32>} : memref<128x128xf32, #tpu.memory_space<vmem>>, vector<1x16xf32>,
        %get3A_532 = vector.shape_cast %get3A_531 : vector<1x16xf32> to vector<16xf32>
        %get3A_533 = arith.index_cast %add3A_458 : i32 to index
        %get3A_534 = arith.constant 80 : index
        %get3A_535 = tpu.vector_load %arg12[%get3A_533, %get3A_534] {strides = array<i32>} : memref<128x128xf32, #tpu.memory_space<vmem>>, vector<1x16xf32>,
        %get3A_536 = vector.shape_cast %get3A_535 : vector<1x16xf32> to vector<16xf32>
        %mul3A_537 = arith.mulf %get3A_532, %get3A_536 : vector<16xf32>
        %swap3A_538 = arith.index_cast %add3A_458 : i32 to index
        %swap3A_539 = arith.constant 80 : index
        %swap3A_540 = tpu.vector_load %arg10[%swap3A_538, %swap3A_539] {strides = array<i32>} : memref<128x128xf32, #tpu.memory_space<vmem>>, vector<1x16xf32>,
        %swap3A_541 = vector.shape_cast %swap3A_540 : vector<1x16xf32> to vector<16xf32>
        %swap3A_542 = vector.shape_cast %mul3A_537 : vector<16xf32> to vector<1x16xf32>
        tpu.vector_store %arg10[%swap3A_538, %swap3A_539], %swap3A_542 {strides = array<i32>} : memref<128x128xf32, #tpu.memory_space<vmem>>, vector<1x16xf32>,
        %get3A_543 = arith.index_cast %add3A_458 : i32 to index
        %get3A_544 = arith.constant 96 : index
        %get3A_545 = tpu.vector_load %arg10[%get3A_543, %get3A_544] {strides = array<i32>} : memref<128x128xf32, #tpu.memory_space<vmem>>, vector<1x16xf32>,
        %get3A_546 = vector.shape_cast %get3A_545 : vector<1x16xf32> to vector<16xf32>
        %get3A_547 = arith.index_cast %add3A_458 : i32 to index
        %get3A_548 = arith.constant 96 : index
        %get3A_549 = tpu.vector_load %arg12[%get3A_547, %get3A_548] {strides = array<i32>} : memref<128x128xf32, #tpu.memory_space<vmem>>, vector<1x16xf32>,
        %get3A_550 = vector.shape_cast %get3A_549 : vector<1x16xf32> to vector<16xf32>
        %mul3A_551 = arith.mulf %get3A_546, %get3A_550 : vector<16xf32>
        %swap3A_552 = arith.index_cast %add3A_458 : i32 to index
        %swap3A_553 = arith.constant 96 : index
        %swap3A_554 = tpu.vector_load %arg10[%swap3A_552, %swap3A_553] {strides = array<i32>} : memref<128x128xf32, #tpu.memory_space<vmem>>, vector<1x16xf32>,
        %swap3A_555 = vector.shape_cast %swap3A_554 : vector<1x16xf32> to vector<16xf32>
        %swap3A_556 = vector.shape_cast %mul3A_551 : vector<16xf32> to vector<1x16xf32>
        tpu.vector_store %arg10[%swap3A_552, %swap3A_553], %swap3A_556 {strides = array<i32>} : memref<128x128xf32, #tpu.memory_space<vmem>>, vector<1x16xf32>,
        %get3A_557 = arith.index_cast %add3A_458 : i32 to index
        %get3A_558 = arith.constant 112 : index
        %get3A_559 = tpu.vector_load %arg10[%get3A_557, %get3A_558] {strides = array<i32>} : memref<128x128xf32, #tpu.memory_space<vmem>>, vector<1x16xf32>,
        %get3A_560 = vector.shape_cast %get3A_559 : vector<1x16xf32> to vector<16xf32>
        %get3A_561 = arith.index_cast %add3A_458 : i32 to index
        %get3A_562 = arith.constant 112 : index
        %get3A_563 = tpu.vector_load %arg12[%get3A_561, %get3A_562] {strides = array<i32>} : memref<128x128xf32, #tpu.memory_space<vmem>>, vector<1x16xf32>,
        %get3A_564 = vector.shape_cast %get3A_563 : vector<1x16xf32> to vector<16xf32>
        %mul3A_565 = arith.mulf %get3A_560, %get3A_564 : vector<16xf32>
        %swap3A_566 = arith.index_cast %add3A_458 : i32 to index
        %swap3A_567 = arith.constant 112 : index
        %swap3A_568 = tpu.vector_load %arg10[%swap3A_566, %swap3A_567] {strides = array<i32>} : memref<128x128xf32, #tpu.memory_space<vmem>>, vector<1x16xf32>,
        %swap3A_569 = vector.shape_cast %swap3A_568 : vector<1x16xf32> to vector<16xf32>
        %swap3A_570 = vector.shape_cast %mul3A_565 : vector<16xf32> to vector<1x16xf32>
        tpu.vector_store %arg10[%swap3A_566, %swap3A_567], %swap3A_570 {strides = array<i32>} : memref<128x128xf32, #tpu.memory_space<vmem>>, vector<1x16xf32>,
      }
      %scan3A_91 = arith.constant 128 : i32
      %mul3A_92 = arith.constant 128 : i32
      %mul3A_93 = arith.muli %add3A_74, %mul3A_92 : i32
      %add3A_94 = arith.addi %mul3A_0, %mul3A_93 : i32
      "tpu.region"() ({
        %run_scoped3A = tpu.sem_alloc : memref<!tpu.dma_semaphore, #tpu.memory_space<semaphore_mem>>
        %dma_start3A_102 = arith.constant 0 : i32
        %dma_start3A_103 = tpu.memref_slice %arg4[%arg0, %add3A_94, %dma_start3A_102] : memref<2x102400x128xf32, #tpu.memory_space<hbm>> -> memref<1x128x128xf32, #tpu.memory_space<hbm>>
        %dma_start3A_104 = tpu.memref_squeeze %dma_start3A_103 : memref<1x128x128xf32, #tpu.memory_space<hbm>> -> memref<128x128xf32, #tpu.memory_space<hbm>>
        %dma_start3A_105 = arith.constant 0 : i32
        %dma_start3A_106 = tpu.memref_slice %arg4[%arg0, %add3A_94, %dma_start3A_105] : memref<2x102400x128xf32, #tpu.memory_space<hbm>> -> memref<1x128x128xf32, #tpu.memory_space<hbm>>
        %dma_start3A_107 = tpu.memref_squeeze %dma_start3A_106 : memref<1x128x128xf32, #tpu.memory_space<hbm>> -> memref<128x128xf32, #tpu.memory_space<hbm>>
        tpu.enqueue_dma source(%arg10 : memref<128x128xf32, #tpu.memory_space<vmem>>) target(%dma_start3A_107 : memref<128x128xf32, #tpu.memory_space<hbm>>) target_semaphore(%run_scoped3A : memref<!tpu.dma_semaphore, #tpu.memory_space<semaphore_mem>>)
        %dma_wait3A_108 = arith.constant 0 : i32
        %dma_wait3A_109 = tpu.memref_slice %arg4[%arg0, %add3A_94, %dma_wait3A_108] : memref<2x102400x128xf32, #tpu.memory_space<hbm>> -> memref<1x128x128xf32, #tpu.memory_space<hbm>>
        %dma_wait3A_110 = tpu.memref_squeeze %dma_wait3A_109 : memref<1x128x128xf32, #tpu.memory_space<hbm>> -> memref<128x128xf32, #tpu.memory_space<hbm>>
        %dma_wait3A_111 = arith.constant 0 : i32
        %dma_wait3A_112 = tpu.memref_slice %arg4[%arg0, %add3A_94, %dma_wait3A_111] : memref<2x102400x128xf32, #tpu.memory_space<hbm>> -> memref<1x128x128xf32, #tpu.memory_space<hbm>>
        %dma_wait3A_113 = tpu.memref_squeeze %dma_wait3A_112 : memref<1x128x128xf32, #tpu.memory_space<hbm>> -> memref<128x128xf32, #tpu.memory_space<hbm>>
        tpu.wait_dma2 semaphore(%run_scoped3A : memref<!tpu.dma_semaphore, #tpu.memory_space<semaphore_mem>>) src(%arg10 : memref<128x128xf32, #tpu.memory_space<vmem>>) dst(%dma_wait3A_113 : memref<128x128xf32, #tpu.memory_space<hbm>>)
        tpu.yield
      }) : () -> ()
      %add3A_95 = arith.constant 2 : i32
      %add3A_96 = arith.addi %add3A_74, %add3A_95 : i32
      %lt3A_97 = arith.constant 50 : i32
      %lt3A_98 = arith.cmpi slt, %add3A_96, %lt3A_97 : i32
      %convert_element_type3A_99 = arith.extui %lt3A_98 : i1 to i32
      %cond3A_100 = arith.constant 0 : i32
      %cond3A_101 = arith.cmpi ne, %convert_element_type3A_99, %cond3A_100 : i32
      scf.if %cond3A_101 {
        %add3A_102 = arith.constant 2 : i32
        %add3A_103 = arith.addi %add3A_74, %add3A_102 : i32
        %mul3A_104 = arith.constant 128 : i32
        %mul3A_105 = arith.muli %add3A_103, %mul3A_104 : i32
        %add3A_106 = arith.addi %mul3A_0, %mul3A_105 : i32
        %mul3A_107 = arith.constant 2 : i32
        %mul3A_108 = arith.muli %mul3A_107, %arg0 : i32
        %mul3A_109 = arith.constant 102400 : i32
        %mul3A_110 = arith.muli %mul3A_108, %mul3A_109 : i32
        %add3A_111 = arith.addi %mul3A_110, %add3A_106 : i32
        "tpu.region"() ({
          %run_scoped3A = tpu.sem_alloc : memref<!tpu.dma_semaphore, #tpu.memory_space<semaphore_mem>>
          %dma_start3A_125 = tpu.memref_slice %arg3[%add3A_111] : memref<409600xi32, #tpu.memory_space<hbm>> -> memref<128xi32, #tpu.memory_space<hbm>>
          %dma_start3A_126 = tpu.memref_slice %arg3[%add3A_111] : memref<409600xi32, #tpu.memory_space<hbm>> -> memref<128xi32, #tpu.memory_space<hbm>>
          tpu.enqueue_dma source(%dma_start3A_126 : memref<128xi32, #tpu.memory_space<hbm>>) target(%arg6 : memref<128xi32, #tpu.memory_space<vmem>>) target_semaphore(%run_scoped3A : memref<!tpu.dma_semaphore, #tpu.memory_space<semaphore_mem>>)
          %dma_wait3A_127 = tpu.memref_slice %arg3[%add3A_111] : memref<409600xi32, #tpu.memory_space<hbm>> -> memref<128xi32, #tpu.memory_space<hbm>>
          %dma_wait3A_128 = tpu.memref_slice %arg3[%add3A_111] : memref<409600xi32, #tpu.memory_space<hbm>> -> memref<128xi32, #tpu.memory_space<hbm>>
          tpu.wait_dma2 semaphore(%run_scoped3A : memref<!tpu.dma_semaphore, #tpu.memory_space<semaphore_mem>>) src(%dma_wait3A_128 : memref<128xi32, #tpu.memory_space<hbm>>) dst(%arg6 : memref<128xi32, #tpu.memory_space<vmem>>)
          tpu.yield
        }) : () -> ()
        %mul3A_112 = arith.constant 2 : i32
        %mul3A_113 = arith.muli %mul3A_112, %arg0 : i32
        %add3A_114 = arith.constant 1 : i32
        %add3A_115 = arith.addi %mul3A_113, %add3A_114 : i32
        %mul3A_116 = arith.constant 102400 : i32
        %mul3A_117 = arith.muli %add3A_115, %mul3A_116 : i32
        %add3A_118 = arith.addi %mul3A_117, %add3A_106 : i32
        "tpu.region"() ({
          %run_scoped3A = tpu.sem_alloc : memref<!tpu.dma_semaphore, #tpu.memory_space<semaphore_mem>>
          %dma_start3A_125 = tpu.memref_slice %arg3[%add3A_118] : memref<409600xi32, #tpu.memory_space<hbm>> -> memref<128xi32, #tpu.memory_space<hbm>>
          %dma_start3A_126 = tpu.memref_slice %arg3[%add3A_118] : memref<409600xi32, #tpu.memory_space<hbm>> -> memref<128xi32, #tpu.memory_space<hbm>>
          tpu.enqueue_dma source(%dma_start3A_126 : memref<128xi32, #tpu.memory_space<hbm>>) target(%arg8 : memref<128xi32, #tpu.memory_space<vmem>>) target_semaphore(%run_scoped3A : memref<!tpu.dma_semaphore, #tpu.memory_space<semaphore_mem>>)
          %dma_wait3A_127 = tpu.memref_slice %arg3[%add3A_118] : memref<409600xi32, #tpu.memory_space<hbm>> -> memref<128xi32, #tpu.memory_space<hbm>>
          %dma_wait3A_128 = tpu.memref_slice %arg3[%add3A_118] : memref<409600xi32, #tpu.memory_space<hbm>> -> memref<128xi32, #tpu.memory_space<hbm>>
          tpu.wait_dma2 semaphore(%run_scoped3A : memref<!tpu.dma_semaphore, #tpu.memory_space<semaphore_mem>>) src(%dma_wait3A_128 : memref<128xi32, #tpu.memory_space<hbm>>) dst(%arg8 : memref<128xi32, #tpu.memory_space<vmem>>)
          tpu.yield
        }) : () -> ()
        %dma_start3A_119 = arith.constant 0 : i32
        %dma_start3A_120 = arith.constant 0 : i32
        %dma_start3A_121 = tpu.memref_slice %arg2[%dma_start3A_119, %dma_start3A_120] : memref<10000x128xf32, #tpu.memory_space<hbm>> -> memref<10000x128xf32, #tpu.memory_space<hbm>>
        tpu.enqueue_indirect_dma source(%dma_start3A_121 : memref<10000x128xf32, #tpu.memory_space<hbm>>) target(%arg10 : memref<128x128xf32, #tpu.memory_space<vmem>>) offsets(%arg6 : memref<128xi32, #tpu.memory_space<vmem>>) semaphore(%arg14 : memref<!tpu.dma_semaphore, #tpu.memory_space<semaphore_mem>>)
        %dma_start3A_122 = arith.constant 0 : i32
        %dma_start3A_123 = arith.constant 0 : i32
        %dma_start3A_124 = tpu.memref_slice %arg2[%dma_start3A_122, %dma_start3A_123] : memref<10000x128xf32, #tpu.memory_space<hbm>> -> memref<10000x128xf32, #tpu.memory_space<hbm>>
        tpu.enqueue_indirect_dma source(%dma_start3A_124 : memref<10000x128xf32, #tpu.memory_space<hbm>>) target(%arg12 : memref<128x128xf32, #tpu.memory_space<vmem>>) offsets(%arg8 : memref<128xi32, #tpu.memory_space<vmem>>) semaphore(%arg16 : memref<!tpu.dma_semaphore, #tpu.memory_space<semaphore_mem>>)
      } else {
      }
    }
    %scan3A_42 = arith.constant 25 : i32
    return
  }
}

#map = affine_map<(d0, d1) -> (0, 0)>
#map1 = affine_map<(d0, d1) -> (0)>
#map2 = affine_map<(d0, d1) -> (0, 0, 0)>
module attributes {stable_mosaic.version = 14 : i64} {
  func.func @_agg_body(%arg0: i32, %arg1: i32, %arg2: memref<20000x128xf32, #tpu.memory_space<hbm>>, %arg3: memref<647168xi32, #tpu.memory_space<hbm>>, %arg4: memref<323584xi32, #tpu.memory_space<hbm>>, %arg5: memref<632x128xf32, #tpu.memory_space<hbm>>, %arg6: memref<2x10112x128xf32, #tpu.memory_space<hbm>>, %arg7: memref<128xi32, #tpu.memory_space<vmem>>, %arg8: memref<128xi32, #tpu.memory_space<vmem>>, %arg9: memref<128xi32, #tpu.memory_space<vmem>>, %arg10: memref<128xi32, #tpu.memory_space<vmem>>, %arg11: memref<128x128xf32, #tpu.memory_space<vmem>>, %arg12: memref<128x128xf32, #tpu.memory_space<vmem>>, %arg13: memref<!tpu.dma_semaphore, #tpu.memory_space<semaphore_mem>>, %arg14: memref<!tpu.dma_semaphore, #tpu.memory_space<semaphore_mem>>, %arg15: memref<!tpu.dma_semaphore, #tpu.memory_space<semaphore_mem>>, %arg16: memref<10112x128xf32, #tpu.memory_space<vmem_shared>>) attributes {dimension_semantics = [#tpu.dimension_semantics<core_parallel>, #tpu.dimension_semantics<subcore_parallel>], iteration_bounds = array<i64: 2, 16>, scalar_prefetch = 0 : i64, scratch_operands = 10 : i64, tpu.core_type = #tpu.core_type<sc_vector_subcore>, window_params = [{transform_indices = #map}, {transform_indices = #map1}, {transform_indices = #map1}, {transform_indices = #map}, {transform_indices = #map2}]} {
    %mul3A = arith.constant 323584 : i32
    %mul3A_0 = arith.muli %arg0, %mul3A : i32
    %mul3A_1 = arith.constant 20224 : i32
    %mul3A_2 = arith.muli %arg1, %mul3A_1 : i32
    %add3A = arith.addi %mul3A_0, %mul3A_2 : i32
    %mul3A_3 = arith.constant 20224 : i32
    %mul3A_4 = arith.muli %arg1, %mul3A_3 : i32
    %mul3A_5 = arith.constant 632 : i32
    %mul3A_6 = arith.muli %arg1, %mul3A_5 : i32
    "tpu.region"() ({
      %run_scoped3A = tpu.sem_alloc : memref<!tpu.dma_semaphore, #tpu.memory_space<semaphore_mem>>
      %dma_start3A_29 = arith.constant 0 : i32
      %dma_start3A_30 = tpu.memref_slice %arg16[%mul3A_6, %dma_start3A_29] : memref<10112x128xf32, #tpu.memory_space<vmem_shared>> -> memref<632x128xf32, #tpu.memory_space<vmem_shared>>
      tpu.enqueue_dma source(%arg5 : memref<632x128xf32, #tpu.memory_space<hbm>>) target(%dma_start3A_30 : memref<632x128xf32, #tpu.memory_space<vmem_shared>>) target_semaphore(%run_scoped3A : memref<!tpu.dma_semaphore, #tpu.memory_space<semaphore_mem>>)
      %dma_wait3A = arith.constant 0 : i32
      %dma_wait3A_31 = tpu.memref_slice %arg16[%mul3A_6, %dma_wait3A] : memref<10112x128xf32, #tpu.memory_space<vmem_shared>> -> memref<632x128xf32, #tpu.memory_space<vmem_shared>>
      tpu.wait_dma2 semaphore(%run_scoped3A : memref<!tpu.dma_semaphore, #tpu.memory_space<semaphore_mem>>) src(%arg5 : memref<632x128xf32, #tpu.memory_space<hbm>>) dst(%dma_wait3A_31 : memref<632x128xf32, #tpu.memory_space<vmem_shared>>)
      tpu.yield
    }) : () -> ()
    %barrier3A = arith.constant 0 : index
    tpu.barrier barrier_id(%barrier3A)
    %add3A_7 = arith.constant 0 : i32
    %add3A_8 = arith.addi %add3A, %add3A_7 : i32
    "tpu.region"() ({
      %run_scoped3A = tpu.sem_alloc : memref<!tpu.dma_semaphore, #tpu.memory_space<semaphore_mem>>
      %dma_start3A_29 = tpu.memref_slice %arg3[%add3A_8] : memref<647168xi32, #tpu.memory_space<hbm>> -> memref<128xi32, #tpu.memory_space<hbm>>
      %dma_start3A_30 = tpu.memref_slice %arg3[%add3A_8] : memref<647168xi32, #tpu.memory_space<hbm>> -> memref<128xi32, #tpu.memory_space<hbm>>
      tpu.enqueue_dma source(%dma_start3A_30 : memref<128xi32, #tpu.memory_space<hbm>>) target(%arg7 : memref<128xi32, #tpu.memory_space<vmem>>) target_semaphore(%run_scoped3A : memref<!tpu.dma_semaphore, #tpu.memory_space<semaphore_mem>>)
      %dma_wait3A = tpu.memref_slice %arg3[%add3A_8] : memref<647168xi32, #tpu.memory_space<hbm>> -> memref<128xi32, #tpu.memory_space<hbm>>
      %dma_wait3A_31 = tpu.memref_slice %arg3[%add3A_8] : memref<647168xi32, #tpu.memory_space<hbm>> -> memref<128xi32, #tpu.memory_space<hbm>>
      tpu.wait_dma2 semaphore(%run_scoped3A : memref<!tpu.dma_semaphore, #tpu.memory_space<semaphore_mem>>) src(%dma_wait3A_31 : memref<128xi32, #tpu.memory_space<hbm>>) dst(%arg7 : memref<128xi32, #tpu.memory_space<vmem>>)
      tpu.yield
    }) : () -> ()
    %add3A_9 = arith.constant 0 : i32
    %add3A_10 = arith.addi %mul3A_4, %add3A_9 : i32
    "tpu.region"() ({
      %run_scoped3A = tpu.sem_alloc : memref<!tpu.dma_semaphore, #tpu.memory_space<semaphore_mem>>
      %dma_start3A_29 = tpu.memref_slice %arg4[%add3A_10] : memref<323584xi32, #tpu.memory_space<hbm>> -> memref<128xi32, #tpu.memory_space<hbm>>
      %dma_start3A_30 = tpu.memref_slice %arg4[%add3A_10] : memref<323584xi32, #tpu.memory_space<hbm>> -> memref<128xi32, #tpu.memory_space<hbm>>
      tpu.enqueue_dma source(%dma_start3A_30 : memref<128xi32, #tpu.memory_space<hbm>>) target(%arg9 : memref<128xi32, #tpu.memory_space<vmem>>) target_semaphore(%run_scoped3A : memref<!tpu.dma_semaphore, #tpu.memory_space<semaphore_mem>>)
      %dma_wait3A = tpu.memref_slice %arg4[%add3A_10] : memref<323584xi32, #tpu.memory_space<hbm>> -> memref<128xi32, #tpu.memory_space<hbm>>
      %dma_wait3A_31 = tpu.memref_slice %arg4[%add3A_10] : memref<323584xi32, #tpu.memory_space<hbm>> -> memref<128xi32, #tpu.memory_space<hbm>>
      tpu.wait_dma2 semaphore(%run_scoped3A : memref<!tpu.dma_semaphore, #tpu.memory_space<semaphore_mem>>) src(%dma_wait3A_31 : memref<128xi32, #tpu.memory_space<hbm>>) dst(%arg9 : memref<128xi32, #tpu.memory_space<vmem>>)
      tpu.yield
    }) : () -> ()
    %dma_start3A = arith.constant 0 : i32
    %dma_start3A_11 = arith.constant 0 : i32
    %dma_start3A_12 = tpu.memref_slice %arg2[%dma_start3A, %dma_start3A_11] : memref<20000x128xf32, #tpu.memory_space<hbm>> -> memref<20000x128xf32, #tpu.memory_space<hbm>>
    tpu.enqueue_indirect_dma source(%dma_start3A_12 : memref<20000x128xf32, #tpu.memory_space<hbm>>) target(%arg11 : memref<128x128xf32, #tpu.memory_space<vmem>>) offsets(%arg7 : memref<128xi32, #tpu.memory_space<vmem>>) semaphore(%arg13 : memref<!tpu.dma_semaphore, #tpu.memory_space<semaphore_mem>>)
    %add3A_13 = arith.constant 128 : i32
    %add3A_14 = arith.addi %add3A, %add3A_13 : i32
    "tpu.region"() ({
      %run_scoped3A = tpu.sem_alloc : memref<!tpu.dma_semaphore, #tpu.memory_space<semaphore_mem>>
      %dma_start3A_29 = tpu.memref_slice %arg3[%add3A_14] : memref<647168xi32, #tpu.memory_space<hbm>> -> memref<128xi32, #tpu.memory_space<hbm>>
      %dma_start3A_30 = tpu.memref_slice %arg3[%add3A_14] : memref<647168xi32, #tpu.memory_space<hbm>> -> memref<128xi32, #tpu.memory_space<hbm>>
      tpu.enqueue_dma source(%dma_start3A_30 : memref<128xi32, #tpu.memory_space<hbm>>) target(%arg8 : memref<128xi32, #tpu.memory_space<vmem>>) target_semaphore(%run_scoped3A : memref<!tpu.dma_semaphore, #tpu.memory_space<semaphore_mem>>)
      %dma_wait3A = tpu.memref_slice %arg3[%add3A_14] : memref<647168xi32, #tpu.memory_space<hbm>> -> memref<128xi32, #tpu.memory_space<hbm>>
      %dma_wait3A_31 = tpu.memref_slice %arg3[%add3A_14] : memref<647168xi32, #tpu.memory_space<hbm>> -> memref<128xi32, #tpu.memory_space<hbm>>
      tpu.wait_dma2 semaphore(%run_scoped3A : memref<!tpu.dma_semaphore, #tpu.memory_space<semaphore_mem>>) src(%dma_wait3A_31 : memref<128xi32, #tpu.memory_space<hbm>>) dst(%arg8 : memref<128xi32, #tpu.memory_space<vmem>>)
      tpu.yield
    }) : () -> ()
    %add3A_15 = arith.constant 128 : i32
    %add3A_16 = arith.addi %mul3A_4, %add3A_15 : i32
    "tpu.region"() ({
      %run_scoped3A = tpu.sem_alloc : memref<!tpu.dma_semaphore, #tpu.memory_space<semaphore_mem>>
      %dma_start3A_29 = tpu.memref_slice %arg4[%add3A_16] : memref<323584xi32, #tpu.memory_space<hbm>> -> memref<128xi32, #tpu.memory_space<hbm>>
      %dma_start3A_30 = tpu.memref_slice %arg4[%add3A_16] : memref<323584xi32, #tpu.memory_space<hbm>> -> memref<128xi32, #tpu.memory_space<hbm>>
      tpu.enqueue_dma source(%dma_start3A_30 : memref<128xi32, #tpu.memory_space<hbm>>) target(%arg10 : memref<128xi32, #tpu.memory_space<vmem>>) target_semaphore(%run_scoped3A : memref<!tpu.dma_semaphore, #tpu.memory_space<semaphore_mem>>)
      %dma_wait3A = tpu.memref_slice %arg4[%add3A_16] : memref<323584xi32, #tpu.memory_space<hbm>> -> memref<128xi32, #tpu.memory_space<hbm>>
      %dma_wait3A_31 = tpu.memref_slice %arg4[%add3A_16] : memref<323584xi32, #tpu.memory_space<hbm>> -> memref<128xi32, #tpu.memory_space<hbm>>
      tpu.wait_dma2 semaphore(%run_scoped3A : memref<!tpu.dma_semaphore, #tpu.memory_space<semaphore_mem>>) src(%dma_wait3A_31 : memref<128xi32, #tpu.memory_space<hbm>>) dst(%arg10 : memref<128xi32, #tpu.memory_space<vmem>>)
      tpu.yield
    }) : () -> ()
    %dma_start3A_17 = arith.constant 0 : i32
    %dma_start3A_18 = arith.constant 0 : i32
    %dma_start3A_19 = tpu.memref_slice %arg2[%dma_start3A_17, %dma_start3A_18] : memref<20000x128xf32, #tpu.memory_space<hbm>> -> memref<20000x128xf32, #tpu.memory_space<hbm>>
    tpu.enqueue_indirect_dma source(%dma_start3A_19 : memref<20000x128xf32, #tpu.memory_space<hbm>>) target(%arg12 : memref<128x128xf32, #tpu.memory_space<vmem>>) offsets(%arg8 : memref<128xi32, #tpu.memory_space<vmem>>) semaphore(%arg14 : memref<!tpu.dma_semaphore, #tpu.memory_space<semaphore_mem>>)
    %scan3A = arith.constant 0 : i32
    %scan3A_20 = arith.constant 79 : i32
    %scan3A_21 = arith.addi %scan3A, %scan3A_20 : i32
    %scan3A_22 = arith.constant 1 : i32
    scf.for %scan3A_29 = %scan3A to %scan3A_21 step %scan3A_22  : i32 {
      %mul3A_30 = arith.constant 2 : i32
      %mul3A_31 = arith.muli %scan3A_29, %mul3A_30 : i32
      %add3A_32 = arith.constant 0 : i32
      %add3A_33 = arith.addi %add3A_32, %mul3A_31 : i32
      %add3A_34 = arith.constant 0 : i32
      %add3A_35 = arith.addi %add3A_33, %add3A_34 : i32
      %dma_wait3A = arith.constant 0 : i32
      %dma_wait3A_36 = arith.constant 0 : i32
      %dma_wait3A_37 = tpu.memref_slice %arg2[%dma_wait3A, %dma_wait3A_36] : memref<20000x128xf32, #tpu.memory_space<hbm>> -> memref<128x128xf32, #tpu.memory_space<hbm>>
      %dma_wait3A_38 = arith.constant 0 : i32
      %dma_wait3A_39 = arith.constant 0 : i32
      %dma_wait3A_40 = tpu.memref_slice %arg2[%dma_wait3A_38, %dma_wait3A_39] : memref<20000x128xf32, #tpu.memory_space<hbm>> -> memref<128x128xf32, #tpu.memory_space<hbm>>
      tpu.wait_dma2 semaphore(%arg13 : memref<!tpu.dma_semaphore, #tpu.memory_space<semaphore_mem>>) src(%dma_wait3A_40 : memref<128x128xf32, #tpu.memory_space<hbm>>) dst(%arg11 : memref<128x128xf32, #tpu.memory_space<vmem>>)
      "tpu.region"() ({
        %run_scoped3A = tpu.sem_alloc : memref<!tpu.dma_semaphore, #tpu.memory_space<semaphore_mem>>
        %dma_start3A_60 = arith.constant 0 : i32
        %dma_start3A_61 = arith.constant 0 : i32
        %dma_start3A_62 = tpu.memref_slice %arg16[%dma_start3A_60, %dma_start3A_61] : memref<10112x128xf32, #tpu.memory_space<vmem_shared>> -> memref<10112x128xf32, #tpu.memory_space<vmem_shared>>
        tpu.enqueue_indirect_dma source(%arg11 : memref<128x128xf32, #tpu.memory_space<vmem>>) target(%dma_start3A_62 : memref<10112x128xf32, #tpu.memory_space<vmem_shared>>) offsets(%arg9 : memref<128xi32, #tpu.memory_space<vmem>>) semaphore(%run_scoped3A : memref<!tpu.dma_semaphore, #tpu.memory_space<semaphore_mem>>) {add = true}
        %dma_wait3A_63 = arith.constant 0 : i32
        %dma_wait3A_64 = arith.constant 0 : i32
        %dma_wait3A_65 = tpu.memref_slice %arg16[%dma_wait3A_63, %dma_wait3A_64] : memref<10112x128xf32, #tpu.memory_space<vmem_shared>> -> memref<10112x128xf32, #tpu.memory_space<vmem_shared>>
        tpu.wait_indirect_dma semaphore(%run_scoped3A : memref<!tpu.dma_semaphore, #tpu.memory_space<semaphore_mem>>) src(%arg11 : memref<128x128xf32, #tpu.memory_space<vmem>>) dst(%dma_wait3A_65 : memref<10112x128xf32, #tpu.memory_space<vmem_shared>>)
        tpu.yield
      }) : () -> ()
      %add3A_41 = arith.constant 2 : i32
      %add3A_42 = arith.addi %add3A_35, %add3A_41 : i32
      %lt3A = arith.constant 158 : i32
      %lt3A_43 = arith.cmpi slt, %add3A_42, %lt3A : i32
      %convert_element_type3A = arith.extui %lt3A_43 : i1 to i32
      %cond3A = arith.constant 0 : i32
      %cond3A_44 = arith.cmpi ne, %convert_element_type3A, %cond3A : i32
      scf.if %cond3A_44 {
        %add3A_60 = arith.constant 2 : i32
        %add3A_61 = arith.addi %add3A_35, %add3A_60 : i32
        %mul3A_62 = arith.constant 128 : i32
        %mul3A_63 = arith.muli %add3A_61, %mul3A_62 : i32
        %add3A_64 = arith.addi %add3A, %mul3A_63 : i32
        "tpu.region"() ({
          %run_scoped3A = tpu.sem_alloc : memref<!tpu.dma_semaphore, #tpu.memory_space<semaphore_mem>>
          %dma_start3A_73 = tpu.memref_slice %arg3[%add3A_64] : memref<647168xi32, #tpu.memory_space<hbm>> -> memref<128xi32, #tpu.memory_space<hbm>>
          %dma_start3A_74 = tpu.memref_slice %arg3[%add3A_64] : memref<647168xi32, #tpu.memory_space<hbm>> -> memref<128xi32, #tpu.memory_space<hbm>>
          tpu.enqueue_dma source(%dma_start3A_74 : memref<128xi32, #tpu.memory_space<hbm>>) target(%arg7 : memref<128xi32, #tpu.memory_space<vmem>>) target_semaphore(%run_scoped3A : memref<!tpu.dma_semaphore, #tpu.memory_space<semaphore_mem>>)
          %dma_wait3A_75 = tpu.memref_slice %arg3[%add3A_64] : memref<647168xi32, #tpu.memory_space<hbm>> -> memref<128xi32, #tpu.memory_space<hbm>>
          %dma_wait3A_76 = tpu.memref_slice %arg3[%add3A_64] : memref<647168xi32, #tpu.memory_space<hbm>> -> memref<128xi32, #tpu.memory_space<hbm>>
          tpu.wait_dma2 semaphore(%run_scoped3A : memref<!tpu.dma_semaphore, #tpu.memory_space<semaphore_mem>>) src(%dma_wait3A_76 : memref<128xi32, #tpu.memory_space<hbm>>) dst(%arg7 : memref<128xi32, #tpu.memory_space<vmem>>)
          tpu.yield
        }) : () -> ()
        %add3A_65 = arith.constant 2 : i32
        %add3A_66 = arith.addi %add3A_35, %add3A_65 : i32
        %mul3A_67 = arith.constant 128 : i32
        %mul3A_68 = arith.muli %add3A_66, %mul3A_67 : i32
        %add3A_69 = arith.addi %mul3A_4, %mul3A_68 : i32
        "tpu.region"() ({
          %run_scoped3A = tpu.sem_alloc : memref<!tpu.dma_semaphore, #tpu.memory_space<semaphore_mem>>
          %dma_start3A_73 = tpu.memref_slice %arg4[%add3A_69] : memref<323584xi32, #tpu.memory_space<hbm>> -> memref<128xi32, #tpu.memory_space<hbm>>
          %dma_start3A_74 = tpu.memref_slice %arg4[%add3A_69] : memref<323584xi32, #tpu.memory_space<hbm>> -> memref<128xi32, #tpu.memory_space<hbm>>
          tpu.enqueue_dma source(%dma_start3A_74 : memref<128xi32, #tpu.memory_space<hbm>>) target(%arg9 : memref<128xi32, #tpu.memory_space<vmem>>) target_semaphore(%run_scoped3A : memref<!tpu.dma_semaphore, #tpu.memory_space<semaphore_mem>>)
          %dma_wait3A_75 = tpu.memref_slice %arg4[%add3A_69] : memref<323584xi32, #tpu.memory_space<hbm>> -> memref<128xi32, #tpu.memory_space<hbm>>
          %dma_wait3A_76 = tpu.memref_slice %arg4[%add3A_69] : memref<323584xi32, #tpu.memory_space<hbm>> -> memref<128xi32, #tpu.memory_space<hbm>>
          tpu.wait_dma2 semaphore(%run_scoped3A : memref<!tpu.dma_semaphore, #tpu.memory_space<semaphore_mem>>) src(%dma_wait3A_76 : memref<128xi32, #tpu.memory_space<hbm>>) dst(%arg9 : memref<128xi32, #tpu.memory_space<vmem>>)
          tpu.yield
        }) : () -> ()
        %dma_start3A_70 = arith.constant 0 : i32
        %dma_start3A_71 = arith.constant 0 : i32
        %dma_start3A_72 = tpu.memref_slice %arg2[%dma_start3A_70, %dma_start3A_71] : memref<20000x128xf32, #tpu.memory_space<hbm>> -> memref<20000x128xf32, #tpu.memory_space<hbm>>
        tpu.enqueue_indirect_dma source(%dma_start3A_72 : memref<20000x128xf32, #tpu.memory_space<hbm>>) target(%arg11 : memref<128x128xf32, #tpu.memory_space<vmem>>) offsets(%arg7 : memref<128xi32, #tpu.memory_space<vmem>>) semaphore(%arg13 : memref<!tpu.dma_semaphore, #tpu.memory_space<semaphore_mem>>)
      } else {
      }
      %add3A_45 = arith.constant 1 : i32
      %add3A_46 = arith.addi %add3A_33, %add3A_45 : i32
      %dma_wait3A_47 = arith.constant 0 : i32
      %dma_wait3A_48 = arith.constant 0 : i32
      %dma_wait3A_49 = tpu.memref_slice %arg2[%dma_wait3A_47, %dma_wait3A_48] : memref<20000x128xf32, #tpu.memory_space<hbm>> -> memref<128x128xf32, #tpu.memory_space<hbm>>
      %dma_wait3A_50 = arith.constant 0 : i32
      %dma_wait3A_51 = arith.constant 0 : i32
      %dma_wait3A_52 = tpu.memref_slice %arg2[%dma_wait3A_50, %dma_wait3A_51] : memref<20000x128xf32, #tpu.memory_space<hbm>> -> memref<128x128xf32, #tpu.memory_space<hbm>>
      tpu.wait_dma2 semaphore(%arg14 : memref<!tpu.dma_semaphore, #tpu.memory_space<semaphore_mem>>) src(%dma_wait3A_52 : memref<128x128xf32, #tpu.memory_space<hbm>>) dst(%arg12 : memref<128x128xf32, #tpu.memory_space<vmem>>)
      "tpu.region"() ({
        %run_scoped3A = tpu.sem_alloc : memref<!tpu.dma_semaphore, #tpu.memory_space<semaphore_mem>>
        %dma_start3A_60 = arith.constant 0 : i32
        %dma_start3A_61 = arith.constant 0 : i32
        %dma_start3A_62 = tpu.memref_slice %arg16[%dma_start3A_60, %dma_start3A_61] : memref<10112x128xf32, #tpu.memory_space<vmem_shared>> -> memref<10112x128xf32, #tpu.memory_space<vmem_shared>>
        tpu.enqueue_indirect_dma source(%arg12 : memref<128x128xf32, #tpu.memory_space<vmem>>) target(%dma_start3A_62 : memref<10112x128xf32, #tpu.memory_space<vmem_shared>>) offsets(%arg10 : memref<128xi32, #tpu.memory_space<vmem>>) semaphore(%run_scoped3A : memref<!tpu.dma_semaphore, #tpu.memory_space<semaphore_mem>>) {add = true}
        %dma_wait3A_63 = arith.constant 0 : i32
        %dma_wait3A_64 = arith.constant 0 : i32
        %dma_wait3A_65 = tpu.memref_slice %arg16[%dma_wait3A_63, %dma_wait3A_64] : memref<10112x128xf32, #tpu.memory_space<vmem_shared>> -> memref<10112x128xf32, #tpu.memory_space<vmem_shared>>
        tpu.wait_indirect_dma semaphore(%run_scoped3A : memref<!tpu.dma_semaphore, #tpu.memory_space<semaphore_mem>>) src(%arg12 : memref<128x128xf32, #tpu.memory_space<vmem>>) dst(%dma_wait3A_65 : memref<10112x128xf32, #tpu.memory_space<vmem_shared>>)
        tpu.yield
      }) : () -> ()
      %add3A_53 = arith.constant 2 : i32
      %add3A_54 = arith.addi %add3A_46, %add3A_53 : i32
      %lt3A_55 = arith.constant 158 : i32
      %lt3A_56 = arith.cmpi slt, %add3A_54, %lt3A_55 : i32
      %convert_element_type3A_57 = arith.extui %lt3A_56 : i1 to i32
      %cond3A_58 = arith.constant 0 : i32
      %cond3A_59 = arith.cmpi ne, %convert_element_type3A_57, %cond3A_58 : i32
      scf.if %cond3A_59 {
        %add3A_60 = arith.constant 2 : i32
        %add3A_61 = arith.addi %add3A_46, %add3A_60 : i32
        %mul3A_62 = arith.constant 128 : i32
        %mul3A_63 = arith.muli %add3A_61, %mul3A_62 : i32
        %add3A_64 = arith.addi %add3A, %mul3A_63 : i32
        "tpu.region"() ({
          %run_scoped3A = tpu.sem_alloc : memref<!tpu.dma_semaphore, #tpu.memory_space<semaphore_mem>>
          %dma_start3A_73 = tpu.memref_slice %arg3[%add3A_64] : memref<647168xi32, #tpu.memory_space<hbm>> -> memref<128xi32, #tpu.memory_space<hbm>>
          %dma_start3A_74 = tpu.memref_slice %arg3[%add3A_64] : memref<647168xi32, #tpu.memory_space<hbm>> -> memref<128xi32, #tpu.memory_space<hbm>>
          tpu.enqueue_dma source(%dma_start3A_74 : memref<128xi32, #tpu.memory_space<hbm>>) target(%arg8 : memref<128xi32, #tpu.memory_space<vmem>>) target_semaphore(%run_scoped3A : memref<!tpu.dma_semaphore, #tpu.memory_space<semaphore_mem>>)
          %dma_wait3A_75 = tpu.memref_slice %arg3[%add3A_64] : memref<647168xi32, #tpu.memory_space<hbm>> -> memref<128xi32, #tpu.memory_space<hbm>>
          %dma_wait3A_76 = tpu.memref_slice %arg3[%add3A_64] : memref<647168xi32, #tpu.memory_space<hbm>> -> memref<128xi32, #tpu.memory_space<hbm>>
          tpu.wait_dma2 semaphore(%run_scoped3A : memref<!tpu.dma_semaphore, #tpu.memory_space<semaphore_mem>>) src(%dma_wait3A_76 : memref<128xi32, #tpu.memory_space<hbm>>) dst(%arg8 : memref<128xi32, #tpu.memory_space<vmem>>)
          tpu.yield
        }) : () -> ()
        %add3A_65 = arith.constant 2 : i32
        %add3A_66 = arith.addi %add3A_46, %add3A_65 : i32
        %mul3A_67 = arith.constant 128 : i32
        %mul3A_68 = arith.muli %add3A_66, %mul3A_67 : i32
        %add3A_69 = arith.addi %mul3A_4, %mul3A_68 : i32
        "tpu.region"() ({
          %run_scoped3A = tpu.sem_alloc : memref<!tpu.dma_semaphore, #tpu.memory_space<semaphore_mem>>
          %dma_start3A_73 = tpu.memref_slice %arg4[%add3A_69] : memref<323584xi32, #tpu.memory_space<hbm>> -> memref<128xi32, #tpu.memory_space<hbm>>
          %dma_start3A_74 = tpu.memref_slice %arg4[%add3A_69] : memref<323584xi32, #tpu.memory_space<hbm>> -> memref<128xi32, #tpu.memory_space<hbm>>
          tpu.enqueue_dma source(%dma_start3A_74 : memref<128xi32, #tpu.memory_space<hbm>>) target(%arg10 : memref<128xi32, #tpu.memory_space<vmem>>) target_semaphore(%run_scoped3A : memref<!tpu.dma_semaphore, #tpu.memory_space<semaphore_mem>>)
          %dma_wait3A_75 = tpu.memref_slice %arg4[%add3A_69] : memref<323584xi32, #tpu.memory_space<hbm>> -> memref<128xi32, #tpu.memory_space<hbm>>
          %dma_wait3A_76 = tpu.memref_slice %arg4[%add3A_69] : memref<323584xi32, #tpu.memory_space<hbm>> -> memref<128xi32, #tpu.memory_space<hbm>>
          tpu.wait_dma2 semaphore(%run_scoped3A : memref<!tpu.dma_semaphore, #tpu.memory_space<semaphore_mem>>) src(%dma_wait3A_76 : memref<128xi32, #tpu.memory_space<hbm>>) dst(%arg10 : memref<128xi32, #tpu.memory_space<vmem>>)
          tpu.yield
        }) : () -> ()
        %dma_start3A_70 = arith.constant 0 : i32
        %dma_start3A_71 = arith.constant 0 : i32
        %dma_start3A_72 = tpu.memref_slice %arg2[%dma_start3A_70, %dma_start3A_71] : memref<20000x128xf32, #tpu.memory_space<hbm>> -> memref<20000x128xf32, #tpu.memory_space<hbm>>
        tpu.enqueue_indirect_dma source(%dma_start3A_72 : memref<20000x128xf32, #tpu.memory_space<hbm>>) target(%arg12 : memref<128x128xf32, #tpu.memory_space<vmem>>) offsets(%arg8 : memref<128xi32, #tpu.memory_space<vmem>>) semaphore(%arg14 : memref<!tpu.dma_semaphore, #tpu.memory_space<semaphore_mem>>)
      } else {
      }
    }
    %scan3A_23 = arith.constant 79 : i32
    %barrier3A_24 = arith.constant 0 : index
    tpu.barrier barrier_id(%barrier3A_24)
    %mul3A_25 = arith.constant 632 : i32
    %mul3A_26 = arith.muli %arg1, %mul3A_25 : i32
    %mul3A_27 = arith.constant 632 : i32
    %mul3A_28 = arith.muli %arg1, %mul3A_27 : i32
    "tpu.region"() ({
      %run_scoped3A = tpu.sem_alloc : memref<!tpu.dma_semaphore, #tpu.memory_space<semaphore_mem>>
      %dma_start3A_29 = arith.constant 0 : i32
      %dma_start3A_30 = tpu.memref_slice %arg6[%arg0, %mul3A_28, %dma_start3A_29] : memref<2x10112x128xf32, #tpu.memory_space<hbm>> -> memref<1x632x128xf32, #tpu.memory_space<hbm>>
      %dma_start3A_31 = tpu.memref_squeeze %dma_start3A_30 : memref<1x632x128xf32, #tpu.memory_space<hbm>> -> memref<632x128xf32, #tpu.memory_space<hbm>>
      %dma_start3A_32 = arith.constant 0 : i32
      %dma_start3A_33 = tpu.memref_slice %arg16[%mul3A_26, %dma_start3A_32] : memref<10112x128xf32, #tpu.memory_space<vmem_shared>> -> memref<632x128xf32, #tpu.memory_space<vmem_shared>>
      tpu.enqueue_dma source(%dma_start3A_33 : memref<632x128xf32, #tpu.memory_space<vmem_shared>>) target(%dma_start3A_31 : memref<632x128xf32, #tpu.memory_space<hbm>>) target_semaphore(%run_scoped3A : memref<!tpu.dma_semaphore, #tpu.memory_space<semaphore_mem>>)
      %dma_wait3A = arith.constant 0 : i32
      %dma_wait3A_34 = tpu.memref_slice %arg6[%arg0, %mul3A_28, %dma_wait3A] : memref<2x10112x128xf32, #tpu.memory_space<hbm>> -> memref<1x632x128xf32, #tpu.memory_space<hbm>>
      %dma_wait3A_35 = tpu.memref_squeeze %dma_wait3A_34 : memref<1x632x128xf32, #tpu.memory_space<hbm>> -> memref<632x128xf32, #tpu.memory_space<hbm>>
      %dma_wait3A_36 = arith.constant 0 : i32
      %dma_wait3A_37 = tpu.memref_slice %arg16[%mul3A_26, %dma_wait3A_36] : memref<10112x128xf32, #tpu.memory_space<vmem_shared>> -> memref<632x128xf32, #tpu.memory_space<vmem_shared>>
      tpu.wait_dma2 semaphore(%run_scoped3A : memref<!tpu.dma_semaphore, #tpu.memory_space<semaphore_mem>>) src(%dma_wait3A_37 : memref<632x128xf32, #tpu.memory_space<vmem_shared>>) dst(%dma_wait3A_35 : memref<632x128xf32, #tpu.memory_space<hbm>>)
      tpu.yield
    }) : () -> ()
    return
  }
}

module attributes {stable_mosaic.version = 14 : i64} {
  func.func @_dense_body(%arg0: i32, %arg1: memref<10000x128xf32, #tpu.memory_space<vmem>>, %arg2: memref<1x10000x128xf32, #tpu.memory_space<vmem>>, %arg3: memref<2x10000x128xf32, #tpu.memory_space<vmem>>, %arg4: memref<128x128xf32, #tpu.memory_space<vmem>>, %arg5: memref<128x128xf32, #tpu.memory_space<vmem>>, %arg6: memref<1x128xf32, #tpu.memory_space<vmem>>, %arg7: memref<1x128xf32, #tpu.memory_space<vmem>>, %arg8: memref<1x128xf32, #tpu.memory_space<vmem>>, %arg9: memref<10000x128xf32, #tpu.memory_space<vmem>>) attributes {dimension_semantics = [#tpu.dimension_semantics<arbitrary>], iteration_bounds = array<i64: 2>, scalar_prefetch = 0 : i64, scratch_operands = 0 : i64, tpu.core_type = #tpu.core_type<tc>, window_params = [{transform_indices = @transform_0, window_bounds = array<i64: 10000, 128>}, {transform_indices = @transform_1, window_bounds = array<i64: 1, 10000, 128>}, {transform_indices = @transform_2, window_bounds = array<i64: 2, 10000, 128>}, {pipeline_mode = #tpu.pipeline_mode<synchronous>, transform_indices = @transform_3, window_bounds = array<i64: 128, 128>}, {pipeline_mode = #tpu.pipeline_mode<synchronous>, transform_indices = @transform_4, window_bounds = array<i64: 128, 128>}, {pipeline_mode = #tpu.pipeline_mode<synchronous>, transform_indices = @transform_5, window_bounds = array<i64: 1, 128>}, {pipeline_mode = #tpu.pipeline_mode<synchronous>, transform_indices = @transform_6, window_bounds = array<i64: 1, 128>}, {pipeline_mode = #tpu.pipeline_mode<synchronous>, transform_indices = @transform_7, window_bounds = array<i64: 1, 128>}, {transform_indices = @transform_8, window_bounds = array<i64: 10000, 128>}]} {
    %get3A = arith.constant 0 : index
    %get3A_0 = arith.constant 0 : index
    %get3A_1 = arith.constant 0 : index
    %get3A_2 = vector.load %arg3[%get3A, %get3A_0, %get3A_1] : memref<2x10000x128xf32, #tpu.memory_space<vmem>>, vector<1x10000x1xf32>
    %get3A_3 = vector.shape_cast %get3A_2 : vector<1x10000x1xf32> to vector<10000x1xf32>
    %get3A_4 = arith.constant 1 : index
    %get3A_5 = arith.constant 0 : index
    %get3A_6 = arith.constant 0 : index
    %get3A_7 = vector.load %arg3[%get3A_4, %get3A_5, %get3A_6] : memref<2x10000x128xf32, #tpu.memory_space<vmem>>, vector<1x10000x1xf32>
    %get3A_8 = vector.shape_cast %get3A_7 : vector<1x10000x1xf32> to vector<10000x1xf32>
    %add3A = arith.addf %get3A_3, %get3A_8 : vector<10000x1xf32>
    %max3A = arith.constant 1.000000e+00 : f32
    %max3A_9 = vector.broadcast %max3A : f32 to vector<10000x1xf32>
    %max3A_10 = arith.maximumf %add3A, %max3A_9 : vector<10000x1xf32>
    %get3A_11 = arith.constant 0 : index
    %get3A_12 = arith.constant 0 : index
    %get3A_13 = arith.constant 0 : index
    %get3A_14 = vector.load %arg2[%get3A_11, %get3A_12, %get3A_13] : memref<1x10000x128xf32, #tpu.memory_space<vmem>>, vector<1x10000x128xf32>
    %get3A_15 = vector.shape_cast %get3A_14 : vector<1x10000x128xf32> to vector<10000x128xf32>
    %div3A = vector.broadcast %max3A_10 : vector<10000x1xf32> to vector<10000x128xf32>
    %div3A_16 = arith.divf %get3A_15, %div3A : vector<10000x128xf32>
    %get3A_17 = arith.constant 0 : index
    %get3A_18 = arith.constant 0 : index
    %get3A_19 = vector.load %arg1[%get3A_17, %get3A_18] : memref<10000x128xf32, #tpu.memory_space<vmem>>, vector<10000x128xf32>
    %get3A_20 = arith.constant 0 : index
    %get3A_21 = arith.constant 0 : index
    %get3A_22 = vector.load %arg4[%get3A_20, %get3A_21] : memref<128x128xf32, #tpu.memory_space<vmem>>, vector<128x128xf32>
    %dot_general3A = arith.constant dense<0.000000e+00> : vector<10000x128xf32>
    %dot_general3A_23 = tpu.matmul %get3A_19, %get3A_22, %dot_general3A {dimension_numbers = #tpu.dot_dimension_numbers<[1], [0], [0], [1], [0, 0, 1, 1], [], []>, transpose_lhs_hint = false} : vector<10000x128xf32>, vector<128x128xf32>, vector<10000x128xf32> -> vector<10000x128xf32>
    %get3A_24 = arith.constant 0 : index
    %get3A_25 = arith.constant 0 : index
    %get3A_26 = vector.load %arg5[%get3A_24, %get3A_25] : memref<128x128xf32, #tpu.memory_space<vmem>>, vector<128x128xf32>
    %dot_general3A_27 = arith.constant dense<0.000000e+00> : vector<10000x128xf32>
    %dot_general3A_28 = tpu.matmul %div3A_16, %get3A_26, %dot_general3A_27 {dimension_numbers = #tpu.dot_dimension_numbers<[1], [0], [0], [1], [0, 0, 1, 1], [], []>, transpose_lhs_hint = false} : vector<10000x128xf32>, vector<128x128xf32>, vector<10000x128xf32> -> vector<10000x128xf32>
    %add3A_29 = arith.addf %dot_general3A_23, %dot_general3A_28 : vector<10000x128xf32>
    %get3A_30 = arith.constant 0 : index
    %get3A_31 = arith.constant 0 : index
    %get3A_32 = vector.load %arg6[%get3A_30, %get3A_31] : memref<1x128xf32, #tpu.memory_space<vmem>>, vector<1x128xf32>
    %add3A_33 = vector.broadcast %get3A_32 : vector<1x128xf32> to vector<10000x128xf32>
    %add3A_34 = arith.addf %add3A_29, %add3A_33 : vector<10000x128xf32>
    %reduce_sum3A = arith.constant dense<0.000000e+00> : vector<128xf32>
    %reduce_sum3A_35 = vector.multi_reduction <add>, %add3A_34, %reduce_sum3A [0] : vector<10000x128xf32> to vector<128xf32>
    %broadcast_in_dim3A = vector.shape_cast %reduce_sum3A_35 : vector<128xf32> to vector<1x128xf32>
    %div3A_36 = arith.constant 1.000000e+04 : f32
    %div3A_37 = vector.broadcast %div3A_36 : f32 to vector<1x128xf32>
    %div3A_38 = arith.divf %broadcast_in_dim3A, %div3A_37 : vector<1x128xf32>
    %sub3A = vector.broadcast %div3A_38 : vector<1x128xf32> to vector<10000x128xf32>
    %sub3A_39 = arith.subf %add3A_34, %sub3A : vector<10000x128xf32>
    %integer_pow3A = arith.mulf %sub3A_39, %sub3A_39 : vector<10000x128xf32>
    %reduce_sum3A_40 = arith.constant dense<0.000000e+00> : vector<128xf32>
    %reduce_sum3A_41 = vector.multi_reduction <add>, %integer_pow3A, %reduce_sum3A_40 [0] : vector<10000x128xf32> to vector<128xf32>
    %broadcast_in_dim3A_42 = vector.shape_cast %reduce_sum3A_41 : vector<128xf32> to vector<1x128xf32>
    %div3A_43 = arith.constant 1.000000e+04 : f32
    %div3A_44 = vector.broadcast %div3A_43 : f32 to vector<1x128xf32>
    %div3A_45 = arith.divf %broadcast_in_dim3A_42, %div3A_44 : vector<1x128xf32>
    %get3A_46 = arith.constant 0 : index
    %get3A_47 = arith.constant 0 : index
    %get3A_48 = vector.load %arg7[%get3A_46, %get3A_47] : memref<1x128xf32, #tpu.memory_space<vmem>>, vector<1x128xf32>
    %sub3A_49 = vector.broadcast %div3A_38 : vector<1x128xf32> to vector<10000x128xf32>
    %sub3A_50 = arith.subf %add3A_34, %sub3A_49 : vector<10000x128xf32>
    %mul3A = vector.broadcast %get3A_48 : vector<1x128xf32> to vector<10000x128xf32>
    %mul3A_51 = arith.mulf %mul3A, %sub3A_50 : vector<10000x128xf32>
    %add3A_52 = arith.constant 9.99999974E-6 : f32
    %add3A_53 = vector.broadcast %add3A_52 : f32 to vector<1x128xf32>
    %add3A_54 = arith.addf %div3A_45, %add3A_53 : vector<1x128xf32>
    %sqrt3A = math.sqrt %add3A_54 : vector<1x128xf32>
    %div3A_55 = vector.broadcast %sqrt3A : vector<1x128xf32> to vector<10000x128xf32>
    %div3A_56 = arith.divf %mul3A_51, %div3A_55 : vector<10000x128xf32>
    %get3A_57 = arith.constant 0 : index
    %get3A_58 = arith.constant 0 : index
    %get3A_59 = vector.load %arg8[%get3A_57, %get3A_58] : memref<1x128xf32, #tpu.memory_space<vmem>>, vector<1x128xf32>
    %add3A_60 = vector.broadcast %get3A_59 : vector<1x128xf32> to vector<10000x128xf32>
    %add3A_61 = arith.addf %div3A_56, %add3A_60 : vector<10000x128xf32>
    %max3A_62 = arith.constant 0.000000e+00 : f32
    %max3A_63 = vector.broadcast %max3A_62 : f32 to vector<10000x128xf32>
    %max3A_64 = arith.maximumf %add3A_61, %max3A_63 : vector<10000x128xf32>
    %swap3A = arith.constant 0 : index
    %swap3A_65 = arith.constant 0 : index
    %swap3A_66 = vector.load %arg9[%swap3A, %swap3A_65] : memref<10000x128xf32, #tpu.memory_space<vmem>>, vector<10000x128xf32>
    tpu.vector_store %arg9[%swap3A, %swap3A_65], %max3A_64 {strides = array<i32>} : memref<10000x128xf32, #tpu.memory_space<vmem>>, vector<10000x128xf32>,
    return
  }
  func.func @transform_0(%arg0: i32) -> (i32, i32) {
    %c0_i32 = arith.constant 0 : i32
    %c0_i32_0 = arith.constant 0 : i32
    return %arg0, %c0_i32 : i32, i32
  }
  func.func @transform_1(%arg0: i32) -> (i32, i32, i32) {
    %c0_i32 = arith.constant 0 : i32
    %c0_i32_0 = arith.constant 0 : i32
    %c0_i32_1 = arith.constant 0 : i32
    return %arg0, %c0_i32, %c0_i32_0 : i32, i32, i32
  }
  func.func @transform_2(%arg0: i32) -> (i32, i32, i32) {
    %c0_i32 = arith.constant 0 : i32
    %c0_i32_0 = arith.constant 0 : i32
    %c0_i32_1 = arith.constant 0 : i32
    %c0_i32_2 = arith.constant 0 : i32
    return %c0_i32, %c0_i32_0, %c0_i32_1 : i32, i32, i32
  }
  func.func @transform_3(%arg0: i32) -> (i32, i32) {
    %c0_i32 = arith.constant 0 : i32
    %c0_i32_0 = arith.constant 0 : i32
    %c0_i32_1 = arith.constant 0 : i32
    return %c0_i32, %c0_i32_0 : i32, i32
  }
  func.func @transform_4(%arg0: i32) -> (i32, i32) {
    %c0_i32 = arith.constant 0 : i32
    %c0_i32_0 = arith.constant 0 : i32
    %c0_i32_1 = arith.constant 0 : i32
    return %c0_i32, %c0_i32_0 : i32, i32
  }
  func.func @transform_5(%arg0: i32) -> (i32, i32) {
    %c0_i32 = arith.constant 0 : i32
    %c0_i32_0 = arith.constant 0 : i32
    %c0_i32_1 = arith.constant 0 : i32
    return %c0_i32, %c0_i32_0 : i32, i32
  }
  func.func @transform_6(%arg0: i32) -> (i32, i32) {
    %c0_i32 = arith.constant 0 : i32
    %c0_i32_0 = arith.constant 0 : i32
    %c0_i32_1 = arith.constant 0 : i32
    return %c0_i32, %c0_i32_0 : i32, i32
  }
  func.func @transform_7(%arg0: i32) -> (i32, i32) {
    %c0_i32 = arith.constant 0 : i32
    %c0_i32_0 = arith.constant 0 : i32
    %c0_i32_1 = arith.constant 0 : i32
    return %c0_i32, %c0_i32_0 : i32, i32
  }
  func.func @transform_8(%arg0: i32) -> (i32, i32) {
    %c0_i32 = arith.constant 0 : i32
    %c0_i32_0 = arith.constant 0 : i32
    return %arg0, %c0_i32 : i32, i32
  }
}

module attributes {stable_mosaic.version = 14 : i64} {
  func.func @_dense_body(%arg0: i32, %arg1: memref<10000x128xf32, #tpu.memory_space<vmem>>, %arg2: memref<1x10000x128xf32, #tpu.memory_space<vmem>>, %arg3: memref<2x10000x128xf32, #tpu.memory_space<vmem>>, %arg4: memref<128x128xf32, #tpu.memory_space<vmem>>, %arg5: memref<128x128xf32, #tpu.memory_space<vmem>>, %arg6: memref<1x128xf32, #tpu.memory_space<vmem>>, %arg7: memref<1x128xf32, #tpu.memory_space<vmem>>, %arg8: memref<1x128xf32, #tpu.memory_space<vmem>>, %arg9: memref<10000x128xf32, #tpu.memory_space<vmem>>) attributes {dimension_semantics = [#tpu.dimension_semantics<arbitrary>], iteration_bounds = array<i64: 2>, scalar_prefetch = 0 : i64, scratch_operands = 0 : i64, tpu.core_type = #tpu.core_type<tc>, window_params = [{transform_indices = @transform_0, window_bounds = array<i64: 10000, 128>}, {transform_indices = @transform_1, window_bounds = array<i64: 1, 10000, 128>}, {transform_indices = @transform_2, window_bounds = array<i64: 2, 10000, 128>}, {pipeline_mode = #tpu.pipeline_mode<synchronous>, transform_indices = @transform_3, window_bounds = array<i64: 128, 128>}, {pipeline_mode = #tpu.pipeline_mode<synchronous>, transform_indices = @transform_4, window_bounds = array<i64: 128, 128>}, {pipeline_mode = #tpu.pipeline_mode<synchronous>, transform_indices = @transform_5, window_bounds = array<i64: 1, 128>}, {pipeline_mode = #tpu.pipeline_mode<synchronous>, transform_indices = @transform_6, window_bounds = array<i64: 1, 128>}, {pipeline_mode = #tpu.pipeline_mode<synchronous>, transform_indices = @transform_7, window_bounds = array<i64: 1, 128>}, {transform_indices = @transform_8, window_bounds = array<i64: 10000, 128>}]} {
    %get3A = arith.constant 0 : index
    %get3A_0 = arith.constant 0 : index
    %get3A_1 = arith.constant 0 : index
    %get3A_2 = vector.load %arg3[%get3A, %get3A_0, %get3A_1] : memref<2x10000x128xf32, #tpu.memory_space<vmem>>, vector<1x10000x1xf32>
    %get3A_3 = vector.shape_cast %get3A_2 : vector<1x10000x1xf32> to vector<10000x1xf32>
    %get3A_4 = arith.constant 1 : index
    %get3A_5 = arith.constant 0 : index
    %get3A_6 = arith.constant 0 : index
    %get3A_7 = vector.load %arg3[%get3A_4, %get3A_5, %get3A_6] : memref<2x10000x128xf32, #tpu.memory_space<vmem>>, vector<1x10000x1xf32>
    %get3A_8 = vector.shape_cast %get3A_7 : vector<1x10000x1xf32> to vector<10000x1xf32>
    %add3A = arith.addf %get3A_3, %get3A_8 : vector<10000x1xf32>
    %max3A = arith.constant 1.000000e+00 : f32
    %max3A_9 = vector.broadcast %max3A : f32 to vector<10000x1xf32>
    %max3A_10 = arith.maximumf %add3A, %max3A_9 : vector<10000x1xf32>
    %get3A_11 = arith.constant 0 : index
    %get3A_12 = arith.constant 0 : index
    %get3A_13 = arith.constant 0 : index
    %get3A_14 = vector.load %arg2[%get3A_11, %get3A_12, %get3A_13] : memref<1x10000x128xf32, #tpu.memory_space<vmem>>, vector<1x10000x128xf32>
    %get3A_15 = vector.shape_cast %get3A_14 : vector<1x10000x128xf32> to vector<10000x128xf32>
    %div3A = vector.broadcast %max3A_10 : vector<10000x1xf32> to vector<10000x128xf32>
    %div3A_16 = arith.divf %get3A_15, %div3A : vector<10000x128xf32>
    %get3A_17 = arith.constant 0 : index
    %get3A_18 = arith.constant 0 : index
    %get3A_19 = vector.load %arg1[%get3A_17, %get3A_18] : memref<10000x128xf32, #tpu.memory_space<vmem>>, vector<10000x128xf32>
    %get3A_20 = arith.constant 0 : index
    %get3A_21 = arith.constant 0 : index
    %get3A_22 = vector.load %arg4[%get3A_20, %get3A_21] : memref<128x128xf32, #tpu.memory_space<vmem>>, vector<128x128xf32>
    %dot_general3A = arith.constant dense<0.000000e+00> : vector<10000x128xf32>
    %dot_general3A_23 = tpu.matmul %get3A_19, %get3A_22, %dot_general3A {dimension_numbers = #tpu.dot_dimension_numbers<[1], [0], [0], [1], [0, 0, 1, 1], [], []>, transpose_lhs_hint = false} : vector<10000x128xf32>, vector<128x128xf32>, vector<10000x128xf32> -> vector<10000x128xf32>
    %get3A_24 = arith.constant 0 : index
    %get3A_25 = arith.constant 0 : index
    %get3A_26 = vector.load %arg5[%get3A_24, %get3A_25] : memref<128x128xf32, #tpu.memory_space<vmem>>, vector<128x128xf32>
    %dot_general3A_27 = arith.constant dense<0.000000e+00> : vector<10000x128xf32>
    %dot_general3A_28 = tpu.matmul %div3A_16, %get3A_26, %dot_general3A_27 {dimension_numbers = #tpu.dot_dimension_numbers<[1], [0], [0], [1], [0, 0, 1, 1], [], []>, transpose_lhs_hint = false} : vector<10000x128xf32>, vector<128x128xf32>, vector<10000x128xf32> -> vector<10000x128xf32>
    %add3A_29 = arith.addf %dot_general3A_23, %dot_general3A_28 : vector<10000x128xf32>
    %get3A_30 = arith.constant 0 : index
    %get3A_31 = arith.constant 0 : index
    %get3A_32 = vector.load %arg6[%get3A_30, %get3A_31] : memref<1x128xf32, #tpu.memory_space<vmem>>, vector<1x128xf32>
    %add3A_33 = vector.broadcast %get3A_32 : vector<1x128xf32> to vector<10000x128xf32>
    %add3A_34 = arith.addf %add3A_29, %add3A_33 : vector<10000x128xf32>
    %swap3A = arith.constant 0 : index
    %swap3A_35 = arith.constant 0 : index
    %swap3A_36 = vector.load %arg9[%swap3A, %swap3A_35] : memref<10000x128xf32, #tpu.memory_space<vmem>>, vector<10000x128xf32>
    tpu.vector_store %arg9[%swap3A, %swap3A_35], %add3A_34 {strides = array<i32>} : memref<10000x128xf32, #tpu.memory_space<vmem>>, vector<10000x128xf32>,
    return
  }
  func.func @transform_0(%arg0: i32) -> (i32, i32) {
    %c0_i32 = arith.constant 0 : i32
    %c0_i32_0 = arith.constant 0 : i32
    return %arg0, %c0_i32 : i32, i32
  }
  func.func @transform_1(%arg0: i32) -> (i32, i32, i32) {
    %c0_i32 = arith.constant 0 : i32
    %c0_i32_0 = arith.constant 0 : i32
    %c0_i32_1 = arith.constant 0 : i32
    return %arg0, %c0_i32, %c0_i32_0 : i32, i32, i32
  }
  func.func @transform_2(%arg0: i32) -> (i32, i32, i32) {
    %c0_i32 = arith.constant 0 : i32
    %c0_i32_0 = arith.constant 0 : i32
    %c0_i32_1 = arith.constant 0 : i32
    %c0_i32_2 = arith.constant 0 : i32
    return %c0_i32, %c0_i32_0, %c0_i32_1 : i32, i32, i32
  }
  func.func @transform_3(%arg0: i32) -> (i32, i32) {
    %c0_i32 = arith.constant 0 : i32
    %c0_i32_0 = arith.constant 0 : i32
    %c0_i32_1 = arith.constant 0 : i32
    return %c0_i32, %c0_i32_0 : i32, i32
  }
  func.func @transform_4(%arg0: i32) -> (i32, i32) {
    %c0_i32 = arith.constant 0 : i32
    %c0_i32_0 = arith.constant 0 : i32
    %c0_i32_1 = arith.constant 0 : i32
    return %c0_i32, %c0_i32_0 : i32, i32
  }
  func.func @transform_5(%arg0: i32) -> (i32, i32) {
    %c0_i32 = arith.constant 0 : i32
    %c0_i32_0 = arith.constant 0 : i32
    %c0_i32_1 = arith.constant 0 : i32
    return %c0_i32, %c0_i32_0 : i32, i32
  }
  func.func @transform_6(%arg0: i32) -> (i32, i32) {
    %c0_i32 = arith.constant 0 : i32
    %c0_i32_0 = arith.constant 0 : i32
    %c0_i32_1 = arith.constant 0 : i32
    return %c0_i32, %c0_i32_0 : i32, i32
  }
  func.func @transform_7(%arg0: i32) -> (i32, i32) {
    %c0_i32 = arith.constant 0 : i32
    %c0_i32_0 = arith.constant 0 : i32
    %c0_i32_1 = arith.constant 0 : i32
    return %c0_i32, %c0_i32_0 : i32, i32
  }
  func.func @transform_8(%arg0: i32) -> (i32, i32) {
    %c0_i32 = arith.constant 0 : i32
    %c0_i32_0 = arith.constant 0 : i32
    return %arg0, %c0_i32 : i32, i32
  }
}

module attributes {stable_mosaic.version = 14 : i64} {
  func.func @_loss_body(%arg0: memref<10000x128xf32, #tpu.memory_space<vmem>>, %arg1: memref<10000x128xf32, #tpu.memory_space<vmem>>, %arg2: memref<128x128xf32, #tpu.memory_space<vmem>>, %arg3: memref<8x128xf32, #tpu.memory_space<vmem>>) attributes {dimension_semantics = [], scalar_prefetch = 0 : i64, scratch_operands = 0 : i64, tpu.core_type = #tpu.core_type<tc>} {
    %get3A = arith.constant 0 : index
    %get3A_0 = arith.constant 0 : index
    %get3A_1 = vector.load %arg0[%get3A, %get3A_0] : memref<10000x128xf32, #tpu.memory_space<vmem>>, vector<10000x128xf32>
    %reduce_sum3A = arith.constant dense<0.000000e+00> : vector<128xf32>
    %reduce_sum3A_2 = vector.multi_reduction <add>, %get3A_1, %reduce_sum3A [0] : vector<10000x128xf32> to vector<128xf32>
    %broadcast_in_dim3A = vector.shape_cast %reduce_sum3A_2 : vector<128xf32> to vector<1x128xf32>
    %div3A = arith.constant 1.000000e+04 : f32
    %div3A_3 = vector.broadcast %div3A : f32 to vector<1x128xf32>
    %div3A_4 = arith.divf %broadcast_in_dim3A, %div3A_3 : vector<1x128xf32>
    %logistic3A = arith.negf %div3A_4 : vector<1x128xf32>
    %logistic3A_5 = math.exp %logistic3A : vector<1x128xf32>
    %logistic3A_6 = arith.constant 1.000000e+00 : f32
    %logistic3A_7 = vector.broadcast %logistic3A_6 : f32 to vector<1x128xf32>
    %logistic3A_8 = arith.addf %logistic3A_7, %logistic3A_5 : vector<1x128xf32>
    %logistic3A_9 = arith.divf %logistic3A_7, %logistic3A_8 : vector<1x128xf32>
    %get3A_10 = arith.constant 0 : index
    %get3A_11 = arith.constant 0 : index
    %get3A_12 = vector.load %arg2[%get3A_10, %get3A_11] : memref<128x128xf32, #tpu.memory_space<vmem>>, vector<128x128xf32>
    %dot_general3A = arith.constant dense<0.000000e+00> : vector<1x128xf32>
    %dot_general3A_13 = tpu.matmul %logistic3A_9, %get3A_12, %dot_general3A {dimension_numbers = #tpu.dot_dimension_numbers<[1], [1], [0], [0], [0, 0, 1, 0], [], []>, transpose_lhs_hint = false} : vector<1x128xf32>, vector<128x128xf32>, vector<1x128xf32> -> vector<1x128xf32>
    %get3A_14 = arith.constant 0 : index
    %get3A_15 = arith.constant 0 : index
    %get3A_16 = vector.load %arg0[%get3A_14, %get3A_15] : memref<10000x128xf32, #tpu.memory_space<vmem>>, vector<10000x128xf32>
    %dot_general3A_17 = arith.constant dense<0.000000e+00> : vector<10000x1xf32>
    %dot_general3A_18 = tpu.matmul %get3A_16, %dot_general3A_13, %dot_general3A_17 {dimension_numbers = #tpu.dot_dimension_numbers<[1], [1], [0], [0], [0, 0, 1, 0], [], []>, transpose_lhs_hint = false} : vector<10000x128xf32>, vector<1x128xf32>, vector<10000x1xf32> -> vector<10000x1xf32>
    %get3A_19 = arith.constant 0 : index
    %get3A_20 = arith.constant 0 : index
    %get3A_21 = vector.load %arg1[%get3A_19, %get3A_20] : memref<10000x128xf32, #tpu.memory_space<vmem>>, vector<10000x128xf32>
    %dot_general3A_22 = arith.constant dense<0.000000e+00> : vector<10000x1xf32>
    %dot_general3A_23 = tpu.matmul %get3A_21, %dot_general3A_13, %dot_general3A_22 {dimension_numbers = #tpu.dot_dimension_numbers<[1], [1], [0], [0], [0, 0, 1, 0], [], []>, transpose_lhs_hint = false} : vector<10000x128xf32>, vector<1x128xf32>, vector<10000x1xf32> -> vector<10000x1xf32>
    %neg3A = arith.constant 0.000000e+00 : f32
    %neg3A_24 = vector.broadcast %neg3A : f32 to vector<10000x1xf32>
    %neg3A_25 = arith.subf %neg3A_24, %dot_general3A_18 : vector<10000x1xf32>
    %max3A = arith.constant 0.000000e+00 : f32
    %max3A_26 = vector.broadcast %max3A : f32 to vector<10000x1xf32>
    %max3A_27 = arith.maximumf %neg3A_25, %max3A_26 : vector<10000x1xf32>
    %abs3A = math.absf %neg3A_25 : vector<10000x1xf32>
    %neg3A_28 = arith.constant 0.000000e+00 : f32
    %neg3A_29 = vector.broadcast %neg3A_28 : f32 to vector<10000x1xf32>
    %neg3A_30 = arith.subf %neg3A_29, %abs3A : vector<10000x1xf32>
    %exp3A = math.exp %neg3A_30 : vector<10000x1xf32>
    %log1p3A = math.log1p %exp3A : vector<10000x1xf32>
    %add3A = arith.addf %max3A_27, %log1p3A : vector<10000x1xf32>
    %reduce_sum3A_31 = vector.shape_cast %add3A : vector<10000x1xf32> to vector<1x10000x1xf32>
    %reduce_sum3A_32 = arith.constant dense<0.000000e+00> : vector<1xf32>
    %reduce_sum3A_33 = vector.multi_reduction <add>, %reduce_sum3A_31, %reduce_sum3A_32 [1, 2] : vector<1x10000x1xf32> to vector<1xf32>
    %reduce_sum3A_34 = vector.shape_cast %reduce_sum3A_33 : vector<1xf32> to vector<1x1x1xf32>
    %reduce_sum3A_35 = vector.extract %reduce_sum3A_34[0, 0, 0] : f32 from vector<1x1x1xf32>
    %div3A_36 = arith.constant 1.000000e+04 : f32
    %div3A_37 = arith.divf %reduce_sum3A_35, %div3A_36 : f32
    %max3A_38 = arith.constant 0.000000e+00 : f32
    %max3A_39 = vector.broadcast %max3A_38 : f32 to vector<10000x1xf32>
    %max3A_40 = arith.maximumf %dot_general3A_23, %max3A_39 : vector<10000x1xf32>
    %abs3A_41 = math.absf %dot_general3A_23 : vector<10000x1xf32>
    %neg3A_42 = arith.constant 0.000000e+00 : f32
    %neg3A_43 = vector.broadcast %neg3A_42 : f32 to vector<10000x1xf32>
    %neg3A_44 = arith.subf %neg3A_43, %abs3A_41 : vector<10000x1xf32>
    %exp3A_45 = math.exp %neg3A_44 : vector<10000x1xf32>
    %log1p3A_46 = math.log1p %exp3A_45 : vector<10000x1xf32>
    %add3A_47 = arith.addf %max3A_40, %log1p3A_46 : vector<10000x1xf32>
    %reduce_sum3A_48 = vector.shape_cast %add3A_47 : vector<10000x1xf32> to vector<1x10000x1xf32>
    %reduce_sum3A_49 = arith.constant dense<0.000000e+00> : vector<1xf32>
    %reduce_sum3A_50 = vector.multi_reduction <add>, %reduce_sum3A_48, %reduce_sum3A_49 [1, 2] : vector<1x10000x1xf32> to vector<1xf32>
    %reduce_sum3A_51 = vector.shape_cast %reduce_sum3A_50 : vector<1xf32> to vector<1x1x1xf32>
    %reduce_sum3A_52 = vector.extract %reduce_sum3A_51[0, 0, 0] : f32 from vector<1x1x1xf32>
    %div3A_53 = arith.constant 1.000000e+04 : f32
    %div3A_54 = arith.divf %reduce_sum3A_52, %div3A_53 : f32
    %add3A_55 = arith.addf %div3A_37, %div3A_54 : f32
    %broadcast_in_dim3A_56 = vector.broadcast %add3A_55 : f32 to vector<8x128xf32>
    %swap3A = arith.constant 0 : index
    %swap3A_57 = arith.constant 0 : index
    %swap3A_58 = vector.load %arg3[%swap3A, %swap3A_57] : memref<8x128xf32, #tpu.memory_space<vmem>>, vector<8x128xf32>
    tpu.vector_store %arg3[%swap3A, %swap3A_57], %broadcast_in_dim3A_56 {strides = array<i32>} : memref<8x128xf32, #tpu.memory_space<vmem>>, vector<8x128xf32>,
    return
  }
}

module attributes {stable_mosaic.version = 14 : i64} {
  func.func @_mlp_body(%arg0: i32, %arg1: memref<2048x128xf32, #tpu.memory_space<vmem>>, %arg2: memref<128x128xf32, #tpu.memory_space<vmem>>, %arg3: memref<1x128xf32, #tpu.memory_space<vmem>>, %arg4: memref<128x128xf32, #tpu.memory_space<vmem>>, %arg5: memref<1x128xf32, #tpu.memory_space<vmem>>, %arg6: memref<128x8xf32, #tpu.memory_space<vmem>>, %arg7: memref<1x8xf32, #tpu.memory_space<vmem>>, %arg8: memref<2048x8xf32, #tpu.memory_space<vmem>>) attributes {dimension_semantics = [#tpu.dimension_semantics<arbitrary>], iteration_bounds = array<i64: 100>, scalar_prefetch = 0 : i64, scratch_operands = 0 : i64, tpu.core_type = #tpu.core_type<tc>, window_params = [{transform_indices = @transform_0, window_bounds = array<i64: 2048, 128>}, {pipeline_mode = #tpu.pipeline_mode<synchronous>, transform_indices = @transform_1, window_bounds = array<i64: 128, 128>}, {pipeline_mode = #tpu.pipeline_mode<synchronous>, transform_indices = @transform_2, window_bounds = array<i64: 1, 128>}, {pipeline_mode = #tpu.pipeline_mode<synchronous>, transform_indices = @transform_3, window_bounds = array<i64: 128, 128>}, {pipeline_mode = #tpu.pipeline_mode<synchronous>, transform_indices = @transform_4, window_bounds = array<i64: 1, 128>}, {pipeline_mode = #tpu.pipeline_mode<synchronous>, transform_indices = @transform_5, window_bounds = array<i64: 128, 8>}, {pipeline_mode = #tpu.pipeline_mode<synchronous>, transform_indices = @transform_6, window_bounds = array<i64: 1, 8>}, {transform_indices = @transform_7, window_bounds = array<i64: 2048, 8>}]} {
    %get3A = arith.constant 0 : index
    %get3A_0 = arith.constant 0 : index
    %get3A_1 = vector.load %arg1[%get3A, %get3A_0] : memref<2048x128xf32, #tpu.memory_space<vmem>>, vector<2048x128xf32>
    %get3A_2 = arith.constant 0 : index
    %get3A_3 = arith.constant 0 : index
    %get3A_4 = vector.load %arg2[%get3A_2, %get3A_3] : memref<128x128xf32, #tpu.memory_space<vmem>>, vector<128x128xf32>
    %dot_general3A = arith.constant dense<0.000000e+00> : vector<2048x128xf32>
    %dot_general3A_5 = tpu.matmul %get3A_1, %get3A_4, %dot_general3A {dimension_numbers = #tpu.dot_dimension_numbers<[1], [0], [0], [1], [0, 0, 1, 1], [], []>, transpose_lhs_hint = false} : vector<2048x128xf32>, vector<128x128xf32>, vector<2048x128xf32> -> vector<2048x128xf32>
    %get3A_6 = arith.constant 0 : index
    %get3A_7 = arith.constant 0 : index
    %get3A_8 = vector.load %arg3[%get3A_6, %get3A_7] : memref<1x128xf32, #tpu.memory_space<vmem>>, vector<1x128xf32>
    %add3A = vector.broadcast %get3A_8 : vector<1x128xf32> to vector<2048x128xf32>
    %add3A_9 = arith.addf %dot_general3A_5, %add3A : vector<2048x128xf32>
    %max3A = arith.constant 0.000000e+00 : f32
    %max3A_10 = vector.broadcast %max3A : f32 to vector<2048x128xf32>
    %max3A_11 = arith.maximumf %add3A_9, %max3A_10 : vector<2048x128xf32>
    %get3A_12 = arith.constant 0 : index
    %get3A_13 = arith.constant 0 : index
    %get3A_14 = vector.load %arg4[%get3A_12, %get3A_13] : memref<128x128xf32, #tpu.memory_space<vmem>>, vector<128x128xf32>
    %dot_general3A_15 = arith.constant dense<0.000000e+00> : vector<2048x128xf32>
    %dot_general3A_16 = tpu.matmul %max3A_11, %get3A_14, %dot_general3A_15 {dimension_numbers = #tpu.dot_dimension_numbers<[1], [0], [0], [1], [0, 0, 1, 1], [], []>, transpose_lhs_hint = false} : vector<2048x128xf32>, vector<128x128xf32>, vector<2048x128xf32> -> vector<2048x128xf32>
    %get3A_17 = arith.constant 0 : index
    %get3A_18 = arith.constant 0 : index
    %get3A_19 = vector.load %arg5[%get3A_17, %get3A_18] : memref<1x128xf32, #tpu.memory_space<vmem>>, vector<1x128xf32>
    %add3A_20 = vector.broadcast %get3A_19 : vector<1x128xf32> to vector<2048x128xf32>
    %add3A_21 = arith.addf %dot_general3A_16, %add3A_20 : vector<2048x128xf32>
    %max3A_22 = arith.constant 0.000000e+00 : f32
    %max3A_23 = vector.broadcast %max3A_22 : f32 to vector<2048x128xf32>
    %max3A_24 = arith.maximumf %add3A_21, %max3A_23 : vector<2048x128xf32>
    %get3A_25 = arith.constant 0 : index
    %get3A_26 = arith.constant 0 : index
    %get3A_27 = vector.load %arg6[%get3A_25, %get3A_26] : memref<128x8xf32, #tpu.memory_space<vmem>>, vector<128x8xf32>
    %dot_general3A_28 = arith.constant dense<0.000000e+00> : vector<2048x8xf32>
    %dot_general3A_29 = tpu.matmul %max3A_24, %get3A_27, %dot_general3A_28 {dimension_numbers = #tpu.dot_dimension_numbers<[1], [0], [0], [1], [0, 0, 1, 1], [], []>, transpose_lhs_hint = false} : vector<2048x128xf32>, vector<128x8xf32>, vector<2048x8xf32> -> vector<2048x8xf32>
    %get3A_30 = arith.constant 0 : index
    %get3A_31 = arith.constant 0 : index
    %get3A_32 = vector.load %arg7[%get3A_30, %get3A_31] : memref<1x8xf32, #tpu.memory_space<vmem>>, vector<1x8xf32>
    %add3A_33 = vector.broadcast %get3A_32 : vector<1x8xf32> to vector<2048x8xf32>
    %add3A_34 = arith.addf %dot_general3A_29, %add3A_33 : vector<2048x8xf32>
    %swap3A = arith.constant 0 : index
    %swap3A_35 = arith.constant 0 : index
    %swap3A_36 = vector.load %arg8[%swap3A, %swap3A_35] : memref<2048x8xf32, #tpu.memory_space<vmem>>, vector<2048x8xf32>
    tpu.vector_store %arg8[%swap3A, %swap3A_35], %add3A_34 {strides = array<i32>} : memref<2048x8xf32, #tpu.memory_space<vmem>>, vector<2048x8xf32>,
    return
  }
  func.func @transform_0(%arg0: i32) -> (i32, i32) {
    %c0_i32 = arith.constant 0 : i32
    %c0_i32_0 = arith.constant 0 : i32
    return %arg0, %c0_i32 : i32, i32
  }
  func.func @transform_1(%arg0: i32) -> (i32, i32) {
    %c0_i32 = arith.constant 0 : i32
    %c0_i32_0 = arith.constant 0 : i32
    %c0_i32_1 = arith.constant 0 : i32
    return %c0_i32, %c0_i32_0 : i32, i32
  }
  func.func @transform_2(%arg0: i32) -> (i32, i32) {
    %c0_i32 = arith.constant 0 : i32
    %c0_i32_0 = arith.constant 0 : i32
    %c0_i32_1 = arith.constant 0 : i32
    return %c0_i32, %c0_i32_0 : i32, i32
  }
  func.func @transform_3(%arg0: i32) -> (i32, i32) {
    %c0_i32 = arith.constant 0 : i32
    %c0_i32_0 = arith.constant 0 : i32
    %c0_i32_1 = arith.constant 0 : i32
    return %c0_i32, %c0_i32_0 : i32, i32
  }
  func.func @transform_4(%arg0: i32) -> (i32, i32) {
    %c0_i32 = arith.constant 0 : i32
    %c0_i32_0 = arith.constant 0 : i32
    %c0_i32_1 = arith.constant 0 : i32
    return %c0_i32, %c0_i32_0 : i32, i32
  }
  func.func @transform_5(%arg0: i32) -> (i32, i32) {
    %c0_i32 = arith.constant 0 : i32
    %c0_i32_0 = arith.constant 0 : i32
    %c0_i32_1 = arith.constant 0 : i32
    return %c0_i32, %c0_i32_0 : i32, i32
  }
  func.func @transform_6(%arg0: i32) -> (i32, i32) {
    %c0_i32 = arith.constant 0 : i32
    %c0_i32_0 = arith.constant 0 : i32
    %c0_i32_1 = arith.constant 0 : i32
    return %c0_i32, %c0_i32_0 : i32, i32
  }
  func.func @transform_7(%arg0: i32) -> (i32, i32) {
    %c0_i32 = arith.constant 0 : i32
    %c0_i32_0 = arith.constant 0 : i32
    return %arg0, %c0_i32 : i32, i32
  }
}

</mosaic_0001>

<sc_bundles>
// kernel: kernel.11.cloned.1.call-start
scs
__scs_entry_jumppad:
0x0: {  	(pc) =	sbr.rel $0x88, $3  }
0x1: {  	(tag) =	ssettag $0x0;
	lr =	simm.s32 $0x1  }
0x2: {  	[smem:$0x3F89] =	sst lr;
	_ =	strace $0xD0000000  }
0x3: {  	_ = 	snop  }
0x4: {  	_ = 	snop  }
0x5: {  	_ = 	snop  }
0x6: {  	_ = 	snop  }
0x7: {  	_ = 	snop  }
__scs_overlays_trampoline_lowered:
0x8: {  	[smem:$0x3F98] =	sst s0  }
0x9: {  	[smem:$0x3F99] =	sst s1  }
0xa: {  	[smem:$0x3F9A] =	sst s2  }
0xb: {  	[smem:$0x3F9B] =	sst s3  }
0xc: {  	[smem:$0x3F9C] =	sst s4  }
0xd: {  	[smem:$0x3F9D] =	sst s5  }
0xe: {  	[smem:$0x3F9E] =	sst s6  }
0xf: {  	[smem:$0x3F9F] =	sst s7  }
0x10: {  	[smem:$0x3FA0] =	sst s8  }
0x11: {  	[smem:$0x3FA1] =	sst s9;
	s0 =	simm.s32 @!p0 $0x0  }
0x12: {  	s1 =	sld [smem:$0x3F87];
	s0 =	simm.s32 @p0 $0x1  }
0x13: {  	[smem:$0x3FA2] =	sst s0;
	s0 =	simm.s32 @!p1 $0x0  }
0x14: {  	s2 =	sld [smem:$0x3F86];
	s0 =	simm.s32 @p1 $0x1  }
0x15: {  	[smem:$0x3FA3] =	sst s0;
	s0 =	simm.s32 @!p2 $0x0  }
0x16: {  	s3 =	sld [smem:$0x3FDB];
	s0 =	simm.s32 @p2 $0x1  }
0x17: {  	s4 =	simm.s32 $0x1BF5;
	[smem:$0x3FA5] =	sst s0  }
0x18: {  	s0 =	sld [smem:$0x3F88];
	_ =	swait.ge [sflag:s4], $0x0  }
0x19: {  	s7 =	sld [smem:$0x3F89]  }
0x1a: {  	s8 =	sadd.s32 $0xFFFFE003, lr  }
0x1b: {  	s9 =	sadd.s32 $0xFFFFFEF7, lr;
	s5 =	simm.s32 $0xFFFFFFFF;
	p2 =	slt.u32 s8, $0xFFFFF086  }
0x1c: {  	p1 =	slt.u32 s9, $0xF7A;
	s5 =	simm.s32 @!p2 $0x0  }
0x1d: {  	s5 =	simm.s32 @p1 $0x1;
	p0 =	seq.s32 s7, s2  }
0x1e: {  	s7 =	smul.u32 @!p0 $0xF7A, s2;
	p2 =	seq.s32 @!p0 s5, $0x0  }
0x1f: {  	s9 =	smul.u32 $0xF7A, s1;
	s8 =	simm.s32 @!p0 $0x1BF5;
	p2 =	por !p2, p0  }
0x20: {  	[sflag:s8] =	ssyncset.s32 @!p0 $0xFFFFF086;
	s6 =	sadd.s32 @!p0 s3, s7;
	s7 =	simm.s32 @!p0 $0x108  }
0x21: {  	s3 =	sadd.s32 s3, s9;
	s6 =	sadd.s32 @!p0 $0x88, s6;
	s7 =	simm.s32 @p2 $0x1082  }
0x22: {  	[simem:s7], [sflag:s8] =	dma.local @!p0 [hbm:s6], $0xF7A  }
0x23: {  	s9 =	sor.u32 $0xD0000000, s2;
	s6 =	simm.s32 $0x108;
	_ =	swait.ge @!p0 [sflag:s8], $0x0  }
0x24: {  	s3 =	sadd.s32 $0x88, s3;
	s6 =	simm.s32 @!p1 $0x1082;
	[sflag:s4] =	ssyncset.s32 $0xFFFFF086  }
0x25: {  	[simem:s6], [sflag:s4] =	dma.local [hbm:s3], $0xF7A  }
0x26: {  	[smem:$0x3F89] =	sst s1;
	(tag) =	ssettag s2;
	_ =	strace s9  }
0x27: {  	s1 =	sld [smem:$0x3F99]  }
0x28: {  	s2 =	sld [smem:$0x3F9A]  }
0x29: {  	s4 =	sld [smem:$0x3F9C]  }
0x2a: {  	p0 =	seq.s32 s5, $0x0;
	s5 =	sld [smem:$0x3F9D]  }
0x2b: {  	s6 =	sld [smem:$0x3F9E]  }
0x2c: {  	s7 =	sld [smem:$0x3F9F]  }
0x2d: {  	s3 =	simm.s32 $0x108;
	s8 =	sld [smem:$0x3FA0]  }
0x2e: {  	s3 =	simm.s32 @!p0 $0x1082;
	s9 =	sld [smem:$0x3FA1]  }
0x2f: {  	lr =	sadd.s32 s0, s3;
	s0 =	sld [smem:$0x3F98]  }
0x30: {  	s3 =	sld [smem:$0x3F9B]  }
0x31: {  	[smem:$0x3FA4] =	sst s10  }
0x32: {  	s10 =	sld [smem:$0x3FA2];
	_ =	sdelay $0x3  }
0x33: {  	p0 =	seq.s32 s10, $0x1;
	s10 =	sld [smem:$0x3FA4];
	_ =	sdelay $0x3  }
0x34: {  	[smem:$0x3FA4] =	sst s10  }
0x35: {  	s10 =	sld [smem:$0x3FA3];
	_ =	sdelay $0x3  }
0x36: {  	p1 =	seq.s32 s10, $0x1;
	s10 =	sld [smem:$0x3FA4];
	_ =	sdelay $0x3  }
0x37: {  	[smem:$0x3FA4] =	sst s10  }
0x38: {  	s10 =	sld [smem:$0x3FA5]  }
0x39: {  	_ = 	snop;
	(pc) =	sbr.ind lr, $3  }
0x3a: {  	_ = 	snop  }
0x3b: {  	_ = 	snop  }
0x3c: {  	p2 =	seq.s32 s10, $0x1;
	s10 =	sld [smem:$0x3FA4]  }
0x3d: {  	_ =	shalt  }
0x3e: {  	_ =	shalt  }
0x3f: {  	_ =	shalt  }
0x40: {  	_ =	shalt  }
0x41: {  	_ =	shalt  }
0x42: {  	_ =	shalt  }
0x43: {  	_ =	shalt  }
0x44: {  	_ =	shalt  }
0x45: {  	_ =	shalt  }
0x46: {  	_ =	shalt  }
0x47: {  	_ =	shalt  }
0x48: {  	_ =	shalt  }
0x49: {  	_ =	shalt  }
0x4a: {  	_ =	shalt  }
0x4b: {  	_ =	shalt  }
0x4c: {  	_ =	shalt  }
0x4d: {  	_ =	shalt  }
0x4e: {  	_ =	shalt  }
0x4f: {  	_ =	shalt  }
0x50: {  	_ =	shalt  }
0x51: {  	_ =	shalt  }
0x52: {  	_ =	shalt  }
0x53: {  	_ =	shalt  }
0x54: {  	_ =	shalt  }
0x55: {  	_ =	shalt  }
0x56: {  	_ =	shalt  }
0x57: {  	_ =	shalt  }
0x58: {  	_ =	shalt  }
0x59: {  	_ =	shalt  }
0x5a: {  	_ =	shalt  }
0x5b: {  	_ =	shalt  }
0x5c: {  	_ =	shalt  }
0x5d: {  	_ =	shalt  }
0x5e: {  	_ =	shalt  }
0x5f: {  	_ =	shalt  }
0x60: {  	_ =	shalt  }
0x61: {  	_ =	shalt  }
0x62: {  	_ =	shalt  }
0x63: {  	_ =	shalt  }
0x64: {  	_ =	shalt  }
0x65: {  	_ =	shalt  }
0x66: {  	_ =	shalt  }
0x67: {  	_ =	shalt  }
0x68: {  	_ =	shalt  }
0x69: {  	_ =	shalt  }
0x6a: {  	_ =	shalt  }
0x6b: {  	_ =	shalt  }
0x6c: {  	_ =	shalt  }
0x6d: {  	_ =	shalt  }
0x6e: {  	_ =	shalt  }
0x6f: {  	_ =	shalt  }
0x70: {  	_ =	shalt  }
0x71: {  	_ =	shalt  }
0x72: {  	_ =	shalt  }
0x73: {  	_ =	shalt  }
0x74: {  	_ =	shalt  }
0x75: {  	_ =	shalt  }
0x76: {  	_ =	shalt  }
0x77: {  	_ =	shalt  }
0x78: {  	_ =	shalt  }
0x79: {  	_ =	shalt  }
0x7a: {  	_ =	shalt  }
0x7b: {  	_ =	shalt  }
0x7c: {  	_ =	shalt  }
0x7d: {  	_ =	shalt  }
0x7e: {  	_ =	shalt  }
0x7f: {  	_ =	shalt  }
0x80: {  	_ =	shalt  }
0x81: {  	_ =	shalt  }
0x82: {  	_ =	shalt  }
0x83: {  	_ =	shalt  }
0x84: {  	_ =	shalt  }
0x85: {  	_ =	shalt  }
0x86: {  	_ =	shalt  }
0x87: {  	_ =	shalt  }
.Lfunc_end0:
.L_simem_size_0:
called_computation_lowered:
.L_overlay_start_0:
0x88: {  	s2 =	sld [smem:$0x3FD9]  }
0x89: {  	s3 =	sld [smem:$0x3FFE];
	_ =	sdelay $0x1  }
0x8a: {  	s1 =	srdreg.scid  }
0x8b: {  	s0 =	sand.u32 $0x1, s1  }
0x8c: {  	s14 =	sshll.u32 s0, $0xA;
	s2 =	sadd.s32 s3, s2  }
0x8d: {  	s2 =	sadd.s32 s2, s14  }
0x8e: {  	[smem:$0x3FB0] =	sst s2  }
0x8f: {  	_ = 	snop  }
0x90: {  	s2 =	sld [smem:$0x3FD0];
	_ =	sdelay $0x2  }
0x91: {  	s4 =	simm.s32 $0xA;
	s5 =	simm.s32 $0x10;
	s15 =	sld [smem:$0x3FC9]  }
0x92: {  	[smem:s5], [sflag:s4] =	dma.local [hbm:s2], $0x1  }
0x93: {  	_ =	swait.eq [sflag:s4], $0x1  }
0x94: {  	[sflag:s4] =	ssyncset.done $0x0  }
0x95: {  	s16 =	sld [smem:$0x10];
	[sflag:s4] =	ssyncadd.s32 $0xFFFFFFFF  }
0x96: {  	s17 =	sld [smem:$0x11];
	(tm) =	ssettm $0x1  }
0x97: {  	s18 =	sld [smem:$0x3FFB];
	_ =	sdelay $0x3  }
0x98: {  	_ =	strace s18  }
0x99: {  	s5 =	sld [smem:$0x3FFC];
	_ =	sdelay $0x3  }
0x9a: {  	_ =	strace s5  }
0x9b: {  	s5 =	sld [smem:$0x3FFD];
	_ =	sdelay $0x3  }
0x9c: {  	_ =	strace s5  }
0x9d: {  	_ =	strace $0x8FFFFFFF  }
0x9e: {  	s19 =	sld [smem:$0x3FDB];
	_ =	sdelay $0x1  }
0x9f: {  	s6 =	simm.s32 $_scs_section_size  }
0xa0: {  	s7 =	simm.s32 $_size__tile_overlayer_lowered;
	s8 =	simm.s32 $_tile_overlayer_lowered  }
0xa1: {  	s22 =	simm.s32 $0x1BFF;
	s21 =	sshll.u32 s8, $0x1;
	s5 =	sadd.s32 s6, s19  }
0xa2: {  	s9 =	simm.s32 $0x0;
	s20 =	sshll.u32 s7, $0x1;
	s7 =	sadd.s32 s21, s5  }
0xa3: {  	[timem:s9], [sflag:s22] =	dma.local [hbm:s7], s20  }
0xa4: {  	_ =	swait.ge [sflag:s22], s20  }
0xa5: {  	s6 =	ssub.s32 $0x0, s20;
	[sflag:s22] =	ssyncset.done $0x0  }
0xa6: {  	[sflag:s22] =	ssyncadd.s32 s6;
	_ =	sdelay $0x1  }
0xa7: {  	s23 =	simm.s32 $0x1B8B  }
0xa8: {  	_ =	swait.ge [sflag:s23], $0x1  }
0xa9: {  	[sflag:s23] =	ssyncset.done $0x0  }
0xaa: {  	s25 =	simm.s32 $0x1B8E;
	s24 =	sld [smem:$0x3FFE];
	[sflag:s23] =	ssyncadd.s32 $0xFFFFFFFF  }
0xab: {  	s26 =	simm.s32 $execute0_lowered;
	[smem:$0x3FD2] =	sst s25  }
0xac: {  	s7 =	sshll.u32 s26, $0x1;
	_ =	strace $0x80000046;
	[dreg:$0x1] =	wrdreg $0xFFFFFFFF  }
0xad: {  	s28 =	simm.s32 $_size_execute0_lowered;
	s5 =	sadd.s32 s5, s7;
	[dreg:$0x0] =	wrdreg $0x0  }
0xae: {  	s7 =	sshll.u32 s28, $0x1;
	[dreg:$0x2] =	wrdreg s5  }
0xaf: {  	[dreg:$0x3] =	wrdreg s7  }
0xb0: {  	[dreg:$0x4] =	wrdreg $0xC0  }
0xb1: {  	_ =	task [dreg:s9], $0x5FFFF  }
0xb2: {  	[dreg:$0x1] =	wrdreg $0xFFFFFFFF  }
0xb3: {  	[dreg:$0x0] =	wrdreg $0x60  }
0xb4: {  	[dreg:$0x2] =	wrdreg s15  }
0xb5: {  	[dreg:$0x3] =	wrdreg s24  }
0xb6: {  	[dreg:$0x4] =	wrdreg s16  }
0xb7: {  	[dreg:$0x5] =	wrdreg s17  }
0xb8: {  	[dreg:$0x6] =	wrdreg $0xC3000  }
0xb9: {  	[dreg:$0x7] =	wrdreg $0x9  }
0xba: {  	_ =	task.clear_ibuf [dreg:s9], $0x8FFFF;
	_ =	strace $0x90000046  }
0xbb: {  	s29 =	simm.s32 $0x9;
	_ =	strace $0x80000048  }
0xbc: {  	_ =	swait.ge [sflag:s29], $0x1  }
0xbd: {  	[sflag:s29] =	ssyncadd.s32 $0xFFFFFFFF  }
0xbe: {  	_ =	strace $0x90000048  }
0xbf: {  	_ =	sfence  }
0xc0: {  	s30 =	sld [smem:$0x0];
	_ =	sdelay $0x2  }
0xc1: {  	s31 =	sshll.u32 s1, $0xD;
	s1 =	sshrl.u32 s1, $0x2  }
0xc2: {  	s3 =	sand.u32 $0x4000, s31;
	s1 =	sadd.s32 s1, s30  }
0xc3: {  	s0 =	sor.u32 s3, s0;
	s1 =	sshll.u32 s1, $0x11  }
0xc4: {  	s0 =	sor.u32 s1, s0  }
0xc5: {  	s0 =	sadd.s32 $0x8F2B, s0  }
0xc6: {  	[sflag:s0] =	ssyncadd.remote.s32 $0x1  }
0xc7: {  	_ =	sfence.sel $0xFFFF  }
0xc8: {  	[dreg:$0x0] =	wrdreg $0xFFFFFFFF;
	(pc) =	sbr.abs _section_cstart, $3  }
0xc9: {  	[dreg:$0x1] =	wrdreg $0xFFFFFFFF  }
0xca: {  	_ =	task.clear_ibuf [dreg:s9], $0x2FFFF;
	_ =	strace $0x9FFFFFFF  }
0xcb: {  	(tm) =	ssettm $0x7FFFFFFF  }
tec
execute0_lowered:
.L_overlay_start_1:
0x0: {  	(tag) =	ssettag $0x1  }
0x1: {  	s0 =	rddreg [dreg:$0x0]  }
0x2: {  	s2 =	rddreg [dreg:$0x1]  }
0x3: {  	s1 =	rddreg [dreg:$0x2];
	s3 =	srdreg.scid  }
0x4: {  	s5 =	rddreg [dreg:$0x4];
	s19 =	stileid.u32  }
0x5: {  	s6 =	simm.s32 $0x0;
	s3 =	sand.u32 $0x1, s3;
	s8 =	smul.u32 $0x13C00, s19  }
0x6: {  	[smem:$0x7FF] =	sst s6;
	s7 =	sadd.s32 $0xD200, s2;
	s12 =	smul.u32 $0x4F00, s19  }
0x7: {  	s9 =	sadd.s32 $0x2E00, s2;
	s10 =	sadd.s32 $0x34A00, s2;
	s14 =	smul.u32 $0x4F000, s19  }
0x8: {  	s15 =	sshll.u32 s19, $0x1;
	s26 =	sshll.u32 s19, $0x6;
	s4 =	smul.u32 $0x13C000, s3  }
0x9: {  	_ =	strace $0x80000047;
	[dreg:$0x6] =	wrdreg s10;
	s24 =	smul.u32 $0x4F000, s3  }
0xa: {  	s11 =	ssub.s32 $0x2, s3;
	s16 =	smul.u32 $0x2800, s3;
	s15 =	sor.u32 s3, s15  }
0xb: {  	s20 =	sor.u32 $0x1C08, s26;
	s3 =	sxor.u32 $0x27, s3;
	s13 =	sshrl.u32 s11, $0x1  }
0xc: {  	s25 =	sshrl.u32 s14, $0x2;
	s17 =	smul.u32 $0x180, s15;
	[dreg:$0x11] =	wrdreg s3  }
0xd: {  	s15 =	smul.u32 $0x1800, s15;
	[dreg:$0x8] =	wrdreg s20;
	s4 =	sadd.s32 s8, s4  }
0xe: {  	s8 =	sadd.s32 $0x3400, s2;
	s13 =	ssub.s32 s11, s13;
	s10 =	sadd.s32 s12, s24  }
0xf: {  	s11 =	sadd.s32 s25, s5;
	s14 =	sadd.s32 s16, s12;
	s4 =	sshrl.u32 s4, $0x3  }
0x10: {  	[dreg:$0x7] =	wrdreg s11;
	s28 =	sshrl.u32 s17, $0x3;
	s18 =	sadd.s32 $0x80, s17  }
0x11: {  	s17 =	sadd.s32 $0x100, s17;
	s22 =	sor.u32 $0x80, s14;
	s4 =	sadd.s32 s4, s2  }
0x12: {  	s2 =	sadd.s32 $0x35200, s2;
	s30 =	sadd.s32 s9, s28;
	s11 =	sshrl.u32 s18, $0x3  }
0x13: {  	s21 =	sshrl.u32 s17, $0x3;
	s23 =	sshll.u32 s18, $0x4;
	s26 =	sshll.u32 s17, $0x4  }
0x14: {  	s28 =	sshrl.u32 s14, $0x3;
	s18 =	sadd.s32 $0x180, s14;
	[dreg:$0x9] =	wrdreg s30  }
0x15: {  	s16 =	sadd.s32 s9, s11;
	s9 =	sadd.s32 s9, s21;
	s24 =	sadd.s32 s2, s15  }
0x16: {  	s25 =	sadd.s32 s2, s23;
	s2 =	sadd.s32 s2, s26;
	[dreg:$0xa] =	wrdreg s16  }
0x17: {  	s15 =	sshrl.u32 s12, $0x3;
	s17 =	sadd.s32 $0xB4200, s4;
	[dreg:$0xb] =	wrdreg s9  }
0x18: {  	s21 =	sadd.s32 $0x65200, s4;
	s23 =	smax.u32 s13, $0x1;
	[dreg:$0xc] =	wrdreg s24  }
0x19: {  	s26 =	sadd.s32 $0x100, s10;
	s4 =	simm.s32 $0x8;
	[dreg:$0xd] =	wrdreg s25  }
0x1a: {  	s12 =	simm.s32 $0x80;
	s13 =	simm.s32 $0x180;
	[dreg:$0xe] =	wrdreg s2  }
0x1b: {  	s9 =	sshrl.u32 s22, $0x3;
	s2 =	sadd.s32 s8, s28;
	[dreg:$0x14] =	wrdreg s17  }
0x1c: {  	s16 =	sadd.s32 s8, s15;
	[dreg:$0x15] =	wrdreg s21;
	s22 =	smul.u32 $0x9E0, s19  }
0x1d: {  	[dreg:$0x16] =	wrdreg s23;
	s24 =	sadd.s32 $0x180, s10;
	s25 =	sadd.s32 $0x100, s14  }
0x1e: {  	[dreg:$0x19] =	wrdreg s26;
	s14 =	simm.s32 $0x5;
	s15 =	simm.s32 $0x6  }
0x1f: {  	s17 =	simm.s32 $0x280;
	s19 =	simm.s32 $0x300;
	s23 =	simm.s32 $0x3  }
0x20: {  	s21 =	simm.s32 $0x4;
	[dreg:$0xf] =	wrdreg s2;
	s30 =	sadd.s32 s8, s9  }
0x21: {  	s9 =	sshrl.u32 s10, $0x3;
	s2 =	sshrl.u32 s18, $0x3;
	[dreg:$0x18] =	wrdreg s25  }
0x22: {  	[dreg:$0x13] =	wrdreg s16;
	s10 =	simm.s32 $0x100;
	s18 =	simm.s32 $0x1  }
0x23: {  	s25 =	simm.s32 $0x4300;
	[dreg:$0x10] =	wrdreg s30;
	s11 =	sadd.s32 s7, s9  }
0x24: {  	s2 =	sadd.s32 s2, s8;
	s29 =	sadd.s32 s22, s8;
	s30 =	sadd.s32 $0x10, s16  }
0x25: {  	s9 =	simm.s32 $0x8300;
	s16 =	simm.s32 $0x200;
	[dreg:$0x17] =	wrdreg s2  }
0x26: {  	s22 =	simm.s32 $0x7;
	s2 =	sshrl.u32 s24, $0x3;
	[dreg:$0x12] =	wrdreg s11  }
0x27: {  	s28 =	sadd.s32 $0x10, s11;
	[dreg:$0x1b] =	wrdreg s30;
	s24 =	simm.s32 $0x2  }
0x28: {  	s31 =	sadd.s32 s2, s7;
	[dreg:$0x1a] =	wrdreg s28;
	s2 =	simm.s32 $0x0  }
.LBB2_1:
0x29: {  	s3 =	rddreg [dreg:$0x7]  }
0x2a: {  	s11 =	rddreg [dreg:$0x3];
	s3 =	sshrl.u32 s3, $0x3  }
0x2b: {  	[spmem:s3], [sflag:s20] =	dma.local [hbm:s11], $0x2780  }
0x2c: {  	_ =	swait.ge [sflag:s4], $0x2780  }
0x2d: {  	[sflag:s4] =	ssyncset.done $0x0  }
0x2e: {  	s26 =	rddreg [dreg:$0x6];
	[sflag:s4] =	ssyncadd.s32 $0xFFFFD880  }
0x2f: {  	[tilespmem:s9], [sflag:$0x8] =	stream.linear.gather [hbm4b:s26+s6], $0x4000, $0x38;
	[tilespmem:$0x1FF00] =	vst v63  }
0x30: {  	_ =	swait.ge [sflag:s4], $0x4000  }
0x31: {  	[sflag:s4] =	ssyncset.done $0x0  }
0x32: {  	[sflag:s4] =	ssyncadd.s32 $0xFFFFC000  }
0x33: {  	[bflag:$0x0] =	sbarrier.arrive $0xFFFF  }
0x34: {  	s30 =	rddreg [dreg:$0xf]  }
0x35: {  	[tilespmem:s10], [sflag:$0x8] =	stream.linear.gather [hbm4b:s30+s6], $0x80, $0x38;
	[tilespmem:$0x1FF00] =	vst v63  }
0x36: {  	_ =	swait.ge [sflag:s4], $0x80  }
0x37: {  	[sflag:s4] =	ssyncset.done $0x0  }
0x38: {  	[sflag:s4] =	ssyncadd.s32 $0xFFFFFF80  }
0x39: {  	[spmem:s5] =	stream.indirect.scatter.add.f32 [tilespmem:s9], [sflag:$0x5], $0x80, s10, s12, $0xb8;
	[tilespmem:$0x1FF00] =	vst v63  }
0x3a: {  	s20 =	rddreg [dreg:$0x10]  }
0x3b: {  	[tilespmem:s13], [sflag:$0x8] =	stream.linear.gather [hbm4b:s20+s6], $0x80, $0x38;
	[tilespmem:$0x1FF00] =	vst v63  }
0x3c: {  	_ =	swait.ge [sflag:s4], $0x80  }
0x3d: {  	[sflag:s4] =	ssyncset.done $0x0  }
0x3e: {  	[sflag:s4] =	ssyncadd.s32 $0xFFFFFF80  }
0x3f: {  	[spmem:s5] =	stream.indirect.scatter.add.f32 [tilespmem:s9], [sflag:$0x6], $0x80, s13, s12, $0xb8;
	[tilespmem:$0x1FF00] =	vst v63  }
0x40: {  	_ =	swait.ge [sflag:s14], $0x4000  }
0x41: {  	s28 =	rddreg [dreg:$0x18]  }
0x42: {  	[sflag:s14] =	ssyncset.done $0x0;
	s26 =	sshrl.u32 s28, $0x3  }
0x43: {  	[sflag:s14] =	ssyncadd.s32 $0xFFFFC000;
	s20 =	sadd.s32 s8, s26  }
0x44: {  	[tilespmem:s10], [sflag:$0x8] =	stream.linear.gather [hbm4b:s20+s6], $0x80, $0x38;
	[tilespmem:$0x1FF00] =	vst v63  }
0x45: {  	_ =	swait.ge [sflag:s4], $0x80  }
0x46: {  	[sflag:s4] =	ssyncset.done $0x0  }
0x47: {  	[sflag:s4] =	ssyncadd.s32 $0xFFFFFF80  }
0x48: {  	[spmem:s5] =	stream.indirect.scatter.add.f32 [tilespmem:s9], [sflag:$0x5], $0x80, s10, s12, $0xb8;
	[tilespmem:$0x1FF00] =	vst v63  }
0x49: {  	_ =	swait.ge [sflag:s15], $0x4000  }
0x4a: {  	[sflag:s15] =	ssyncset.done $0x0  }
0x4b: {  	s26 =	rddreg [dreg:$0x17];
	[sflag:s15] =	ssyncadd.s32 $0xFFFFC000  }
0x4c: {  	[tilespmem:s13], [sflag:$0x8] =	stream.linear.gather [hbm4b:s26+s6], $0x80, $0x38;
	[tilespmem:$0x1FF00] =	vst v63  }
0x4d: {  	_ =	swait.ge [sflag:s4], $0x80  }
0x4e: {  	s30 =	rddreg [dreg:$0x11]  }
0x4f: {  	p0 =	sne.s32 s30, $0x1  }
.Ltmp0:
0x50: {  	_ = 	snop;
	(pc) =	sbr.rel @!p0 .LBB2_3-.Ltmp0, $3  }
0x51: {  	_ =	sdelay $0x1  }
0x52: {  	s28 =	sadd.s32 $0x100, s28;
	[sflag:s4] =	ssyncset.done $0x0  }
0x53: {  	s26 =	sadd.s32 $0x20, s26;
	s20 =	sadd.s32 $0xFFFFFFFF, s30;
	[sflag:s4] =	ssyncadd.s32 $0xFFFFFF80  }
.LBB2_2:
0x54: {  	[spmem:s5] =	stream.indirect.scatter.add.f32 [tilespmem:s9], [sflag:$0x6], $0x80, s13, s12, $0xb8;
	[tilespmem:$0x1FF00] =	vst v63  }
0x55: {  	p0 =	sne.s32 s20, $0x1;
	s20 =	sadd.s32 $0xFFFFFFFF, s20;
	_ =	swait.ge [sflag:s14], $0x4000  }
0x56: {  	s30 =	sshrl.u32 s28, $0x3;
	[sflag:s14] =	ssyncset.done $0x0  }
0x57: {  	s30 =	sadd.s32 s8, s30;
	[sflag:s14] =	ssyncadd.s32 $0xFFFFC000  }
0x58: {  	[tilespmem:s10], [sflag:$0x8] =	stream.linear.gather [hbm4b:s30+s6], $0x80, $0x38;
	[tilespmem:$0x1FF00] =	vst v63  }
0x59: {  	_ =	swait.ge [sflag:s4], $0x80  }
0x5a: {  	[sflag:s4] =	ssyncset.done $0x0  }
0x5b: {  	[sflag:s4] =	ssyncadd.s32 $0xFFFFFF80  }
0x5c: {  	[spmem:s5] =	stream.indirect.scatter.add.f32 [tilespmem:s9], [sflag:$0x5], $0x80, s10, s12, $0xb8;
	[tilespmem:$0x1FF00] =	vst v63  }
0x5d: {  	_ =	swait.ge [sflag:s15], $0x4000  }
0x5e: {  	[sflag:s15] =	ssyncset.done $0x0  }
.Ltmp1:
0x5f: {  	[sflag:s15] =	ssyncadd.s32 $0xFFFFC000;
	(pc) =	sbr.rel @p0 .LBB2_2-.Ltmp1, $4  }
0x60: {  	[tilespmem:s13], [sflag:$0x8] =	stream.linear.gather [hbm4b:s26+s6], $0x80, $0x38;
	[tilespmem:$0x1FF00] =	vst v63  }
0x61: {  	_ =	swait.ge [sflag:s4], $0x80  }
0x62: {  	[sflag:s4] =	ssyncset.done $0x0  }
0x63: {  	s28 =	sadd.s32 $0x100, s28;
	s26 =	sadd.s32 $0x20, s26;
	[sflag:s4] =	ssyncadd.s32 $0xFFFFFF80  }
.LBB2_3:
0x64: {  	[spmem:s5] =	stream.indirect.scatter.add.f32 [tilespmem:s9], [sflag:$0x6], $0x80, s13, s12, $0xb8;
	[tilespmem:$0x1FF00] =	vst v63  }
0x65: {  	_ =	swait.ge [sflag:s14], $0x4000  }
0x66: {  	[sflag:s14] =	ssyncset.done $0x0  }
0x67: {  	[sflag:s14] =	ssyncadd.s32 $0xFFFFC000  }
0x68: {  	_ =	swait.ge [sflag:s15], $0x4000  }
0x69: {  	[sflag:s15] =	ssyncset.done $0x0  }
0x6a: {  	[sflag:s15] =	ssyncadd.s32 $0xFFFFC000  }
0x6b: {  	[bflag:$0x0] =	sbarrier.arrive $0xFFFF  }
0x6c: {  	s20 =	rddreg [dreg:$0x8]  }
0x6d: {  	s11 =	rddreg [dreg:$0x14]  }
0x6e: {  	[hbm:s11], [sflag:s20] =	dma.local [spmem:s3], $0x2780  }
0x6f: {  	_ =	swait.ge [sflag:s4], $0x2780  }
0x70: {  	[sflag:s4] =	ssyncset.done $0x0  }
0x71: {  	[sflag:s4] =	ssyncadd.s32 $0xFFFFD880  }
0x72: {  	s28 =	rddreg [dreg:$0x3]  }
0x73: {  	[spmem:s3], [sflag:s20] =	dma.local [hbm:s28], $0x2780  }
0x74: {  	_ =	swait.ge [sflag:s4], $0x2780  }
0x75: {  	[sflag:s4] =	ssyncset.done $0x0  }
0x76: {  	[sflag:s4] =	ssyncadd.s32 $0xFFFFD880  }
0x77: {  	[bflag:$0x0] =	sbarrier.arrive $0xFFFF  }
0x78: {  	s20 =	simm.s32 $0x0;
	s30 =	rddreg [dreg:$0x12]  }
0x79: {  	[tilespmem:s20], [sflag:$0x8] =	stream.linear.gather [hbm4b:s30+s20], $0x80, $0x38;
	[tilespmem:$0x1FF00] =	vst v63  }
0x7a: {  	_ =	swait.ge [sflag:s4], $0x80  }
0x7b: {  	[sflag:s4] =	ssyncset.done $0x0  }
0x7c: {  	s26 =	rddreg [dreg:$0x13];
	[sflag:s4] =	ssyncadd.s32 $0xFFFFFF80  }
0x7d: {  	[tilespmem:s10], [sflag:$0x8] =	stream.linear.gather [hbm4b:s26+s20], $0x80, $0x38;
	[tilespmem:$0x1FF00] =	vst v63  }
0x7e: {  	_ =	swait.ge [sflag:s4], $0x80  }
0x7f: {  	[sflag:s4] =	ssyncset.done $0x0  }
0x80: {  	[sflag:s4] =	ssyncadd.s32 $0xFFFFFF80  }
0x81: {  	[tilespmem:s16], [sflag:$0x1] =	stream.indirect.gather [hbm4b:s1+s12], $0x1, s20, s12, $0xb8;
	[tilespmem:$0x1FF00] =	vst v63  }
0x82: {  	s28 =	rddreg [dreg:$0x1a]  }
0x83: {  	[tilespmem:s12], [sflag:$0x8] =	stream.linear.gather [hbm4b:s28+s20], $0x80, $0x38;
	[tilespmem:$0x1FF00] =	vst v63  }
0x84: {  	_ =	swait.ge [sflag:s4], $0x80  }
0x85: {  	[sflag:s4] =	ssyncset.done $0x0  }
0x86: {  	s30 =	rddreg [dreg:$0x1b];
	[sflag:s4] =	ssyncadd.s32 $0xFFFFFF80  }
0x87: {  	[tilespmem:s13], [sflag:$0x8] =	stream.linear.gather [hbm4b:s30+s20], $0x80, $0x38;
	[tilespmem:$0x1FF00] =	vst v63  }
0x88: {  	_ =	swait.ge [sflag:s4], $0x80  }
0x89: {  	[sflag:s4] =	ssyncset.done $0x0  }
0x8a: {  	[sflag:s4] =	ssyncadd.s32 $0xFFFFFF80  }
0x8b: {  	[tilespmem:s17], [sflag:$0x2] =	stream.indirect.gather [hbm4b:s1+s12], $0x1, s12, s12, $0xb8;
	[tilespmem:$0x1FF00] =	vst v63  }
0x8c: {  	_ =	swait.ge [sflag:s18], $0x80  }
0x8d: {  	[sflag:s18] =	ssyncset.done $0x0  }
0x8e: {  	[sflag:s18] =	ssyncadd.s32 $0xFFFFFF80  }
0x8f: {  	[tilespmem:s19], [sflag:$0x3] =	stream.indirect.gather [hbm4b:s0+s12], $0x80, s16, s12, $0xb8;
	[tilespmem:$0x1FF00] =	vst v63  }
0x90: {  	_ =	swait.ge [sflag:s23], $0x4000  }
0x91: {  	[sflag:s23] =	ssyncset.done $0x0  }
0x92: {  	[sflag:s23] =	ssyncadd.s32 $0xFFFFC000  }
0x93: {  	[spmem:s5] =	stream.indirect.scatter.add.f32 [tilespmem:s19], [sflag:$0x8], $0x80, s10, s12, $0xb8;
	[tilespmem:$0x1FF00] =	vst v63  }
0x94: {  	_ =	swait.ge [sflag:s4], $0x4000  }
0x95: {  	s11 =	rddreg [dreg:$0x19]  }
0x96: {  	[sflag:s4] =	ssyncset.done $0x0;
	s26 =	sshrl.u32 s11, $0x3  }
0x97: {  	[sflag:s4] =	ssyncadd.s32 $0xFFFFC000;
	s20 =	sadd.s32 s7, s26  }
0x98: {  	[tilespmem:s6], [sflag:$0x8] =	stream.linear.gather [hbm4b:s20+s6], $0x80, $0x38;
	[tilespmem:$0x1FF00] =	vst v63  }
0x99: {  	_ =	swait.ge [sflag:s4], $0x80  }
0x9a: {  	s28 =	sadd.s32 $0x0, s29;
	[sflag:s4] =	ssyncset.done $0x0  }
0x9b: {  	s26 =	sadd.s32 $0x20, s28;
	[sflag:s4] =	ssyncadd.s32 $0xFFFFFF80  }
0x9c: {  	[tilespmem:s10], [sflag:$0x8] =	stream.linear.gather [hbm4b:s26+s6], $0x80, $0x38;
	[tilespmem:$0x1FF00] =	vst v63  }
0x9d: {  	_ =	swait.ge [sflag:s4], $0x80  }
0x9e: {  	[sflag:s4] =	ssyncset.done $0x0  }
0x9f: {  	[sflag:s4] =	ssyncadd.s32 $0xFFFFFF80  }
0xa0: {  	[tilespmem:s16], [sflag:$0x1] =	stream.indirect.gather [hbm4b:s1+s12], $0x1, s6, s12, $0xb8;
	[tilespmem:$0x1FF00] =	vst v63  }
0xa1: {  	_ =	swait.ge [sflag:s24], $0x80  }
0xa2: {  	[sflag:s24] =	ssyncset.done $0x0  }
0xa3: {  	[sflag:s24] =	ssyncadd.s32 $0xFFFFFF80  }
0xa4: {  	[tilespmem:s25], [sflag:$0x4] =	stream.indirect.gather [hbm4b:s0+s12], $0x80, s17, s12, $0xb8;
	[tilespmem:$0x1FF00] =	vst v63  }
0xa5: {  	_ =	swait.ge [sflag:s21], $0x4000  }
0xa6: {  	[sflag:s21] =	ssyncset.done $0x0  }
0xa7: {  	[sflag:s21] =	ssyncadd.s32 $0xFFFFC000  }
0xa8: {  	[spmem:s5] =	stream.indirect.scatter.add.f32 [tilespmem:s25], [sflag:$0x8], $0x80, s13, s12, $0xb8;
	[tilespmem:$0x1FF00] =	vst v63  }
0xa9: {  	_ =	swait.ge [sflag:s4], $0x4000  }
0xaa: {  	[sflag:s4] =	ssyncset.done $0x0  }
0xab: {  	s30 =	sadd.s32 $0x0, s31;
	[sflag:s4] =	ssyncadd.s32 $0xFFFFC000  }
0xac: {  	[tilespmem:s12], [sflag:$0x8] =	stream.linear.gather [hbm4b:s30+s6], $0x80, $0x38;
	[tilespmem:$0x1FF00] =	vst v63  }
0xad: {  	_ =	swait.ge [sflag:s4], $0x80  }
0xae: {  	[sflag:s4] =	ssyncset.done $0x0  }
0xaf: {  	s20 =	sadd.s32 $0x30, s28;
	[sflag:s4] =	ssyncadd.s32 $0xFFFFFF80  }
0xb0: {  	[tilespmem:s13], [sflag:$0x8] =	stream.linear.gather [hbm4b:s20+s6], $0x80, $0x38;
	[tilespmem:$0x1FF00] =	vst v63  }
0xb1: {  	_ =	swait.ge [sflag:s4], $0x80  }
0xb2: {  	[sflag:s4] =	ssyncset.done $0x0  }
0xb3: {  	[sflag:s4] =	ssyncadd.s32 $0xFFFFFF80  }
0xb4: {  	[tilespmem:s17], [sflag:$0x2] =	stream.indirect.gather [hbm4b:s1+s12], $0x1, s12, s12, $0xb8;
	[tilespmem:$0x1FF00] =	vst v63  }
0xb5: {  	_ =	swait.ge [sflag:s18], $0x80  }
0xb6: {  	[sflag:s18] =	ssyncset.done $0x0  }
0xb7: {  	s26 =	sadd.s32 $0x100, s11;
	s20 =	simm.s32 $0x20;
	[sflag:s18] =	ssyncadd.s32 $0xFFFFFF80  }
.LBB2_4:
0xb8: {  	[tilespmem:s19], [sflag:$0x3] =	stream.indirect.gather [hbm4b:s0+s12], $0x80, s16, s12, $0xb8;
	[tilespmem:$0x1FF00] =	vst v63  }
0xb9: {  	s28 =	smov.u32 s20  }
0xba: {  	p0 =	sne.s32 s20, $0x9A0;
	s20 =	sadd.s32 $0x20, s20;
	_ =	swait.ge [sflag:s23], $0x4000  }
0xbb: {  	[sflag:s23] =	ssyncset.done $0x0  }
0xbc: {  	[sflag:s23] =	ssyncadd.s32 $0xFFFFC000  }
0xbd: {  	[spmem:s5] =	stream.indirect.scatter.add.f32 [tilespmem:s19], [sflag:$0x8], $0x80, s10, s12, $0xb8;
	[tilespmem:$0x1FF00] =	vst v63  }
0xbe: {  	_ =	swait.ge [sflag:s4], $0x4000  }
0xbf: {  	s30 =	sshrl.u32 s26, $0x3;
	[sflag:s4] =	ssyncset.done $0x0  }
0xc0: {  	s30 =	sadd.s32 s7, s30;
	[sflag:s4] =	ssyncadd.s32 $0xFFFFC000  }
0xc1: {  	[tilespmem:s6], [sflag:$0x8] =	stream.linear.gather [hbm4b:s30+s6], $0x80, $0x38;
	[tilespmem:$0x1FF00] =	vst v63  }
0xc2: {  	_ =	swait.ge [sflag:s4], $0x80  }
0xc3: {  	s30 =	sadd.s32 s28, s29;
	[sflag:s4] =	ssyncset.done $0x0  }
0xc4: {  	s11 =	sadd.s32 $0x20, s30;
	[sflag:s4] =	ssyncadd.s32 $0xFFFFFF80  }
0xc5: {  	[tilespmem:s10], [sflag:$0x8] =	stream.linear.gather [hbm4b:s11+s6], $0x80, $0x38;
	[tilespmem:$0x1FF00] =	vst v63  }
0xc6: {  	_ =	swait.ge [sflag:s4], $0x80  }
0xc7: {  	[sflag:s4] =	ssyncset.done $0x0  }
0xc8: {  	[sflag:s4] =	ssyncadd.s32 $0xFFFFFF80  }
0xc9: {  	[tilespmem:s16], [sflag:$0x1] =	stream.indirect.gather [hbm4b:s1+s12], $0x1, s6, s12, $0xb8;
	[tilespmem:$0x1FF00] =	vst v63  }
0xca: {  	_ =	swait.ge [sflag:s24], $0x80  }
0xcb: {  	[sflag:s24] =	ssyncset.done $0x0  }
0xcc: {  	[sflag:s24] =	ssyncadd.s32 $0xFFFFFF80  }
0xcd: {  	[tilespmem:s25], [sflag:$0x4] =	stream.indirect.gather [hbm4b:s0+s12], $0x80, s17, s12, $0xb8;
	[tilespmem:$0x1FF00] =	vst v63  }
0xce: {  	_ =	swait.ge [sflag:s21], $0x4000  }
0xcf: {  	[sflag:s21] =	ssyncset.done $0x0  }
0xd0: {  	[sflag:s21] =	ssyncadd.s32 $0xFFFFC000  }
0xd1: {  	[spmem:s5] =	stream.indirect.scatter.add.f32 [tilespmem:s25], [sflag:$0x8], $0x80, s13, s12, $0xb8;
	[tilespmem:$0x1FF00] =	vst v63  }
0xd2: {  	_ =	swait.ge [sflag:s4], $0x4000  }
0xd3: {  	[sflag:s4] =	ssyncset.done $0x0  }
0xd4: {  	s11 =	sadd.s32 s28, s31;
	[sflag:s4] =	ssyncadd.s32 $0xFFFFC000  }
0xd5: {  	[tilespmem:s12], [sflag:$0x8] =	stream.linear.gather [hbm4b:s11+s6], $0x80, $0x38;
	[tilespmem:$0x1FF00] =	vst v63  }
0xd6: {  	_ =	swait.ge [sflag:s4], $0x80  }
0xd7: {  	[sflag:s4] =	ssyncset.done $0x0  }
0xd8: {  	s11 =	sadd.s32 $0x30, s30;
	[sflag:s4] =	ssyncadd.s32 $0xFFFFFF80  }
0xd9: {  	[tilespmem:s13], [sflag:$0x8] =	stream.linear.gather [hbm4b:s11+s6], $0x80, $0x38;
	[tilespmem:$0x1FF00] =	vst v63  }
0xda: {  	_ =	swait.ge [sflag:s4], $0x80  }
0xdb: {  	[sflag:s4] =	ssyncset.done $0x0  }
.Ltmp2:
0xdc: {  	[sflag:s4] =	ssyncadd.s32 $0xFFFFFF80;
	(pc) =	sbr.rel @p0 .LBB2_4-.Ltmp2, $4  }
0xdd: {  	[tilespmem:s17], [sflag:$0x2] =	stream.indirect.gather [hbm4b:s1+s12], $0x1, s12, s12, $0xb8;
	[tilespmem:$0x1FF00] =	vst v63  }
0xde: {  	_ =	swait.ge [sflag:s18], $0x80  }
0xdf: {  	[sflag:s18] =	ssyncset.done $0x0  }
0xe0: {  	s26 =	sadd.s32 $0x100, s26;
	[sflag:s18] =	ssyncadd.s32 $0xFFFFFF80  }
0xe1: {  	[tilespmem:s19], [sflag:$0x3] =	stream.indirect.gather [hbm4b:s0+s12], $0x80, s16, s12, $0xb8;
	[tilespmem:$0x1FF00] =	vst v63  }
0xe2: {  	_ =	swait.ge [sflag:s23], $0x4000  }
0xe3: {  	[sflag:s23] =	ssyncset.done $0x0  }
0xe4: {  	[sflag:s23] =	ssyncadd.s32 $0xFFFFC000  }
0xe5: {  	[spmem:s5] =	stream.indirect.scatter.add.f32 [tilespmem:s19], [sflag:$0x8], $0x80, s10, s12, $0xb8;
	[tilespmem:$0x1FF00] =	vst v63  }
0xe6: {  	_ =	swait.ge [sflag:s4], $0x4000  }
0xe7: {  	[sflag:s4] =	ssyncset.done $0x0  }
0xe8: {  	[sflag:s4] =	ssyncadd.s32 $0xFFFFC000  }
0xe9: {  	_ =	swait.ge [sflag:s24], $0x80  }
0xea: {  	[sflag:s24] =	ssyncset.done $0x0  }
0xeb: {  	[sflag:s24] =	ssyncadd.s32 $0xFFFFFF80  }
0xec: {  	[tilespmem:s25], [sflag:$0x4] =	stream.indirect.gather [hbm4b:s0+s12], $0x80, s17, s12, $0xb8;
	[tilespmem:$0x1FF00] =	vst v63  }
0xed: {  	_ =	swait.ge [sflag:s21], $0x4000  }
0xee: {  	[sflag:s21] =	ssyncset.done $0x0  }
0xef: {  	[sflag:s21] =	ssyncadd.s32 $0xFFFFC000  }
0xf0: {  	[spmem:s5] =	stream.indirect.scatter.add.f32 [tilespmem:s25], [sflag:$0x8], $0x80, s13, s12, $0xb8;
	[tilespmem:$0x1FF00] =	vst v63  }
0xf1: {  	_ =	swait.ge [sflag:s4], $0x4000  }
0xf2: {  	[sflag:s4] =	ssyncset.done $0x0  }
0xf3: {  	[sflag:s4] =	ssyncadd.s32 $0xFFFFC000  }
0xf4: {  	[bflag:$0x0] =	sbarrier.arrive $0xFFFF  }
0xf5: {  	s20 =	rddreg [dreg:$0x8]  }
0xf6: {  	s11 =	rddreg [dreg:$0x15]  }
0xf7: {  	[hbm:s11], [sflag:s20] =	dma.local [spmem:s3], $0x2780  }
0xf8: {  	_ =	swait.ge [sflag:s4], $0x2780  }
0xf9: {  	[sflag:s4] =	ssyncset.done $0x0  }
0xfa: {  	s26 =	rddreg [dreg:$0x9];
	[sflag:s4] =	ssyncadd.s32 $0xFFFFD880  }
0xfb: {  	[tilespmem:s6], [sflag:$0x8] =	stream.linear.gather [hbm4b:s26+s6], $0x80, $0x38;
	[tilespmem:$0x1FF00] =	vst v63  }
0xfc: {  	_ =	swait.ge [sflag:s4], $0x80  }
0xfd: {  	[sflag:s4] =	ssyncset.done $0x0  }
0xfe: {  	[sflag:s4] =	ssyncadd.s32 $0xFFFFFF80  }
0xff: {  	[tilespmem:s19], [sflag:$0x7] =	stream.indirect.gather [hbm4b:s0+s12], $0x80, s6, s12, $0xb8;
	[tilespmem:$0x1FF00] =	vst v63  }
0x100: {  	_ =	swait.ge [sflag:s22], $0x4000  }
0x101: {  	[sflag:s22] =	ssyncset.done $0x0  }
0x102: {  	s28 =	rddreg [dreg:$0xc];
	[sflag:s22] =	ssyncadd.s32 $0xFFFFC000  }
0x103: {  	[hbm4b:s28+s6] =	stream.linear.scatter [tilespmem:s19], [sflag:$0x8], $0x4000, $0x38;
	[tilespmem:$0x1FF00] =	vst v63  }
0x104: {  	_ =	swait.ge [sflag:s4], $0x4000  }
0x105: {  	[sflag:s4] =	ssyncset.done $0x0  }
0x106: {  	s30 =	rddreg [dreg:$0xa];
	[sflag:s4] =	ssyncadd.s32 $0xFFFFC000  }
0x107: {  	[tilespmem:s6], [sflag:$0x8] =	stream.linear.gather [hbm4b:s30+s6], $0x80, $0x38;
	[tilespmem:$0x1FF00] =	vst v63  }
0x108: {  	_ =	swait.ge [sflag:s4], $0x80  }
0x109: {  	[sflag:s4] =	ssyncset.done $0x0  }
0x10a: {  	[sflag:s4] =	ssyncadd.s32 $0xFFFFFF80  }
0x10b: {  	[tilespmem:s19], [sflag:$0x7] =	stream.indirect.gather [hbm4b:s0+s12], $0x80, s6, s12, $0xb8;
	[tilespmem:$0x1FF00] =	vst v63  }
0x10c: {  	_ =	swait.ge [sflag:s22], $0x4000  }
0x10d: {  	[sflag:s22] =	ssyncset.done $0x0  }
0x10e: {  	s11 =	rddreg [dreg:$0xd];
	[sflag:s22] =	ssyncadd.s32 $0xFFFFC000  }
0x10f: {  	[hbm4b:s11+s6] =	stream.linear.scatter [tilespmem:s19], [sflag:$0x8], $0x4000, $0x38;
	[tilespmem:$0x1FF00] =	vst v63  }
0x110: {  	_ =	swait.ge [sflag:s4], $0x4000  }
0x111: {  	[sflag:s4] =	ssyncset.done $0x0  }
0x112: {  	s26 =	rddreg [dreg:$0xb];
	[sflag:s4] =	ssyncadd.s32 $0xFFFFC000  }
0x113: {  	[tilespmem:s6], [sflag:$0x8] =	stream.linear.gather [hbm4b:s26+s6], $0x80, $0x38;
	[tilespmem:$0x1FF00] =	vst v63  }
0x114: {  	_ =	swait.ge [sflag:s4], $0x80  }
0x115: {  	[sflag:s4] =	ssyncset.done $0x0  }
0x116: {  	[sflag:s4] =	ssyncadd.s32 $0xFFFFFF80  }
0x117: {  	[tilespmem:s19], [sflag:$0x7] =	stream.indirect.gather [hbm4b:s0+s12], $0x80, s6, s12, $0xb8;
	[tilespmem:$0x1FF00] =	vst v63  }
0x118: {  	_ =	swait.ge [sflag:s22], $0x4000  }
0x119: {  	[sflag:s22] =	ssyncset.done $0x0  }
0x11a: {  	s28 =	rddreg [dreg:$0xe];
	[sflag:s22] =	ssyncadd.s32 $0xFFFFC000  }
0x11b: {  	[hbm4b:s28+s6] =	stream.linear.scatter [tilespmem:s19], [sflag:$0x8], $0x4000, $0x38;
	[tilespmem:$0x1FF00] =	vst v63  }
0x11c: {  	_ =	swait.ge [sflag:s4], $0x4000  }
0x11d: {  	s2 =	sadd.s32 $0x1, s2;
	s30 =	rddreg [dreg:$0x16]  }
0x11e: {  	p0 =	sne.s32 s2, s30  }
.Ltmp3:
0x11f: {  	_ = 	snop;
	(pc) =	sbr.rel @p0 .LBB2_1-.Ltmp3, $3  }
0x120: {  	_ =	sdelay $0x1  }
0x121: {  	[sflag:s4] =	ssyncset.done $0x0  }
0x122: {  	[sflag:s4] =	ssyncadd.s32 $0xFFFFC000  }
0x123: {  	_ =	sfence.sel $0x180000  }
0x124: {  	[bflag:$0x0] =	sbarrier.arrive $0xFFFF  }
0x125: {  	_ =	strace $0x90000047  }
0x126: {  	s0 =	stileid.u32;
	[bflag:$0x2] =	sbarrier.arrive $0xFFFF  }
0x127: {  	p0 =	sne.s32 s0, $0x0;
	s0 =	rddreg [dreg:$0x5]  }
0x128: {  	s0 =	sadd.s32 @!p0 $0x100000, s0  }
0x129: {  	[sflag:s0] =	ssyncadd.tile.s32 @!p0 $0x1;
	_ =	shalt  }
.Lfunc_end2:
_tile_overlayer_lowered:
.L_overlay_start_2:
0x12a: {  	(tag) =	ssettag $0x2  }
0x12b: {  	s0 =	rddreg [dreg:$0x0];
	s2 =	stileid.u32  }
0x12c: {  	s1 =	rddreg [dreg:$0x1];
	p0 =	sne.s32 s2, $0x0  }
0x12d: {  	s3 =	rddreg [dreg:$0x2];
	[bflag:$0x3] =	sbarrier.arrive $0xFFFF;
	s2 =	simm.s32 @!p0 $0x1C08  }
0x12e: {  	[timem:s3], [sflag:s2] =	dma.local @!p0 [hbm:s0], s1  }
0x12f: {  	s0 =	simm.s32 @!p0 $0x8  }
0x130: {  	_ =	swait.ge @!p0 [sflag:s0], s1  }
0x131: {  	s1 =	ssub.s32 @!p0 $0x0, s1;
	[sflag:s0] =	ssyncset.done @!p0 $0x0  }
0x132: {  	[sflag:s0] =	ssyncadd.s32 @!p0 s1  }
0x133: {  	[bflag:$0x3] =	sbarrier.arrive $0xFFFF  }
0x134: {  	_ =	shalt  }

// kernel: kernel.14.cloned.1.call-start
scs
__scs_entry_jumppad:
0x0: {  	(pc) =	sbr.rel $0x88, $3  }
0x1: {  	(tag) =	ssettag $0x0;
	lr =	simm.s32 $0x1  }
0x2: {  	[smem:$0x3F89] =	sst lr;
	_ =	strace $0xD0000000  }
0x3: {  	_ = 	snop  }
0x4: {  	_ = 	snop  }
0x5: {  	_ = 	snop  }
0x6: {  	_ = 	snop  }
0x7: {  	_ = 	snop  }
__scs_overlays_trampoline_lowered:
0x8: {  	[smem:$0x3F98] =	sst s0  }
0x9: {  	[smem:$0x3F99] =	sst s1  }
0xa: {  	[smem:$0x3F9A] =	sst s2  }
0xb: {  	[smem:$0x3F9B] =	sst s3  }
0xc: {  	[smem:$0x3F9C] =	sst s4  }
0xd: {  	[smem:$0x3F9D] =	sst s5  }
0xe: {  	[smem:$0x3F9E] =	sst s6  }
0xf: {  	[smem:$0x3F9F] =	sst s7  }
0x10: {  	[smem:$0x3FA0] =	sst s8  }
0x11: {  	[smem:$0x3FA1] =	sst s9;
	s0 =	simm.s32 @!p0 $0x0  }
0x12: {  	s1 =	sld [smem:$0x3F87];
	s0 =	simm.s32 @p0 $0x1  }
0x13: {  	[smem:$0x3FA2] =	sst s0;
	s0 =	simm.s32 @!p1 $0x0  }
0x14: {  	s2 =	sld [smem:$0x3F86];
	s0 =	simm.s32 @p1 $0x1  }
0x15: {  	[smem:$0x3FA3] =	sst s0;
	s0 =	simm.s32 @!p2 $0x0  }
0x16: {  	s3 =	sld [smem:$0x3FDB];
	s0 =	simm.s32 @p2 $0x1  }
0x17: {  	s4 =	simm.s32 $0x1BF5;
	[smem:$0x3FA5] =	sst s0  }
0x18: {  	s0 =	sld [smem:$0x3F88];
	_ =	swait.ge [sflag:s4], $0x0  }
0x19: {  	s7 =	sld [smem:$0x3F89]  }
0x1a: {  	s8 =	sadd.s32 $0xFFFFE003, lr  }
0x1b: {  	s9 =	sadd.s32 $0xFFFFFEF7, lr;
	s5 =	simm.s32 $0xFFFFFFFF;
	p2 =	slt.u32 s8, $0xFFFFF086  }
0x1c: {  	p1 =	slt.u32 s9, $0xF7A;
	s5 =	simm.s32 @!p2 $0x0  }
0x1d: {  	s5 =	simm.s32 @p1 $0x1;
	p0 =	seq.s32 s7, s2  }
0x1e: {  	s7 =	smul.u32 @!p0 $0xF7A, s2;
	p2 =	seq.s32 @!p0 s5, $0x0  }
0x1f: {  	s9 =	smul.u32 $0xF7A, s1;
	s8 =	simm.s32 @!p0 $0x1BF5;
	p2 =	por !p2, p0  }
0x20: {  	[sflag:s8] =	ssyncset.s32 @!p0 $0xFFFFF086;
	s6 =	sadd.s32 @!p0 s3, s7;
	s7 =	simm.s32 @!p0 $0x108  }
0x21: {  	s3 =	sadd.s32 s3, s9;
	s6 =	sadd.s32 @!p0 $0x88, s6;
	s7 =	simm.s32 @p2 $0x1082  }
0x22: {  	[simem:s7], [sflag:s8] =	dma.local @!p0 [hbm:s6], $0xF7A  }
0x23: {  	s9 =	sor.u32 $0xD0000000, s2;
	s6 =	simm.s32 $0x108;
	_ =	swait.ge @!p0 [sflag:s8], $0x0  }
0x24: {  	s3 =	sadd.s32 $0x88, s3;
	s6 =	simm.s32 @!p1 $0x1082;
	[sflag:s4] =	ssyncset.s32 $0xFFFFF086  }
0x25: {  	[simem:s6], [sflag:s4] =	dma.local [hbm:s3], $0xF7A  }
0x26: {  	[smem:$0x3F89] =	sst s1;
	(tag) =	ssettag s2;
	_ =	strace s9  }
0x27: {  	s1 =	sld [smem:$0x3F99]  }
0x28: {  	s2 =	sld [smem:$0x3F9A]  }
0x29: {  	s4 =	sld [smem:$0x3F9C]  }
0x2a: {  	p0 =	seq.s32 s5, $0x0;
	s5 =	sld [smem:$0x3F9D]  }
0x2b: {  	s6 =	sld [smem:$0x3F9E]  }
0x2c: {  	s7 =	sld [smem:$0x3F9F]  }
0x2d: {  	s3 =	simm.s32 $0x108;
	s8 =	sld [smem:$0x3FA0]  }
0x2e: {  	s3 =	simm.s32 @!p0 $0x1082;
	s9 =	sld [smem:$0x3FA1]  }
0x2f: {  	lr =	sadd.s32 s0, s3;
	s0 =	sld [smem:$0x3F98]  }
0x30: {  	s3 =	sld [smem:$0x3F9B]  }
0x31: {  	[smem:$0x3FA4] =	sst s10  }
0x32: {  	s10 =	sld [smem:$0x3FA2];
	_ =	sdelay $0x3  }
0x33: {  	p0 =	seq.s32 s10, $0x1;
	s10 =	sld [smem:$0x3FA4];
	_ =	sdelay $0x3  }
0x34: {  	[smem:$0x3FA4] =	sst s10  }
0x35: {  	s10 =	sld [smem:$0x3FA3];
	_ =	sdelay $0x3  }
0x36: {  	p1 =	seq.s32 s10, $0x1;
	s10 =	sld [smem:$0x3FA4];
	_ =	sdelay $0x3  }
0x37: {  	[smem:$0x3FA4] =	sst s10  }
0x38: {  	s10 =	sld [smem:$0x3FA5]  }
0x39: {  	_ = 	snop;
	(pc) =	sbr.ind lr, $3  }
0x3a: {  	_ = 	snop  }
0x3b: {  	_ = 	snop  }
0x3c: {  	p2 =	seq.s32 s10, $0x1;
	s10 =	sld [smem:$0x3FA4]  }
0x3d: {  	_ =	shalt  }
0x3e: {  	_ =	shalt  }
0x3f: {  	_ =	shalt  }
0x40: {  	_ =	shalt  }
0x41: {  	_ =	shalt  }
0x42: {  	_ =	shalt  }
0x43: {  	_ =	shalt  }
0x44: {  	_ =	shalt  }
0x45: {  	_ =	shalt  }
0x46: {  	_ =	shalt  }
0x47: {  	_ =	shalt  }
0x48: {  	_ =	shalt  }
0x49: {  	_ =	shalt  }
0x4a: {  	_ =	shalt  }
0x4b: {  	_ =	shalt  }
0x4c: {  	_ =	shalt  }
0x4d: {  	_ =	shalt  }
0x4e: {  	_ =	shalt  }
0x4f: {  	_ =	shalt  }
0x50: {  	_ =	shalt  }
0x51: {  	_ =	shalt  }
0x52: {  	_ =	shalt  }
0x53: {  	_ =	shalt  }
0x54: {  	_ =	shalt  }
0x55: {  	_ =	shalt  }
0x56: {  	_ =	shalt  }
0x57: {  	_ =	shalt  }
0x58: {  	_ =	shalt  }
0x59: {  	_ =	shalt  }
0x5a: {  	_ =	shalt  }
0x5b: {  	_ =	shalt  }
0x5c: {  	_ =	shalt  }
0x5d: {  	_ =	shalt  }
0x5e: {  	_ =	shalt  }
0x5f: {  	_ =	shalt  }
0x60: {  	_ =	shalt  }
0x61: {  	_ =	shalt  }
0x62: {  	_ =	shalt  }
0x63: {  	_ =	shalt  }
0x64: {  	_ =	shalt  }
0x65: {  	_ =	shalt  }
0x66: {  	_ =	shalt  }
0x67: {  	_ =	shalt  }
0x68: {  	_ =	shalt  }
0x69: {  	_ =	shalt  }
0x6a: {  	_ =	shalt  }
0x6b: {  	_ =	shalt  }
0x6c: {  	_ =	shalt  }
0x6d: {  	_ =	shalt  }
0x6e: {  	_ =	shalt  }
0x6f: {  	_ =	shalt  }
0x70: {  	_ =	shalt  }
0x71: {  	_ =	shalt  }
0x72: {  	_ =	shalt  }
0x73: {  	_ =	shalt  }
0x74: {  	_ =	shalt  }
0x75: {  	_ =	shalt  }
0x76: {  	_ =	shalt  }
0x77: {  	_ =	shalt  }
0x78: {  	_ =	shalt  }
0x79: {  	_ =	shalt  }
0x7a: {  	_ =	shalt  }
0x7b: {  	_ =	shalt  }
0x7c: {  	_ =	shalt  }
0x7d: {  	_ =	shalt  }
0x7e: {  	_ =	shalt  }
0x7f: {  	_ =	shalt  }
0x80: {  	_ =	shalt  }
0x81: {  	_ =	shalt  }
0x82: {  	_ =	shalt  }
0x83: {  	_ =	shalt  }
0x84: {  	_ =	shalt  }
0x85: {  	_ =	shalt  }
0x86: {  	_ =	shalt  }
0x87: {  	_ =	shalt  }
.Lfunc_end0:
.L_simem_size_0:
called_computation.1_lowered:
.L_overlay_start_0:
0x88: {  	s2 =	sld [smem:$0x3FD9]  }
0x89: {  	s3 =	sld [smem:$0x3FFE];
	_ =	sdelay $0x1  }
0x8a: {  	s1 =	srdreg.scid  }
0x8b: {  	s0 =	sand.u32 $0x1, s1  }
0x8c: {  	s14 =	sshll.u32 s0, $0xA;
	s2 =	sadd.s32 s3, s2  }
0x8d: {  	s2 =	sadd.s32 s2, s14  }
0x8e: {  	[smem:$0x3FB0] =	sst s2  }
0x8f: {  	_ = 	snop  }
0x90: {  	s2 =	sld [smem:$0x3FD0];
	_ =	sdelay $0x2  }
0x91: {  	s15 =	simm.s32 $0xA;
	s4 =	simm.s32 $0x10  }
0x92: {  	[smem:s4], [sflag:s15] =	dma.local [hbm:s2], $0x1  }
0x93: {  	_ =	swait.eq [sflag:s15], $0x1  }
0x94: {  	[sflag:s15] =	ssyncset.done $0x0  }
0x95: {  	[sflag:s15] =	ssyncadd.s32 $0xFFFFFFFF  }
0x96: {  	s16 =	sld [smem:$0x11];
	(tm) =	ssettm $0x1  }
0x97: {  	s17 =	sld [smem:$0x3FFB];
	_ =	sdelay $0x3  }
0x98: {  	_ =	strace s17  }
0x99: {  	s3 =	sld [smem:$0x3FFC];
	_ =	sdelay $0x3  }
0x9a: {  	_ =	strace s3  }
0x9b: {  	s3 =	sld [smem:$0x3FFD];
	_ =	sdelay $0x3  }
0x9c: {  	_ =	strace s3  }
0x9d: {  	_ =	strace $0x8FFFFFFF  }
0x9e: {  	s18 =	sld [smem:$0x3FDB];
	_ =	sdelay $0x1  }
0x9f: {  	s19 =	simm.s32 $_scs_section_size  }
0xa0: {  	s5 =	simm.s32 $_size__tile_overlayer_lowered;
	s6 =	simm.s32 $_tile_overlayer_lowered  }
0xa1: {  	s22 =	simm.s32 $0x1BFF;
	s21 =	sshll.u32 s6, $0x1;
	s3 =	sadd.s32 s19, s18  }
0xa2: {  	s7 =	simm.s32 $0x0;
	s20 =	sshll.u32 s5, $0x1;
	s5 =	sadd.s32 s21, s3  }
0xa3: {  	[timem:s7], [sflag:s22] =	dma.local [hbm:s5], s20  }
0xa4: {  	_ =	swait.ge [sflag:s22], s20  }
0xa5: {  	s4 =	ssub.s32 $0x0, s20;
	[sflag:s22] =	ssyncset.done $0x0  }
0xa6: {  	[sflag:s22] =	ssyncadd.s32 s4;
	_ =	sdelay $0x1  }
0xa7: {  	s23 =	simm.s32 $0x1B8B  }
0xa8: {  	_ =	swait.ge [sflag:s23], $0x1  }
0xa9: {  	[sflag:s23] =	ssyncset.done $0x0  }
0xaa: {  	s25 =	simm.s32 $0x1B8E;
	s24 =	sld [smem:$0x3FFE];
	[sflag:s23] =	ssyncadd.s32 $0xFFFFFFFF  }
0xab: {  	s26 =	simm.s32 $execute0_lowered;
	[smem:$0x3FD2] =	sst s25  }
0xac: {  	s5 =	sshll.u32 s26, $0x1;
	_ =	strace $0x80000049;
	[dreg:$0x1] =	wrdreg $0xFFFFFFFF  }
0xad: {  	s28 =	simm.s32 $_size_execute0_lowered;
	s3 =	sadd.s32 s3, s5;
	[dreg:$0x0] =	wrdreg $0x0  }
0xae: {  	s5 =	sshll.u32 s28, $0x1;
	[dreg:$0x2] =	wrdreg s3  }
0xaf: {  	[dreg:$0x3] =	wrdreg s5  }
0xb0: {  	[dreg:$0x4] =	wrdreg $0xC0  }
0xb1: {  	_ =	task [dreg:s7], $0x5FFFF  }
0xb2: {  	[dreg:$0x1] =	wrdreg $0xFFFFFFFF  }
0xb3: {  	[dreg:$0x0] =	wrdreg $0x60  }
0xb4: {  	[dreg:$0x2] =	wrdreg s24  }
0xb5: {  	[dreg:$0x3] =	wrdreg s16  }
0xb6: {  	[dreg:$0x4] =	wrdreg $0x82000  }
0xb7: {  	[dreg:$0x5] =	wrdreg $0x9  }
0xb8: {  	_ =	task.clear_ibuf [dreg:s7], $0x6FFFF;
	_ =	strace $0x90000049  }
0xb9: {  	s29 =	simm.s32 $0x9;
	_ =	strace $0x8000004B  }
0xba: {  	_ =	swait.ge [sflag:s29], $0x1  }
0xbb: {  	[sflag:s29] =	ssyncadd.s32 $0xFFFFFFFF  }
0xbc: {  	_ =	strace $0x9000004B  }
0xbd: {  	_ =	sfence  }
0xbe: {  	s30 =	sld [smem:$0x0];
	_ =	sdelay $0x2  }
0xbf: {  	s31 =	sshll.u32 s1, $0xD;
	s1 =	sshrl.u32 s1, $0x2  }
0xc0: {  	s3 =	sand.u32 $0x4000, s31;
	s1 =	sadd.s32 s1, s30  }
0xc1: {  	s0 =	sor.u32 s3, s0;
	s1 =	sshll.u32 s1, $0x11  }
0xc2: {  	s0 =	sor.u32 s1, s0  }
0xc3: {  	s0 =	sadd.s32 $0x8F2B, s0  }
0xc4: {  	[sflag:s0] =	ssyncadd.remote.s32 $0x1  }
0xc5: {  	_ =	sfence.sel $0xFFFF  }
0xc6: {  	[dreg:$0x0] =	wrdreg $0xFFFFFFFF;
	(pc) =	sbr.abs _section_cstart, $3  }
0xc7: {  	[dreg:$0x1] =	wrdreg $0xFFFFFFFF  }
0xc8: {  	_ =	task.clear_ibuf [dreg:s7], $0x2FFFF;
	_ =	strace $0x9FFFFFFF  }
0xc9: {  	(tm) =	ssettm $0x7FFFFFFF  }
tec
execute0_lowered:
.L_overlay_start_1:
0x0: {  	(tag) =	ssettag $0x1  }
0x1: {  	s7 =	rddreg [dreg:$0x0]  }
0x2: {  	s1 =	rddreg [dreg:$0x1]  }
0x3: {  	s2 =	rddreg [dreg:$0x2];
	s3 =	srdreg.scid  }
0x4: {  	s4 =	simm.s32 $0x0;
	s20 =	simm.s32 $0x80;
	s8 =	sand.u32 $0x1, s3  }
0x5: {  	s21 =	simm.s32 $0x200;
	s3 =	stileid.u32;
	s9 =	smul.u32 $0x13C000, s8  }
0x6: {  	s22 =	simm.s32 $0x180;
	s23 =	simm.s32 $0x4200;
	s10 =	smul.u32 $0x13C00, s3  }
0x7: {  	[smem:$0x7FF] =	sst s4;
	s5 =	sadd.s32 $0x34A00, s7;
	s11 =	smul.u32 $0x4F000, s8  }
0x8: {  	s6 =	sadd.s32 $0x20E00, s7;
	s14 =	sadd.s32 $0x3400, s7;
	s24 =	smul.u32 $0x4F00, s3  }
0x9: {  	_ =	strace $0x8000004A;
	s8 =	ssub.s32 $0x2, s8;
	s12 =	smul.u32 $0x4F000, s3  }
0xa: {  	s28 =	sshll.u32 s3, $0x6;
	s18 =	smul.u32 $0x9E0, s3;
	s25 =	sshrl.u32 s8, $0x1  }
0xb: {  	s9 =	sadd.s32 s10, s9;
	s15 =	ssub.s32 s8, s25;
	s16 =	sadd.s32 s24, s11  }
0xc: {  	s26 =	sshrl.u32 s12, $0x2;
	s30 =	sshrl.u32 s24, $0x3;
	s24 =	simm.s32 $0x1  }
0xd: {  	s25 =	simm.s32 $0x2;
	s9 =	sshrl.u32 s9, $0x3;
	s17 =	sadd.s32 s26, s2  }
0xe: {  	s29 =	sshrl.u32 s16, $0x3;
	s19 =	sadd.s32 $0x180, s16;
	s26 =	simm.s32 $0x0  }
0xf: {  	s13 =	sadd.s32 s9, s7;
	s7 =	sor.u32 $0x1C03, s28;
	s8 =	sadd.s32 s6, s29  }
0x10: {  	s9 =	sadd.s32 s14, s30;
	s14 =	sadd.s32 s18, s14;
	s31 =	sshrl.u32 s19, $0x3  }
0x11: {  	s17 =	sshrl.u32 s17, $0x3;
	s18 =	simm.s32 $0x3;
	s19 =	simm.s32 $0x100  }
0x12: {  	s10 =	sadd.s32 $0x10, s8;
	s11 =	sadd.s32 $0x10, s9;
	s12 =	sadd.s32 $0x103200, s13  }
0x13: {  	s13 =	smax.u32 s15, $0x1;
	s15 =	sadd.s32 $0x100, s16;
	s16 =	sadd.s32 s31, s6  }
.LBB2_1:
0x14: {  	[spmem:s17], [sflag:s7] =	dma.local [hbm:s1], $0x2780  }
0x15: {  	_ =	swait.ge [sflag:s18], $0x2780  }
0x16: {  	[sflag:s18] =	ssyncset.done $0x0  }
0x17: {  	[sflag:s18] =	ssyncadd.s32 $0xFFFFD880  }
0x18: {  	[bflag:$0x0] =	sbarrier.arrive $0xFFFF  }
0x19: {  	[tilespmem:s4], [sflag:$0x3] =	stream.linear.gather [hbm4b:s8+s4], $0x80, $0x38;
	[tilespmem:$0x1BE00] =	vst v63  }
0x1a: {  	_ =	swait.ge [sflag:s18], $0x80  }
0x1b: {  	[sflag:s18] =	ssyncset.done $0x0  }
0x1c: {  	[sflag:s18] =	ssyncadd.s32 $0xFFFFFF80  }
0x1d: {  	[tilespmem:s19], [sflag:$0x3] =	stream.linear.gather [hbm4b:s9+s4], $0x80, $0x38;
	[tilespmem:$0x1BE00] =	vst v63  }
0x1e: {  	_ =	swait.ge [sflag:s18], $0x80  }
0x1f: {  	[sflag:s18] =	ssyncset.done $0x0  }
0x20: {  	[sflag:s18] =	ssyncadd.s32 $0xFFFFFF80  }
0x21: {  	[tilespmem:s21], [sflag:$0x1] =	stream.indirect.gather [hbm4b:s5+s20], $0x80, s4, s20, $0xb8;
	[tilespmem:$0x1BE00] =	vst v63  }
0x22: {  	_ = 	snop  }
0x23: {  	[tilespmem:s20], [sflag:$0x3] =	stream.linear.gather [hbm4b:s10+s4], $0x80, $0x38;
	[tilespmem:$0x1BE00] =	vst v63  }
0x24: {  	_ =	swait.ge [sflag:s18], $0x80  }
0x25: {  	[sflag:s18] =	ssyncset.done $0x0  }
0x26: {  	[sflag:s18] =	ssyncadd.s32 $0xFFFFFF80  }
0x27: {  	[tilespmem:s22], [sflag:$0x3] =	stream.linear.gather [hbm4b:s11+s4], $0x80, $0x38;
	[tilespmem:$0x1BE00] =	vst v63  }
0x28: {  	_ =	swait.ge [sflag:s18], $0x80  }
0x29: {  	[sflag:s18] =	ssyncset.done $0x0  }
0x2a: {  	[sflag:s18] =	ssyncadd.s32 $0xFFFFFF80  }
0x2b: {  	[tilespmem:s23], [sflag:$0x2] =	stream.indirect.gather [hbm4b:s5+s20], $0x80, s20, s20, $0xb8;
	[tilespmem:$0x1BE00] =	vst v63  }
0x2c: {  	_ =	swait.ge [sflag:s24], $0x4000  }
0x2d: {  	[sflag:s24] =	ssyncset.done $0x0  }
0x2e: {  	[sflag:s24] =	ssyncadd.s32 $0xFFFFC000  }
0x2f: {  	[spmem:s2] =	stream.indirect.scatter.add.f32 [tilespmem:s21], [sflag:$0x3], $0x80, s19, s20, $0xb8;
	[tilespmem:$0x1BE00] =	vst v63  }
0x30: {  	_ =	swait.ge [sflag:s18], $0x4000  }
0x31: {  	s28 =	sshrl.u32 s15, $0x3;
	[sflag:s18] =	ssyncset.done $0x0  }
0x32: {  	s28 =	sadd.s32 s6, s28;
	[sflag:s18] =	ssyncadd.s32 $0xFFFFC000  }
0x33: {  	[tilespmem:s4], [sflag:$0x3] =	stream.linear.gather [hbm4b:s28+s4], $0x80, $0x38;
	[tilespmem:$0x1BE00] =	vst v63  }
0x34: {  	_ =	swait.ge [sflag:s18], $0x80  }
0x35: {  	s28 =	sadd.s32 $0x0, s14;
	[sflag:s18] =	ssyncset.done $0x0  }
0x36: {  	s29 =	sadd.s32 $0x20, s28;
	[sflag:s18] =	ssyncadd.s32 $0xFFFFFF80  }
0x37: {  	[tilespmem:s19], [sflag:$0x3] =	stream.linear.gather [hbm4b:s29+s4], $0x80, $0x38;
	[tilespmem:$0x1BE00] =	vst v63  }
0x38: {  	_ =	swait.ge [sflag:s18], $0x80  }
0x39: {  	[sflag:s18] =	ssyncset.done $0x0  }
0x3a: {  	[sflag:s18] =	ssyncadd.s32 $0xFFFFFF80  }
0x3b: {  	[tilespmem:s21], [sflag:$0x1] =	stream.indirect.gather [hbm4b:s5+s20], $0x80, s4, s20, $0xb8;
	[tilespmem:$0x1BE00] =	vst v63  }
0x3c: {  	_ =	swait.ge [sflag:s25], $0x4000  }
0x3d: {  	[sflag:s25] =	ssyncset.done $0x0  }
0x3e: {  	[sflag:s25] =	ssyncadd.s32 $0xFFFFC000  }
0x3f: {  	[spmem:s2] =	stream.indirect.scatter.add.f32 [tilespmem:s23], [sflag:$0x3], $0x80, s22, s20, $0xb8;
	[tilespmem:$0x1BE00] =	vst v63  }
0x40: {  	_ =	swait.ge [sflag:s18], $0x4000  }
0x41: {  	[sflag:s18] =	ssyncset.done $0x0  }
0x42: {  	s29 =	sadd.s32 $0x0, s16;
	[sflag:s18] =	ssyncadd.s32 $0xFFFFC000  }
0x43: {  	[tilespmem:s20], [sflag:$0x3] =	stream.linear.gather [hbm4b:s29+s4], $0x80, $0x38;
	[tilespmem:$0x1BE00] =	vst v63  }
0x44: {  	_ =	swait.ge [sflag:s18], $0x80  }
0x45: {  	[sflag:s18] =	ssyncset.done $0x0  }
0x46: {  	s28 =	sadd.s32 $0x30, s28;
	[sflag:s18] =	ssyncadd.s32 $0xFFFFFF80  }
0x47: {  	[tilespmem:s22], [sflag:$0x3] =	stream.linear.gather [hbm4b:s28+s4], $0x80, $0x38;
	[tilespmem:$0x1BE00] =	vst v63  }
0x48: {  	_ =	swait.ge [sflag:s18], $0x80  }
0x49: {  	[sflag:s18] =	ssyncset.done $0x0  }
0x4a: {  	s29 =	sadd.s32 $0x100, s15;
	s28 =	simm.s32 $0x20;
	[sflag:s18] =	ssyncadd.s32 $0xFFFFFF80  }
.LBB2_2:
0x4b: {  	[tilespmem:s23], [sflag:$0x2] =	stream.indirect.gather [hbm4b:s5+s20], $0x80, s20, s20, $0xb8;
	[tilespmem:$0x1BE00] =	vst v63  }
0x4c: {  	s30 =	smov.u32 s28  }
0x4d: {  	p0 =	sne.s32 s28, $0x9A0;
	s28 =	sadd.s32 $0x20, s28;
	_ =	swait.ge [sflag:s24], $0x4000  }
0x4e: {  	[sflag:s24] =	ssyncset.done $0x0  }
0x4f: {  	[sflag:s24] =	ssyncadd.s32 $0xFFFFC000  }
0x50: {  	[spmem:s2] =	stream.indirect.scatter.add.f32 [tilespmem:s21], [sflag:$0x3], $0x80, s19, s20, $0xb8;
	[tilespmem:$0x1BE00] =	vst v63  }
0x51: {  	_ =	swait.ge [sflag:s18], $0x4000  }
0x52: {  	s31 =	sshrl.u32 s29, $0x3;
	[sflag:s18] =	ssyncset.done $0x0  }
0x53: {  	s31 =	sadd.s32 s6, s31;
	[sflag:s18] =	ssyncadd.s32 $0xFFFFC000  }
0x54: {  	[tilespmem:s4], [sflag:$0x3] =	stream.linear.gather [hbm4b:s31+s4], $0x80, $0x38;
	[tilespmem:$0x1BE00] =	vst v63  }
0x55: {  	_ =	swait.ge [sflag:s18], $0x80  }
0x56: {  	s31 =	sadd.s32 s30, s14;
	[sflag:s18] =	ssyncset.done $0x0  }
0x57: {  	s0 =	sadd.s32 $0x20, s31;
	[sflag:s18] =	ssyncadd.s32 $0xFFFFFF80  }
0x58: {  	[tilespmem:s19], [sflag:$0x3] =	stream.linear.gather [hbm4b:s0+s4], $0x80, $0x38;
	[tilespmem:$0x1BE00] =	vst v63  }
0x59: {  	_ =	swait.ge [sflag:s18], $0x80  }
0x5a: {  	[sflag:s18] =	ssyncset.done $0x0  }
0x5b: {  	[sflag:s18] =	ssyncadd.s32 $0xFFFFFF80  }
0x5c: {  	[tilespmem:s21], [sflag:$0x1] =	stream.indirect.gather [hbm4b:s5+s20], $0x80, s4, s20, $0xb8;
	[tilespmem:$0x1BE00] =	vst v63  }
0x5d: {  	_ =	swait.ge [sflag:s25], $0x4000  }
0x5e: {  	[sflag:s25] =	ssyncset.done $0x0  }
0x5f: {  	[sflag:s25] =	ssyncadd.s32 $0xFFFFC000  }
0x60: {  	[spmem:s2] =	stream.indirect.scatter.add.f32 [tilespmem:s23], [sflag:$0x3], $0x80, s22, s20, $0xb8;
	[tilespmem:$0x1BE00] =	vst v63  }
0x61: {  	_ =	swait.ge [sflag:s18], $0x4000  }
0x62: {  	[sflag:s18] =	ssyncset.done $0x0  }
0x63: {  	s0 =	sadd.s32 s30, s16;
	[sflag:s18] =	ssyncadd.s32 $0xFFFFC000  }
0x64: {  	[tilespmem:s20], [sflag:$0x3] =	stream.linear.gather [hbm4b:s0+s4], $0x80, $0x38;
	[tilespmem:$0x1BE00] =	vst v63  }
0x65: {  	_ =	swait.ge [sflag:s18], $0x80  }
0x66: {  	[sflag:s18] =	ssyncset.done $0x0  }
.Ltmp0:
0x67: {  	s0 =	sadd.s32 $0x30, s31;
	[sflag:s18] =	ssyncadd.s32 $0xFFFFFF80;
	(pc) =	sbr.rel @p0 .LBB2_2-.Ltmp0, $4  }
0x68: {  	[tilespmem:s22], [sflag:$0x3] =	stream.linear.gather [hbm4b:s0+s4], $0x80, $0x38;
	[tilespmem:$0x1BE00] =	vst v63  }
0x69: {  	_ =	swait.ge [sflag:s18], $0x80  }
0x6a: {  	[sflag:s18] =	ssyncset.done $0x0  }
0x6b: {  	s29 =	sadd.s32 $0x100, s29;
	[sflag:s18] =	ssyncadd.s32 $0xFFFFFF80  }
0x6c: {  	[tilespmem:s23], [sflag:$0x2] =	stream.indirect.gather [hbm4b:s5+s20], $0x80, s20, s20, $0xb8;
	[tilespmem:$0x1BE00] =	vst v63  }
0x6d: {  	_ =	swait.ge [sflag:s24], $0x4000  }
0x6e: {  	[sflag:s24] =	ssyncset.done $0x0  }
0x6f: {  	[sflag:s24] =	ssyncadd.s32 $0xFFFFC000  }
0x70: {  	[spmem:s2] =	stream.indirect.scatter.add.f32 [tilespmem:s21], [sflag:$0x3], $0x80, s19, s20, $0xb8;
	[tilespmem:$0x1BE00] =	vst v63  }
0x71: {  	_ =	swait.ge [sflag:s18], $0x4000  }
0x72: {  	[sflag:s18] =	ssyncset.done $0x0  }
0x73: {  	[sflag:s18] =	ssyncadd.s32 $0xFFFFC000  }
0x74: {  	_ =	swait.ge [sflag:s25], $0x4000  }
0x75: {  	[sflag:s25] =	ssyncset.done $0x0  }
0x76: {  	[sflag:s25] =	ssyncadd.s32 $0xFFFFC000  }
0x77: {  	[spmem:s2] =	stream.indirect.scatter.add.f32 [tilespmem:s23], [sflag:$0x3], $0x80, s22, s20, $0xb8;
	[tilespmem:$0x1BE00] =	vst v63  }
0x78: {  	_ =	swait.ge [sflag:s18], $0x4000  }
0x79: {  	s26 =	sadd.s32 $0x1, s26;
	[sflag:s18] =	ssyncset.done $0x0  }
0x7a: {  	p0 =	sne.s32 s26, s13;
	[sflag:s18] =	ssyncadd.s32 $0xFFFFC000  }
.Ltmp1:
0x7b: {  	[bflag:$0x0] =	sbarrier.arrive $0xFFFF;
	(pc) =	sbr.rel @p0 .LBB2_1-.Ltmp1, $4  }
0x7c: {  	[hbm:s12], [sflag:s7] =	dma.local [spmem:s17], $0x2780  }
0x7d: {  	_ =	swait.ge [sflag:s18], $0x2780  }
0x7e: {  	[sflag:s18] =	ssyncset.done $0x0  }
0x7f: {  	[sflag:s18] =	ssyncadd.s32 $0xFFFFD880  }
0x80: {  	_ =	sfence.sel $0x180000  }
0x81: {  	[bflag:$0x0] =	sbarrier.arrive $0xFFFF  }
0x82: {  	_ =	strace $0x9000004A  }
0x83: {  	[bflag:$0x2] =	sbarrier.arrive $0xFFFF  }
0x84: {  	p0 =	sne.s32 s3, $0x0;
	s0 =	rddreg [dreg:$0x3]  }
0x85: {  	s0 =	sadd.s32 @!p0 $0x100000, s0  }
0x86: {  	[sflag:s0] =	ssyncadd.tile.s32 @!p0 $0x1;
	_ =	shalt  }
.Lfunc_end2:
_tile_overlayer_lowered:
.L_overlay_start_2:
0x87: {  	(tag) =	ssettag $0x2  }
0x88: {  	s0 =	rddreg [dreg:$0x0];
	s2 =	stileid.u32  }
0x89: {  	s1 =	rddreg [dreg:$0x1];
	p0 =	sne.s32 s2, $0x0  }
0x8a: {  	s3 =	rddreg [dreg:$0x2];
	[bflag:$0x3] =	sbarrier.arrive $0xFFFF;
	s2 =	simm.s32 @!p0 $0x1C03  }
0x8b: {  	[timem:s3], [sflag:s2] =	dma.local @!p0 [hbm:s0], s1  }
0x8c: {  	s0 =	simm.s32 @!p0 $0x3  }
0x8d: {  	_ =	swait.ge @!p0 [sflag:s0], s1  }
0x8e: {  	s1 =	ssub.s32 @!p0 $0x0, s1;
	[sflag:s0] =	ssyncset.done @!p0 $0x0  }
0x8f: {  	[sflag:s0] =	ssyncadd.s32 @!p0 s1  }
0x90: {  	[bflag:$0x3] =	sbarrier.arrive $0xFFFF  }
0x91: {  	_ =	shalt  }

// kernel: kernel.17.cloned.1.call-start
scs
__scs_entry_jumppad:
0x0: {  	(pc) =	sbr.rel $0x88, $3  }
0x1: {  	(tag) =	ssettag $0x0;
	lr =	simm.s32 $0x1  }
0x2: {  	[smem:$0x3F89] =	sst lr;
	_ =	strace $0xD0000000  }
0x3: {  	_ = 	snop  }
0x4: {  	_ = 	snop  }
0x5: {  	_ = 	snop  }
0x6: {  	_ = 	snop  }
0x7: {  	_ = 	snop  }
__scs_overlays_trampoline_lowered:
0x8: {  	[smem:$0x3F98] =	sst s0  }
0x9: {  	[smem:$0x3F99] =	sst s1  }
0xa: {  	[smem:$0x3F9A] =	sst s2  }
0xb: {  	[smem:$0x3F9B] =	sst s3  }
0xc: {  	[smem:$0x3F9C] =	sst s4  }
0xd: {  	[smem:$0x3F9D] =	sst s5  }
0xe: {  	[smem:$0x3F9E] =	sst s6  }
0xf: {  	[smem:$0x3F9F] =	sst s7  }
0x10: {  	[smem:$0x3FA0] =	sst s8  }
0x11: {  	[smem:$0x3FA1] =	sst s9;
	s0 =	simm.s32 @!p0 $0x0  }
0x12: {  	s1 =	sld [smem:$0x3F87];
	s0 =	simm.s32 @p0 $0x1  }
0x13: {  	[smem:$0x3FA2] =	sst s0;
	s0 =	simm.s32 @!p1 $0x0  }
0x14: {  	s2 =	sld [smem:$0x3F86];
	s0 =	simm.s32 @p1 $0x1  }
0x15: {  	[smem:$0x3FA3] =	sst s0;
	s0 =	simm.s32 @!p2 $0x0  }
0x16: {  	s3 =	sld [smem:$0x3FDB];
	s0 =	simm.s32 @p2 $0x1  }
0x17: {  	s4 =	simm.s32 $0x1BF5;
	[smem:$0x3FA5] =	sst s0  }
0x18: {  	s0 =	sld [smem:$0x3F88];
	_ =	swait.ge [sflag:s4], $0x0  }
0x19: {  	s7 =	sld [smem:$0x3F89]  }
0x1a: {  	s8 =	sadd.s32 $0xFFFFE003, lr  }
0x1b: {  	s9 =	sadd.s32 $0xFFFFFEF7, lr;
	s5 =	simm.s32 $0xFFFFFFFF;
	p2 =	slt.u32 s8, $0xFFFFF086  }
0x1c: {  	p1 =	slt.u32 s9, $0xF7A;
	s5 =	simm.s32 @!p2 $0x0  }
0x1d: {  	s5 =	simm.s32 @p1 $0x1;
	p0 =	seq.s32 s7, s2  }
0x1e: {  	s7 =	smul.u32 @!p0 $0xF7A, s2;
	p2 =	seq.s32 @!p0 s5, $0x0  }
0x1f: {  	s9 =	smul.u32 $0xF7A, s1;
	s8 =	simm.s32 @!p0 $0x1BF5;
	p2 =	por !p2, p0  }
0x20: {  	[sflag:s8] =	ssyncset.s32 @!p0 $0xFFFFF086;
	s6 =	sadd.s32 @!p0 s3, s7;
	s7 =	simm.s32 @!p0 $0x108  }
0x21: {  	s3 =	sadd.s32 s3, s9;
	s6 =	sadd.s32 @!p0 $0x88, s6;
	s7 =	simm.s32 @p2 $0x1082  }
0x22: {  	[simem:s7], [sflag:s8] =	dma.local @!p0 [hbm:s6], $0xF7A  }
0x23: {  	s9 =	sor.u32 $0xD0000000, s2;
	s6 =	simm.s32 $0x108;
	_ =	swait.ge @!p0 [sflag:s8], $0x0  }
0x24: {  	s3 =	sadd.s32 $0x88, s3;
	s6 =	simm.s32 @!p1 $0x1082;
	[sflag:s4] =	ssyncset.s32 $0xFFFFF086  }
0x25: {  	[simem:s6], [sflag:s4] =	dma.local [hbm:s3], $0xF7A  }
0x26: {  	[smem:$0x3F89] =	sst s1;
	(tag) =	ssettag s2;
	_ =	strace s9  }
0x27: {  	s1 =	sld [smem:$0x3F99]  }
0x28: {  	s2 =	sld [smem:$0x3F9A]  }
0x29: {  	s4 =	sld [smem:$0x3F9C]  }
0x2a: {  	p0 =	seq.s32 s5, $0x0;
	s5 =	sld [smem:$0x3F9D]  }
0x2b: {  	s6 =	sld [smem:$0x3F9E]  }
0x2c: {  	s7 =	sld [smem:$0x3F9F]  }
0x2d: {  	s3 =	simm.s32 $0x108;
	s8 =	sld [smem:$0x3FA0]  }
0x2e: {  	s3 =	simm.s32 @!p0 $0x1082;
	s9 =	sld [smem:$0x3FA1]  }
0x2f: {  	lr =	sadd.s32 s0, s3;
	s0 =	sld [smem:$0x3F98]  }
0x30: {  	s3 =	sld [smem:$0x3F9B]  }
0x31: {  	[smem:$0x3FA4] =	sst s10  }
0x32: {  	s10 =	sld [smem:$0x3FA2];
	_ =	sdelay $0x3  }
0x33: {  	p0 =	seq.s32 s10, $0x1;
	s10 =	sld [smem:$0x3FA4];
	_ =	sdelay $0x3  }
0x34: {  	[smem:$0x3FA4] =	sst s10  }
0x35: {  	s10 =	sld [smem:$0x3FA3];
	_ =	sdelay $0x3  }
0x36: {  	p1 =	seq.s32 s10, $0x1;
	s10 =	sld [smem:$0x3FA4];
	_ =	sdelay $0x3  }
0x37: {  	[smem:$0x3FA4] =	sst s10  }
0x38: {  	s10 =	sld [smem:$0x3FA5]  }
0x39: {  	_ = 	snop;
	(pc) =	sbr.ind lr, $3  }
0x3a: {  	_ = 	snop  }
0x3b: {  	_ = 	snop  }
0x3c: {  	p2 =	seq.s32 s10, $0x1;
	s10 =	sld [smem:$0x3FA4]  }
0x3d: {  	_ =	shalt  }
0x3e: {  	_ =	shalt  }
0x3f: {  	_ =	shalt  }
0x40: {  	_ =	shalt  }
0x41: {  	_ =	shalt  }
0x42: {  	_ =	shalt  }
0x43: {  	_ =	shalt  }
0x44: {  	_ =	shalt  }
0x45: {  	_ =	shalt  }
0x46: {  	_ =	shalt  }
0x47: {  	_ =	shalt  }
0x48: {  	_ =	shalt  }
0x49: {  	_ =	shalt  }
0x4a: {  	_ =	shalt  }
0x4b: {  	_ =	shalt  }
0x4c: {  	_ =	shalt  }
0x4d: {  	_ =	shalt  }
0x4e: {  	_ =	shalt  }
0x4f: {  	_ =	shalt  }
0x50: {  	_ =	shalt  }
0x51: {  	_ =	shalt  }
0x52: {  	_ =	shalt  }
0x53: {  	_ =	shalt  }
0x54: {  	_ =	shalt  }
0x55: {  	_ =	shalt  }
0x56: {  	_ =	shalt  }
0x57: {  	_ =	shalt  }
0x58: {  	_ =	shalt  }
0x59: {  	_ =	shalt  }
0x5a: {  	_ =	shalt  }
0x5b: {  	_ =	shalt  }
0x5c: {  	_ =	shalt  }
0x5d: {  	_ =	shalt  }
0x5e: {  	_ =	shalt  }
0x5f: {  	_ =	shalt  }
0x60: {  	_ =	shalt  }
0x61: {  	_ =	shalt  }
0x62: {  	_ =	shalt  }
0x63: {  	_ =	shalt  }
0x64: {  	_ =	shalt  }
0x65: {  	_ =	shalt  }
0x66: {  	_ =	shalt  }
0x67: {  	_ =	shalt  }
0x68: {  	_ =	shalt  }
0x69: {  	_ =	shalt  }
0x6a: {  	_ =	shalt  }
0x6b: {  	_ =	shalt  }
0x6c: {  	_ =	shalt  }
0x6d: {  	_ =	shalt  }
0x6e: {  	_ =	shalt  }
0x6f: {  	_ =	shalt  }
0x70: {  	_ =	shalt  }
0x71: {  	_ =	shalt  }
0x72: {  	_ =	shalt  }
0x73: {  	_ =	shalt  }
0x74: {  	_ =	shalt  }
0x75: {  	_ =	shalt  }
0x76: {  	_ =	shalt  }
0x77: {  	_ =	shalt  }
0x78: {  	_ =	shalt  }
0x79: {  	_ =	shalt  }
0x7a: {  	_ =	shalt  }
0x7b: {  	_ =	shalt  }
0x7c: {  	_ =	shalt  }
0x7d: {  	_ =	shalt  }
0x7e: {  	_ =	shalt  }
0x7f: {  	_ =	shalt  }
0x80: {  	_ =	shalt  }
0x81: {  	_ =	shalt  }
0x82: {  	_ =	shalt  }
0x83: {  	_ =	shalt  }
0x84: {  	_ =	shalt  }
0x85: {  	_ =	shalt  }
0x86: {  	_ =	shalt  }
0x87: {  	_ =	shalt  }
.Lfunc_end0:
.L_simem_size_0:
called_computation.2_lowered:
.L_overlay_start_0:
0x88: {  	s2 =	sld [smem:$0x3FD9]  }
0x89: {  	s3 =	sld [smem:$0x3FFE];
	_ =	sdelay $0x1  }
0x8a: {  	s1 =	srdreg.scid  }
0x8b: {  	s0 =	sand.u32 $0x1, s1  }
0x8c: {  	s14 =	sshll.u32 s0, $0xA;
	s2 =	sadd.s32 s3, s2  }
0x8d: {  	s2 =	sadd.s32 s2, s14  }
0x8e: {  	[smem:$0x3FB0] =	sst s2  }
0x8f: {  	_ = 	snop  }
0x90: {  	s2 =	sld [smem:$0x3FD0];
	_ =	sdelay $0x2  }
0x91: {  	s15 =	simm.s32 $0xA;
	s4 =	simm.s32 $0x10  }
0x92: {  	[smem:s4], [sflag:s15] =	dma.local [hbm:s2], $0x1  }
0x93: {  	_ =	swait.eq [sflag:s15], $0x1  }
0x94: {  	[sflag:s15] =	ssyncset.done $0x0  }
0x95: {  	[sflag:s15] =	ssyncadd.s32 $0xFFFFFFFF  }
0x96: {  	s16 =	sld [smem:$0x11];
	(tm) =	ssettm $0x1  }
0x97: {  	s17 =	sld [smem:$0x3FFB];
	_ =	sdelay $0x3  }
0x98: {  	_ =	strace s17  }
0x99: {  	s3 =	sld [smem:$0x3FFC];
	_ =	sdelay $0x3  }
0x9a: {  	_ =	strace s3  }
0x9b: {  	s3 =	sld [smem:$0x3FFD];
	_ =	sdelay $0x3  }
0x9c: {  	_ =	strace s3  }
0x9d: {  	_ =	strace $0x8FFFFFFF  }
0x9e: {  	s18 =	sld [smem:$0x3FDB];
	_ =	sdelay $0x1  }
0x9f: {  	s19 =	simm.s32 $_scs_section_size  }
0xa0: {  	s5 =	simm.s32 $_size__tile_overlayer_lowered;
	s6 =	simm.s32 $_tile_overlayer_lowered  }
0xa1: {  	s22 =	simm.s32 $0x1BFF;
	s21 =	sshll.u32 s6, $0x1;
	s3 =	sadd.s32 s19, s18  }
0xa2: {  	s7 =	simm.s32 $0x0;
	s20 =	sshll.u32 s5, $0x1;
	s5 =	sadd.s32 s21, s3  }
0xa3: {  	[timem:s7], [sflag:s22] =	dma.local [hbm:s5], s20  }
0xa4: {  	_ =	swait.ge [sflag:s22], s20  }
0xa5: {  	s4 =	ssub.s32 $0x0, s20;
	[sflag:s22] =	ssyncset.done $0x0  }
0xa6: {  	[sflag:s22] =	ssyncadd.s32 s4;
	_ =	sdelay $0x1  }
0xa7: {  	s23 =	simm.s32 $0x1B8B  }
0xa8: {  	_ =	swait.ge [sflag:s23], $0x1  }
0xa9: {  	[sflag:s23] =	ssyncset.done $0x0  }
0xaa: {  	s25 =	simm.s32 $0x1B8E;
	s24 =	sld [smem:$0x3FFE];
	[sflag:s23] =	ssyncadd.s32 $0xFFFFFFFF  }
0xab: {  	s26 =	simm.s32 $execute0_lowered;
	[smem:$0x3FD2] =	sst s25  }
0xac: {  	s5 =	sshll.u32 s26, $0x1;
	_ =	strace $0x8000004C;
	[dreg:$0x1] =	wrdreg $0xFFFFFFFF  }
0xad: {  	s28 =	simm.s32 $_size_execute0_lowered;
	s3 =	sadd.s32 s3, s5;
	[dreg:$0x0] =	wrdreg $0x0  }
0xae: {  	s5 =	sshll.u32 s28, $0x1;
	[dreg:$0x2] =	wrdreg s3  }
0xaf: {  	[dreg:$0x3] =	wrdreg s5  }
0xb0: {  	[dreg:$0x4] =	wrdreg $0xC0  }
0xb1: {  	_ =	task [dreg:s7], $0x5FFFF  }
0xb2: {  	[dreg:$0x1] =	wrdreg $0xFFFFFFFF  }
0xb3: {  	[dreg:$0x0] =	wrdreg $0x60  }
0xb4: {  	[dreg:$0x2] =	wrdreg s24  }
0xb5: {  	[dreg:$0x3] =	wrdreg s16  }
0xb6: {  	[dreg:$0x4] =	wrdreg $0x82000  }
0xb7: {  	[dreg:$0x5] =	wrdreg $0x9  }
0xb8: {  	_ =	task.clear_ibuf [dreg:s7], $0x6FFFF;
	_ =	strace $0x9000004C  }
0xb9: {  	s29 =	simm.s32 $0x9;
	_ =	strace $0x8000004E  }
0xba: {  	_ =	swait.ge [sflag:s29], $0x1  }
0xbb: {  	[sflag:s29] =	ssyncadd.s32 $0xFFFFFFFF  }
0xbc: {  	_ =	strace $0x9000004E  }
0xbd: {  	_ =	sfence  }
0xbe: {  	s30 =	sld [smem:$0x0];
	_ =	sdelay $0x2  }
0xbf: {  	s31 =	sshll.u32 s1, $0xD;
	s1 =	sshrl.u32 s1, $0x2  }
0xc0: {  	s3 =	sand.u32 $0x4000, s31;
	s1 =	sadd.s32 s1, s30  }
0xc1: {  	s0 =	sor.u32 s3, s0;
	s1 =	sshll.u32 s1, $0x11  }
0xc2: {  	s0 =	sor.u32 s1, s0  }
0xc3: {  	s0 =	sadd.s32 $0x8F2B, s0  }
0xc4: {  	[sflag:s0] =	ssyncadd.remote.s32 $0x1  }
0xc5: {  	_ =	sfence.sel $0xFFFF  }
0xc6: {  	[dreg:$0x0] =	wrdreg $0xFFFFFFFF;
	(pc) =	sbr.abs _section_cstart, $3  }
0xc7: {  	[dreg:$0x1] =	wrdreg $0xFFFFFFFF  }
0xc8: {  	_ =	task.clear_ibuf [dreg:s7], $0x2FFFF;
	_ =	strace $0x9FFFFFFF  }
0xc9: {  	(tm) =	ssettm $0x7FFFFFFF  }
tec
execute0_lowered:
.L_overlay_start_1:
0x0: {  	(tag) =	ssettag $0x1  }
0x1: {  	s7 =	rddreg [dreg:$0x0]  }
0x2: {  	s1 =	rddreg [dreg:$0x1]  }
0x3: {  	s2 =	rddreg [dreg:$0x2];
	s3 =	srdreg.scid  }
0x4: {  	s4 =	simm.s32 $0x0;
	s20 =	simm.s32 $0x80;
	s8 =	sand.u32 $0x1, s3  }
0x5: {  	s21 =	simm.s32 $0x200;
	s3 =	stileid.u32;
	s9 =	smul.u32 $0x13C000, s8  }
0x6: {  	s22 =	simm.s32 $0x180;
	s23 =	simm.s32 $0x4200;
	s10 =	smul.u32 $0x13C00, s3  }
0x7: {  	[smem:$0x7FF] =	sst s4;
	s5 =	sadd.s32 $0x34A00, s7;
	s11 =	smul.u32 $0x4F000, s8  }
0x8: {  	s6 =	sadd.s32 $0x20E00, s7;
	s14 =	sadd.s32 $0x3400, s7;
	s24 =	smul.u32 $0x4F00, s3  }
0x9: {  	_ =	strace $0x8000004D;
	s8 =	ssub.s32 $0x2, s8;
	s12 =	smul.u32 $0x4F000, s3  }
0xa: {  	s28 =	sshll.u32 s3, $0x6;
	s18 =	smul.u32 $0x9E0, s3;
	s25 =	sshrl.u32 s8, $0x1  }
0xb: {  	s9 =	sadd.s32 s10, s9;
	s15 =	ssub.s32 s8, s25;
	s16 =	sadd.s32 s24, s11  }
0xc: {  	s26 =	sshrl.u32 s12, $0x2;
	s30 =	sshrl.u32 s24, $0x3;
	s24 =	simm.s32 $0x1  }
0xd: {  	s25 =	simm.s32 $0x2;
	s9 =	sshrl.u32 s9, $0x3;
	s17 =	sadd.s32 s26, s2  }
0xe: {  	s29 =	sshrl.u32 s16, $0x3;
	s19 =	sadd.s32 $0x180, s16;
	s26 =	simm.s32 $0x0  }
0xf: {  	s13 =	sadd.s32 s9, s7;
	s7 =	sor.u32 $0x1C03, s28;
	s8 =	sadd.s32 s6, s29  }
0x10: {  	s9 =	sadd.s32 s14, s30;
	s14 =	sadd.s32 s18, s14;
	s31 =	sshrl.u32 s19, $0x3  }
0x11: {  	s17 =	sshrl.u32 s17, $0x3;
	s18 =	simm.s32 $0x3;
	s19 =	simm.s32 $0x100  }
0x12: {  	s10 =	sadd.s32 $0x10, s8;
	s11 =	sadd.s32 $0x10, s9;
	s12 =	sadd.s32 $0x103200, s13  }
0x13: {  	s13 =	smax.u32 s15, $0x1;
	s15 =	sadd.s32 $0x100, s16;
	s16 =	sadd.s32 s31, s6  }
.LBB2_1:
0x14: {  	[spmem:s17], [sflag:s7] =	dma.local [hbm:s1], $0x2780  }
0x15: {  	_ =	swait.ge [sflag:s18], $0x2780  }
0x16: {  	[sflag:s18] =	ssyncset.done $0x0  }
0x17: {  	[sflag:s18] =	ssyncadd.s32 $0xFFFFD880  }
0x18: {  	[bflag:$0x0] =	sbarrier.arrive $0xFFFF  }
0x19: {  	[tilespmem:s4], [sflag:$0x3] =	stream.linear.gather [hbm4b:s8+s4], $0x80, $0x38;
	[tilespmem:$0x1BE00] =	vst v63  }
0x1a: {  	_ =	swait.ge [sflag:s18], $0x80  }
0x1b: {  	[sflag:s18] =	ssyncset.done $0x0  }
0x1c: {  	[sflag:s18] =	ssyncadd.s32 $0xFFFFFF80  }
0x1d: {  	[tilespmem:s19], [sflag:$0x3] =	stream.linear.gather [hbm4b:s9+s4], $0x80, $0x38;
	[tilespmem:$0x1BE00] =	vst v63  }
0x1e: {  	_ =	swait.ge [sflag:s18], $0x80  }
0x1f: {  	[sflag:s18] =	ssyncset.done $0x0  }
0x20: {  	[sflag:s18] =	ssyncadd.s32 $0xFFFFFF80  }
0x21: {  	[tilespmem:s21], [sflag:$0x1] =	stream.indirect.gather [hbm4b:s5+s20], $0x80, s4, s20, $0xb8;
	[tilespmem:$0x1BE00] =	vst v63  }
0x22: {  	_ = 	snop  }
0x23: {  	[tilespmem:s20], [sflag:$0x3] =	stream.linear.gather [hbm4b:s10+s4], $0x80, $0x38;
	[tilespmem:$0x1BE00] =	vst v63  }
0x24: {  	_ =	swait.ge [sflag:s18], $0x80  }
0x25: {  	[sflag:s18] =	ssyncset.done $0x0  }
0x26: {  	[sflag:s18] =	ssyncadd.s32 $0xFFFFFF80  }
0x27: {  	[tilespmem:s22], [sflag:$0x3] =	stream.linear.gather [hbm4b:s11+s4], $0x80, $0x38;
	[tilespmem:$0x1BE00] =	vst v63  }
0x28: {  	_ =	swait.ge [sflag:s18], $0x80  }
0x29: {  	[sflag:s18] =	ssyncset.done $0x0  }
0x2a: {  	[sflag:s18] =	ssyncadd.s32 $0xFFFFFF80  }
0x2b: {  	[tilespmem:s23], [sflag:$0x2] =	stream.indirect.gather [hbm4b:s5+s20], $0x80, s20, s20, $0xb8;
	[tilespmem:$0x1BE00] =	vst v63  }
0x2c: {  	_ =	swait.ge [sflag:s24], $0x4000  }
0x2d: {  	[sflag:s24] =	ssyncset.done $0x0  }
0x2e: {  	[sflag:s24] =	ssyncadd.s32 $0xFFFFC000  }
0x2f: {  	[spmem:s2] =	stream.indirect.scatter.add.f32 [tilespmem:s21], [sflag:$0x3], $0x80, s19, s20, $0xb8;
	[tilespmem:$0x1BE00] =	vst v63  }
0x30: {  	_ =	swait.ge [sflag:s18], $0x4000  }
0x31: {  	s28 =	sshrl.u32 s15, $0x3;
	[sflag:s18] =	ssyncset.done $0x0  }
0x32: {  	s28 =	sadd.s32 s6, s28;
	[sflag:s18] =	ssyncadd.s32 $0xFFFFC000  }
0x33: {  	[tilespmem:s4], [sflag:$0x3] =	stream.linear.gather [hbm4b:s28+s4], $0x80, $0x38;
	[tilespmem:$0x1BE00] =	vst v63  }
0x34: {  	_ =	swait.ge [sflag:s18], $0x80  }
0x35: {  	s28 =	sadd.s32 $0x0, s14;
	[sflag:s18] =	ssyncset.done $0x0  }
0x36: {  	s29 =	sadd.s32 $0x20, s28;
	[sflag:s18] =	ssyncadd.s32 $0xFFFFFF80  }
0x37: {  	[tilespmem:s19], [sflag:$0x3] =	stream.linear.gather [hbm4b:s29+s4], $0x80, $0x38;
	[tilespmem:$0x1BE00] =	vst v63  }
0x38: {  	_ =	swait.ge [sflag:s18], $0x80  }
0x39: {  	[sflag:s18] =	ssyncset.done $0x0  }
0x3a: {  	[sflag:s18] =	ssyncadd.s32 $0xFFFFFF80  }
0x3b: {  	[tilespmem:s21], [sflag:$0x1] =	stream.indirect.gather [hbm4b:s5+s20], $0x80, s4, s20, $0xb8;
	[tilespmem:$0x1BE00] =	vst v63  }
0x3c: {  	_ =	swait.ge [sflag:s25], $0x4000  }
0x3d: {  	[sflag:s25] =	ssyncset.done $0x0  }
0x3e: {  	[sflag:s25] =	ssyncadd.s32 $0xFFFFC000  }
0x3f: {  	[spmem:s2] =	stream.indirect.scatter.add.f32 [tilespmem:s23], [sflag:$0x3], $0x80, s22, s20, $0xb8;
	[tilespmem:$0x1BE00] =	vst v63  }
0x40: {  	_ =	swait.ge [sflag:s18], $0x4000  }
0x41: {  	[sflag:s18] =	ssyncset.done $0x0  }
0x42: {  	s29 =	sadd.s32 $0x0, s16;
	[sflag:s18] =	ssyncadd.s32 $0xFFFFC000  }
0x43: {  	[tilespmem:s20], [sflag:$0x3] =	stream.linear.gather [hbm4b:s29+s4], $0x80, $0x38;
	[tilespmem:$0x1BE00] =	vst v63  }
0x44: {  	_ =	swait.ge [sflag:s18], $0x80  }
0x45: {  	[sflag:s18] =	ssyncset.done $0x0  }
0x46: {  	s28 =	sadd.s32 $0x30, s28;
	[sflag:s18] =	ssyncadd.s32 $0xFFFFFF80  }
0x47: {  	[tilespmem:s22], [sflag:$0x3] =	stream.linear.gather [hbm4b:s28+s4], $0x80, $0x38;
	[tilespmem:$0x1BE00] =	vst v63  }
0x48: {  	_ =	swait.ge [sflag:s18], $0x80  }
0x49: {  	[sflag:s18] =	ssyncset.done $0x0  }
0x4a: {  	s29 =	sadd.s32 $0x100, s15;
	s28 =	simm.s32 $0x20;
	[sflag:s18] =	ssyncadd.s32 $0xFFFFFF80  }
.LBB2_2:
0x4b: {  	[tilespmem:s23], [sflag:$0x2] =	stream.indirect.gather [hbm4b:s5+s20], $0x80, s20, s20, $0xb8;
	[tilespmem:$0x1BE00] =	vst v63  }
0x4c: {  	s30 =	smov.u32 s28  }
0x4d: {  	p0 =	sne.s32 s28, $0x9A0;
	s28 =	sadd.s32 $0x20, s28;
	_ =	swait.ge [sflag:s24], $0x4000  }
0x4e: {  	[sflag:s24] =	ssyncset.done $0x0  }
0x4f: {  	[sflag:s24] =	ssyncadd.s32 $0xFFFFC000  }
0x50: {  	[spmem:s2] =	stream.indirect.scatter.add.f32 [tilespmem:s21], [sflag:$0x3], $0x80, s19, s20, $0xb8;
	[tilespmem:$0x1BE00] =	vst v63  }
0x51: {  	_ =	swait.ge [sflag:s18], $0x4000  }
0x52: {  	s31 =	sshrl.u32 s29, $0x3;
	[sflag:s18] =	ssyncset.done $0x0  }
0x53: {  	s31 =	sadd.s32 s6, s31;
	[sflag:s18] =	ssyncadd.s32 $0xFFFFC000  }
0x54: {  	[tilespmem:s4], [sflag:$0x3] =	stream.linear.gather [hbm4b:s31+s4], $0x80, $0x38;
	[tilespmem:$0x1BE00] =	vst v63  }
0x55: {  	_ =	swait.ge [sflag:s18], $0x80  }
0x56: {  	s31 =	sadd.s32 s30, s14;
	[sflag:s18] =	ssyncset.done $0x0  }
0x57: {  	s0 =	sadd.s32 $0x20, s31;
	[sflag:s18] =	ssyncadd.s32 $0xFFFFFF80  }
0x58: {  	[tilespmem:s19], [sflag:$0x3] =	stream.linear.gather [hbm4b:s0+s4], $0x80, $0x38;
	[tilespmem:$0x1BE00] =	vst v63  }
0x59: {  	_ =	swait.ge [sflag:s18], $0x80  }
0x5a: {  	[sflag:s18] =	ssyncset.done $0x0  }
0x5b: {  	[sflag:s18] =	ssyncadd.s32 $0xFFFFFF80  }
0x5c: {  	[tilespmem:s21], [sflag:$0x1] =	stream.indirect.gather [hbm4b:s5+s20], $0x80, s4, s20, $0xb8;
	[tilespmem:$0x1BE00] =	vst v63  }
0x5d: {  	_ =	swait.ge [sflag:s25], $0x4000  }
0x5e: {  	[sflag:s25] =	ssyncset.done $0x0  }
0x5f: {  	[sflag:s25] =	ssyncadd.s32 $0xFFFFC000  }
0x60: {  	[spmem:s2] =	stream.indirect.scatter.add.f32 [tilespmem:s23], [sflag:$0x3], $0x80, s22, s20, $0xb8;
	[tilespmem:$0x1BE00] =	vst v63  }
0x61: {  	_ =	swait.ge [sflag:s18], $0x4000  }
0x62: {  	[sflag:s18] =	ssyncset.done $0x0  }
0x63: {  	s0 =	sadd.s32 s30, s16;
	[sflag:s18] =	ssyncadd.s32 $0xFFFFC000  }
0x64: {  	[tilespmem:s20], [sflag:$0x3] =	stream.linear.gather [hbm4b:s0+s4], $0x80, $0x38;
	[tilespmem:$0x1BE00] =	vst v63  }
0x65: {  	_ =	swait.ge [sflag:s18], $0x80  }
0x66: {  	[sflag:s18] =	ssyncset.done $0x0  }
.Ltmp0:
0x67: {  	s0 =	sadd.s32 $0x30, s31;
	[sflag:s18] =	ssyncadd.s32 $0xFFFFFF80;
	(pc) =	sbr.rel @p0 .LBB2_2-.Ltmp0, $4  }
0x68: {  	[tilespmem:s22], [sflag:$0x3] =	stream.linear.gather [hbm4b:s0+s4], $0x80, $0x38;
	[tilespmem:$0x1BE00] =	vst v63  }
0x69: {  	_ =	swait.ge [sflag:s18], $0x80  }
0x6a: {  	[sflag:s18] =	ssyncset.done $0x0  }
0x6b: {  	s29 =	sadd.s32 $0x100, s29;
	[sflag:s18] =	ssyncadd.s32 $0xFFFFFF80  }
0x6c: {  	[tilespmem:s23], [sflag:$0x2] =	stream.indirect.gather [hbm4b:s5+s20], $0x80, s20, s20, $0xb8;
	[tilespmem:$0x1BE00] =	vst v63  }
0x6d: {  	_ =	swait.ge [sflag:s24], $0x4000  }
0x6e: {  	[sflag:s24] =	ssyncset.done $0x0  }
0x6f: {  	[sflag:s24] =	ssyncadd.s32 $0xFFFFC000  }
0x70: {  	[spmem:s2] =	stream.indirect.scatter.add.f32 [tilespmem:s21], [sflag:$0x3], $0x80, s19, s20, $0xb8;
	[tilespmem:$0x1BE00] =	vst v63  }
0x71: {  	_ =	swait.ge [sflag:s18], $0x4000  }
0x72: {  	[sflag:s18] =	ssyncset.done $0x0  }
0x73: {  	[sflag:s18] =	ssyncadd.s32 $0xFFFFC000  }
0x74: {  	_ =	swait.ge [sflag:s25], $0x4000  }
0x75: {  	[sflag:s25] =	ssyncset.done $0x0  }
0x76: {  	[sflag:s25] =	ssyncadd.s32 $0xFFFFC000  }
0x77: {  	[spmem:s2] =	stream.indirect.scatter.add.f32 [tilespmem:s23], [sflag:$0x3], $0x80, s22, s20, $0xb8;
	[tilespmem:$0x1BE00] =	vst v63  }
0x78: {  	_ =	swait.ge [sflag:s18], $0x4000  }
0x79: {  	s26 =	sadd.s32 $0x1, s26;
	[sflag:s18] =	ssyncset.done $0x0  }
0x7a: {  	p0 =	sne.s32 s26, s13;
	[sflag:s18] =	ssyncadd.s32 $0xFFFFC000  }
.Ltmp1:
0x7b: {  	[bflag:$0x0] =	sbarrier.arrive $0xFFFF;
	(pc) =	sbr.rel @p0 .LBB2_1-.Ltmp1, $4  }
0x7c: {  	[hbm:s12], [sflag:s7] =	dma.local [spmem:s17], $0x2780  }
0x7d: {  	_ =	swait.ge [sflag:s18], $0x2780  }
0x7e: {  	[sflag:s18] =	ssyncset.done $0x0  }
0x7f: {  	[sflag:s18] =	ssyncadd.s32 $0xFFFFD880  }
0x80: {  	_ =	sfence.sel $0x180000  }
0x81: {  	[bflag:$0x0] =	sbarrier.arrive $0xFFFF  }
0x82: {  	_ =	strace $0x9000004D  }
0x83: {  	[bflag:$0x2] =	sbarrier.arrive $0xFFFF  }
0x84: {  	p0 =	sne.s32 s3, $0x0;
	s0 =	rddreg [dreg:$0x3]  }
0x85: {  	s0 =	sadd.s32 @!p0 $0x100000, s0  }
0x86: {  	[sflag:s0] =	ssyncadd.tile.s32 @!p0 $0x1;
	_ =	shalt  }
.Lfunc_end2:
_tile_overlayer_lowered:
.L_overlay_start_2:
0x87: {  	(tag) =	ssettag $0x2  }
0x88: {  	s0 =	rddreg [dreg:$0x0];
	s2 =	stileid.u32  }
0x89: {  	s1 =	rddreg [dreg:$0x1];
	p0 =	sne.s32 s2, $0x0  }
0x8a: {  	s3 =	rddreg [dreg:$0x2];
	[bflag:$0x3] =	sbarrier.arrive $0xFFFF;
	s2 =	simm.s32 @!p0 $0x1C03  }
0x8b: {  	[timem:s3], [sflag:s2] =	dma.local @!p0 [hbm:s0], s1  }
0x8c: {  	s0 =	simm.s32 @!p0 $0x3  }
0x8d: {  	_ =	swait.ge @!p0 [sflag:s0], s1  }
0x8e: {  	s1 =	ssub.s32 @!p0 $0x0, s1;
	[sflag:s0] =	ssyncset.done @!p0 $0x0  }
0x8f: {  	[sflag:s0] =	ssyncadd.s32 @!p0 s1  }
0x90: {  	[bflag:$0x3] =	sbarrier.arrive $0xFFFF  }
0x91: {  	_ =	shalt  }

// kernel: kernel.20.cloned.1.call-start
scs
__scs_entry_jumppad:
0x0: {  	(pc) =	sbr.rel $0x88, $3  }
0x1: {  	(tag) =	ssettag $0x0;
	lr =	simm.s32 $0x1  }
0x2: {  	[smem:$0x3F89] =	sst lr;
	_ =	strace $0xD0000000  }
0x3: {  	_ = 	snop  }
0x4: {  	_ = 	snop  }
0x5: {  	_ = 	snop  }
0x6: {  	_ = 	snop  }
0x7: {  	_ = 	snop  }
__scs_overlays_trampoline_lowered:
0x8: {  	[smem:$0x3F98] =	sst s0  }
0x9: {  	[smem:$0x3F99] =	sst s1  }
0xa: {  	[smem:$0x3F9A] =	sst s2  }
0xb: {  	[smem:$0x3F9B] =	sst s3  }
0xc: {  	[smem:$0x3F9C] =	sst s4  }
0xd: {  	[smem:$0x3F9D] =	sst s5  }
0xe: {  	[smem:$0x3F9E] =	sst s6  }
0xf: {  	[smem:$0x3F9F] =	sst s7  }
0x10: {  	[smem:$0x3FA0] =	sst s8  }
0x11: {  	[smem:$0x3FA1] =	sst s9;
	s0 =	simm.s32 @!p0 $0x0  }
0x12: {  	s1 =	sld [smem:$0x3F87];
	s0 =	simm.s32 @p0 $0x1  }
0x13: {  	[smem:$0x3FA2] =	sst s0;
	s0 =	simm.s32 @!p1 $0x0  }
0x14: {  	s2 =	sld [smem:$0x3F86];
	s0 =	simm.s32 @p1 $0x1  }
0x15: {  	[smem:$0x3FA3] =	sst s0;
	s0 =	simm.s32 @!p2 $0x0  }
0x16: {  	s3 =	sld [smem:$0x3FDB];
	s0 =	simm.s32 @p2 $0x1  }
0x17: {  	s4 =	simm.s32 $0x1BF5;
	[smem:$0x3FA5] =	sst s0  }
0x18: {  	s0 =	sld [smem:$0x3F88];
	_ =	swait.ge [sflag:s4], $0x0  }
0x19: {  	s7 =	sld [smem:$0x3F89]  }
0x1a: {  	s8 =	sadd.s32 $0xFFFFE003, lr  }
0x1b: {  	s9 =	sadd.s32 $0xFFFFFEF7, lr;
	s5 =	simm.s32 $0xFFFFFFFF;
	p2 =	slt.u32 s8, $0xFFFFF086  }
0x1c: {  	p1 =	slt.u32 s9, $0xF7A;
	s5 =	simm.s32 @!p2 $0x0  }
0x1d: {  	s5 =	simm.s32 @p1 $0x1;
	p0 =	seq.s32 s7, s2  }
0x1e: {  	s7 =	smul.u32 @!p0 $0xF7A, s2;
	p2 =	seq.s32 @!p0 s5, $0x0  }
0x1f: {  	s9 =	smul.u32 $0xF7A, s1;
	s8 =	simm.s32 @!p0 $0x1BF5;
	p2 =	por !p2, p0  }
0x20: {  	[sflag:s8] =	ssyncset.s32 @!p0 $0xFFFFF086;
	s6 =	sadd.s32 @!p0 s3, s7;
	s7 =	simm.s32 @!p0 $0x108  }
0x21: {  	s3 =	sadd.s32 s3, s9;
	s6 =	sadd.s32 @!p0 $0x88, s6;
	s7 =	simm.s32 @p2 $0x1082  }
0x22: {  	[simem:s7], [sflag:s8] =	dma.local @!p0 [hbm:s6], $0xF7A  }
0x23: {  	s9 =	sor.u32 $0xD0000000, s2;
	s6 =	simm.s32 $0x108;
	_ =	swait.ge @!p0 [sflag:s8], $0x0  }
0x24: {  	s3 =	sadd.s32 $0x88, s3;
	s6 =	simm.s32 @!p1 $0x1082;
	[sflag:s4] =	ssyncset.s32 $0xFFFFF086  }
0x25: {  	[simem:s6], [sflag:s4] =	dma.local [hbm:s3], $0xF7A  }
0x26: {  	[smem:$0x3F89] =	sst s1;
	(tag) =	ssettag s2;
	_ =	strace s9  }
0x27: {  	s1 =	sld [smem:$0x3F99]  }
0x28: {  	s2 =	sld [smem:$0x3F9A]  }
0x29: {  	s4 =	sld [smem:$0x3F9C]  }
0x2a: {  	p0 =	seq.s32 s5, $0x0;
	s5 =	sld [smem:$0x3F9D]  }
0x2b: {  	s6 =	sld [smem:$0x3F9E]  }
0x2c: {  	s7 =	sld [smem:$0x3F9F]  }
0x2d: {  	s3 =	simm.s32 $0x108;
	s8 =	sld [smem:$0x3FA0]  }
0x2e: {  	s3 =	simm.s32 @!p0 $0x1082;
	s9 =	sld [smem:$0x3FA1]  }
0x2f: {  	lr =	sadd.s32 s0, s3;
	s0 =	sld [smem:$0x3F98]  }
0x30: {  	s3 =	sld [smem:$0x3F9B]  }
0x31: {  	[smem:$0x3FA4] =	sst s10  }
0x32: {  	s10 =	sld [smem:$0x3FA2];
	_ =	sdelay $0x3  }
0x33: {  	p0 =	seq.s32 s10, $0x1;
	s10 =	sld [smem:$0x3FA4];
	_ =	sdelay $0x3  }
0x34: {  	[smem:$0x3FA4] =	sst s10  }
0x35: {  	s10 =	sld [smem:$0x3FA3];
	_ =	sdelay $0x3  }
0x36: {  	p1 =	seq.s32 s10, $0x1;
	s10 =	sld [smem:$0x3FA4];
	_ =	sdelay $0x3  }
0x37: {  	[smem:$0x3FA4] =	sst s10  }
0x38: {  	s10 =	sld [smem:$0x3FA5]  }
0x39: {  	_ = 	snop;
	(pc) =	sbr.ind lr, $3  }
0x3a: {  	_ = 	snop  }
0x3b: {  	_ = 	snop  }
0x3c: {  	p2 =	seq.s32 s10, $0x1;
	s10 =	sld [smem:$0x3FA4]  }
0x3d: {  	_ =	shalt  }
0x3e: {  	_ =	shalt  }
0x3f: {  	_ =	shalt  }
0x40: {  	_ =	shalt  }
0x41: {  	_ =	shalt  }
0x42: {  	_ =	shalt  }
0x43: {  	_ =	shalt  }
0x44: {  	_ =	shalt  }
0x45: {  	_ =	shalt  }
0x46: {  	_ =	shalt  }
0x47: {  	_ =	shalt  }
0x48: {  	_ =	shalt  }
0x49: {  	_ =	shalt  }
0x4a: {  	_ =	shalt  }
0x4b: {  	_ =	shalt  }
0x4c: {  	_ =	shalt  }
0x4d: {  	_ =	shalt  }
0x4e: {  	_ =	shalt  }
0x4f: {  	_ =	shalt  }
0x50: {  	_ =	shalt  }
0x51: {  	_ =	shalt  }
0x52: {  	_ =	shalt  }
0x53: {  	_ =	shalt  }
0x54: {  	_ =	shalt  }
0x55: {  	_ =	shalt  }
0x56: {  	_ =	shalt  }
0x57: {  	_ =	shalt  }
0x58: {  	_ =	shalt  }
0x59: {  	_ =	shalt  }
0x5a: {  	_ =	shalt  }
0x5b: {  	_ =	shalt  }
0x5c: {  	_ =	shalt  }
0x5d: {  	_ =	shalt  }
0x5e: {  	_ =	shalt  }
0x5f: {  	_ =	shalt  }
0x60: {  	_ =	shalt  }
0x61: {  	_ =	shalt  }
0x62: {  	_ =	shalt  }
0x63: {  	_ =	shalt  }
0x64: {  	_ =	shalt  }
0x65: {  	_ =	shalt  }
0x66: {  	_ =	shalt  }
0x67: {  	_ =	shalt  }
0x68: {  	_ =	shalt  }
0x69: {  	_ =	shalt  }
0x6a: {  	_ =	shalt  }
0x6b: {  	_ =	shalt  }
0x6c: {  	_ =	shalt  }
0x6d: {  	_ =	shalt  }
0x6e: {  	_ =	shalt  }
0x6f: {  	_ =	shalt  }
0x70: {  	_ =	shalt  }
0x71: {  	_ =	shalt  }
0x72: {  	_ =	shalt  }
0x73: {  	_ =	shalt  }
0x74: {  	_ =	shalt  }
0x75: {  	_ =	shalt  }
0x76: {  	_ =	shalt  }
0x77: {  	_ =	shalt  }
0x78: {  	_ =	shalt  }
0x79: {  	_ =	shalt  }
0x7a: {  	_ =	shalt  }
0x7b: {  	_ =	shalt  }
0x7c: {  	_ =	shalt  }
0x7d: {  	_ =	shalt  }
0x7e: {  	_ =	shalt  }
0x7f: {  	_ =	shalt  }
0x80: {  	_ =	shalt  }
0x81: {  	_ =	shalt  }
0x82: {  	_ =	shalt  }
0x83: {  	_ =	shalt  }
0x84: {  	_ =	shalt  }
0x85: {  	_ =	shalt  }
0x86: {  	_ =	shalt  }
0x87: {  	_ =	shalt  }
.Lfunc_end0:
.L_simem_size_0:
called_computation.3_lowered:
.L_overlay_start_0:
0x88: {  	s2 =	sld [smem:$0x3FD9]  }
0x89: {  	s3 =	sld [smem:$0x3FFE];
	_ =	sdelay $0x1  }
0x8a: {  	s1 =	srdreg.scid  }
0x8b: {  	s0 =	sand.u32 $0x1, s1  }
0x8c: {  	s16 =	sshll.u32 s0, $0xA;
	s2 =	sadd.s32 s3, s2  }
0x8d: {  	s2 =	sadd.s32 s2, s16  }
0x8e: {  	[smem:$0x3FB0] =	sst s2  }
0x8f: {  	_ = 	snop  }
0x90: {  	(tm) =	ssettm $0x1  }
0x91: {  	s17 =	sld [smem:$0x3FFB];
	_ =	sdelay $0x3  }
0x92: {  	_ =	strace s17  }
0x93: {  	s2 =	sld [smem:$0x3FFC];
	_ =	sdelay $0x3  }
0x94: {  	_ =	strace s2  }
0x95: {  	s2 =	sld [smem:$0x3FFD];
	_ =	sdelay $0x3  }
0x96: {  	_ =	strace s2  }
0x97: {  	_ =	strace $0x8FFFFFFF  }
0x98: {  	s18 =	sld [smem:$0x3FDB];
	_ =	sdelay $0x1  }
0x99: {  	s19 =	simm.s32 $_scs_section_size  }
0x9a: {  	s4 =	simm.s32 $_size__tile_overlayer_lowered;
	s5 =	simm.s32 $_tile_overlayer_lowered  }
0x9b: {  	s22 =	simm.s32 $0x1BFF;
	s21 =	sshll.u32 s5, $0x1;
	s2 =	sadd.s32 s19, s18  }
0x9c: {  	s6 =	simm.s32 $0x0;
	s20 =	sshll.u32 s4, $0x1;
	s4 =	sadd.s32 s21, s2  }
0x9d: {  	[timem:s6], [sflag:s22] =	dma.local [hbm:s4], s20  }
0x9e: {  	_ =	swait.ge [sflag:s22], s20  }
0x9f: {  	s3 =	ssub.s32 $0x0, s20;
	[sflag:s22] =	ssyncset.done $0x0  }
0xa0: {  	[sflag:s22] =	ssyncadd.s32 s3;
	_ =	sdelay $0x1  }
0xa1: {  	s23 =	simm.s32 $0x1B8B  }
0xa2: {  	_ =	swait.ge [sflag:s23], $0x1  }
0xa3: {  	[sflag:s23] =	ssyncset.done $0x0  }
0xa4: {  	s25 =	simm.s32 $0x1B8E;
	s24 =	sld [smem:$0x3FFE];
	[sflag:s23] =	ssyncadd.s32 $0xFFFFFFFF  }
0xa5: {  	s26 =	simm.s32 $execute0_lowered;
	[smem:$0x3FD2] =	sst s25  }
0xa6: {  	s4 =	sshll.u32 s26, $0x1;
	_ =	strace $0x8000004F;
	[dreg:$0x1] =	wrdreg $0xFFFFFFFF  }
0xa7: {  	s28 =	simm.s32 $_size_execute0_lowered;
	s2 =	sadd.s32 s2, s4;
	[dreg:$0x0] =	wrdreg $0x0  }
0xa8: {  	s4 =	sshll.u32 s28, $0x1;
	[dreg:$0x2] =	wrdreg s2  }
0xa9: {  	[dreg:$0x3] =	wrdreg s4  }
0xaa: {  	[dreg:$0x4] =	wrdreg $0xC0  }
0xab: {  	_ =	task [dreg:s6], $0x5FFFF  }
0xac: {  	[dreg:$0x1] =	wrdreg $0xFFFFFFFF  }
0xad: {  	[dreg:$0x0] =	wrdreg $0x60  }
0xae: {  	[dreg:$0x2] =	wrdreg s24  }
0xaf: {  	[dreg:$0x3] =	wrdreg $0x9  }
0xb0: {  	_ =	task.clear_ibuf [dreg:s6], $0x4FFFF;
	_ =	strace $0x9000004F  }
0xb1: {  	s29 =	simm.s32 $0x9;
	_ =	strace $0x80000051  }
0xb2: {  	_ =	swait.ge [sflag:s29], $0x1  }
0xb3: {  	[sflag:s29] =	ssyncadd.s32 $0xFFFFFFFF  }
0xb4: {  	_ =	strace $0x90000051  }
0xb5: {  	_ =	sfence  }
0xb6: {  	s30 =	sld [smem:$0x0];
	_ =	sdelay $0x2  }
0xb7: {  	s31 =	sshll.u32 s1, $0xD;
	s1 =	sshrl.u32 s1, $0x2  }
0xb8: {  	s3 =	sand.u32 $0x4000, s31;
	s1 =	sadd.s32 s1, s30  }
0xb9: {  	s0 =	sor.u32 s3, s0;
	s1 =	sshll.u32 s1, $0x11  }
0xba: {  	s0 =	sor.u32 s1, s0  }
0xbb: {  	s0 =	sadd.s32 $0x8F2B, s0  }
0xbc: {  	[sflag:s0] =	ssyncadd.remote.s32 $0x1  }
0xbd: {  	_ =	sfence.sel $0xFFFF  }
0xbe: {  	[dreg:$0x0] =	wrdreg $0xFFFFFFFF;
	(pc) =	sbr.abs _section_cstart, $3  }
0xbf: {  	[dreg:$0x1] =	wrdreg $0xFFFFFFFF  }
0xc0: {  	_ =	task.clear_ibuf [dreg:s6], $0x2FFFF;
	_ =	strace $0x9FFFFFFF  }
0xc1: {  	(tm) =	ssettm $0x7FFFFFFF  }
tec
execute0_lowered:
.L_overlay_start_1:
0x0: {  	(tag) =	ssettag $0x1  }
0x1: {  	s0 =	rddreg [dreg:$0x0]  }
0x2: {  	s2 =	simm.s32 $0x0;
	s1 =	srdreg.scid;
	s14 =	stileid.u32  }
0x3: {  	s18 =	simm.s32 $0x5;
	s20 =	simm.s32 $0x80;
	s21 =	simm.s32 $0x200  }
0x4: {  	s23 =	simm.s32 $0x180;
	s28 =	simm.s32 $0x3;
	s29 =	simm.s32 $0x2  }
0x5: {  	s30 =	simm.s32 $0x4;
	s31 =	simm.s32 $0x0;
	[smem:$0x7FF] =	sst s2  }
0x6: {  	s1 =	sand.u32 $0x1, s1;
	s8 =	smul.u32 $0x1900, s14;
	s4 =	sadd.s32 $0x19A00, s0  }
0x7: {  	s5 =	sadd.s32 $0xD200, s0;
	s6 =	sadd.s32 $0x40C00, s0;
	s14 =	smul.u32 $0xC8000, s14  }
0x8: {  	_ =	strace $0x80000050;
	s3 =	smul.u32 $0x32000, s1;
	s7 =	ssub.s32 $0x2, s1  }
0x9: {  	s24 =	sshrl.u32 s7, $0x1;
	s15 =	sadd.s32 $0x100, s8;
	s16 =	sadd.s32 $0x180, s8  }
0xa: {  	s9 =	sadd.s32 s8, s3;
	s0 =	ssub.s32 s7, s24;
	s7 =	sadd.s32 $0x19000, s3  }
0xb: {  	s24 =	simm.s32 $0x4200;
	s9 =	sshrl.u32 s9, $0x3;
	s10 =	sadd.s32 s8, s7  }
0xc: {  	s17 =	smax.u32 s0, $0x1;
	s9 =	sadd.s32 s5, s9;
	s11 =	sshrl.u32 s10, $0x3  }
.Ltmp0:
0xd: {  	[dreg:$0x2] =	wrdreg s9;
	s9 =	sor.u32 $0x80, s8;
	(pc) =	sbr.rel .LBB2_1-.Ltmp0, $4  }
0xe: {  	s10 =	smul.u32 $0xC80000, s1;
	s11 =	sadd.s32 s5, s11;
	s12 =	sadd.s32 s3, s9  }
0xf: {  	s13 =	sadd.s32 s9, s7;
	[dreg:$0x3] =	wrdreg s11;
	s25 =	sshrl.u32 s12, $0x3  }
0x10: {  	s14 =	sadd.s32 s14, s10;
	s26 =	sshrl.u32 s13, $0x3;
	s12 =	sadd.s32 s5, s25  }
0x11: {  	s13 =	sadd.s32 s5, s26;
	s25 =	simm.s32 $0xC200;
	s26 =	simm.s32 $0x1  }
.LBB2_8:
0x12: {  	s31 =	sadd.s32 $0x1, s31  }
0x13: {  	p0 =	sne.s32 s31, s17  }
.Ltmp1:
0x14: {  	_ = 	snop;
	(pc) =	sbr.rel @!p0 .LBB2_9-.Ltmp1, $1  }
0x15: {  	_ =	sdelay $0x3  }
.LBB2_1:
0x16: {  	s0 =	rddreg [dreg:$0x2]  }
0x17: {  	[tilespmem:s2], [sflag:$0x5] =	stream.linear.gather [hbm4b:s0+s2], $0x80, $0x38;
	[tilespmem:$0x10200] =	vst v63  }
0x18: {  	_ =	swait.ge [sflag:s18], $0x80  }
0x19: {  	[sflag:s18] =	ssyncset.done $0x0  }
0x1a: {  	s1 =	simm.s32 $0x100;
	s19 =	rddreg [dreg:$0x3];
	[sflag:s18] =	ssyncadd.s32 $0xFFFFFF80  }
0x1b: {  	[tilespmem:s1], [sflag:$0x5] =	stream.linear.gather [hbm4b:s19+s2], $0x80, $0x38;
	[tilespmem:$0x10200] =	vst v63  }
0x1c: {  	_ =	swait.ge [sflag:s18], $0x80  }
0x1d: {  	[sflag:s18] =	ssyncset.done $0x0  }
0x1e: {  	[sflag:s18] =	ssyncadd.s32 $0xFFFFFF80  }
0x1f: {  	[tilespmem:s21], [sflag:$0x1] =	stream.indirect.gather [hbm4b:s4+s20], $0x80, s2, s20, $0xb8;
	[tilespmem:$0x10200] =	vst v63  }
0x20: {  	s22 =	simm.s32 $0x8200  }
0x21: {  	[tilespmem:s22], [sflag:$0x3] =	stream.indirect.gather [hbm4b:s4+s20], $0x80, s1, s20, $0xb8;
	[tilespmem:$0x10200] =	vst v63  }
0x22: {  	_ = 	snop  }
0x23: {  	[tilespmem:s20], [sflag:$0x5] =	stream.linear.gather [hbm4b:s12+s2], $0x80, $0x38;
	[tilespmem:$0x10200] =	vst v63  }
0x24: {  	_ =	swait.ge [sflag:s18], $0x80  }
0x25: {  	[sflag:s18] =	ssyncset.done $0x0  }
0x26: {  	[sflag:s18] =	ssyncadd.s32 $0xFFFFFF80  }
0x27: {  	[tilespmem:s23], [sflag:$0x5] =	stream.linear.gather [hbm4b:s13+s2], $0x80, $0x38;
	[tilespmem:$0x10200] =	vst v63  }
0x28: {  	_ =	swait.ge [sflag:s18], $0x80  }
0x29: {  	[sflag:s18] =	ssyncset.done $0x0  }
0x2a: {  	[sflag:s18] =	ssyncadd.s32 $0xFFFFFF80  }
0x2b: {  	[tilespmem:s24], [sflag:$0x2] =	stream.indirect.gather [hbm4b:s4+s20], $0x80, s20, s20, $0xb8;
	[tilespmem:$0x10200] =	vst v63  }
0x2c: {  	s0 =	simm.s32 $0x0  }
0x2d: {  	[tilespmem:s25], [sflag:$0x4] =	stream.indirect.gather [hbm4b:s4+s20], $0x80, s23, s20, $0xb8;
	[tilespmem:$0x10200] =	vst v63  }
.LBB2_2:
0x2e: {  	_ =	swait.ge [sflag:s26], $0x4000  }
0x2f: {  	[sflag:s26] =	ssyncset.done $0x0  }
0x30: {  	[sflag:s26] =	ssyncadd.s32 $0xFFFFC000  }
0x31: {  	_ =	swait.ge [sflag:s28], $0x4000  }
0x32: {  	[sflag:s28] =	ssyncset.done $0x0  }
0x33: {  	s1 =	simm.s32 $0x300;
	[sflag:s28] =	ssyncadd.s32 $0xFFFFC000  }
0x34: {  	s22 =	simm.s32 $0x8300;
	v0 =	vld [tilespmem:s1+$0xFFFFFF00]  }
0x35: {  	v1 =	vld [tilespmem:s22+$0xFFFFFF00];
	_ =	sdelay $0x4  }
0x36: {  	v0 =	vmul.f32 v1, v0;
	_ =	sdelay $0x1  }
0x37: {  	[tilespmem:s1+$0xFFFFFF00] =	vst v0;
	v0 =	vld [tilespmem:s1+$0xFFFFFF10]  }
0x38: {  	v1 =	vld [tilespmem:s22+$0xFFFFFF10];
	_ =	sdelay $0x4  }
0x39: {  	v0 =	vmul.f32 v1, v0;
	_ =	sdelay $0x1  }
0x3a: {  	[tilespmem:s1+$0xFFFFFF10] =	vst v0;
	v0 =	vld [tilespmem:s1+$0xFFFFFF20]  }
0x3b: {  	v1 =	vld [tilespmem:s22+$0xFFFFFF20];
	_ =	sdelay $0x4  }
0x3c: {  	v0 =	vmul.f32 v1, v0;
	_ =	sdelay $0x1  }
0x3d: {  	[tilespmem:s1+$0xFFFFFF20] =	vst v0;
	v0 =	vld [tilespmem:s1+$0xFFFFFF30]  }
0x3e: {  	v1 =	vld [tilespmem:s22+$0xFFFFFF30];
	_ =	sdelay $0x4  }
0x3f: {  	v0 =	vmul.f32 v1, v0;
	_ =	sdelay $0x1  }
0x40: {  	[tilespmem:s1+$0xFFFFFF30] =	vst v0;
	v0 =	vld [tilespmem:s1+$0xFFFFFF40]  }
0x41: {  	v1 =	vld [tilespmem:s22+$0xFFFFFF40];
	_ =	sdelay $0x4  }
0x42: {  	v0 =	vmul.f32 v1, v0;
	_ =	sdelay $0x1  }
0x43: {  	[tilespmem:s1+$0xFFFFFF40] =	vst v0;
	v0 =	vld [tilespmem:s1+$0xFFFFFF50]  }
0x44: {  	v1 =	vld [tilespmem:s22+$0xFFFFFF50];
	_ =	sdelay $0x4  }
0x45: {  	v0 =	vmul.f32 v1, v0;
	_ =	sdelay $0x1  }
0x46: {  	[tilespmem:s1+$0xFFFFFF50] =	vst v0;
	v0 =	vld [tilespmem:s1+$0xFFFFFF60]  }
0x47: {  	v1 =	vld [tilespmem:s22+$0xFFFFFF60];
	_ =	sdelay $0x4  }
0x48: {  	v0 =	vmul.f32 v1, v0;
	_ =	sdelay $0x1  }
0x49: {  	[tilespmem:s1+$0xFFFFFF60] =	vst v0;
	v0 =	vld [tilespmem:s1+$0xFFFFFF70]  }
0x4a: {  	v1 =	vld [tilespmem:s22+$0xFFFFFF70];
	_ =	sdelay $0x4  }
0x4b: {  	v0 =	vmul.f32 v1, v0;
	_ =	sdelay $0x1  }
0x4c: {  	[tilespmem:s1+$0xFFFFFF70] =	vst v0;
	v0 =	vld [tilespmem:s1+$0xFFFFFF80]  }
0x4d: {  	v1 =	vld [tilespmem:s22+$0xFFFFFF80];
	_ =	sdelay $0x4  }
0x4e: {  	v0 =	vmul.f32 v1, v0;
	_ =	sdelay $0x1  }
0x4f: {  	[tilespmem:s1+$0xFFFFFF80] =	vst v0;
	v0 =	vld [tilespmem:s1+$0xFFFFFF90]  }
0x50: {  	v1 =	vld [tilespmem:s22+$0xFFFFFF90];
	_ =	sdelay $0x4  }
0x51: {  	v0 =	vmul.f32 v1, v0;
	_ =	sdelay $0x1  }
0x52: {  	[tilespmem:s1+$0xFFFFFF90] =	vst v0;
	v0 =	vld [tilespmem:s1+$0xFFFFFFA0]  }
0x53: {  	v1 =	vld [tilespmem:s22+$0xFFFFFFA0];
	_ =	sdelay $0x4  }
0x54: {  	v0 =	vmul.f32 v1, v0;
	_ =	sdelay $0x1  }
0x55: {  	[tilespmem:s1+$0xFFFFFFA0] =	vst v0;
	v0 =	vld [tilespmem:s1+$0xFFFFFFB0]  }
0x56: {  	v1 =	vld [tilespmem:s22+$0xFFFFFFB0];
	_ =	sdelay $0x4  }
0x57: {  	v0 =	vmul.f32 v1, v0;
	_ =	sdelay $0x1  }
0x58: {  	[tilespmem:s1+$0xFFFFFFB0] =	vst v0;
	v0 =	vld [tilespmem:s1+$0xFFFFFFC0]  }
0x59: {  	v1 =	vld [tilespmem:s22+$0xFFFFFFC0];
	_ =	sdelay $0x4  }
0x5a: {  	v0 =	vmul.f32 v1, v0;
	_ =	sdelay $0x1  }
0x5b: {  	[tilespmem:s1+$0xFFFFFFC0] =	vst v0;
	v0 =	vld [tilespmem:s1+$0xFFFFFFD0]  }
0x5c: {  	v1 =	vld [tilespmem:s22+$0xFFFFFFD0];
	_ =	sdelay $0x4  }
0x5d: {  	v0 =	vmul.f32 v1, v0;
	_ =	sdelay $0x1  }
0x5e: {  	[tilespmem:s1+$0xFFFFFFD0] =	vst v0;
	v0 =	vld [tilespmem:s1+$0xFFFFFFE0]  }
0x5f: {  	v1 =	vld [tilespmem:s22+$0xFFFFFFE0];
	_ =	sdelay $0x4  }
0x60: {  	v0 =	vmul.f32 v1, v0;
	_ =	sdelay $0x1  }
0x61: {  	[tilespmem:s1+$0xFFFFFFE0] =	vst v0;
	v0 =	vld [tilespmem:s1+$0xFFFFFFF0]  }
0x62: {  	v1 =	vld [tilespmem:s22+$0xFFFFFFF0];
	_ =	sdelay $0x4  }
0x63: {  	v0 =	vmul.f32 v1, v0;
	_ =	sdelay $0x1  }
0x64: {  	[tilespmem:s1+$0xFFFFFFF0] =	vst v0;
	v0 =	vld [tilespmem:s1+$0x0]  }
0x65: {  	v1 =	vld [tilespmem:s22+$0x0];
	_ =	sdelay $0x4  }
0x66: {  	v0 =	vmul.f32 v1, v0;
	_ =	sdelay $0x1  }
0x67: {  	[tilespmem:s1+$0x0] =	vst v0;
	v0 =	vld [tilespmem:s1+$0x10]  }
0x68: {  	v1 =	vld [tilespmem:s22+$0x10];
	_ =	sdelay $0x4  }
0x69: {  	v0 =	vmul.f32 v1, v0;
	_ =	sdelay $0x1  }
0x6a: {  	[tilespmem:s1+$0x10] =	vst v0;
	v0 =	vld [tilespmem:s1+$0x20]  }
0x6b: {  	v1 =	vld [tilespmem:s22+$0x20];
	_ =	sdelay $0x4  }
0x6c: {  	v0 =	vmul.f32 v1, v0;
	_ =	sdelay $0x1  }
0x6d: {  	[tilespmem:s1+$0x20] =	vst v0;
	v0 =	vld [tilespmem:s1+$0x30]  }
0x6e: {  	v1 =	vld [tilespmem:s22+$0x30];
	_ =	sdelay $0x4  }
0x6f: {  	v0 =	vmul.f32 v1, v0;
	_ =	sdelay $0x1  }
0x70: {  	[tilespmem:s1+$0x30] =	vst v0;
	v0 =	vld [tilespmem:s1+$0x40]  }
0x71: {  	v1 =	vld [tilespmem:s22+$0x40];
	_ =	sdelay $0x4  }
0x72: {  	v0 =	vmul.f32 v1, v0;
	_ =	sdelay $0x1  }
0x73: {  	[tilespmem:s1+$0x40] =	vst v0;
	v0 =	vld [tilespmem:s1+$0x50]  }
0x74: {  	v1 =	vld [tilespmem:s22+$0x50];
	_ =	sdelay $0x4  }
0x75: {  	v0 =	vmul.f32 v1, v0;
	_ =	sdelay $0x1  }
0x76: {  	[tilespmem:s1+$0x50] =	vst v0;
	v0 =	vld [tilespmem:s1+$0x60]  }
0x77: {  	v1 =	vld [tilespmem:s22+$0x60];
	_ =	sdelay $0x4  }
0x78: {  	v0 =	vmul.f32 v1, v0;
	_ =	sdelay $0x1  }
0x79: {  	[tilespmem:s1+$0x60] =	vst v0;
	v0 =	vld [tilespmem:s1+$0x70]  }
0x7a: {  	v1 =	vld [tilespmem:s22+$0x70];
	_ =	sdelay $0x4  }
0x7b: {  	v0 =	vmul.f32 v1, v0;
	_ =	sdelay $0x1  }
0x7c: {  	[tilespmem:s1+$0x70] =	vst v0;
	v0 =	vld [tilespmem:s1+$0x80]  }
0x7d: {  	v1 =	vld [tilespmem:s22+$0x80];
	_ =	sdelay $0x4  }
0x7e: {  	v0 =	vmul.f32 v1, v0;
	_ =	sdelay $0x1  }
0x7f: {  	[tilespmem:s1+$0x80] =	vst v0;
	v0 =	vld [tilespmem:s1+$0x90]  }
0x80: {  	v1 =	vld [tilespmem:s22+$0x90];
	_ =	sdelay $0x4  }
0x81: {  	v0 =	vmul.f32 v1, v0;
	_ =	sdelay $0x1  }
0x82: {  	[tilespmem:s1+$0x90] =	vst v0;
	v0 =	vld [tilespmem:s1+$0xA0]  }
0x83: {  	v1 =	vld [tilespmem:s22+$0xA0];
	_ =	sdelay $0x4  }
0x84: {  	v0 =	vmul.f32 v1, v0;
	_ =	sdelay $0x1  }
0x85: {  	[tilespmem:s1+$0xA0] =	vst v0;
	v0 =	vld [tilespmem:s1+$0xB0]  }
0x86: {  	v1 =	vld [tilespmem:s22+$0xB0];
	_ =	sdelay $0x4  }
0x87: {  	v0 =	vmul.f32 v1, v0;
	_ =	sdelay $0x1  }
0x88: {  	[tilespmem:s1+$0xB0] =	vst v0;
	v0 =	vld [tilespmem:s1+$0xC0]  }
0x89: {  	v1 =	vld [tilespmem:s22+$0xC0];
	_ =	sdelay $0x4  }
0x8a: {  	v0 =	vmul.f32 v1, v0;
	_ =	sdelay $0x1  }
0x8b: {  	[tilespmem:s1+$0xC0] =	vst v0;
	v0 =	vld [tilespmem:s1+$0xD0]  }
0x8c: {  	v1 =	vld [tilespmem:s22+$0xD0];
	_ =	sdelay $0x4  }
0x8d: {  	v0 =	vmul.f32 v1, v0;
	_ =	sdelay $0x1  }
0x8e: {  	[tilespmem:s1+$0xD0] =	vst v0;
	v0 =	vld [tilespmem:s1+$0xE0]  }
0x8f: {  	v1 =	vld [tilespmem:s22+$0xE0];
	_ =	sdelay $0x4  }
0x90: {  	v0 =	vmul.f32 v1, v0;
	_ =	sdelay $0x1  }
0x91: {  	[tilespmem:s1+$0xE0] =	vst v0;
	v0 =	vld [tilespmem:s1+$0xF0]  }
0x92: {  	v1 =	vld [tilespmem:s22+$0xF0];
	_ =	sdelay $0x4  }
0x93: {  	v0 =	vmul.f32 v1, v0  }
0x94: {  	s19 =	simm.s32 $0x0;
	s8 =	simm.s32 $0x500  }
.LBB2_3:
0x95: {  	v1 =	vld [tilespmem:s8+$0xFFFFFF00];
	[tilespmem:s1+$0xF0] =	vst v0;
	s22 =	sadd.s32 $0x200, s22;
	s1 =	smov.u32 s8  }
0x96: {  	s19 =	sadd.s32 $0x4, s19;
	v0 =	vld [tilespmem:s22+$0xFFFFFF00]  }
0x97: {  	p0 =	slt.u32 s19, $0x7C;
	_ =	sdelay $0x3  }
0x98: {  	v0 =	vmul.f32 v0, v1;
	_ =	sdelay $0x1  }
0x99: {  	[tilespmem:s8+$0xFFFFFF00] =	vst v0;
	v0 =	vld [tilespmem:s8+$0xFFFFFF10]  }
0x9a: {  	v1 =	vld [tilespmem:s22+$0xFFFFFF10];
	_ =	sdelay $0x4  }
0x9b: {  	v0 =	vmul.f32 v1, v0;
	_ =	sdelay $0x1  }
0x9c: {  	[tilespmem:s8+$0xFFFFFF10] =	vst v0;
	v0 =	vld [tilespmem:s8+$0xFFFFFF20]  }
0x9d: {  	v1 =	vld [tilespmem:s22+$0xFFFFFF20];
	_ =	sdelay $0x4  }
0x9e: {  	v0 =	vmul.f32 v1, v0;
	_ =	sdelay $0x1  }
0x9f: {  	[tilespmem:s8+$0xFFFFFF20] =	vst v0;
	v0 =	vld [tilespmem:s8+$0xFFFFFF30]  }
0xa0: {  	v1 =	vld [tilespmem:s22+$0xFFFFFF30];
	_ =	sdelay $0x4  }
0xa1: {  	v0 =	vmul.f32 v1, v0;
	_ =	sdelay $0x1  }
0xa2: {  	[tilespmem:s8+$0xFFFFFF30] =	vst v0;
	v0 =	vld [tilespmem:s8+$0xFFFFFF40]  }
0xa3: {  	v1 =	vld [tilespmem:s22+$0xFFFFFF40];
	_ =	sdelay $0x4  }
0xa4: {  	v0 =	vmul.f32 v1, v0;
	_ =	sdelay $0x1  }
0xa5: {  	[tilespmem:s8+$0xFFFFFF40] =	vst v0;
	v0 =	vld [tilespmem:s8+$0xFFFFFF50]  }
0xa6: {  	v1 =	vld [tilespmem:s22+$0xFFFFFF50];
	_ =	sdelay $0x4  }
0xa7: {  	v0 =	vmul.f32 v1, v0;
	_ =	sdelay $0x1  }
0xa8: {  	[tilespmem:s8+$0xFFFFFF50] =	vst v0;
	v0 =	vld [tilespmem:s8+$0xFFFFFF60]  }
0xa9: {  	v1 =	vld [tilespmem:s22+$0xFFFFFF60];
	_ =	sdelay $0x4  }
0xaa: {  	v0 =	vmul.f32 v1, v0;
	_ =	sdelay $0x1  }
0xab: {  	[tilespmem:s8+$0xFFFFFF60] =	vst v0;
	v0 =	vld [tilespmem:s8+$0xFFFFFF70]  }
0xac: {  	v1 =	vld [tilespmem:s22+$0xFFFFFF70];
	_ =	sdelay $0x4  }
0xad: {  	v0 =	vmul.f32 v1, v0;
	_ =	sdelay $0x1  }
0xae: {  	[tilespmem:s8+$0xFFFFFF70] =	vst v0;
	v0 =	vld [tilespmem:s8+$0xFFFFFF80]  }
0xaf: {  	v1 =	vld [tilespmem:s22+$0xFFFFFF80];
	_ =	sdelay $0x4  }
0xb0: {  	v0 =	vmul.f32 v1, v0;
	_ =	sdelay $0x1  }
0xb1: {  	[tilespmem:s8+$0xFFFFFF80] =	vst v0;
	v0 =	vld [tilespmem:s8+$0xFFFFFF90]  }
0xb2: {  	v1 =	vld [tilespmem:s22+$0xFFFFFF90];
	_ =	sdelay $0x4  }
0xb3: {  	v0 =	vmul.f32 v1, v0;
	_ =	sdelay $0x1  }
0xb4: {  	[tilespmem:s8+$0xFFFFFF90] =	vst v0;
	v0 =	vld [tilespmem:s8+$0xFFFFFFA0]  }
0xb5: {  	v1 =	vld [tilespmem:s22+$0xFFFFFFA0];
	_ =	sdelay $0x4  }
0xb6: {  	v0 =	vmul.f32 v1, v0;
	_ =	sdelay $0x1  }
0xb7: {  	[tilespmem:s8+$0xFFFFFFA0] =	vst v0;
	v0 =	vld [tilespmem:s8+$0xFFFFFFB0]  }
0xb8: {  	v1 =	vld [tilespmem:s22+$0xFFFFFFB0];
	_ =	sdelay $0x4  }
0xb9: {  	v0 =	vmul.f32 v1, v0;
	_ =	sdelay $0x1  }
0xba: {  	[tilespmem:s8+$0xFFFFFFB0] =	vst v0;
	v0 =	vld [tilespmem:s8+$0xFFFFFFC0]  }
0xbb: {  	v1 =	vld [tilespmem:s22+$0xFFFFFFC0];
	_ =	sdelay $0x4  }
0xbc: {  	v0 =	vmul.f32 v1, v0;
	_ =	sdelay $0x1  }
0xbd: {  	[tilespmem:s8+$0xFFFFFFC0] =	vst v0;
	v0 =	vld [tilespmem:s8+$0xFFFFFFD0]  }
0xbe: {  	v1 =	vld [tilespmem:s22+$0xFFFFFFD0];
	_ =	sdelay $0x4  }
0xbf: {  	v0 =	vmul.f32 v1, v0;
	_ =	sdelay $0x1  }
0xc0: {  	[tilespmem:s8+$0xFFFFFFD0] =	vst v0;
	v0 =	vld [tilespmem:s8+$0xFFFFFFE0]  }
0xc1: {  	v1 =	vld [tilespmem:s22+$0xFFFFFFE0];
	_ =	sdelay $0x4  }
0xc2: {  	v0 =	vmul.f32 v1, v0;
	_ =	sdelay $0x1  }
0xc3: {  	[tilespmem:s8+$0xFFFFFFE0] =	vst v0;
	v0 =	vld [tilespmem:s8+$0xFFFFFFF0]  }
0xc4: {  	v1 =	vld [tilespmem:s22+$0xFFFFFFF0];
	_ =	sdelay $0x4  }
0xc5: {  	v0 =	vmul.f32 v1, v0;
	_ =	sdelay $0x1  }
0xc6: {  	[tilespmem:s8+$0xFFFFFFF0] =	vst v0;
	v0 =	vld [tilespmem:s8+$0x0]  }
0xc7: {  	v1 =	vld [tilespmem:s22+$0x0];
	_ =	sdelay $0x4  }
0xc8: {  	v0 =	vmul.f32 v1, v0;
	_ =	sdelay $0x1  }
0xc9: {  	[tilespmem:s8+$0x0] =	vst v0;
	v0 =	vld [tilespmem:s8+$0x10]  }
0xca: {  	v1 =	vld [tilespmem:s22+$0x10];
	_ =	sdelay $0x4  }
0xcb: {  	v0 =	vmul.f32 v1, v0;
	_ =	sdelay $0x1  }
0xcc: {  	[tilespmem:s8+$0x10] =	vst v0;
	v0 =	vld [tilespmem:s8+$0x20]  }
0xcd: {  	v1 =	vld [tilespmem:s22+$0x20];
	_ =	sdelay $0x4  }
0xce: {  	v0 =	vmul.f32 v1, v0;
	_ =	sdelay $0x1  }
0xcf: {  	[tilespmem:s8+$0x20] =	vst v0;
	v0 =	vld [tilespmem:s8+$0x30]  }
0xd0: {  	v1 =	vld [tilespmem:s22+$0x30];
	_ =	sdelay $0x4  }
0xd1: {  	v0 =	vmul.f32 v1, v0;
	_ =	sdelay $0x1  }
0xd2: {  	[tilespmem:s8+$0x30] =	vst v0;
	v0 =	vld [tilespmem:s8+$0x40]  }
0xd3: {  	v1 =	vld [tilespmem:s22+$0x40];
	_ =	sdelay $0x4  }
0xd4: {  	v0 =	vmul.f32 v1, v0;
	_ =	sdelay $0x1  }
0xd5: {  	[tilespmem:s8+$0x40] =	vst v0;
	v0 =	vld [tilespmem:s8+$0x50]  }
0xd6: {  	v1 =	vld [tilespmem:s22+$0x50];
	_ =	sdelay $0x4  }
0xd7: {  	v0 =	vmul.f32 v1, v0;
	_ =	sdelay $0x1  }
0xd8: {  	[tilespmem:s8+$0x50] =	vst v0;
	v0 =	vld [tilespmem:s8+$0x60]  }
0xd9: {  	v1 =	vld [tilespmem:s22+$0x60];
	_ =	sdelay $0x4  }
0xda: {  	v0 =	vmul.f32 v1, v0;
	_ =	sdelay $0x1  }
0xdb: {  	[tilespmem:s8+$0x60] =	vst v0;
	v0 =	vld [tilespmem:s8+$0x70]  }
0xdc: {  	v1 =	vld [tilespmem:s22+$0x70];
	_ =	sdelay $0x4  }
0xdd: {  	v0 =	vmul.f32 v1, v0;
	_ =	sdelay $0x1  }
0xde: {  	[tilespmem:s8+$0x70] =	vst v0;
	v0 =	vld [tilespmem:s8+$0x80]  }
0xdf: {  	v1 =	vld [tilespmem:s22+$0x80];
	_ =	sdelay $0x4  }
0xe0: {  	v0 =	vmul.f32 v1, v0;
	_ =	sdelay $0x1  }
0xe1: {  	[tilespmem:s8+$0x80] =	vst v0;
	v0 =	vld [tilespmem:s8+$0x90]  }
0xe2: {  	v1 =	vld [tilespmem:s22+$0x90];
	_ =	sdelay $0x4  }
0xe3: {  	v0 =	vmul.f32 v1, v0;
	_ =	sdelay $0x1  }
0xe4: {  	[tilespmem:s8+$0x90] =	vst v0;
	v0 =	vld [tilespmem:s8+$0xA0]  }
0xe5: {  	v1 =	vld [tilespmem:s22+$0xA0];
	_ =	sdelay $0x4  }
0xe6: {  	v0 =	vmul.f32 v1, v0;
	_ =	sdelay $0x1  }
0xe7: {  	[tilespmem:s8+$0xA0] =	vst v0;
	v0 =	vld [tilespmem:s8+$0xB0]  }
0xe8: {  	v1 =	vld [tilespmem:s22+$0xB0];
	_ =	sdelay $0x4  }
0xe9: {  	v0 =	vmul.f32 v1, v0;
	_ =	sdelay $0x1  }
0xea: {  	[tilespmem:s8+$0xB0] =	vst v0;
	v0 =	vld [tilespmem:s8+$0xC0]  }
0xeb: {  	v1 =	vld [tilespmem:s22+$0xC0];
	_ =	sdelay $0x4  }
0xec: {  	v0 =	vmul.f32 v1, v0;
	_ =	sdelay $0x1  }
0xed: {  	[tilespmem:s8+$0xC0] =	vst v0;
	v0 =	vld [tilespmem:s8+$0xD0]  }
0xee: {  	v1 =	vld [tilespmem:s22+$0xD0];
	_ =	sdelay $0x4  }
0xef: {  	v0 =	vmul.f32 v1, v0;
	_ =	sdelay $0x1  }
0xf0: {  	[tilespmem:s8+$0xD0] =	vst v0;
	v0 =	vld [tilespmem:s8+$0xE0]  }
0xf1: {  	v1 =	vld [tilespmem:s22+$0xE0];
	_ =	sdelay $0x4  }
0xf2: {  	v0 =	vmul.f32 v1, v0;
	_ =	sdelay $0x1  }
0xf3: {  	[tilespmem:s8+$0xE0] =	vst v0;
	v0 =	vld [tilespmem:s8+$0xF0]  }
0xf4: {  	v1 =	vld [tilespmem:s22+$0xF0];
	_ =	sdelay $0x1  }
.Ltmp2:
0xf5: {  	(pc) =	sbr.rel @p0 .LBB2_3-.Ltmp2, $3  }
0xf6: {  	_ =	sdelay $0x1  }
0xf7: {  	v0 =	vmul.f32 v1, v0  }
0xf8: {  	s8 =	sadd.s32 $0x200, s8  }
0xf9: {  	s8 =	sshll.u32 s0, $0xF  }
0xfa: {  	s8 =	sadd.s32 s8, s14  }
0xfb: {  	[tilespmem:s1+$0xF0] =	vst v0;
	s1 =	sshll.u32 s0, $0x8;
	p0 =	seq.s32 s0, $0x18;
	s8 =	sshrl.u32 s8, $0x3  }
0xfc: {  	s22 =	sadd.s32 s6, s8;
	s8 =	sadd.s32 @!p0 s1, s15  }
0xfd: {  	[hbm4b:s22+s2] =	stream.linear.scatter [tilespmem:s21], [sflag:$0x5], $0x4000, $0x38;
	[tilespmem:$0x10200] =	vst v63  }
0xfe: {  	s11 =	sadd.s32 @!p0 s3, s8;
	_ =	swait.ge [sflag:s18], $0x4000  }
0xff: {  	s11 =	sshrl.u32 @!p0 s11, $0x3;
	[sflag:s18] =	ssyncset.done $0x0  }
0x100: {  	s19 =	simm.s32 @!p0 $0x0;
	s11 =	sadd.s32 @!p0 s5, s11;
	[sflag:s18] =	ssyncadd.s32 $0xFFFFC000  }
0x101: {  	[tilespmem:s19], [sflag:$0x5] =	stream.linear.gather @!p0 [hbm4b:s11+s19], $0x80, $0x38;
	[tilespmem:$0x10200] =	vst v63  }
0x102: {  	s11 =	simm.s32 @!p0 $0x5  }
0x103: {  	s8 =	sadd.s32 @!p0 s7, s8;
	_ =	swait.ge @!p0 [sflag:s11], $0x80  }
0x104: {  	s8 =	sshrl.u32 @!p0 s8, $0x3;
	[sflag:s11] =	ssyncset.done @!p0 $0x0  }
0x105: {  	s22 =	simm.s32 @!p0 $0x100;
	s8 =	sadd.s32 @!p0 s5, s8;
	[sflag:s11] =	ssyncadd.s32 @!p0 $0xFFFFFF80  }
0x106: {  	[tilespmem:s22], [sflag:$0x5] =	stream.linear.gather @!p0 [hbm4b:s8+s19], $0x80, $0x38;
	[tilespmem:$0x10200] =	vst v63  }
0x107: {  	_ =	swait.ge @!p0 [sflag:s11], $0x80  }
0x108: {  	[sflag:s11] =	ssyncset.done @!p0 $0x0  }
0x109: {  	s8 =	simm.s32 @!p0 $0x80;
	[sflag:s11] =	ssyncadd.s32 @!p0 $0xFFFFFF80;
	s11 =	simm.s32 @!p0 $0x200  }
0x10a: {  	[tilespmem:s11], [sflag:$0x1] =	stream.indirect.gather @!p0 [hbm4b:s4+s8], $0x80, s19, s8, $0xb8;
	[tilespmem:$0x10200] =	vst v63  }
0x10b: {  	s11 =	simm.s32 @!p0 $0x8200  }
0x10c: {  	[tilespmem:s11], [sflag:$0x3] =	stream.indirect.gather @!p0 [hbm4b:s4+s8], $0x80, s22, s8, $0xb8;
	[tilespmem:$0x10200] =	vst v63  }
0x10d: {  	_ =	swait.ge [sflag:s29], $0x4000  }
0x10e: {  	[sflag:s29] =	ssyncset.done $0x0  }
0x10f: {  	[sflag:s29] =	ssyncadd.s32 $0xFFFFC000  }
0x110: {  	_ =	swait.ge [sflag:s30], $0x4000  }
0x111: {  	[sflag:s30] =	ssyncset.done $0x0  }
0x112: {  	s22 =	simm.s32 $0x4300;
	[sflag:s30] =	ssyncadd.s32 $0xFFFFC000  }
0x113: {  	s19 =	simm.s32 $0xC300;
	v0 =	vld [tilespmem:s22+$0xFFFFFF00]  }
0x114: {  	v1 =	vld [tilespmem:s19+$0xFFFFFF00];
	_ =	sdelay $0x4  }
0x115: {  	v0 =	vmul.f32 v1, v0;
	_ =	sdelay $0x1  }
0x116: {  	[tilespmem:s22+$0xFFFFFF00] =	vst v0;
	v0 =	vld [tilespmem:s22+$0xFFFFFF10]  }
0x117: {  	v1 =	vld [tilespmem:s19+$0xFFFFFF10];
	_ =	sdelay $0x4  }
0x118: {  	v0 =	vmul.f32 v1, v0;
	_ =	sdelay $0x1  }
0x119: {  	[tilespmem:s22+$0xFFFFFF10] =	vst v0;
	v0 =	vld [tilespmem:s22+$0xFFFFFF20]  }
0x11a: {  	v1 =	vld [tilespmem:s19+$0xFFFFFF20];
	_ =	sdelay $0x4  }
0x11b: {  	v0 =	vmul.f32 v1, v0;
	_ =	sdelay $0x1  }
0x11c: {  	[tilespmem:s22+$0xFFFFFF20] =	vst v0;
	v0 =	vld [tilespmem:s22+$0xFFFFFF30]  }
0x11d: {  	v1 =	vld [tilespmem:s19+$0xFFFFFF30];
	_ =	sdelay $0x4  }
0x11e: {  	v0 =	vmul.f32 v1, v0;
	_ =	sdelay $0x1  }
0x11f: {  	[tilespmem:s22+$0xFFFFFF30] =	vst v0;
	v0 =	vld [tilespmem:s22+$0xFFFFFF40]  }
0x120: {  	v1 =	vld [tilespmem:s19+$0xFFFFFF40];
	_ =	sdelay $0x4  }
0x121: {  	v0 =	vmul.f32 v1, v0;
	_ =	sdelay $0x1  }
0x122: {  	[tilespmem:s22+$0xFFFFFF40] =	vst v0;
	v0 =	vld [tilespmem:s22+$0xFFFFFF50]  }
0x123: {  	v1 =	vld [tilespmem:s19+$0xFFFFFF50];
	_ =	sdelay $0x4  }
0x124: {  	v0 =	vmul.f32 v1, v0;
	_ =	sdelay $0x1  }
0x125: {  	[tilespmem:s22+$0xFFFFFF50] =	vst v0;
	v0 =	vld [tilespmem:s22+$0xFFFFFF60]  }
0x126: {  	v1 =	vld [tilespmem:s19+$0xFFFFFF60];
	_ =	sdelay $0x4  }
0x127: {  	v0 =	vmul.f32 v1, v0;
	_ =	sdelay $0x1  }
0x128: {  	[tilespmem:s22+$0xFFFFFF60] =	vst v0;
	v0 =	vld [tilespmem:s22+$0xFFFFFF70]  }
0x129: {  	v1 =	vld [tilespmem:s19+$0xFFFFFF70];
	_ =	sdelay $0x4  }
0x12a: {  	v0 =	vmul.f32 v1, v0;
	_ =	sdelay $0x1  }
0x12b: {  	[tilespmem:s22+$0xFFFFFF70] =	vst v0;
	v0 =	vld [tilespmem:s22+$0xFFFFFF80]  }
0x12c: {  	v1 =	vld [tilespmem:s19+$0xFFFFFF80];
	_ =	sdelay $0x4  }
0x12d: {  	v0 =	vmul.f32 v1, v0;
	_ =	sdelay $0x1  }
0x12e: {  	[tilespmem:s22+$0xFFFFFF80] =	vst v0;
	v0 =	vld [tilespmem:s22+$0xFFFFFF90]  }
0x12f: {  	v1 =	vld [tilespmem:s19+$0xFFFFFF90];
	_ =	sdelay $0x4  }
0x130: {  	v0 =	vmul.f32 v1, v0;
	_ =	sdelay $0x1  }
0x131: {  	[tilespmem:s22+$0xFFFFFF90] =	vst v0;
	v0 =	vld [tilespmem:s22+$0xFFFFFFA0]  }
0x132: {  	v1 =	vld [tilespmem:s19+$0xFFFFFFA0];
	_ =	sdelay $0x4  }
0x133: {  	v0 =	vmul.f32 v1, v0;
	_ =	sdelay $0x1  }
0x134: {  	[tilespmem:s22+$0xFFFFFFA0] =	vst v0;
	v0 =	vld [tilespmem:s22+$0xFFFFFFB0]  }
0x135: {  	v1 =	vld [tilespmem:s19+$0xFFFFFFB0];
	_ =	sdelay $0x4  }
0x136: {  	v0 =	vmul.f32 v1, v0;
	_ =	sdelay $0x1  }
0x137: {  	[tilespmem:s22+$0xFFFFFFB0] =	vst v0;
	v0 =	vld [tilespmem:s22+$0xFFFFFFC0]  }
0x138: {  	v1 =	vld [tilespmem:s19+$0xFFFFFFC0];
	_ =	sdelay $0x4  }
0x139: {  	v0 =	vmul.f32 v1, v0;
	_ =	sdelay $0x1  }
0x13a: {  	[tilespmem:s22+$0xFFFFFFC0] =	vst v0;
	v0 =	vld [tilespmem:s22+$0xFFFFFFD0]  }
0x13b: {  	v1 =	vld [tilespmem:s19+$0xFFFFFFD0];
	_ =	sdelay $0x4  }
0x13c: {  	v0 =	vmul.f32 v1, v0;
	_ =	sdelay $0x1  }
0x13d: {  	[tilespmem:s22+$0xFFFFFFD0] =	vst v0;
	v0 =	vld [tilespmem:s22+$0xFFFFFFE0]  }
0x13e: {  	v1 =	vld [tilespmem:s19+$0xFFFFFFE0];
	_ =	sdelay $0x4  }
0x13f: {  	v0 =	vmul.f32 v1, v0;
	_ =	sdelay $0x1  }
0x140: {  	[tilespmem:s22+$0xFFFFFFE0] =	vst v0;
	v0 =	vld [tilespmem:s22+$0xFFFFFFF0]  }
0x141: {  	v1 =	vld [tilespmem:s19+$0xFFFFFFF0];
	_ =	sdelay $0x4  }
0x142: {  	v0 =	vmul.f32 v1, v0;
	_ =	sdelay $0x1  }
0x143: {  	[tilespmem:s22+$0xFFFFFFF0] =	vst v0;
	v0 =	vld [tilespmem:s22+$0x0]  }
0x144: {  	v1 =	vld [tilespmem:s19+$0x0];
	_ =	sdelay $0x4  }
0x145: {  	v0 =	vmul.f32 v1, v0;
	_ =	sdelay $0x1  }
0x146: {  	[tilespmem:s22+$0x0] =	vst v0;
	v0 =	vld [tilespmem:s22+$0x10]  }
0x147: {  	v1 =	vld [tilespmem:s19+$0x10];
	_ =	sdelay $0x4  }
0x148: {  	v0 =	vmul.f32 v1, v0;
	_ =	sdelay $0x1  }
0x149: {  	[tilespmem:s22+$0x10] =	vst v0;
	v0 =	vld [tilespmem:s22+$0x20]  }
0x14a: {  	v1 =	vld [tilespmem:s19+$0x20];
	_ =	sdelay $0x4  }
0x14b: {  	v0 =	vmul.f32 v1, v0;
	_ =	sdelay $0x1  }
0x14c: {  	[tilespmem:s22+$0x20] =	vst v0;
	v0 =	vld [tilespmem:s22+$0x30]  }
0x14d: {  	v1 =	vld [tilespmem:s19+$0x30];
	_ =	sdelay $0x4  }
0x14e: {  	v0 =	vmul.f32 v1, v0;
	_ =	sdelay $0x1  }
0x14f: {  	[tilespmem:s22+$0x30] =	vst v0;
	v0 =	vld [tilespmem:s22+$0x40]  }
0x150: {  	v1 =	vld [tilespmem:s19+$0x40];
	_ =	sdelay $0x4  }
0x151: {  	v0 =	vmul.f32 v1, v0;
	_ =	sdelay $0x1  }
0x152: {  	[tilespmem:s22+$0x40] =	vst v0;
	v0 =	vld [tilespmem:s22+$0x50]  }
0x153: {  	v1 =	vld [tilespmem:s19+$0x50];
	_ =	sdelay $0x4  }
0x154: {  	v0 =	vmul.f32 v1, v0;
	_ =	sdelay $0x1  }
0x155: {  	[tilespmem:s22+$0x50] =	vst v0;
	v0 =	vld [tilespmem:s22+$0x60]  }
0x156: {  	v1 =	vld [tilespmem:s19+$0x60];
	_ =	sdelay $0x4  }
0x157: {  	v0 =	vmul.f32 v1, v0;
	_ =	sdelay $0x1  }
0x158: {  	[tilespmem:s22+$0x60] =	vst v0;
	v0 =	vld [tilespmem:s22+$0x70]  }
0x159: {  	v1 =	vld [tilespmem:s19+$0x70];
	_ =	sdelay $0x4  }
0x15a: {  	v0 =	vmul.f32 v1, v0;
	_ =	sdelay $0x1  }
0x15b: {  	[tilespmem:s22+$0x70] =	vst v0;
	v0 =	vld [tilespmem:s22+$0x80]  }
0x15c: {  	v1 =	vld [tilespmem:s19+$0x80];
	_ =	sdelay $0x4  }
0x15d: {  	v0 =	vmul.f32 v1, v0;
	_ =	sdelay $0x1  }
0x15e: {  	[tilespmem:s22+$0x80] =	vst v0;
	v0 =	vld [tilespmem:s22+$0x90]  }
0x15f: {  	v1 =	vld [tilespmem:s19+$0x90];
	_ =	sdelay $0x4  }
0x160: {  	v0 =	vmul.f32 v1, v0;
	_ =	sdelay $0x1  }
0x161: {  	[tilespmem:s22+$0x90] =	vst v0;
	v0 =	vld [tilespmem:s22+$0xA0]  }
0x162: {  	v1 =	vld [tilespmem:s19+$0xA0];
	_ =	sdelay $0x4  }
0x163: {  	v0 =	vmul.f32 v1, v0;
	_ =	sdelay $0x1  }
0x164: {  	[tilespmem:s22+$0xA0] =	vst v0;
	v0 =	vld [tilespmem:s22+$0xB0]  }
0x165: {  	v1 =	vld [tilespmem:s19+$0xB0];
	_ =	sdelay $0x4  }
0x166: {  	v0 =	vmul.f32 v1, v0;
	_ =	sdelay $0x1  }
0x167: {  	[tilespmem:s22+$0xB0] =	vst v0;
	v0 =	vld [tilespmem:s22+$0xC0]  }
0x168: {  	v1 =	vld [tilespmem:s19+$0xC0];
	_ =	sdelay $0x4  }
0x169: {  	v0 =	vmul.f32 v1, v0;
	_ =	sdelay $0x1  }
0x16a: {  	[tilespmem:s22+$0xC0] =	vst v0;
	v0 =	vld [tilespmem:s22+$0xD0]  }
0x16b: {  	v1 =	vld [tilespmem:s19+$0xD0];
	_ =	sdelay $0x4  }
0x16c: {  	v0 =	vmul.f32 v1, v0;
	_ =	sdelay $0x1  }
0x16d: {  	[tilespmem:s22+$0xD0] =	vst v0;
	v0 =	vld [tilespmem:s22+$0xE0]  }
0x16e: {  	v1 =	vld [tilespmem:s19+$0xE0];
	_ =	sdelay $0x4  }
0x16f: {  	v0 =	vmul.f32 v1, v0;
	_ =	sdelay $0x1  }
0x170: {  	[tilespmem:s22+$0xE0] =	vst v0;
	v0 =	vld [tilespmem:s22+$0xF0]  }
0x171: {  	v1 =	vld [tilespmem:s19+$0xF0];
	_ =	sdelay $0x4  }
0x172: {  	v0 =	vmul.f32 v1, v0  }
0x173: {  	s8 =	simm.s32 $0x0;
	s11 =	simm.s32 $0x4500  }
.LBB2_5:
0x174: {  	v1 =	vld [tilespmem:s11+$0xFFFFFF00];
	[tilespmem:s22+$0xF0] =	vst v0;
	s19 =	sadd.s32 $0x200, s19;
	s22 =	smov.u32 s11  }
0x175: {  	s8 =	sadd.s32 $0x4, s8;
	v0 =	vld [tilespmem:s19+$0xFFFFFF00]  }
0x176: {  	p1 =	slt.u32 s8, $0x7C;
	_ =	sdelay $0x3  }
0x177: {  	v0 =	vmul.f32 v0, v1;
	_ =	sdelay $0x1  }
0x178: {  	[tilespmem:s11+$0xFFFFFF00] =	vst v0;
	v0 =	vld [tilespmem:s11+$0xFFFFFF10]  }
0x179: {  	v1 =	vld [tilespmem:s19+$0xFFFFFF10];
	_ =	sdelay $0x4  }
0x17a: {  	v0 =	vmul.f32 v1, v0;
	_ =	sdelay $0x1  }
0x17b: {  	[tilespmem:s11+$0xFFFFFF10] =	vst v0;
	v0 =	vld [tilespmem:s11+$0xFFFFFF20]  }
0x17c: {  	v1 =	vld [tilespmem:s19+$0xFFFFFF20];
	_ =	sdelay $0x4  }
0x17d: {  	v0 =	vmul.f32 v1, v0;
	_ =	sdelay $0x1  }
0x17e: {  	[tilespmem:s11+$0xFFFFFF20] =	vst v0;
	v0 =	vld [tilespmem:s11+$0xFFFFFF30]  }
0x17f: {  	v1 =	vld [tilespmem:s19+$0xFFFFFF30];
	_ =	sdelay $0x4  }
0x180: {  	v0 =	vmul.f32 v1, v0;
	_ =	sdelay $0x1  }
0x181: {  	[tilespmem:s11+$0xFFFFFF30] =	vst v0;
	v0 =	vld [tilespmem:s11+$0xFFFFFF40]  }
0x182: {  	v1 =	vld [tilespmem:s19+$0xFFFFFF40];
	_ =	sdelay $0x4  }
0x183: {  	v0 =	vmul.f32 v1, v0;
	_ =	sdelay $0x1  }
0x184: {  	[tilespmem:s11+$0xFFFFFF40] =	vst v0;
	v0 =	vld [tilespmem:s11+$0xFFFFFF50]  }
0x185: {  	v1 =	vld [tilespmem:s19+$0xFFFFFF50];
	_ =	sdelay $0x4  }
0x186: {  	v0 =	vmul.f32 v1, v0;
	_ =	sdelay $0x1  }
0x187: {  	[tilespmem:s11+$0xFFFFFF50] =	vst v0;
	v0 =	vld [tilespmem:s11+$0xFFFFFF60]  }
0x188: {  	v1 =	vld [tilespmem:s19+$0xFFFFFF60];
	_ =	sdelay $0x4  }
0x189: {  	v0 =	vmul.f32 v1, v0;
	_ =	sdelay $0x1  }
0x18a: {  	[tilespmem:s11+$0xFFFFFF60] =	vst v0;
	v0 =	vld [tilespmem:s11+$0xFFFFFF70]  }
0x18b: {  	v1 =	vld [tilespmem:s19+$0xFFFFFF70];
	_ =	sdelay $0x4  }
0x18c: {  	v0 =	vmul.f32 v1, v0;
	_ =	sdelay $0x1  }
0x18d: {  	[tilespmem:s11+$0xFFFFFF70] =	vst v0;
	v0 =	vld [tilespmem:s11+$0xFFFFFF80]  }
0x18e: {  	v1 =	vld [tilespmem:s19+$0xFFFFFF80];
	_ =	sdelay $0x4  }
0x18f: {  	v0 =	vmul.f32 v1, v0;
	_ =	sdelay $0x1  }
0x190: {  	[tilespmem:s11+$0xFFFFFF80] =	vst v0;
	v0 =	vld [tilespmem:s11+$0xFFFFFF90]  }
0x191: {  	v1 =	vld [tilespmem:s19+$0xFFFFFF90];
	_ =	sdelay $0x4  }
0x192: {  	v0 =	vmul.f32 v1, v0;
	_ =	sdelay $0x1  }
0x193: {  	[tilespmem:s11+$0xFFFFFF90] =	vst v0;
	v0 =	vld [tilespmem:s11+$0xFFFFFFA0]  }
0x194: {  	v1 =	vld [tilespmem:s19+$0xFFFFFFA0];
	_ =	sdelay $0x4  }
0x195: {  	v0 =	vmul.f32 v1, v0;
	_ =	sdelay $0x1  }
0x196: {  	[tilespmem:s11+$0xFFFFFFA0] =	vst v0;
	v0 =	vld [tilespmem:s11+$0xFFFFFFB0]  }
0x197: {  	v1 =	vld [tilespmem:s19+$0xFFFFFFB0];
	_ =	sdelay $0x4  }
0x198: {  	v0 =	vmul.f32 v1, v0;
	_ =	sdelay $0x1  }
0x199: {  	[tilespmem:s11+$0xFFFFFFB0] =	vst v0;
	v0 =	vld [tilespmem:s11+$0xFFFFFFC0]  }
0x19a: {  	v1 =	vld [tilespmem:s19+$0xFFFFFFC0];
	_ =	sdelay $0x4  }
0x19b: {  	v0 =	vmul.f32 v1, v0;
	_ =	sdelay $0x1  }
0x19c: {  	[tilespmem:s11+$0xFFFFFFC0] =	vst v0;
	v0 =	vld [tilespmem:s11+$0xFFFFFFD0]  }
0x19d: {  	v1 =	vld [tilespmem:s19+$0xFFFFFFD0];
	_ =	sdelay $0x4  }
0x19e: {  	v0 =	vmul.f32 v1, v0;
	_ =	sdelay $0x1  }
0x19f: {  	[tilespmem:s11+$0xFFFFFFD0] =	vst v0;
	v0 =	vld [tilespmem:s11+$0xFFFFFFE0]  }
0x1a0: {  	v1 =	vld [tilespmem:s19+$0xFFFFFFE0];
	_ =	sdelay $0x4  }
0x1a1: {  	v0 =	vmul.f32 v1, v0;
	_ =	sdelay $0x1  }
0x1a2: {  	[tilespmem:s11+$0xFFFFFFE0] =	vst v0;
	v0 =	vld [tilespmem:s11+$0xFFFFFFF0]  }
0x1a3: {  	v1 =	vld [tilespmem:s19+$0xFFFFFFF0];
	_ =	sdelay $0x4  }
0x1a4: {  	v0 =	vmul.f32 v1, v0;
	_ =	sdelay $0x1  }
0x1a5: {  	[tilespmem:s11+$0xFFFFFFF0] =	vst v0;
	v0 =	vld [tilespmem:s11+$0x0]  }
0x1a6: {  	v1 =	vld [tilespmem:s19+$0x0];
	_ =	sdelay $0x4  }
0x1a7: {  	v0 =	vmul.f32 v1, v0;
	_ =	sdelay $0x1  }
0x1a8: {  	[tilespmem:s11+$0x0] =	vst v0;
	v0 =	vld [tilespmem:s11+$0x10]  }
0x1a9: {  	v1 =	vld [tilespmem:s19+$0x10];
	_ =	sdelay $0x4  }
0x1aa: {  	v0 =	vmul.f32 v1, v0;
	_ =	sdelay $0x1  }
0x1ab: {  	[tilespmem:s11+$0x10] =	vst v0;
	v0 =	vld [tilespmem:s11+$0x20]  }
0x1ac: {  	v1 =	vld [tilespmem:s19+$0x20];
	_ =	sdelay $0x4  }
0x1ad: {  	v0 =	vmul.f32 v1, v0;
	_ =	sdelay $0x1  }
0x1ae: {  	[tilespmem:s11+$0x20] =	vst v0;
	v0 =	vld [tilespmem:s11+$0x30]  }
0x1af: {  	v1 =	vld [tilespmem:s19+$0x30];
	_ =	sdelay $0x4  }
0x1b0: {  	v0 =	vmul.f32 v1, v0;
	_ =	sdelay $0x1  }
0x1b1: {  	[tilespmem:s11+$0x30] =	vst v0;
	v0 =	vld [tilespmem:s11+$0x40]  }
0x1b2: {  	v1 =	vld [tilespmem:s19+$0x40];
	_ =	sdelay $0x4  }
0x1b3: {  	v0 =	vmul.f32 v1, v0;
	_ =	sdelay $0x1  }
0x1b4: {  	[tilespmem:s11+$0x40] =	vst v0;
	v0 =	vld [tilespmem:s11+$0x50]  }
0x1b5: {  	v1 =	vld [tilespmem:s19+$0x50];
	_ =	sdelay $0x4  }
0x1b6: {  	v0 =	vmul.f32 v1, v0;
	_ =	sdelay $0x1  }
0x1b7: {  	[tilespmem:s11+$0x50] =	vst v0;
	v0 =	vld [tilespmem:s11+$0x60]  }
0x1b8: {  	v1 =	vld [tilespmem:s19+$0x60];
	_ =	sdelay $0x4  }
0x1b9: {  	v0 =	vmul.f32 v1, v0;
	_ =	sdelay $0x1  }
0x1ba: {  	[tilespmem:s11+$0x60] =	vst v0;
	v0 =	vld [tilespmem:s11+$0x70]  }
0x1bb: {  	v1 =	vld [tilespmem:s19+$0x70];
	_ =	sdelay $0x4  }
0x1bc: {  	v0 =	vmul.f32 v1, v0;
	_ =	sdelay $0x1  }
0x1bd: {  	[tilespmem:s11+$0x70] =	vst v0;
	v0 =	vld [tilespmem:s11+$0x80]  }
0x1be: {  	v1 =	vld [tilespmem:s19+$0x80];
	_ =	sdelay $0x4  }
0x1bf: {  	v0 =	vmul.f32 v1, v0;
	_ =	sdelay $0x1  }
0x1c0: {  	[tilespmem:s11+$0x80] =	vst v0;
	v0 =	vld [tilespmem:s11+$0x90]  }
0x1c1: {  	v1 =	vld [tilespmem:s19+$0x90];
	_ =	sdelay $0x4  }
0x1c2: {  	v0 =	vmul.f32 v1, v0;
	_ =	sdelay $0x1  }
0x1c3: {  	[tilespmem:s11+$0x90] =	vst v0;
	v0 =	vld [tilespmem:s11+$0xA0]  }
0x1c4: {  	v1 =	vld [tilespmem:s19+$0xA0];
	_ =	sdelay $0x4  }
0x1c5: {  	v0 =	vmul.f32 v1, v0;
	_ =	sdelay $0x1  }
0x1c6: {  	[tilespmem:s11+$0xA0] =	vst v0;
	v0 =	vld [tilespmem:s11+$0xB0]  }
0x1c7: {  	v1 =	vld [tilespmem:s19+$0xB0];
	_ =	sdelay $0x4  }
0x1c8: {  	v0 =	vmul.f32 v1, v0;
	_ =	sdelay $0x1  }
0x1c9: {  	[tilespmem:s11+$0xB0] =	vst v0;
	v0 =	vld [tilespmem:s11+$0xC0]  }
0x1ca: {  	v1 =	vld [tilespmem:s19+$0xC0];
	_ =	sdelay $0x4  }
0x1cb: {  	v0 =	vmul.f32 v1, v0;
	_ =	sdelay $0x1  }
0x1cc: {  	[tilespmem:s11+$0xC0] =	vst v0;
	v0 =	vld [tilespmem:s11+$0xD0]  }
0x1cd: {  	v1 =	vld [tilespmem:s19+$0xD0];
	_ =	sdelay $0x4  }
0x1ce: {  	v0 =	vmul.f32 v1, v0;
	_ =	sdelay $0x1  }
0x1cf: {  	[tilespmem:s11+$0xD0] =	vst v0;
	v0 =	vld [tilespmem:s11+$0xE0]  }
0x1d0: {  	v1 =	vld [tilespmem:s19+$0xE0];
	_ =	sdelay $0x4  }
0x1d1: {  	v0 =	vmul.f32 v1, v0;
	_ =	sdelay $0x1  }
0x1d2: {  	[tilespmem:s11+$0xE0] =	vst v0;
	v0 =	vld [tilespmem:s11+$0xF0]  }
0x1d3: {  	v1 =	vld [tilespmem:s19+$0xF0];
	_ =	sdelay $0x1  }
.Ltmp3:
0x1d4: {  	(pc) =	sbr.rel @p1 .LBB2_5-.Ltmp3, $3  }
0x1d5: {  	_ =	sdelay $0x1  }
0x1d6: {  	v0 =	vmul.f32 v1, v0  }
0x1d7: {  	s11 =	sadd.s32 $0x200, s11  }
0x1d8: {  	s8 =	sadd.s32 s1, s9  }
0x1d9: {  	s8 =	sshll.u32 s8, $0x7  }
0x1da: {  	s8 =	sadd.s32 s10, s8  }
0x1db: {  	s8 =	sshrl.u32 s8, $0x3  }
.Ltmp4:
0x1dc: {  	[tilespmem:s22+$0xF0] =	vst v0;
	s8 =	sadd.s32 s6, s8;
	(pc) =	sbr.rel @p0 .LBB2_8-.Ltmp4, $4  }
0x1dd: {  	[hbm4b:s8+s2] =	stream.linear.scatter [tilespmem:s24], [sflag:$0x5], $0x4000, $0x38;
	[tilespmem:$0x10200] =	vst v63  }
0x1de: {  	_ =	swait.ge [sflag:s18], $0x4000  }
0x1df: {  	[sflag:s18] =	ssyncset.done $0x0  }
0x1e0: {  	[sflag:s18] =	ssyncadd.s32 $0xFFFFC000  }
0x1e1: {  	s1 =	sadd.s32 s1, s16  }
0x1e2: {  	s8 =	sadd.s32 s3, s1  }
0x1e3: {  	s8 =	sshrl.u32 s8, $0x3  }
0x1e4: {  	s8 =	sadd.s32 s5, s8  }
0x1e5: {  	[tilespmem:s20], [sflag:$0x5] =	stream.linear.gather [hbm4b:s8+s2], $0x80, $0x38;
	[tilespmem:$0x10200] =	vst v63  }
0x1e6: {  	s1 =	sadd.s32 s7, s1;
	_ =	swait.ge [sflag:s18], $0x80  }
0x1e7: {  	s1 =	sshrl.u32 s1, $0x3;
	[sflag:s18] =	ssyncset.done $0x0  }
0x1e8: {  	s1 =	sadd.s32 s5, s1;
	[sflag:s18] =	ssyncadd.s32 $0xFFFFFF80  }
0x1e9: {  	[tilespmem:s23], [sflag:$0x5] =	stream.linear.gather [hbm4b:s1+s2], $0x80, $0x38;
	[tilespmem:$0x10200] =	vst v63  }
0x1ea: {  	_ =	swait.ge [sflag:s18], $0x80  }
.Ltmp5:
0x1eb: {  	[sflag:s18] =	ssyncset.done $0x0;
	(pc) =	sbr.rel .LBB2_2-.Ltmp5, $4  }
0x1ec: {  	[sflag:s18] =	ssyncadd.s32 $0xFFFFFF80  }
0x1ed: {  	[tilespmem:s24], [sflag:$0x2] =	stream.indirect.gather [hbm4b:s4+s20], $0x80, s20, s20, $0xb8;
	[tilespmem:$0x10200] =	vst v63  }
0x1ee: {  	s0 =	sadd.s32 $0x1, s0  }
0x1ef: {  	[tilespmem:s25], [sflag:$0x4] =	stream.indirect.gather [hbm4b:s4+s20], $0x80, s23, s20, $0xb8;
	[tilespmem:$0x10200] =	vst v63  }
.LBB2_9:
0x1f0: {  	_ =	sfence.sel $0x180000  }
0x1f1: {  	[bflag:$0x0] =	sbarrier.arrive $0xFFFF  }
0x1f2: {  	_ =	strace $0x90000050  }
0x1f3: {  	s0 =	stileid.u32;
	[bflag:$0x2] =	sbarrier.arrive $0xFFFF  }
0x1f4: {  	p0 =	sne.s32 s0, $0x0;
	s0 =	rddreg [dreg:$0x1]  }
0x1f5: {  	s0 =	sadd.s32 @!p0 $0x100000, s0  }
0x1f6: {  	[sflag:s0] =	ssyncadd.tile.s32 @!p0 $0x1;
	_ =	shalt  }
.Lfunc_end2:
_tile_overlayer_lowered:
.L_overlay_start_2:
0x1f7: {  	(tag) =	ssettag $0x2  }
0x1f8: {  	s0 =	rddreg [dreg:$0x0];
	s2 =	stileid.u32  }
0x1f9: {  	s1 =	rddreg [dreg:$0x1];
	p0 =	sne.s32 s2, $0x0  }
0x1fa: {  	s3 =	rddreg [dreg:$0x2];
	[bflag:$0x3] =	sbarrier.arrive $0xFFFF;
	s2 =	simm.s32 @!p0 $0x1C05  }
0x1fb: {  	[timem:s3], [sflag:s2] =	dma.local @!p0 [hbm:s0], s1  }
0x1fc: {  	s0 =	simm.s32 @!p0 $0x5  }
0x1fd: {  	_ =	swait.ge @!p0 [sflag:s0], s1  }
0x1fe: {  	s1 =	ssub.s32 @!p0 $0x0, s1;
	[sflag:s0] =	ssyncset.done @!p0 $0x0  }
0x1ff: {  	[sflag:s0] =	ssyncadd.s32 @!p0 s1  }
0x200: {  	[bflag:$0x3] =	sbarrier.arrive $0xFFFF  }
0x201: {  	_ =	shalt  }

</sc_bundles>
